<compile_context>
chip_gen: v7x
topology: tpu7x:2x2x1
jax: 0.10.2.dev20260603
libtpu: 0.0.44.dev20260713+nightly
codegen_flags: <defaults>
</compile_context>

<pallas_src>
import functools
import math

import jax
import jax.numpy as jnp
from jax import lax
from jax.experimental import pallas as pl
from jax.experimental.pallas import tpu as pltpu
from jax.experimental.pallas import tpu_sc as plsc

N = 10000
NP = 10240
NNZ = 320000
NE = 5000
NEP = 5120
NHID = 128
NCLASS = 40

CHUNK = 80
NCH_T = 125
ROW_BLK = 1024

_i32 = jnp.int32
_f32 = jnp.float32



def _zero_rows_async(zrow_v, dst_sh, row0, n16, sem):
    def zb(k, _):
        pltpu.async_copy(zrow_v, dst_sh.at[pl.ds(row0 + k * 8, 8)], sem)
        return 0

    lax.fori_loop(0, n16, zb, 0)

    def zw(k, _):
        pltpu.make_async_copy(zrow_v, dst_sh.at[pl.ds(row0, 8)], sem).wait()
        return 0

    lax.fori_loop(0, n16, zw, 0)


def _init_zrow(zrow_v):
    def zrow_body(i, _):
        for j in range(8):
            zrow_v[i, pl.ds(j * 16, 16)] = jnp.zeros((16,), _f32)
        return 0

    lax.fori_loop(0, 8, zrow_body, 0)


def _sc_stage_body(rows_total, nbuf, data_hbm, gidx_hbm, sidx_hbm, out_hbm,
                   acc_sh, *scratch):
    ibufs = scratch[0:nbuf]
    sbufs = scratch[nbuf:2 * nbuf]
    rows = scratch[2 * nbuf:3 * nbuf]
    zrow_v = scratch[3 * nbuf]
    sems = scratch[1 + 3 * nbuf:]
    gsem = sems[0:nbuf]
    ssem = sems[nbuf:2 * nbuf]
    isem = sems[2 * nbuf:3 * nbuf]
    sisem = sems[3 * nbuf:4 * nbuf]
    c = lax.axis_index("c")
    s = lax.axis_index("s")
    rows_t = rows_total // 16

    gbase = (c * 16 + s) * (NCH_T * CHUNK)

    def start_i(i, b):
        pltpu.async_copy(gidx_hbm.at[pl.ds(gbase + i * CHUNK, CHUNK)],
                         ibufs[b], isem[b])

    def wait_i(b):
        pltpu.make_async_copy(gidx_hbm.at[pl.ds(0, CHUNK)],
                              ibufs[b], isem[b]).wait()

    def start_g(i, b):
        pltpu.async_copy(data_hbm.at[ibufs[b]], rows[b], gsem[b])

    def wait_g(b):
        pltpu.make_async_copy(data_hbm.at[ibufs[b]], rows[b], gsem[b]).wait()

    def start_si(i, b):
        pltpu.async_copy(sidx_hbm.at[pl.ds(gbase + i * CHUNK, CHUNK)],
                         sbufs[b], sisem[b])

    def wait_si(b):
        pltpu.make_async_copy(sidx_hbm.at[pl.ds(0, CHUNK)],
                              sbufs[b], sisem[b]).wait()

    def start_s(i, b):
        wait_si(b)
        pltpu.async_copy(rows[b], acc_sh.at[sbufs[b]], ssem[b], add=True)

    def wait_s(b):
        pltpu.make_async_copy(rows[b], acc_sh.at[sbufs[0]], ssem[b]).wait()

    for b in range(nbuf):
        start_i(b, b)
        start_si(b, b)
    _init_zrow(zrow_v)
    _zero_rows_async(zrow_v, acc_sh, s * rows_t, rows_t // 8, ssem[0])
    plsc.subcore_barrier()

    for b in range(nbuf - 1):
        wait_i(b)
        start_g(b, b)

    def body(k, _):
        for b in range(nbuf):
            i = k * nbuf + b
            wait_g(b)

            @pl.when(i + nbuf < NCH_T)
            def _():
                start_i(i + nbuf, b)

            start_s(i, b)

            @pl.when(i >= 1)
            def _():
                wait_s((b - 1) % nbuf)

                @pl.when(i - 1 + nbuf < NCH_T)
                def _():
                    start_si(i - 1 + nbuf, (b - 1) % nbuf)

            @pl.when(i + nbuf - 1 < NCH_T)
            def _():
                wait_i((b - 1) % nbuf)
                start_g(i + nbuf - 1, (b - 1) % nbuf)
        return 0

    lax.fori_loop(0, NCH_T // nbuf, body, 0)
    for i in range(NCH_T - NCH_T % nbuf, NCH_T):
        b = i % nbuf
        wait_g(b)
        start_s(i, b)
        wait_s((b - 1) % nbuf)
    wait_s((NCH_T - 1) % nbuf)

    plsc.subcore_barrier()
    pltpu.sync_copy(acc_sh.at[pl.ds(s * rows_t, rows_t)],
                    out_hbm.at[c, pl.ds(s * rows_t, rows_t)])


def _make_sc_stage(acc_rows, nbuf):
    return functools.partial(
        pl.kernel,
        out_type=jax.ShapeDtypeStruct((2, acc_rows, NHID), _f32),
        mesh=plsc.VectorSubcoreMesh(core_axis_name="c", subcore_axis_name="s"),
        scratch_types=[
            pltpu.VMEM_SHARED((acc_rows, NHID), _f32),
        ] + [pltpu.VMEM((CHUNK,), _i32) for _ in range(2 * nbuf)]
          + [pltpu.VMEM((CHUNK, NHID), _f32) for _ in range(nbuf)] + [
            pltpu.VMEM((8, NHID), _f32),
        ] + [pltpu.SemaphoreType.DMA for _ in range(4 * nbuf)],
    )(functools.partial(_sc_stage_body, acc_rows, nbuf))


_sc_edge = _make_sc_stage(NEP, 6)
_sc_node = _make_sc_stage(NP, 4)



def _k0_body(x_ref, w_ref, b_ref, o_ref):
    acc = jnp.dot(x_ref[...], w_ref[...], preferred_element_type=_f32)
    o_ref[...] = jnp.maximum(acc + b_ref[...], 0.0)


def _tc_input_layer(x, w0, b0):
    return pl.pallas_call(
        _k0_body,
        grid=(NP // ROW_BLK,),
        in_specs=[
            pl.BlockSpec((ROW_BLK, NHID), lambda i: (i, 0)),
            pl.BlockSpec((NHID, NHID), lambda i: (0, 0)),
            pl.BlockSpec((1, NHID), lambda i: (0, 0)),
        ],
        out_specs=pl.BlockSpec((ROW_BLK, NHID), lambda i: (i, 0)),
        out_shape=jax.ShapeDtypeStruct((NP, NHID), _f32),
    )(x, w0, b0.reshape(1, NHID))


def _kc_body(p_ref, d_ref, o_ref):
    d = d_ref[...]
    o_ref[...] = (p_ref[0] + p_ref[1]) * (d * d * d)


def _tc_edge_scale(xep, dE):
    return pl.pallas_call(
        _kc_body,
        grid=(NEP // ROW_BLK,),
        in_specs=[
            pl.BlockSpec((2, ROW_BLK, NHID), lambda i: (0, i, 0)),
            pl.BlockSpec((ROW_BLK, 1), lambda i: (i, 0)),
        ],
        out_specs=pl.BlockSpec((ROW_BLK, NHID), lambda i: (i, 0)),
        out_shape=jax.ShapeDtypeStruct((NEP, NHID), _f32),
    )(xep, dE)


def _k1_body(beta, xvp_ref, dv_ref, h0_ref, w_ref, o_ref):
    xv = xvp_ref[0] + xvp_ref[1]
    xi = xv * dv_ref[...] + 0.1 * h0_ref[...]
    acc = jnp.dot(xi, w_ref[...], preferred_element_type=_f32)
    o_ref[...] = jnp.maximum((1.0 - beta) * xi + beta * acc, 0.0)


def _tc_gcnii_layer(xvp, dv9, h0, w, beta):
    return pl.pallas_call(
        functools.partial(_k1_body, beta),
        grid=(NP // ROW_BLK,),
        in_specs=[
            pl.BlockSpec((2, ROW_BLK, NHID), lambda i: (0, i, 0)),
            pl.BlockSpec((ROW_BLK, 1), lambda i: (i, 0)),
            pl.BlockSpec((ROW_BLK, NHID), lambda i: (i, 0)),
            pl.BlockSpec((NHID, NHID), lambda i: (0, 0)),
        ],
        out_specs=pl.BlockSpec((ROW_BLK, NHID), lambda i: (i, 0)),
        out_shape=jax.ShapeDtypeStruct((NP, NHID), _f32),
    )(xvp, dv9, h0, w)


def _k1o_body(beta, xvp_ref, dv_ref, h0_ref, w_ref, wo_ref, bo_ref, o_ref):
    xv = xvp_ref[0] + xvp_ref[1]
    xi = xv * dv_ref[...] + 0.1 * h0_ref[...]
    acc = jnp.dot(xi, w_ref[...], preferred_element_type=_f32)
    h = jnp.maximum((1.0 - beta) * xi + beta * acc, 0.0)
    o_ref[...] = jnp.dot(h, wo_ref[...], preferred_element_type=_f32) + bo_ref[...]


def _tc_gcnii_out_layer(xvp, dv9, h0, w, beta, wout, bout):
    return pl.pallas_call(
        functools.partial(_k1o_body, beta),
        grid=(NP // ROW_BLK,),
        in_specs=[
            pl.BlockSpec((2, ROW_BLK, NHID), lambda i: (0, i, 0)),
            pl.BlockSpec((ROW_BLK, 1), lambda i: (i, 0)),
            pl.BlockSpec((ROW_BLK, NHID), lambda i: (i, 0)),
            pl.BlockSpec((NHID, NHID), lambda i: (0, 0)),
            pl.BlockSpec((NHID, NCLASS), lambda i: (0, 0)),
            pl.BlockSpec((1, NCLASS), lambda i: (0, 0)),
        ],
        out_specs=pl.BlockSpec((ROW_BLK, NCLASS), lambda i: (i, 0)),
        out_shape=jax.ShapeDtypeStruct((NP, NCLASS), _f32),
    )(xvp, dv9, h0, w, wout, bout.reshape(1, NCLASS))



def kernel(x, vertex, edges, degE, degV, W0, b0, W1, W2, Wout, bout):
    lamda, alpha = 0.5, 0.1
    edg1 = edges.astype(_i32)

    dE = jnp.pad(degE.reshape(NE, 1), ((0, NEP - NE), (0, 0)))
    dv9 = jnp.pad((1.0 - alpha) * degV, ((0, NP - N), (0, 0)))
    xp = jnp.pad(x, ((0, NP - N), (0, 0)))

    h = _tc_input_layer(xp, W0, b0)
    h0 = h
    betas = [math.log(lamda / (i + 1) + 1) for i in range(2)]

    vtx1 = vertex.astype(_i32)

    vt = vertex.astype(_i32).reshape(CHUNK, NNZ // CHUNK).T
    et = edges.astype(_i32).reshape(CHUNK, NNZ // CHUNK).T
    sv1 = vt.reshape(NNZ)
    se1 = et.reshape(NNZ)

    for i in range(2):
        xep = _sc_edge(h, vtx1, edg1)
        xe = _tc_edge_scale(xep, dE)
        xvp = _sc_node(xe, se1, sv1)
        if i == 0:
            h = _tc_gcnii_layer(xvp, dv9, h0, W1, betas[0])
        else:
            return _tc_gcnii_out_layer(xvp, dv9, h0, W2, betas[1],
                                       Wout, bout)[:N]

# --- scband reference (transcript-rebuilt; emitter-appended) ---
"""Pipeline reference for scband-uni-gcnii-78735340470817 (READ-ONLY COPY).

The authoritative reference and input builder live on the scoring server;
editing this copy changes nothing except your own understanding.
"""

import jax, jax.numpy as jnp
import numpy as np
import math

N = 10000       # nodes
NNZ = 320000    # incidence pairs |V|x|E| nnz
NE = 5000       # hyperedges
NFEAT = 128
NHID = 128      # nhid * nhead
NCLASS = 40
NLAYER = 2


def _segment_mean(data, seg, num):
    s = jax.ops.segment_sum(data, seg, num_segments=num)
    c = jax.ops.segment_sum(jnp.ones((data.shape[0], 1), data.dtype), seg, num_segments=num)
    return s / jnp.clip(c, 1.0)


def setup_inputs(seed: int = 0) -> dict:
    key = jax.random.key(seed)
    ks = jax.random.split(key, 10)
    x = jax.random.normal(ks[0], (N, NFEAT), dtype=jnp.float32)
    vertex = jax.random.randint(ks[1], (NNZ,), 0, N, dtype=jnp.int64)
    edges = jnp.sort(jax.random.randint(ks[2], (NNZ,), 0, NE, dtype=jnp.int64))
    # UniGNN precomputed degree normalizers (args.UniGNN_degE / args.UniGNN_degV)
    de = jnp.bincount(edges, length=NE).astype(jnp.float32)
    dv = jnp.bincount(vertex, length=N).astype(jnp.float32)
    degE = jnp.clip(de, 1.0)[:, None] ** -0.5
    degV = jnp.clip(dv, 1.0)[:, None] ** -0.5
    W0 = jax.random.normal(ks[3], (NFEAT, NHID), dtype=jnp.float32) * 0.05
    b0 = jnp.zeros((NHID,), dtype=jnp.float32)
    W1 = jax.random.normal(ks[4], (NHID, NHID), dtype=jnp.float32) * 0.05
    W2 = jax.random.normal(ks[5], (NHID, NHID), dtype=jnp.float32) * 0.05
    Wout = jax.random.normal(ks[6], (NHID, NCLASS), dtype=jnp.float32) * 0.05
    bout = jnp.zeros((NCLASS,), dtype=jnp.float32)
    return {"x": x, "vertex": vertex, "edges": edges, "degE": degE, "degV": degV,
            "W0": W0, "b0": b0, "W1": W1, "W2": W2, "Wout": Wout, "bout": bout}


def reference(x, vertex, edges, degE, degV, W0, b0, W1, W2, Wout, bout):
    lamda, alpha = 0.5, 0.1
    # input linear + relu (dropout is identity in eval)
    h = jax.nn.relu(x @ W0 + b0)
    h0 = h
    Ws = [W1, W2]
    for i in range(NLAYER):
        beta = math.log(lamda / (i + 1) + 1)
        Xve = h[vertex]                                   # gather [NNZ, NHID]
        Xe = _segment_mean(Xve, edges, NE)                # scatter-mean over hyperedges
        Xe = Xe * degE
        Xev = Xe[edges]                                   # gather back [NNZ, NHID]
        Xv = jax.ops.segment_sum(Xev, vertex, num_segments=N)  # scatter-sum to nodes
        Xv = Xv * degV
        Xi = (1.0 - alpha) * Xv + alpha * h0
        h = jax.nn.relu((1.0 - beta) * Xi + beta * (Xi @ Ws[i]))
    out = h @ Wout + bout
    return out

if __name__ == "__main__":
    import jax
    _d = setup_inputs()
    print(jax.jit(kernel)(*tuple(_d.values())))

</pallas_src>

<mosaic_0001>
#map = affine_map<(d0, d1) -> (0, 0)>
#map1 = affine_map<(d0, d1) -> (0)>
#map2 = affine_map<(d0, d1) -> (0, 0, 0)>
module attributes {stable_mosaic.version = 14 : i64} {
  func.func @_sc_stage_body(%arg0: i32, %arg1: i32, %arg2: memref<10240x128xf32, #tpu.memory_space<hbm>>, %arg3: memref<320000xi32, #tpu.memory_space<hbm>>, %arg4: memref<320000xi32, #tpu.memory_space<hbm>>, %arg5: memref<2x5120x128xf32, #tpu.memory_space<hbm>>, %arg6: memref<5120x128xf32, #tpu.memory_space<vmem_shared>>, %arg7: memref<80xi32, #tpu.memory_space<vmem>>, %arg8: memref<80xi32, #tpu.memory_space<vmem>>, %arg9: memref<80xi32, #tpu.memory_space<vmem>>, %arg10: memref<80xi32, #tpu.memory_space<vmem>>, %arg11: memref<80xi32, #tpu.memory_space<vmem>>, %arg12: memref<80xi32, #tpu.memory_space<vmem>>, %arg13: memref<80xi32, #tpu.memory_space<vmem>>, %arg14: memref<80xi32, #tpu.memory_space<vmem>>, %arg15: memref<80xi32, #tpu.memory_space<vmem>>, %arg16: memref<80xi32, #tpu.memory_space<vmem>>, %arg17: memref<80xi32, #tpu.memory_space<vmem>>, %arg18: memref<80xi32, #tpu.memory_space<vmem>>, %arg19: memref<80x128xf32, #tpu.memory_space<vmem>>, %arg20: memref<80x128xf32, #tpu.memory_space<vmem>>, %arg21: memref<80x128xf32, #tpu.memory_space<vmem>>, %arg22: memref<80x128xf32, #tpu.memory_space<vmem>>, %arg23: memref<80x128xf32, #tpu.memory_space<vmem>>, %arg24: memref<80x128xf32, #tpu.memory_space<vmem>>, %arg25: memref<8x128xf32, #tpu.memory_space<vmem>>, %arg26: memref<!tpu.dma_semaphore, #tpu.memory_space<semaphore_mem>>, %arg27: memref<!tpu.dma_semaphore, #tpu.memory_space<semaphore_mem>>, %arg28: memref<!tpu.dma_semaphore, #tpu.memory_space<semaphore_mem>>, %arg29: memref<!tpu.dma_semaphore, #tpu.memory_space<semaphore_mem>>, %arg30: memref<!tpu.dma_semaphore, #tpu.memory_space<semaphore_mem>>, %arg31: memref<!tpu.dma_semaphore, #tpu.memory_space<semaphore_mem>>, %arg32: memref<!tpu.dma_semaphore, #tpu.memory_space<semaphore_mem>>, %arg33: memref<!tpu.dma_semaphore, #tpu.memory_space<semaphore_mem>>, %arg34: memref<!tpu.dma_semaphore, #tpu.memory_space<semaphore_mem>>, %arg35: memref<!tpu.dma_semaphore, #tpu.memory_space<semaphore_mem>>, %arg36: memref<!tpu.dma_semaphore, #tpu.memory_space<semaphore_mem>>, %arg37: memref<!tpu.dma_semaphore, #tpu.memory_space<semaphore_mem>>, %arg38: memref<!tpu.dma_semaphore, #tpu.memory_space<semaphore_mem>>, %arg39: memref<!tpu.dma_semaphore, #tpu.memory_space<semaphore_mem>>, %arg40: memref<!tpu.dma_semaphore, #tpu.memory_space<semaphore_mem>>, %arg41: memref<!tpu.dma_semaphore, #tpu.memory_space<semaphore_mem>>, %arg42: memref<!tpu.dma_semaphore, #tpu.memory_space<semaphore_mem>>, %arg43: memref<!tpu.dma_semaphore, #tpu.memory_space<semaphore_mem>>, %arg44: memref<!tpu.dma_semaphore, #tpu.memory_space<semaphore_mem>>, %arg45: memref<!tpu.dma_semaphore, #tpu.memory_space<semaphore_mem>>, %arg46: memref<!tpu.dma_semaphore, #tpu.memory_space<semaphore_mem>>, %arg47: memref<!tpu.dma_semaphore, #tpu.memory_space<semaphore_mem>>, %arg48: memref<!tpu.dma_semaphore, #tpu.memory_space<semaphore_mem>>, %arg49: memref<!tpu.dma_semaphore, #tpu.memory_space<semaphore_mem>>) attributes {dimension_semantics = [#tpu.dimension_semantics<core_parallel>, #tpu.dimension_semantics<subcore_parallel>], iteration_bounds = array<i64: 2, 16>, scalar_prefetch = 0 : i64, scratch_operands = 44 : i64, tpu.core_type = #tpu.core_type<sc_vector_subcore>, window_params = [{transform_indices = #map}, {transform_indices = #map1}, {transform_indices = #map1}, {transform_indices = #map2}]} {
    %mul3A = arith.constant 16 : i32
    %mul3A_0 = arith.muli %arg0, %mul3A : i32
    %add3A = arith.addi %mul3A_0, %arg1 : i32
    %mul3A_1 = arith.constant 10000 : i32
    %mul3A_2 = arith.muli %add3A, %mul3A_1 : i32
    %add3A_3 = arith.constant 0 : i32
    %add3A_4 = arith.addi %mul3A_2, %add3A_3 : i32
    %dma_start3A = tpu.memref_slice %arg3[%add3A_4] : memref<320000xi32, #tpu.memory_space<hbm>> -> memref<80xi32, #tpu.memory_space<hbm>>
    %dma_start3A_5 = tpu.memref_slice %arg3[%add3A_4] : memref<320000xi32, #tpu.memory_space<hbm>> -> memref<80xi32, #tpu.memory_space<hbm>>
    tpu.enqueue_dma source(%dma_start3A_5 : memref<80xi32, #tpu.memory_space<hbm>>) target(%arg7 : memref<80xi32, #tpu.memory_space<vmem>>) target_semaphore(%arg38 : memref<!tpu.dma_semaphore, #tpu.memory_space<semaphore_mem>>)
    %add3A_6 = arith.constant 0 : i32
    %add3A_7 = arith.addi %mul3A_2, %add3A_6 : i32
    %dma_start3A_8 = tpu.memref_slice %arg4[%add3A_7] : memref<320000xi32, #tpu.memory_space<hbm>> -> memref<80xi32, #tpu.memory_space<hbm>>
    %dma_start3A_9 = tpu.memref_slice %arg4[%add3A_7] : memref<320000xi32, #tpu.memory_space<hbm>> -> memref<80xi32, #tpu.memory_space<hbm>>
    tpu.enqueue_dma source(%dma_start3A_9 : memref<80xi32, #tpu.memory_space<hbm>>) target(%arg13 : memref<80xi32, #tpu.memory_space<vmem>>) target_semaphore(%arg44 : memref<!tpu.dma_semaphore, #tpu.memory_space<semaphore_mem>>)
    %add3A_10 = arith.constant 80 : i32
    %add3A_11 = arith.addi %mul3A_2, %add3A_10 : i32
    %dma_start3A_12 = tpu.memref_slice %arg3[%add3A_11] : memref<320000xi32, #tpu.memory_space<hbm>> -> memref<80xi32, #tpu.memory_space<hbm>>
    %dma_start3A_13 = tpu.memref_slice %arg3[%add3A_11] : memref<320000xi32, #tpu.memory_space<hbm>> -> memref<80xi32, #tpu.memory_space<hbm>>
    tpu.enqueue_dma source(%dma_start3A_13 : memref<80xi32, #tpu.memory_space<hbm>>) target(%arg8 : memref<80xi32, #tpu.memory_space<vmem>>) target_semaphore(%arg39 : memref<!tpu.dma_semaphore, #tpu.memory_space<semaphore_mem>>)
    %add3A_14 = arith.constant 80 : i32
    %add3A_15 = arith.addi %mul3A_2, %add3A_14 : i32
    %dma_start3A_16 = tpu.memref_slice %arg4[%add3A_15] : memref<320000xi32, #tpu.memory_space<hbm>> -> memref<80xi32, #tpu.memory_space<hbm>>
    %dma_start3A_17 = tpu.memref_slice %arg4[%add3A_15] : memref<320000xi32, #tpu.memory_space<hbm>> -> memref<80xi32, #tpu.memory_space<hbm>>
    tpu.enqueue_dma source(%dma_start3A_17 : memref<80xi32, #tpu.memory_space<hbm>>) target(%arg14 : memref<80xi32, #tpu.memory_space<vmem>>) target_semaphore(%arg45 : memref<!tpu.dma_semaphore, #tpu.memory_space<semaphore_mem>>)
    %add3A_18 = arith.constant 160 : i32
    %add3A_19 = arith.addi %mul3A_2, %add3A_18 : i32
    %dma_start3A_20 = tpu.memref_slice %arg3[%add3A_19] : memref<320000xi32, #tpu.memory_space<hbm>> -> memref<80xi32, #tpu.memory_space<hbm>>
    %dma_start3A_21 = tpu.memref_slice %arg3[%add3A_19] : memref<320000xi32, #tpu.memory_space<hbm>> -> memref<80xi32, #tpu.memory_space<hbm>>
    tpu.enqueue_dma source(%dma_start3A_21 : memref<80xi32, #tpu.memory_space<hbm>>) target(%arg9 : memref<80xi32, #tpu.memory_space<vmem>>) target_semaphore(%arg40 : memref<!tpu.dma_semaphore, #tpu.memory_space<semaphore_mem>>)
    %add3A_22 = arith.constant 160 : i32
    %add3A_23 = arith.addi %mul3A_2, %add3A_22 : i32
    %dma_start3A_24 = tpu.memref_slice %arg4[%add3A_23] : memref<320000xi32, #tpu.memory_space<hbm>> -> memref<80xi32, #tpu.memory_space<hbm>>
    %dma_start3A_25 = tpu.memref_slice %arg4[%add3A_23] : memref<320000xi32, #tpu.memory_space<hbm>> -> memref<80xi32, #tpu.memory_space<hbm>>
    tpu.enqueue_dma source(%dma_start3A_25 : memref<80xi32, #tpu.memory_space<hbm>>) target(%arg15 : memref<80xi32, #tpu.memory_space<vmem>>) target_semaphore(%arg46 : memref<!tpu.dma_semaphore, #tpu.memory_space<semaphore_mem>>)
    %add3A_26 = arith.constant 240 : i32
    %add3A_27 = arith.addi %mul3A_2, %add3A_26 : i32
    %dma_start3A_28 = tpu.memref_slice %arg3[%add3A_27] : memref<320000xi32, #tpu.memory_space<hbm>> -> memref<80xi32, #tpu.memory_space<hbm>>
    %dma_start3A_29 = tpu.memref_slice %arg3[%add3A_27] : memref<320000xi32, #tpu.memory_space<hbm>> -> memref<80xi32, #tpu.memory_space<hbm>>
    tpu.enqueue_dma source(%dma_start3A_29 : memref<80xi32, #tpu.memory_space<hbm>>) target(%arg10 : memref<80xi32, #tpu.memory_space<vmem>>) target_semaphore(%arg41 : memref<!tpu.dma_semaphore, #tpu.memory_space<semaphore_mem>>)
    %add3A_30 = arith.constant 240 : i32
    %add3A_31 = arith.addi %mul3A_2, %add3A_30 : i32
    %dma_start3A_32 = tpu.memref_slice %arg4[%add3A_31] : memref<320000xi32, #tpu.memory_space<hbm>> -> memref<80xi32, #tpu.memory_space<hbm>>
    %dma_start3A_33 = tpu.memref_slice %arg4[%add3A_31] : memref<320000xi32, #tpu.memory_space<hbm>> -> memref<80xi32, #tpu.memory_space<hbm>>
    tpu.enqueue_dma source(%dma_start3A_33 : memref<80xi32, #tpu.memory_space<hbm>>) target(%arg16 : memref<80xi32, #tpu.memory_space<vmem>>) target_semaphore(%arg47 : memref<!tpu.dma_semaphore, #tpu.memory_space<semaphore_mem>>)
    %add3A_34 = arith.constant 320 : i32
    %add3A_35 = arith.addi %mul3A_2, %add3A_34 : i32
    %dma_start3A_36 = tpu.memref_slice %arg3[%add3A_35] : memref<320000xi32, #tpu.memory_space<hbm>> -> memref<80xi32, #tpu.memory_space<hbm>>
    %dma_start3A_37 = tpu.memref_slice %arg3[%add3A_35] : memref<320000xi32, #tpu.memory_space<hbm>> -> memref<80xi32, #tpu.memory_space<hbm>>
    tpu.enqueue_dma source(%dma_start3A_37 : memref<80xi32, #tpu.memory_space<hbm>>) target(%arg11 : memref<80xi32, #tpu.memory_space<vmem>>) target_semaphore(%arg42 : memref<!tpu.dma_semaphore, #tpu.memory_space<semaphore_mem>>)
    %add3A_38 = arith.constant 320 : i32
    %add3A_39 = arith.addi %mul3A_2, %add3A_38 : i32
    %dma_start3A_40 = tpu.memref_slice %arg4[%add3A_39] : memref<320000xi32, #tpu.memory_space<hbm>> -> memref<80xi32, #tpu.memory_space<hbm>>
    %dma_start3A_41 = tpu.memref_slice %arg4[%add3A_39] : memref<320000xi32, #tpu.memory_space<hbm>> -> memref<80xi32, #tpu.memory_space<hbm>>
    tpu.enqueue_dma source(%dma_start3A_41 : memref<80xi32, #tpu.memory_space<hbm>>) target(%arg17 : memref<80xi32, #tpu.memory_space<vmem>>) target_semaphore(%arg48 : memref<!tpu.dma_semaphore, #tpu.memory_space<semaphore_mem>>)
    %add3A_42 = arith.constant 400 : i32
    %add3A_43 = arith.addi %mul3A_2, %add3A_42 : i32
    %dma_start3A_44 = tpu.memref_slice %arg3[%add3A_43] : memref<320000xi32, #tpu.memory_space<hbm>> -> memref<80xi32, #tpu.memory_space<hbm>>
    %dma_start3A_45 = tpu.memref_slice %arg3[%add3A_43] : memref<320000xi32, #tpu.memory_space<hbm>> -> memref<80xi32, #tpu.memory_space<hbm>>
    tpu.enqueue_dma source(%dma_start3A_45 : memref<80xi32, #tpu.memory_space<hbm>>) target(%arg12 : memref<80xi32, #tpu.memory_space<vmem>>) target_semaphore(%arg43 : memref<!tpu.dma_semaphore, #tpu.memory_space<semaphore_mem>>)
    %add3A_46 = arith.constant 400 : i32
    %add3A_47 = arith.addi %mul3A_2, %add3A_46 : i32
    %dma_start3A_48 = tpu.memref_slice %arg4[%add3A_47] : memref<320000xi32, #tpu.memory_space<hbm>> -> memref<80xi32, #tpu.memory_space<hbm>>
    %dma_start3A_49 = tpu.memref_slice %arg4[%add3A_47] : memref<320000xi32, #tpu.memory_space<hbm>> -> memref<80xi32, #tpu.memory_space<hbm>>
    tpu.enqueue_dma source(%dma_start3A_49 : memref<80xi32, #tpu.memory_space<hbm>>) target(%arg18 : memref<80xi32, #tpu.memory_space<vmem>>) target_semaphore(%arg49 : memref<!tpu.dma_semaphore, #tpu.memory_space<semaphore_mem>>)
    %scan3A = arith.constant 0 : i32
    %scan3A_50 = arith.constant 0 : i32
    %scan3A_51 = arith.constant 8 : i32
    %scan3A_52 = arith.addi %scan3A_50, %scan3A_51 : i32
    %scan3A_53 = arith.constant 1 : i32
    %scan3A_54 = scf.for %scan3A_186 = %scan3A_50 to %scan3A_52 step %scan3A_53 iter_args(%scan3A_187 = %scan3A) -> (i32)  : i32 {
      %broadcast_in_dim3A = arith.constant 0.000000e+00 : f32
      %broadcast_in_dim3A_188 = vector.broadcast %broadcast_in_dim3A : f32 to vector<16xf32>
      %swap3A = arith.index_cast %scan3A_186 : i32 to index
      %swap3A_189 = arith.constant 0 : index
      %swap3A_190 = tpu.vector_load %arg25[%swap3A, %swap3A_189] {strides = array<i32>} : memref<8x128xf32, #tpu.memory_space<vmem>>, vector<1x16xf32>,
      %swap3A_191 = vector.shape_cast %swap3A_190 : vector<1x16xf32> to vector<16xf32>
      %swap3A_192 = vector.shape_cast %broadcast_in_dim3A_188 : vector<16xf32> to vector<1x16xf32>
      tpu.vector_store %arg25[%swap3A, %swap3A_189], %swap3A_192 {strides = array<i32>} : memref<8x128xf32, #tpu.memory_space<vmem>>, vector<1x16xf32>,
      %broadcast_in_dim3A_193 = arith.constant 0.000000e+00 : f32
      %broadcast_in_dim3A_194 = vector.broadcast %broadcast_in_dim3A_193 : f32 to vector<16xf32>
      %swap3A_195 = arith.index_cast %scan3A_186 : i32 to index
      %swap3A_196 = arith.constant 16 : index
      %swap3A_197 = tpu.vector_load %arg25[%swap3A_195, %swap3A_196] {strides = array<i32>} : memref<8x128xf32, #tpu.memory_space<vmem>>, vector<1x16xf32>,
      %swap3A_198 = vector.shape_cast %swap3A_197 : vector<1x16xf32> to vector<16xf32>
      %swap3A_199 = vector.shape_cast %broadcast_in_dim3A_194 : vector<16xf32> to vector<1x16xf32>
      tpu.vector_store %arg25[%swap3A_195, %swap3A_196], %swap3A_199 {strides = array<i32>} : memref<8x128xf32, #tpu.memory_space<vmem>>, vector<1x16xf32>,
      %broadcast_in_dim3A_200 = arith.constant 0.000000e+00 : f32
      %broadcast_in_dim3A_201 = vector.broadcast %broadcast_in_dim3A_200 : f32 to vector<16xf32>
      %swap3A_202 = arith.index_cast %scan3A_186 : i32 to index
      %swap3A_203 = arith.constant 32 : index
      %swap3A_204 = tpu.vector_load %arg25[%swap3A_202, %swap3A_203] {strides = array<i32>} : memref<8x128xf32, #tpu.memory_space<vmem>>, vector<1x16xf32>,
      %swap3A_205 = vector.shape_cast %swap3A_204 : vector<1x16xf32> to vector<16xf32>
      %swap3A_206 = vector.shape_cast %broadcast_in_dim3A_201 : vector<16xf32> to vector<1x16xf32>
      tpu.vector_store %arg25[%swap3A_202, %swap3A_203], %swap3A_206 {strides = array<i32>} : memref<8x128xf32, #tpu.memory_space<vmem>>, vector<1x16xf32>,
      %broadcast_in_dim3A_207 = arith.constant 0.000000e+00 : f32
      %broadcast_in_dim3A_208 = vector.broadcast %broadcast_in_dim3A_207 : f32 to vector<16xf32>
      %swap3A_209 = arith.index_cast %scan3A_186 : i32 to index
      %swap3A_210 = arith.constant 48 : index
      %swap3A_211 = tpu.vector_load %arg25[%swap3A_209, %swap3A_210] {strides = array<i32>} : memref<8x128xf32, #tpu.memory_space<vmem>>, vector<1x16xf32>,
      %swap3A_212 = vector.shape_cast %swap3A_211 : vector<1x16xf32> to vector<16xf32>
      %swap3A_213 = vector.shape_cast %broadcast_in_dim3A_208 : vector<16xf32> to vector<1x16xf32>
      tpu.vector_store %arg25[%swap3A_209, %swap3A_210], %swap3A_213 {strides = array<i32>} : memref<8x128xf32, #tpu.memory_space<vmem>>, vector<1x16xf32>,
      %broadcast_in_dim3A_214 = arith.constant 0.000000e+00 : f32
      %broadcast_in_dim3A_215 = vector.broadcast %broadcast_in_dim3A_214 : f32 to vector<16xf32>
      %swap3A_216 = arith.index_cast %scan3A_186 : i32 to index
      %swap3A_217 = arith.constant 64 : index
      %swap3A_218 = tpu.vector_load %arg25[%swap3A_216, %swap3A_217] {strides = array<i32>} : memref<8x128xf32, #tpu.memory_space<vmem>>, vector<1x16xf32>,
      %swap3A_219 = vector.shape_cast %swap3A_218 : vector<1x16xf32> to vector<16xf32>
      %swap3A_220 = vector.shape_cast %broadcast_in_dim3A_215 : vector<16xf32> to vector<1x16xf32>
      tpu.vector_store %arg25[%swap3A_216, %swap3A_217], %swap3A_220 {strides = array<i32>} : memref<8x128xf32, #tpu.memory_space<vmem>>, vector<1x16xf32>,
      %broadcast_in_dim3A_221 = arith.constant 0.000000e+00 : f32
      %broadcast_in_dim3A_222 = vector.broadcast %broadcast_in_dim3A_221 : f32 to vector<16xf32>
      %swap3A_223 = arith.index_cast %scan3A_186 : i32 to index
      %swap3A_224 = arith.constant 80 : index
      %swap3A_225 = tpu.vector_load %arg25[%swap3A_223, %swap3A_224] {strides = array<i32>} : memref<8x128xf32, #tpu.memory_space<vmem>>, vector<1x16xf32>,
      %swap3A_226 = vector.shape_cast %swap3A_225 : vector<1x16xf32> to vector<16xf32>
      %swap3A_227 = vector.shape_cast %broadcast_in_dim3A_222 : vector<16xf32> to vector<1x16xf32>
      tpu.vector_store %arg25[%swap3A_223, %swap3A_224], %swap3A_227 {strides = array<i32>} : memref<8x128xf32, #tpu.memory_space<vmem>>, vector<1x16xf32>,
      %broadcast_in_dim3A_228 = arith.constant 0.000000e+00 : f32
      %broadcast_in_dim3A_229 = vector.broadcast %broadcast_in_dim3A_228 : f32 to vector<16xf32>
      %swap3A_230 = arith.index_cast %scan3A_186 : i32 to index
      %swap3A_231 = arith.constant 96 : index
      %swap3A_232 = tpu.vector_load %arg25[%swap3A_230, %swap3A_231] {strides = array<i32>} : memref<8x128xf32, #tpu.memory_space<vmem>>, vector<1x16xf32>,
      %swap3A_233 = vector.shape_cast %swap3A_232 : vector<1x16xf32> to vector<16xf32>
      %swap3A_234 = vector.shape_cast %broadcast_in_dim3A_229 : vector<16xf32> to vector<1x16xf32>
      tpu.vector_store %arg25[%swap3A_230, %swap3A_231], %swap3A_234 {strides = array<i32>} : memref<8x128xf32, #tpu.memory_space<vmem>>, vector<1x16xf32>,
      %broadcast_in_dim3A_235 = arith.constant 0.000000e+00 : f32
      %broadcast_in_dim3A_236 = vector.broadcast %broadcast_in_dim3A_235 : f32 to vector<16xf32>
      %swap3A_237 = arith.index_cast %scan3A_186 : i32 to index
      %swap3A_238 = arith.constant 112 : index
      %swap3A_239 = tpu.vector_load %arg25[%swap3A_237, %swap3A_238] {strides = array<i32>} : memref<8x128xf32, #tpu.memory_space<vmem>>, vector<1x16xf32>,
      %swap3A_240 = vector.shape_cast %swap3A_239 : vector<1x16xf32> to vector<16xf32>
      %swap3A_241 = vector.shape_cast %broadcast_in_dim3A_236 : vector<16xf32> to vector<1x16xf32>
      tpu.vector_store %arg25[%swap3A_237, %swap3A_238], %swap3A_241 {strides = array<i32>} : memref<8x128xf32, #tpu.memory_space<vmem>>, vector<1x16xf32>,
      %scan3A_242 = arith.constant 0 : i32
      scf.yield %scan3A_242 : i32
    }
    %scan3A_55 = arith.constant 8 : i32
    %mul3A_56 = arith.constant 320 : i32
    %mul3A_57 = arith.muli %arg1, %mul3A_56 : i32
    %scan3A_58 = arith.constant 0 : i32
    %scan3A_59 = arith.constant 0 : i32
    %scan3A_60 = arith.constant 40 : i32
    %scan3A_61 = arith.addi %scan3A_59, %scan3A_60 : i32
    %scan3A_62 = arith.constant 1 : i32
    %scan3A_63 = scf.for %scan3A_186 = %scan3A_59 to %scan3A_61 step %scan3A_62 iter_args(%scan3A_187 = %scan3A_58) -> (i32)  : i32 {
      %mul3A_188 = arith.constant 8 : i32
      %mul3A_189 = arith.muli %scan3A_186, %mul3A_188 : i32
      %add3A_190 = arith.addi %mul3A_57, %mul3A_189 : i32
      %dma_start3A_191 = arith.constant 0 : i32
      %dma_start3A_192 = tpu.memref_slice %arg6[%add3A_190, %dma_start3A_191] : memref<5120x128xf32, #tpu.memory_space<vmem_shared>> -> memref<8x128xf32, #tpu.memory_space<vmem_shared>>
      %dma_start3A_193 = arith.constant 0 : i32
      %dma_start3A_194 = tpu.memref_slice %arg6[%add3A_190, %dma_start3A_193] : memref<5120x128xf32, #tpu.memory_space<vmem_shared>> -> memref<8x128xf32, #tpu.memory_space<vmem_shared>>
      tpu.enqueue_dma source(%arg25 : memref<8x128xf32, #tpu.memory_space<vmem>>) target(%dma_start3A_194 : memref<8x128xf32, #tpu.memory_space<vmem_shared>>) target_semaphore(%arg32 : memref<!tpu.dma_semaphore, #tpu.memory_space<semaphore_mem>>)
      %scan3A_195 = arith.constant 0 : i32
      scf.yield %scan3A_195 : i32
    }
    %scan3A_64 = arith.constant 40 : i32
    %scan3A_65 = arith.constant 0 : i32
    %scan3A_66 = arith.constant 0 : i32
    %scan3A_67 = arith.constant 40 : i32
    %scan3A_68 = arith.addi %scan3A_66, %scan3A_67 : i32
    %scan3A_69 = arith.constant 1 : i32
    %scan3A_70 = scf.for %scan3A_186 = %scan3A_66 to %scan3A_68 step %scan3A_69 iter_args(%scan3A_187 = %scan3A_65) -> (i32)  : i32 {
      %dma_wait3A_188 = arith.constant 0 : i32
      %dma_wait3A_189 = tpu.memref_slice %arg6[%mul3A_57, %dma_wait3A_188] : memref<5120x128xf32, #tpu.memory_space<vmem_shared>> -> memref<8x128xf32, #tpu.memory_space<vmem_shared>>
      %dma_wait3A_190 = arith.constant 0 : i32
      %dma_wait3A_191 = tpu.memref_slice %arg6[%mul3A_57, %dma_wait3A_190] : memref<5120x128xf32, #tpu.memory_space<vmem_shared>> -> memref<8x128xf32, #tpu.memory_space<vmem_shared>>
      tpu.wait_dma2 semaphore(%arg32 : memref<!tpu.dma_semaphore, #tpu.memory_space<semaphore_mem>>) src(%arg25 : memref<8x128xf32, #tpu.memory_space<vmem>>) dst(%dma_wait3A_191 : memref<8x128xf32, #tpu.memory_space<vmem_shared>>)
      %scan3A_192 = arith.constant 0 : i32
      scf.yield %scan3A_192 : i32
    }
    %scan3A_71 = arith.constant 40 : i32
    %barrier3A = arith.constant 0 : index
    tpu.barrier barrier_id(%barrier3A)
    %dma_wait3A = arith.constant 0 : i32
    %dma_wait3A_72 = tpu.memref_slice %arg3[%dma_wait3A] : memref<320000xi32, #tpu.memory_space<hbm>> -> memref<80xi32, #tpu.memory_space<hbm>>
    %dma_wait3A_73 = arith.constant 0 : i32
    %dma_wait3A_74 = tpu.memref_slice %arg3[%dma_wait3A_73] : memref<320000xi32, #tpu.memory_space<hbm>> -> memref<80xi32, #tpu.memory_space<hbm>>
    tpu.wait_dma2 semaphore(%arg38 : memref<!tpu.dma_semaphore, #tpu.memory_space<semaphore_mem>>) src(%dma_wait3A_74 : memref<80xi32, #tpu.memory_space<hbm>>) dst(%arg7 : memref<80xi32, #tpu.memory_space<vmem>>)
    %dma_start3A_75 = arith.constant 0 : i32
    %dma_start3A_76 = arith.constant 0 : i32
    %dma_start3A_77 = tpu.memref_slice %arg2[%dma_start3A_75, %dma_start3A_76] : memref<10240x128xf32, #tpu.memory_space<hbm>> -> memref<10240x128xf32, #tpu.memory_space<hbm>>
    tpu.enqueue_indirect_dma source(%dma_start3A_77 : memref<10240x128xf32, #tpu.memory_space<hbm>>) target(%arg19 : memref<80x128xf32, #tpu.memory_space<vmem>>) offsets(%arg7 : memref<80xi32, #tpu.memory_space<vmem>>) semaphore(%arg26 : memref<!tpu.dma_semaphore, #tpu.memory_space<semaphore_mem>>)
    %dma_wait3A_78 = arith.constant 0 : i32
    %dma_wait3A_79 = tpu.memref_slice %arg3[%dma_wait3A_78] : memref<320000xi32, #tpu.memory_space<hbm>> -> memref<80xi32, #tpu.memory_space<hbm>>
    %dma_wait3A_80 = arith.constant 0 : i32
    %dma_wait3A_81 = tpu.memref_slice %arg3[%dma_wait3A_80] : memref<320000xi32, #tpu.memory_space<hbm>> -> memref<80xi32, #tpu.memory_space<hbm>>
    tpu.wait_dma2 semaphore(%arg39 : memref<!tpu.dma_semaphore, #tpu.memory_space<semaphore_mem>>) src(%dma_wait3A_81 : memref<80xi32, #tpu.memory_space<hbm>>) dst(%arg8 : memref<80xi32, #tpu.memory_space<vmem>>)
    %dma_start3A_82 = arith.constant 0 : i32
    %dma_start3A_83 = arith.constant 0 : i32
    %dma_start3A_84 = tpu.memref_slice %arg2[%dma_start3A_82, %dma_start3A_83] : memref<10240x128xf32, #tpu.memory_space<hbm>> -> memref<10240x128xf32, #tpu.memory_space<hbm>>
    tpu.enqueue_indirect_dma source(%dma_start3A_84 : memref<10240x128xf32, #tpu.memory_space<hbm>>) target(%arg20 : memref<80x128xf32, #tpu.memory_space<vmem>>) offsets(%arg8 : memref<80xi32, #tpu.memory_space<vmem>>) semaphore(%arg27 : memref<!tpu.dma_semaphore, #tpu.memory_space<semaphore_mem>>)
    %dma_wait3A_85 = arith.constant 0 : i32
    %dma_wait3A_86 = tpu.memref_slice %arg3[%dma_wait3A_85] : memref<320000xi32, #tpu.memory_space<hbm>> -> memref<80xi32, #tpu.memory_space<hbm>>
    %dma_wait3A_87 = arith.constant 0 : i32
    %dma_wait3A_88 = tpu.memref_slice %arg3[%dma_wait3A_87] : memref<320000xi32, #tpu.memory_space<hbm>> -> memref<80xi32, #tpu.memory_space<hbm>>
    tpu.wait_dma2 semaphore(%arg40 : memref<!tpu.dma_semaphore, #tpu.memory_space<semaphore_mem>>) src(%dma_wait3A_88 : memref<80xi32, #tpu.memory_space<hbm>>) dst(%arg9 : memref<80xi32, #tpu.memory_space<vmem>>)
    %dma_start3A_89 = arith.constant 0 : i32
    %dma_start3A_90 = arith.constant 0 : i32
    %dma_start3A_91 = tpu.memref_slice %arg2[%dma_start3A_89, %dma_start3A_90] : memref<10240x128xf32, #tpu.memory_space<hbm>> -> memref<10240x128xf32, #tpu.memory_space<hbm>>
    tpu.enqueue_indirect_dma source(%dma_start3A_91 : memref<10240x128xf32, #tpu.memory_space<hbm>>) target(%arg21 : memref<80x128xf32, #tpu.memory_space<vmem>>) offsets(%arg9 : memref<80xi32, #tpu.memory_space<vmem>>) semaphore(%arg28 : memref<!tpu.dma_semaphore, #tpu.memory_space<semaphore_mem>>)
    %dma_wait3A_92 = arith.constant 0 : i32
    %dma_wait3A_93 = tpu.memref_slice %arg3[%dma_wait3A_92] : memref<320000xi32, #tpu.memory_space<hbm>> -> memref<80xi32, #tpu.memory_space<hbm>>
    %dma_wait3A_94 = arith.constant 0 : i32
    %dma_wait3A_95 = tpu.memref_slice %arg3[%dma_wait3A_94] : memref<320000xi32, #tpu.memory_space<hbm>> -> memref<80xi32, #tpu.memory_space<hbm>>
    tpu.wait_dma2 semaphore(%arg41 : memref<!tpu.dma_semaphore, #tpu.memory_space<semaphore_mem>>) src(%dma_wait3A_95 : memref<80xi32, #tpu.memory_space<hbm>>) dst(%arg10 : memref<80xi32, #tpu.memory_space<vmem>>)
    %dma_start3A_96 = arith.constant 0 : i32
    %dma_start3A_97 = arith.constant 0 : i32
    %dma_start3A_98 = tpu.memref_slice %arg2[%dma_start3A_96, %dma_start3A_97] : memref<10240x128xf32, #tpu.memory_space<hbm>> -> memref<10240x128xf32, #tpu.memory_space<hbm>>
    tpu.enqueue_indirect_dma source(%dma_start3A_98 : memref<10240x128xf32, #tpu.memory_space<hbm>>) target(%arg22 : memref<80x128xf32, #tpu.memory_space<vmem>>) offsets(%arg10 : memref<80xi32, #tpu.memory_space<vmem>>) semaphore(%arg29 : memref<!tpu.dma_semaphore, #tpu.memory_space<semaphore_mem>>)
    %dma_wait3A_99 = arith.constant 0 : i32
    %dma_wait3A_100 = tpu.memref_slice %arg3[%dma_wait3A_99] : memref<320000xi32, #tpu.memory_space<hbm>> -> memref<80xi32, #tpu.memory_space<hbm>>
    %dma_wait3A_101 = arith.constant 0 : i32
    %dma_wait3A_102 = tpu.memref_slice %arg3[%dma_wait3A_101] : memref<320000xi32, #tpu.memory_space<hbm>> -> memref<80xi32, #tpu.memory_space<hbm>>
    tpu.wait_dma2 semaphore(%arg42 : memref<!tpu.dma_semaphore, #tpu.memory_space<semaphore_mem>>) src(%dma_wait3A_102 : memref<80xi32, #tpu.memory_space<hbm>>) dst(%arg11 : memref<80xi32, #tpu.memory_space<vmem>>)
    %dma_start3A_103 = arith.constant 0 : i32
    %dma_start3A_104 = arith.constant 0 : i32
    %dma_start3A_105 = tpu.memref_slice %arg2[%dma_start3A_103, %dma_start3A_104] : memref<10240x128xf32, #tpu.memory_space<hbm>> -> memref<10240x128xf32, #tpu.memory_space<hbm>>
    tpu.enqueue_indirect_dma source(%dma_start3A_105 : memref<10240x128xf32, #tpu.memory_space<hbm>>) target(%arg23 : memref<80x128xf32, #tpu.memory_space<vmem>>) offsets(%arg11 : memref<80xi32, #tpu.memory_space<vmem>>) semaphore(%arg30 : memref<!tpu.dma_semaphore, #tpu.memory_space<semaphore_mem>>)
    %scan3A_106 = arith.constant 0 : i32
    %scan3A_107 = arith.constant 0 : i32
    %scan3A_108 = arith.constant 20 : i32
    %scan3A_109 = arith.addi %scan3A_107, %scan3A_108 : i32
    %scan3A_110 = arith.constant 1 : i32
    %scan3A_111 = scf.for %scan3A_186 = %scan3A_107 to %scan3A_109 step %scan3A_110 iter_args(%scan3A_187 = %scan3A_106) -> (i32)  : i32 {
      %mul3A_188 = arith.constant 6 : i32
      %mul3A_189 = arith.muli %scan3A_186, %mul3A_188 : i32
      %add3A_190 = arith.constant 0 : i32
      %add3A_191 = arith.addi %mul3A_189, %add3A_190 : i32
      %dma_wait3A_192 = arith.constant 0 : i32
      %dma_wait3A_193 = arith.constant 0 : i32
      %dma_wait3A_194 = tpu.memref_slice %arg2[%dma_wait3A_192, %dma_wait3A_193] : memref<10240x128xf32, #tpu.memory_space<hbm>> -> memref<10240x128xf32, #tpu.memory_space<hbm>>
      tpu.wait_indirect_dma semaphore(%arg26 : memref<!tpu.dma_semaphore, #tpu.memory_space<semaphore_mem>>) src(%dma_wait3A_194 : memref<10240x128xf32, #tpu.memory_space<hbm>>) dst(%arg19 : memref<80x128xf32, #tpu.memory_space<vmem>>)
      %add3A_195 = arith.constant 6 : i32
      %add3A_196 = arith.addi %add3A_191, %add3A_195 : i32
      %lt3A = arith.constant 125 : i32
      %lt3A_197 = arith.cmpi slt, %add3A_196, %lt3A : i32
      %convert_element_type3A = arith.extui %lt3A_197 : i1 to i32
      %cond3A = arith.constant 0 : i32
      %cond3A_198 = arith.cmpi ne, %convert_element_type3A, %cond3A : i32
      scf.if %cond3A_198 {
        %add3A_394 = arith.constant 6 : i32
        %add3A_395 = arith.addi %add3A_191, %add3A_394 : i32
        %mul3A_396 = arith.constant 80 : i32
        %mul3A_397 = arith.muli %add3A_395, %mul3A_396 : i32
        %add3A_398 = arith.addi %mul3A_2, %mul3A_397 : i32
        %dma_start3A_399 = tpu.memref_slice %arg3[%add3A_398] : memref<320000xi32, #tpu.memory_space<hbm>> -> memref<80xi32, #tpu.memory_space<hbm>>
        %dma_start3A_400 = tpu.memref_slice %arg3[%add3A_398] : memref<320000xi32, #tpu.memory_space<hbm>> -> memref<80xi32, #tpu.memory_space<hbm>>
        tpu.enqueue_dma source(%dma_start3A_400 : memref<80xi32, #tpu.memory_space<hbm>>) target(%arg7 : memref<80xi32, #tpu.memory_space<vmem>>) target_semaphore(%arg38 : memref<!tpu.dma_semaphore, #tpu.memory_space<semaphore_mem>>)
      } else {
      }
      %dma_wait3A_199 = arith.constant 0 : i32
      %dma_wait3A_200 = tpu.memref_slice %arg4[%dma_wait3A_199] : memref<320000xi32, #tpu.memory_space<hbm>> -> memref<80xi32, #tpu.memory_space<hbm>>
      %dma_wait3A_201 = arith.constant 0 : i32
      %dma_wait3A_202 = tpu.memref_slice %arg4[%dma_wait3A_201] : memref<320000xi32, #tpu.memory_space<hbm>> -> memref<80xi32, #tpu.memory_space<hbm>>
      tpu.wait_dma2 semaphore(%arg44 : memref<!tpu.dma_semaphore, #tpu.memory_space<semaphore_mem>>) src(%dma_wait3A_202 : memref<80xi32, #tpu.memory_space<hbm>>) dst(%arg13 : memref<80xi32, #tpu.memory_space<vmem>>)
      %dma_start3A_203 = arith.constant 0 : i32
      %dma_start3A_204 = arith.constant 0 : i32
      %dma_start3A_205 = tpu.memref_slice %arg6[%dma_start3A_203, %dma_start3A_204] : memref<5120x128xf32, #tpu.memory_space<vmem_shared>> -> memref<5120x128xf32, #tpu.memory_space<vmem_shared>>
      tpu.enqueue_indirect_dma source(%arg19 : memref<80x128xf32, #tpu.memory_space<vmem>>) target(%dma_start3A_205 : memref<5120x128xf32, #tpu.memory_space<vmem_shared>>) offsets(%arg13 : memref<80xi32, #tpu.memory_space<vmem>>) semaphore(%arg32 : memref<!tpu.dma_semaphore, #tpu.memory_space<semaphore_mem>>) {add = true}
      %ge3A = arith.constant 1 : i32
      %ge3A_206 = arith.cmpi sge, %add3A_191, %ge3A : i32
      %convert_element_type3A_207 = arith.extui %ge3A_206 : i1 to i32
      %cond3A_208 = arith.constant 0 : i32
      %cond3A_209 = arith.cmpi ne, %convert_element_type3A_207, %cond3A_208 : i32
      scf.if %cond3A_209 {
        %dma_wait3A_394 = arith.constant 0 : i32
        %dma_wait3A_395 = arith.constant 0 : i32
        %dma_wait3A_396 = tpu.memref_slice %arg6[%dma_wait3A_394, %dma_wait3A_395] : memref<5120x128xf32, #tpu.memory_space<vmem_shared>> -> memref<5120x128xf32, #tpu.memory_space<vmem_shared>>
        tpu.wait_indirect_dma semaphore(%arg37 : memref<!tpu.dma_semaphore, #tpu.memory_space<semaphore_mem>>) src(%arg24 : memref<80x128xf32, #tpu.memory_space<vmem>>) dst(%dma_wait3A_396 : memref<5120x128xf32, #tpu.memory_space<vmem_shared>>)
        %sub3A_397 = arith.constant 1 : i32
        %sub3A_398 = arith.subi %add3A_191, %sub3A_397 : i32
        %add3A_399 = arith.constant 6 : i32
        %add3A_400 = arith.addi %sub3A_398, %add3A_399 : i32
        %lt3A_401 = arith.constant 125 : i32
        %lt3A_402 = arith.cmpi slt, %add3A_400, %lt3A_401 : i32
        %convert_element_type3A_403 = arith.extui %lt3A_402 : i1 to i32
        %cond3A_404 = arith.constant 0 : i32
        %cond3A_405 = arith.cmpi ne, %convert_element_type3A_403, %cond3A_404 : i32
        scf.if %cond3A_405 {
          %sub3A_406 = arith.constant 1 : i32
          %sub3A_407 = arith.subi %add3A_191, %sub3A_406 : i32
          %add3A_408 = arith.constant 6 : i32
          %add3A_409 = arith.addi %sub3A_407, %add3A_408 : i32
          %mul3A_410 = arith.constant 80 : i32
          %mul3A_411 = arith.muli %add3A_409, %mul3A_410 : i32
          %add3A_412 = arith.addi %mul3A_2, %mul3A_411 : i32
          %dma_start3A_413 = tpu.memref_slice %arg4[%add3A_412] : memref<320000xi32, #tpu.memory_space<hbm>> -> memref<80xi32, #tpu.memory_space<hbm>>
          %dma_start3A_414 = tpu.memref_slice %arg4[%add3A_412] : memref<320000xi32, #tpu.memory_space<hbm>> -> memref<80xi32, #tpu.memory_space<hbm>>
          tpu.enqueue_dma source(%dma_start3A_414 : memref<80xi32, #tpu.memory_space<hbm>>) target(%arg18 : memref<80xi32, #tpu.memory_space<vmem>>) target_semaphore(%arg49 : memref<!tpu.dma_semaphore, #tpu.memory_space<semaphore_mem>>)
        } else {
        }
      } else {
      }
      %add3A_210 = arith.constant 6 : i32
      %add3A_211 = arith.addi %add3A_191, %add3A_210 : i32
      %sub3A = arith.constant 1 : i32
      %sub3A_212 = arith.subi %add3A_211, %sub3A : i32
      %lt3A_213 = arith.constant 125 : i32
      %lt3A_214 = arith.cmpi slt, %sub3A_212, %lt3A_213 : i32
      %convert_element_type3A_215 = arith.extui %lt3A_214 : i1 to i32
      %cond3A_216 = arith.constant 0 : i32
      %cond3A_217 = arith.cmpi ne, %convert_element_type3A_215, %cond3A_216 : i32
      scf.if %cond3A_217 {
        %dma_wait3A_394 = arith.constant 0 : i32
        %dma_wait3A_395 = tpu.memref_slice %arg3[%dma_wait3A_394] : memref<320000xi32, #tpu.memory_space<hbm>> -> memref<80xi32, #tpu.memory_space<hbm>>
        %dma_wait3A_396 = arith.constant 0 : i32
        %dma_wait3A_397 = tpu.memref_slice %arg3[%dma_wait3A_396] : memref<320000xi32, #tpu.memory_space<hbm>> -> memref<80xi32, #tpu.memory_space<hbm>>
        tpu.wait_dma2 semaphore(%arg43 : memref<!tpu.dma_semaphore, #tpu.memory_space<semaphore_mem>>) src(%dma_wait3A_397 : memref<80xi32, #tpu.memory_space<hbm>>) dst(%arg12 : memref<80xi32, #tpu.memory_space<vmem>>)
        %add3A_398 = arith.constant 6 : i32
        %add3A_399 = arith.addi %add3A_191, %add3A_398 : i32
        %sub3A_400 = arith.constant 1 : i32
        %sub3A_401 = arith.subi %add3A_399, %sub3A_400 : i32
        %dma_start3A_402 = arith.constant 0 : i32
        %dma_start3A_403 = arith.constant 0 : i32
        %dma_start3A_404 = tpu.memref_slice %arg2[%dma_start3A_402, %dma_start3A_403] : memref<10240x128xf32, #tpu.memory_space<hbm>> -> memref<10240x128xf32, #tpu.memory_space<hbm>>
        tpu.enqueue_indirect_dma source(%dma_start3A_404 : memref<10240x128xf32, #tpu.memory_space<hbm>>) target(%arg24 : memref<80x128xf32, #tpu.memory_space<vmem>>) offsets(%arg12 : memref<80xi32, #tpu.memory_space<vmem>>) semaphore(%arg31 : memref<!tpu.dma_semaphore, #tpu.memory_space<semaphore_mem>>)
      } else {
      }
      %mul3A_218 = arith.constant 6 : i32
      %mul3A_219 = arith.muli %scan3A_186, %mul3A_218 : i32
      %add3A_220 = arith.constant 1 : i32
      %add3A_221 = arith.addi %mul3A_219, %add3A_220 : i32
      %dma_wait3A_222 = arith.constant 0 : i32
      %dma_wait3A_223 = arith.constant 0 : i32
      %dma_wait3A_224 = tpu.memref_slice %arg2[%dma_wait3A_222, %dma_wait3A_223] : memref<10240x128xf32, #tpu.memory_space<hbm>> -> memref<10240x128xf32, #tpu.memory_space<hbm>>
      tpu.wait_indirect_dma semaphore(%arg27 : memref<!tpu.dma_semaphore, #tpu.memory_space<semaphore_mem>>) src(%dma_wait3A_224 : memref<10240x128xf32, #tpu.memory_space<hbm>>) dst(%arg20 : memref<80x128xf32, #tpu.memory_space<vmem>>)
      %add3A_225 = arith.constant 6 : i32
      %add3A_226 = arith.addi %add3A_221, %add3A_225 : i32
      %lt3A_227 = arith.constant 125 : i32
      %lt3A_228 = arith.cmpi slt, %add3A_226, %lt3A_227 : i32
      %convert_element_type3A_229 = arith.extui %lt3A_228 : i1 to i32
      %cond3A_230 = arith.constant 0 : i32
      %cond3A_231 = arith.cmpi ne, %convert_element_type3A_229, %cond3A_230 : i32
      scf.if %cond3A_231 {
        %add3A_394 = arith.constant 6 : i32
        %add3A_395 = arith.addi %add3A_221, %add3A_394 : i32
        %mul3A_396 = arith.constant 80 : i32
        %mul3A_397 = arith.muli %add3A_395, %mul3A_396 : i32
        %add3A_398 = arith.addi %mul3A_2, %mul3A_397 : i32
        %dma_start3A_399 = tpu.memref_slice %arg3[%add3A_398] : memref<320000xi32, #tpu.memory_space<hbm>> -> memref<80xi32, #tpu.memory_space<hbm>>
        %dma_start3A_400 = tpu.memref_slice %arg3[%add3A_398] : memref<320000xi32, #tpu.memory_space<hbm>> -> memref<80xi32, #tpu.memory_space<hbm>>
        tpu.enqueue_dma source(%dma_start3A_400 : memref<80xi32, #tpu.memory_space<hbm>>) target(%arg8 : memref<80xi32, #tpu.memory_space<vmem>>) target_semaphore(%arg39 : memref<!tpu.dma_semaphore, #tpu.memory_space<semaphore_mem>>)
      } else {
      }
      %dma_wait3A_232 = arith.constant 0 : i32
      %dma_wait3A_233 = tpu.memref_slice %arg4[%dma_wait3A_232] : memref<320000xi32, #tpu.memory_space<hbm>> -> memref<80xi32, #tpu.memory_space<hbm>>
      %dma_wait3A_234 = arith.constant 0 : i32
      %dma_wait3A_235 = tpu.memref_slice %arg4[%dma_wait3A_234] : memref<320000xi32, #tpu.memory_space<hbm>> -> memref<80xi32, #tpu.memory_space<hbm>>
      tpu.wait_dma2 semaphore(%arg45 : memref<!tpu.dma_semaphore, #tpu.memory_space<semaphore_mem>>) src(%dma_wait3A_235 : memref<80xi32, #tpu.memory_space<hbm>>) dst(%arg14 : memref<80xi32, #tpu.memory_space<vmem>>)
      %dma_start3A_236 = arith.constant 0 : i32
      %dma_start3A_237 = arith.constant 0 : i32
      %dma_start3A_238 = tpu.memref_slice %arg6[%dma_start3A_236, %dma_start3A_237] : memref<5120x128xf32, #tpu.memory_space<vmem_shared>> -> memref<5120x128xf32, #tpu.memory_space<vmem_shared>>
      tpu.enqueue_indirect_dma source(%arg20 : memref<80x128xf32, #tpu.memory_space<vmem>>) target(%dma_start3A_238 : memref<5120x128xf32, #tpu.memory_space<vmem_shared>>) offsets(%arg14 : memref<80xi32, #tpu.memory_space<vmem>>) semaphore(%arg33 : memref<!tpu.dma_semaphore, #tpu.memory_space<semaphore_mem>>) {add = true}
      %ge3A_239 = arith.constant 1 : i32
      %ge3A_240 = arith.cmpi sge, %add3A_221, %ge3A_239 : i32
      %convert_element_type3A_241 = arith.extui %ge3A_240 : i1 to i32
      %cond3A_242 = arith.constant 0 : i32
      %cond3A_243 = arith.cmpi ne, %convert_element_type3A_241, %cond3A_242 : i32
      scf.if %cond3A_243 {
        %dma_wait3A_394 = arith.constant 0 : i32
        %dma_wait3A_395 = arith.constant 0 : i32
        %dma_wait3A_396 = tpu.memref_slice %arg6[%dma_wait3A_394, %dma_wait3A_395] : memref<5120x128xf32, #tpu.memory_space<vmem_shared>> -> memref<5120x128xf32, #tpu.memory_space<vmem_shared>>
        tpu.wait_indirect_dma semaphore(%arg32 : memref<!tpu.dma_semaphore, #tpu.memory_space<semaphore_mem>>) src(%arg19 : memref<80x128xf32, #tpu.memory_space<vmem>>) dst(%dma_wait3A_396 : memref<5120x128xf32, #tpu.memory_space<vmem_shared>>)
        %sub3A_397 = arith.constant 1 : i32
        %sub3A_398 = arith.subi %add3A_221, %sub3A_397 : i32
        %add3A_399 = arith.constant 6 : i32
        %add3A_400 = arith.addi %sub3A_398, %add3A_399 : i32
        %lt3A_401 = arith.constant 125 : i32
        %lt3A_402 = arith.cmpi slt, %add3A_400, %lt3A_401 : i32
        %convert_element_type3A_403 = arith.extui %lt3A_402 : i1 to i32
        %cond3A_404 = arith.constant 0 : i32
        %cond3A_405 = arith.cmpi ne, %convert_element_type3A_403, %cond3A_404 : i32
        scf.if %cond3A_405 {
          %sub3A_406 = arith.constant 1 : i32
          %sub3A_407 = arith.subi %add3A_221, %sub3A_406 : i32
          %add3A_408 = arith.constant 6 : i32
          %add3A_409 = arith.addi %sub3A_407, %add3A_408 : i32
          %mul3A_410 = arith.constant 80 : i32
          %mul3A_411 = arith.muli %add3A_409, %mul3A_410 : i32
          %add3A_412 = arith.addi %mul3A_2, %mul3A_411 : i32
          %dma_start3A_413 = tpu.memref_slice %arg4[%add3A_412] : memref<320000xi32, #tpu.memory_space<hbm>> -> memref<80xi32, #tpu.memory_space<hbm>>
          %dma_start3A_414 = tpu.memref_slice %arg4[%add3A_412] : memref<320000xi32, #tpu.memory_space<hbm>> -> memref<80xi32, #tpu.memory_space<hbm>>
          tpu.enqueue_dma source(%dma_start3A_414 : memref<80xi32, #tpu.memory_space<hbm>>) target(%arg13 : memref<80xi32, #tpu.memory_space<vmem>>) target_semaphore(%arg44 : memref<!tpu.dma_semaphore, #tpu.memory_space<semaphore_mem>>)
        } else {
        }
      } else {
      }
      %add3A_244 = arith.constant 6 : i32
      %add3A_245 = arith.addi %add3A_221, %add3A_244 : i32
      %sub3A_246 = arith.constant 1 : i32
      %sub3A_247 = arith.subi %add3A_245, %sub3A_246 : i32
      %lt3A_248 = arith.constant 125 : i32
      %lt3A_249 = arith.cmpi slt, %sub3A_247, %lt3A_248 : i32
      %convert_element_type3A_250 = arith.extui %lt3A_249 : i1 to i32
      %cond3A_251 = arith.constant 0 : i32
      %cond3A_252 = arith.cmpi ne, %convert_element_type3A_250, %cond3A_251 : i32
      scf.if %cond3A_252 {
        %dma_wait3A_394 = arith.constant 0 : i32
        %dma_wait3A_395 = tpu.memref_slice %arg3[%dma_wait3A_394] : memref<320000xi32, #tpu.memory_space<hbm>> -> memref<80xi32, #tpu.memory_space<hbm>>
        %dma_wait3A_396 = arith.constant 0 : i32
        %dma_wait3A_397 = tpu.memref_slice %arg3[%dma_wait3A_396] : memref<320000xi32, #tpu.memory_space<hbm>> -> memref<80xi32, #tpu.memory_space<hbm>>
        tpu.wait_dma2 semaphore(%arg38 : memref<!tpu.dma_semaphore, #tpu.memory_space<semaphore_mem>>) src(%dma_wait3A_397 : memref<80xi32, #tpu.memory_space<hbm>>) dst(%arg7 : memref<80xi32, #tpu.memory_space<vmem>>)
        %add3A_398 = arith.constant 6 : i32
        %add3A_399 = arith.addi %add3A_221, %add3A_398 : i32
        %sub3A_400 = arith.constant 1 : i32
        %sub3A_401 = arith.subi %add3A_399, %sub3A_400 : i32
        %dma_start3A_402 = arith.constant 0 : i32
        %dma_start3A_403 = arith.constant 0 : i32
        %dma_start3A_404 = tpu.memref_slice %arg2[%dma_start3A_402, %dma_start3A_403] : memref<10240x128xf32, #tpu.memory_space<hbm>> -> memref<10240x128xf32, #tpu.memory_space<hbm>>
        tpu.enqueue_indirect_dma source(%dma_start3A_404 : memref<10240x128xf32, #tpu.memory_space<hbm>>) target(%arg19 : memref<80x128xf32, #tpu.memory_space<vmem>>) offsets(%arg7 : memref<80xi32, #tpu.memory_space<vmem>>) semaphore(%arg26 : memref<!tpu.dma_semaphore, #tpu.memory_space<semaphore_mem>>)
      } else {
      }
      %mul3A_253 = arith.constant 6 : i32
      %mul3A_254 = arith.muli %scan3A_186, %mul3A_253 : i32
      %add3A_255 = arith.constant 2 : i32
      %add3A_256 = arith.addi %mul3A_254, %add3A_255 : i32
      %dma_wait3A_257 = arith.constant 0 : i32
      %dma_wait3A_258 = arith.constant 0 : i32
      %dma_wait3A_259 = tpu.memref_slice %arg2[%dma_wait3A_257, %dma_wait3A_258] : memref<10240x128xf32, #tpu.memory_space<hbm>> -> memref<10240x128xf32, #tpu.memory_space<hbm>>
      tpu.wait_indirect_dma semaphore(%arg28 : memref<!tpu.dma_semaphore, #tpu.memory_space<semaphore_mem>>) src(%dma_wait3A_259 : memref<10240x128xf32, #tpu.memory_space<hbm>>) dst(%arg21 : memref<80x128xf32, #tpu.memory_space<vmem>>)
      %add3A_260 = arith.constant 6 : i32
      %add3A_261 = arith.addi %add3A_256, %add3A_260 : i32
      %lt3A_262 = arith.constant 125 : i32
      %lt3A_263 = arith.cmpi slt, %add3A_261, %lt3A_262 : i32
      %convert_element_type3A_264 = arith.extui %lt3A_263 : i1 to i32
      %cond3A_265 = arith.constant 0 : i32
      %cond3A_266 = arith.cmpi ne, %convert_element_type3A_264, %cond3A_265 : i32
      scf.if %cond3A_266 {
        %add3A_394 = arith.constant 6 : i32
        %add3A_395 = arith.addi %add3A_256, %add3A_394 : i32
        %mul3A_396 = arith.constant 80 : i32
        %mul3A_397 = arith.muli %add3A_395, %mul3A_396 : i32
        %add3A_398 = arith.addi %mul3A_2, %mul3A_397 : i32
        %dma_start3A_399 = tpu.memref_slice %arg3[%add3A_398] : memref<320000xi32, #tpu.memory_space<hbm>> -> memref<80xi32, #tpu.memory_space<hbm>>
        %dma_start3A_400 = tpu.memref_slice %arg3[%add3A_398] : memref<320000xi32, #tpu.memory_space<hbm>> -> memref<80xi32, #tpu.memory_space<hbm>>
        tpu.enqueue_dma source(%dma_start3A_400 : memref<80xi32, #tpu.memory_space<hbm>>) target(%arg9 : memref<80xi32, #tpu.memory_space<vmem>>) target_semaphore(%arg40 : memref<!tpu.dma_semaphore, #tpu.memory_space<semaphore_mem>>)
      } else {
      }
      %dma_wait3A_267 = arith.constant 0 : i32
      %dma_wait3A_268 = tpu.memref_slice %arg4[%dma_wait3A_267] : memref<320000xi32, #tpu.memory_space<hbm>> -> memref<80xi32, #tpu.memory_space<hbm>>
      %dma_wait3A_269 = arith.constant 0 : i32
      %dma_wait3A_270 = tpu.memref_slice %arg4[%dma_wait3A_269] : memref<320000xi32, #tpu.memory_space<hbm>> -> memref<80xi32, #tpu.memory_space<hbm>>
      tpu.wait_dma2 semaphore(%arg46 : memref<!tpu.dma_semaphore, #tpu.memory_space<semaphore_mem>>) src(%dma_wait3A_270 : memref<80xi32, #tpu.memory_space<hbm>>) dst(%arg15 : memref<80xi32, #tpu.memory_space<vmem>>)
      %dma_start3A_271 = arith.constant 0 : i32
      %dma_start3A_272 = arith.constant 0 : i32
      %dma_start3A_273 = tpu.memref_slice %arg6[%dma_start3A_271, %dma_start3A_272] : memref<5120x128xf32, #tpu.memory_space<vmem_shared>> -> memref<5120x128xf32, #tpu.memory_space<vmem_shared>>
      tpu.enqueue_indirect_dma source(%arg21 : memref<80x128xf32, #tpu.memory_space<vmem>>) target(%dma_start3A_273 : memref<5120x128xf32, #tpu.memory_space<vmem_shared>>) offsets(%arg15 : memref<80xi32, #tpu.memory_space<vmem>>) semaphore(%arg34 : memref<!tpu.dma_semaphore, #tpu.memory_space<semaphore_mem>>) {add = true}
      %ge3A_274 = arith.constant 1 : i32
      %ge3A_275 = arith.cmpi sge, %add3A_256, %ge3A_274 : i32
      %convert_element_type3A_276 = arith.extui %ge3A_275 : i1 to i32
      %cond3A_277 = arith.constant 0 : i32
      %cond3A_278 = arith.cmpi ne, %convert_element_type3A_276, %cond3A_277 : i32
      scf.if %cond3A_278 {
        %dma_wait3A_394 = arith.constant 0 : i32
        %dma_wait3A_395 = arith.constant 0 : i32
        %dma_wait3A_396 = tpu.memref_slice %arg6[%dma_wait3A_394, %dma_wait3A_395] : memref<5120x128xf32, #tpu.memory_space<vmem_shared>> -> memref<5120x128xf32, #tpu.memory_space<vmem_shared>>
        tpu.wait_indirect_dma semaphore(%arg33 : memref<!tpu.dma_semaphore, #tpu.memory_space<semaphore_mem>>) src(%arg20 : memref<80x128xf32, #tpu.memory_space<vmem>>) dst(%dma_wait3A_396 : memref<5120x128xf32, #tpu.memory_space<vmem_shared>>)
        %sub3A_397 = arith.constant 1 : i32
        %sub3A_398 = arith.subi %add3A_256, %sub3A_397 : i32
        %add3A_399 = arith.constant 6 : i32
        %add3A_400 = arith.addi %sub3A_398, %add3A_399 : i32
        %lt3A_401 = arith.constant 125 : i32
        %lt3A_402 = arith.cmpi slt, %add3A_400, %lt3A_401 : i32
        %convert_element_type3A_403 = arith.extui %lt3A_402 : i1 to i32
        %cond3A_404 = arith.constant 0 : i32
        %cond3A_405 = arith.cmpi ne, %convert_element_type3A_403, %cond3A_404 : i32
        scf.if %cond3A_405 {
          %sub3A_406 = arith.constant 1 : i32
          %sub3A_407 = arith.subi %add3A_256, %sub3A_406 : i32
          %add3A_408 = arith.constant 6 : i32
          %add3A_409 = arith.addi %sub3A_407, %add3A_408 : i32
          %mul3A_410 = arith.constant 80 : i32
          %mul3A_411 = arith.muli %add3A_409, %mul3A_410 : i32
          %add3A_412 = arith.addi %mul3A_2, %mul3A_411 : i32
          %dma_start3A_413 = tpu.memref_slice %arg4[%add3A_412] : memref<320000xi32, #tpu.memory_space<hbm>> -> memref<80xi32, #tpu.memory_space<hbm>>
          %dma_start3A_414 = tpu.memref_slice %arg4[%add3A_412] : memref<320000xi32, #tpu.memory_space<hbm>> -> memref<80xi32, #tpu.memory_space<hbm>>
          tpu.enqueue_dma source(%dma_start3A_414 : memref<80xi32, #tpu.memory_space<hbm>>) target(%arg14 : memref<80xi32, #tpu.memory_space<vmem>>) target_semaphore(%arg45 : memref<!tpu.dma_semaphore, #tpu.memory_space<semaphore_mem>>)
        } else {
        }
      } else {
      }
      %add3A_279 = arith.constant 6 : i32
      %add3A_280 = arith.addi %add3A_256, %add3A_279 : i32
      %sub3A_281 = arith.constant 1 : i32
      %sub3A_282 = arith.subi %add3A_280, %sub3A_281 : i32
      %lt3A_283 = arith.constant 125 : i32
      %lt3A_284 = arith.cmpi slt, %sub3A_282, %lt3A_283 : i32
      %convert_element_type3A_285 = arith.extui %lt3A_284 : i1 to i32
      %cond3A_286 = arith.constant 0 : i32
      %cond3A_287 = arith.cmpi ne, %convert_element_type3A_285, %cond3A_286 : i32
      scf.if %cond3A_287 {
        %dma_wait3A_394 = arith.constant 0 : i32
        %dma_wait3A_395 = tpu.memref_slice %arg3[%dma_wait3A_394] : memref<320000xi32, #tpu.memory_space<hbm>> -> memref<80xi32, #tpu.memory_space<hbm>>
        %dma_wait3A_396 = arith.constant 0 : i32
        %dma_wait3A_397 = tpu.memref_slice %arg3[%dma_wait3A_396] : memref<320000xi32, #tpu.memory_space<hbm>> -> memref<80xi32, #tpu.memory_space<hbm>>
        tpu.wait_dma2 semaphore(%arg39 : memref<!tpu.dma_semaphore, #tpu.memory_space<semaphore_mem>>) src(%dma_wait3A_397 : memref<80xi32, #tpu.memory_space<hbm>>) dst(%arg8 : memref<80xi32, #tpu.memory_space<vmem>>)
        %add3A_398 = arith.constant 6 : i32
        %add3A_399 = arith.addi %add3A_256, %add3A_398 : i32
        %sub3A_400 = arith.constant 1 : i32
        %sub3A_401 = arith.subi %add3A_399, %sub3A_400 : i32
        %dma_start3A_402 = arith.constant 0 : i32
        %dma_start3A_403 = arith.constant 0 : i32
        %dma_start3A_404 = tpu.memref_slice %arg2[%dma_start3A_402, %dma_start3A_403] : memref<10240x128xf32, #tpu.memory_space<hbm>> -> memref<10240x128xf32, #tpu.memory_space<hbm>>
        tpu.enqueue_indirect_dma source(%dma_start3A_404 : memref<10240x128xf32, #tpu.memory_space<hbm>>) target(%arg20 : memref<80x128xf32, #tpu.memory_space<vmem>>) offsets(%arg8 : memref<80xi32, #tpu.memory_space<vmem>>) semaphore(%arg27 : memref<!tpu.dma_semaphore, #tpu.memory_space<semaphore_mem>>)
      } else {
      }
      %mul3A_288 = arith.constant 6 : i32
      %mul3A_289 = arith.muli %scan3A_186, %mul3A_288 : i32
      %add3A_290 = arith.constant 3 : i32
      %add3A_291 = arith.addi %mul3A_289, %add3A_290 : i32
      %dma_wait3A_292 = arith.constant 0 : i32
      %dma_wait3A_293 = arith.constant 0 : i32
      %dma_wait3A_294 = tpu.memref_slice %arg2[%dma_wait3A_292, %dma_wait3A_293] : memref<10240x128xf32, #tpu.memory_space<hbm>> -> memref<10240x128xf32, #tpu.memory_space<hbm>>
      tpu.wait_indirect_dma semaphore(%arg29 : memref<!tpu.dma_semaphore, #tpu.memory_space<semaphore_mem>>) src(%dma_wait3A_294 : memref<10240x128xf32, #tpu.memory_space<hbm>>) dst(%arg22 : memref<80x128xf32, #tpu.memory_space<vmem>>)
      %add3A_295 = arith.constant 6 : i32
      %add3A_296 = arith.addi %add3A_291, %add3A_295 : i32
      %lt3A_297 = arith.constant 125 : i32
      %lt3A_298 = arith.cmpi slt, %add3A_296, %lt3A_297 : i32
      %convert_element_type3A_299 = arith.extui %lt3A_298 : i1 to i32
      %cond3A_300 = arith.constant 0 : i32
      %cond3A_301 = arith.cmpi ne, %convert_element_type3A_299, %cond3A_300 : i32
      scf.if %cond3A_301 {
        %add3A_394 = arith.constant 6 : i32
        %add3A_395 = arith.addi %add3A_291, %add3A_394 : i32
        %mul3A_396 = arith.constant 80 : i32
        %mul3A_397 = arith.muli %add3A_395, %mul3A_396 : i32
        %add3A_398 = arith.addi %mul3A_2, %mul3A_397 : i32
        %dma_start3A_399 = tpu.memref_slice %arg3[%add3A_398] : memref<320000xi32, #tpu.memory_space<hbm>> -> memref<80xi32, #tpu.memory_space<hbm>>
        %dma_start3A_400 = tpu.memref_slice %arg3[%add3A_398] : memref<320000xi32, #tpu.memory_space<hbm>> -> memref<80xi32, #tpu.memory_space<hbm>>
        tpu.enqueue_dma source(%dma_start3A_400 : memref<80xi32, #tpu.memory_space<hbm>>) target(%arg10 : memref<80xi32, #tpu.memory_space<vmem>>) target_semaphore(%arg41 : memref<!tpu.dma_semaphore, #tpu.memory_space<semaphore_mem>>)
      } else {
      }
      %dma_wait3A_302 = arith.constant 0 : i32
      %dma_wait3A_303 = tpu.memref_slice %arg4[%dma_wait3A_302] : memref<320000xi32, #tpu.memory_space<hbm>> -> memref<80xi32, #tpu.memory_space<hbm>>
      %dma_wait3A_304 = arith.constant 0 : i32
      %dma_wait3A_305 = tpu.memref_slice %arg4[%dma_wait3A_304] : memref<320000xi32, #tpu.memory_space<hbm>> -> memref<80xi32, #tpu.memory_space<hbm>>
      tpu.wait_dma2 semaphore(%arg47 : memref<!tpu.dma_semaphore, #tpu.memory_space<semaphore_mem>>) src(%dma_wait3A_305 : memref<80xi32, #tpu.memory_space<hbm>>) dst(%arg16 : memref<80xi32, #tpu.memory_space<vmem>>)
      %dma_start3A_306 = arith.constant 0 : i32
      %dma_start3A_307 = arith.constant 0 : i32
      %dma_start3A_308 = tpu.memref_slice %arg6[%dma_start3A_306, %dma_start3A_307] : memref<5120x128xf32, #tpu.memory_space<vmem_shared>> -> memref<5120x128xf32, #tpu.memory_space<vmem_shared>>
      tpu.enqueue_indirect_dma source(%arg22 : memref<80x128xf32, #tpu.memory_space<vmem>>) target(%dma_start3A_308 : memref<5120x128xf32, #tpu.memory_space<vmem_shared>>) offsets(%arg16 : memref<80xi32, #tpu.memory_space<vmem>>) semaphore(%arg35 : memref<!tpu.dma_semaphore, #tpu.memory_space<semaphore_mem>>) {add = true}
      %ge3A_309 = arith.constant 1 : i32
      %ge3A_310 = arith.cmpi sge, %add3A_291, %ge3A_309 : i32
      %convert_element_type3A_311 = arith.extui %ge3A_310 : i1 to i32
      %cond3A_312 = arith.constant 0 : i32
      %cond3A_313 = arith.cmpi ne, %convert_element_type3A_311, %cond3A_312 : i32
      scf.if %cond3A_313 {
        %dma_wait3A_394 = arith.constant 0 : i32
        %dma_wait3A_395 = arith.constant 0 : i32
        %dma_wait3A_396 = tpu.memref_slice %arg6[%dma_wait3A_394, %dma_wait3A_395] : memref<5120x128xf32, #tpu.memory_space<vmem_shared>> -> memref<5120x128xf32, #tpu.memory_space<vmem_shared>>
        tpu.wait_indirect_dma semaphore(%arg34 : memref<!tpu.dma_semaphore, #tpu.memory_space<semaphore_mem>>) src(%arg21 : memref<80x128xf32, #tpu.memory_space<vmem>>) dst(%dma_wait3A_396 : memref<5120x128xf32, #tpu.memory_space<vmem_shared>>)
        %sub3A_397 = arith.constant 1 : i32
        %sub3A_398 = arith.subi %add3A_291, %sub3A_397 : i32
        %add3A_399 = arith.constant 6 : i32
        %add3A_400 = arith.addi %sub3A_398, %add3A_399 : i32
        %lt3A_401 = arith.constant 125 : i32
        %lt3A_402 = arith.cmpi slt, %add3A_400, %lt3A_401 : i32
        %convert_element_type3A_403 = arith.extui %lt3A_402 : i1 to i32
        %cond3A_404 = arith.constant 0 : i32
        %cond3A_405 = arith.cmpi ne, %convert_element_type3A_403, %cond3A_404 : i32
        scf.if %cond3A_405 {
          %sub3A_406 = arith.constant 1 : i32
          %sub3A_407 = arith.subi %add3A_291, %sub3A_406 : i32
          %add3A_408 = arith.constant 6 : i32
          %add3A_409 = arith.addi %sub3A_407, %add3A_408 : i32
          %mul3A_410 = arith.constant 80 : i32
          %mul3A_411 = arith.muli %add3A_409, %mul3A_410 : i32
          %add3A_412 = arith.addi %mul3A_2, %mul3A_411 : i32
          %dma_start3A_413 = tpu.memref_slice %arg4[%add3A_412] : memref<320000xi32, #tpu.memory_space<hbm>> -> memref<80xi32, #tpu.memory_space<hbm>>
          %dma_start3A_414 = tpu.memref_slice %arg4[%add3A_412] : memref<320000xi32, #tpu.memory_space<hbm>> -> memref<80xi32, #tpu.memory_space<hbm>>
          tpu.enqueue_dma source(%dma_start3A_414 : memref<80xi32, #tpu.memory_space<hbm>>) target(%arg15 : memref<80xi32, #tpu.memory_space<vmem>>) target_semaphore(%arg46 : memref<!tpu.dma_semaphore, #tpu.memory_space<semaphore_mem>>)
        } else {
        }
      } else {
      }
      %add3A_314 = arith.constant 6 : i32
      %add3A_315 = arith.addi %add3A_291, %add3A_314 : i32
      %sub3A_316 = arith.constant 1 : i32
      %sub3A_317 = arith.subi %add3A_315, %sub3A_316 : i32
      %lt3A_318 = arith.constant 125 : i32
      %lt3A_319 = arith.cmpi slt, %sub3A_317, %lt3A_318 : i32
      %convert_element_type3A_320 = arith.extui %lt3A_319 : i1 to i32
      %cond3A_321 = arith.constant 0 : i32
      %cond3A_322 = arith.cmpi ne, %convert_element_type3A_320, %cond3A_321 : i32
      scf.if %cond3A_322 {
        %dma_wait3A_394 = arith.constant 0 : i32
        %dma_wait3A_395 = tpu.memref_slice %arg3[%dma_wait3A_394] : memref<320000xi32, #tpu.memory_space<hbm>> -> memref<80xi32, #tpu.memory_space<hbm>>
        %dma_wait3A_396 = arith.constant 0 : i32
        %dma_wait3A_397 = tpu.memref_slice %arg3[%dma_wait3A_396] : memref<320000xi32, #tpu.memory_space<hbm>> -> memref<80xi32, #tpu.memory_space<hbm>>
        tpu.wait_dma2 semaphore(%arg40 : memref<!tpu.dma_semaphore, #tpu.memory_space<semaphore_mem>>) src(%dma_wait3A_397 : memref<80xi32, #tpu.memory_space<hbm>>) dst(%arg9 : memref<80xi32, #tpu.memory_space<vmem>>)
        %add3A_398 = arith.constant 6 : i32
        %add3A_399 = arith.addi %add3A_291, %add3A_398 : i32
        %sub3A_400 = arith.constant 1 : i32
        %sub3A_401 = arith.subi %add3A_399, %sub3A_400 : i32
        %dma_start3A_402 = arith.constant 0 : i32
        %dma_start3A_403 = arith.constant 0 : i32
        %dma_start3A_404 = tpu.memref_slice %arg2[%dma_start3A_402, %dma_start3A_403] : memref<10240x128xf32, #tpu.memory_space<hbm>> -> memref<10240x128xf32, #tpu.memory_space<hbm>>
        tpu.enqueue_indirect_dma source(%dma_start3A_404 : memref<10240x128xf32, #tpu.memory_space<hbm>>) target(%arg21 : memref<80x128xf32, #tpu.memory_space<vmem>>) offsets(%arg9 : memref<80xi32, #tpu.memory_space<vmem>>) semaphore(%arg28 : memref<!tpu.dma_semaphore, #tpu.memory_space<semaphore_mem>>)
      } else {
      }
      %mul3A_323 = arith.constant 6 : i32
      %mul3A_324 = arith.muli %scan3A_186, %mul3A_323 : i32
      %add3A_325 = arith.constant 4 : i32
      %add3A_326 = arith.addi %mul3A_324, %add3A_325 : i32
      %dma_wait3A_327 = arith.constant 0 : i32
      %dma_wait3A_328 = arith.constant 0 : i32
      %dma_wait3A_329 = tpu.memref_slice %arg2[%dma_wait3A_327, %dma_wait3A_328] : memref<10240x128xf32, #tpu.memory_space<hbm>> -> memref<10240x128xf32, #tpu.memory_space<hbm>>
      tpu.wait_indirect_dma semaphore(%arg30 : memref<!tpu.dma_semaphore, #tpu.memory_space<semaphore_mem>>) src(%dma_wait3A_329 : memref<10240x128xf32, #tpu.memory_space<hbm>>) dst(%arg23 : memref<80x128xf32, #tpu.memory_space<vmem>>)
      %add3A_330 = arith.constant 6 : i32
      %add3A_331 = arith.addi %add3A_326, %add3A_330 : i32
      %lt3A_332 = arith.constant 125 : i32
      %lt3A_333 = arith.cmpi slt, %add3A_331, %lt3A_332 : i32
      %convert_element_type3A_334 = arith.extui %lt3A_333 : i1 to i32
      %cond3A_335 = arith.constant 0 : i32
      %cond3A_336 = arith.cmpi ne, %convert_element_type3A_334, %cond3A_335 : i32
      scf.if %cond3A_336 {
        %add3A_394 = arith.constant 6 : i32
        %add3A_395 = arith.addi %add3A_326, %add3A_394 : i32
        %mul3A_396 = arith.constant 80 : i32
        %mul3A_397 = arith.muli %add3A_395, %mul3A_396 : i32
        %add3A_398 = arith.addi %mul3A_2, %mul3A_397 : i32
        %dma_start3A_399 = tpu.memref_slice %arg3[%add3A_398] : memref<320000xi32, #tpu.memory_space<hbm>> -> memref<80xi32, #tpu.memory_space<hbm>>
        %dma_start3A_400 = tpu.memref_slice %arg3[%add3A_398] : memref<320000xi32, #tpu.memory_space<hbm>> -> memref<80xi32, #tpu.memory_space<hbm>>
        tpu.enqueue_dma source(%dma_start3A_400 : memref<80xi32, #tpu.memory_space<hbm>>) target(%arg11 : memref<80xi32, #tpu.memory_space<vmem>>) target_semaphore(%arg42 : memref<!tpu.dma_semaphore, #tpu.memory_space<semaphore_mem>>)
      } else {
      }
      %dma_wait3A_337 = arith.constant 0 : i32
      %dma_wait3A_338 = tpu.memref_slice %arg4[%dma_wait3A_337] : memref<320000xi32, #tpu.memory_space<hbm>> -> memref<80xi32, #tpu.memory_space<hbm>>
      %dma_wait3A_339 = arith.constant 0 : i32
      %dma_wait3A_340 = tpu.memref_slice %arg4[%dma_wait3A_339] : memref<320000xi32, #tpu.memory_space<hbm>> -> memref<80xi32, #tpu.memory_space<hbm>>
      tpu.wait_dma2 semaphore(%arg48 : memref<!tpu.dma_semaphore, #tpu.memory_space<semaphore_mem>>) src(%dma_wait3A_340 : memref<80xi32, #tpu.memory_space<hbm>>) dst(%arg17 : memref<80xi32, #tpu.memory_space<vmem>>)
      %dma_start3A_341 = arith.constant 0 : i32
      %dma_start3A_342 = arith.constant 0 : i32
      %dma_start3A_343 = tpu.memref_slice %arg6[%dma_start3A_341, %dma_start3A_342] : memref<5120x128xf32, #tpu.memory_space<vmem_shared>> -> memref<5120x128xf32, #tpu.memory_space<vmem_shared>>
      tpu.enqueue_indirect_dma source(%arg23 : memref<80x128xf32, #tpu.memory_space<vmem>>) target(%dma_start3A_343 : memref<5120x128xf32, #tpu.memory_space<vmem_shared>>) offsets(%arg17 : memref<80xi32, #tpu.memory_space<vmem>>) semaphore(%arg36 : memref<!tpu.dma_semaphore, #tpu.memory_space<semaphore_mem>>) {add = true}
      %ge3A_344 = arith.constant 1 : i32
      %ge3A_345 = arith.cmpi sge, %add3A_326, %ge3A_344 : i32
      %convert_element_type3A_346 = arith.extui %ge3A_345 : i1 to i32
      %cond3A_347 = arith.constant 0 : i32
      %cond3A_348 = arith.cmpi ne, %convert_element_type3A_346, %cond3A_347 : i32
      scf.if %cond3A_348 {
        %dma_wait3A_394 = arith.constant 0 : i32
        %dma_wait3A_395 = arith.constant 0 : i32
        %dma_wait3A_396 = tpu.memref_slice %arg6[%dma_wait3A_394, %dma_wait3A_395] : memref<5120x128xf32, #tpu.memory_space<vmem_shared>> -> memref<5120x128xf32, #tpu.memory_space<vmem_shared>>
        tpu.wait_indirect_dma semaphore(%arg35 : memref<!tpu.dma_semaphore, #tpu.memory_space<semaphore_mem>>) src(%arg22 : memref<80x128xf32, #tpu.memory_space<vmem>>) dst(%dma_wait3A_396 : memref<5120x128xf32, #tpu.memory_space<vmem_shared>>)
        %sub3A_397 = arith.constant 1 : i32
        %sub3A_398 = arith.subi %add3A_326, %sub3A_397 : i32
        %add3A_399 = arith.constant 6 : i32
        %add3A_400 = arith.addi %sub3A_398, %add3A_399 : i32
        %lt3A_401 = arith.constant 125 : i32
        %lt3A_402 = arith.cmpi slt, %add3A_400, %lt3A_401 : i32
        %convert_element_type3A_403 = arith.extui %lt3A_402 : i1 to i32
        %cond3A_404 = arith.constant 0 : i32
        %cond3A_405 = arith.cmpi ne, %convert_element_type3A_403, %cond3A_404 : i32
        scf.if %cond3A_405 {
          %sub3A_406 = arith.constant 1 : i32
          %sub3A_407 = arith.subi %add3A_326, %sub3A_406 : i32
          %add3A_408 = arith.constant 6 : i32
          %add3A_409 = arith.addi %sub3A_407, %add3A_408 : i32
          %mul3A_410 = arith.constant 80 : i32
          %mul3A_411 = arith.muli %add3A_409, %mul3A_410 : i32
          %add3A_412 = arith.addi %mul3A_2, %mul3A_411 : i32
          %dma_start3A_413 = tpu.memref_slice %arg4[%add3A_412] : memref<320000xi32, #tpu.memory_space<hbm>> -> memref<80xi32, #tpu.memory_space<hbm>>
          %dma_start3A_414 = tpu.memref_slice %arg4[%add3A_412] : memref<320000xi32, #tpu.memory_space<hbm>> -> memref<80xi32, #tpu.memory_space<hbm>>
          tpu.enqueue_dma source(%dma_start3A_414 : memref<80xi32, #tpu.memory_space<hbm>>) target(%arg16 : memref<80xi32, #tpu.memory_space<vmem>>) target_semaphore(%arg47 : memref<!tpu.dma_semaphore, #tpu.memory_space<semaphore_mem>>)
        } else {
        }
      } else {
      }
      %add3A_349 = arith.constant 6 : i32
      %add3A_350 = arith.addi %add3A_326, %add3A_349 : i32
      %sub3A_351 = arith.constant 1 : i32
      %sub3A_352 = arith.subi %add3A_350, %sub3A_351 : i32
      %lt3A_353 = arith.constant 125 : i32
      %lt3A_354 = arith.cmpi slt, %sub3A_352, %lt3A_353 : i32
      %convert_element_type3A_355 = arith.extui %lt3A_354 : i1 to i32
      %cond3A_356 = arith.constant 0 : i32
      %cond3A_357 = arith.cmpi ne, %convert_element_type3A_355, %cond3A_356 : i32
      scf.if %cond3A_357 {
        %dma_wait3A_394 = arith.constant 0 : i32
        %dma_wait3A_395 = tpu.memref_slice %arg3[%dma_wait3A_394] : memref<320000xi32, #tpu.memory_space<hbm>> -> memref<80xi32, #tpu.memory_space<hbm>>
        %dma_wait3A_396 = arith.constant 0 : i32
        %dma_wait3A_397 = tpu.memref_slice %arg3[%dma_wait3A_396] : memref<320000xi32, #tpu.memory_space<hbm>> -> memref<80xi32, #tpu.memory_space<hbm>>
        tpu.wait_dma2 semaphore(%arg41 : memref<!tpu.dma_semaphore, #tpu.memory_space<semaphore_mem>>) src(%dma_wait3A_397 : memref<80xi32, #tpu.memory_space<hbm>>) dst(%arg10 : memref<80xi32, #tpu.memory_space<vmem>>)
        %add3A_398 = arith.constant 6 : i32
        %add3A_399 = arith.addi %add3A_326, %add3A_398 : i32
        %sub3A_400 = arith.constant 1 : i32
        %sub3A_401 = arith.subi %add3A_399, %sub3A_400 : i32
        %dma_start3A_402 = arith.constant 0 : i32
        %dma_start3A_403 = arith.constant 0 : i32
        %dma_start3A_404 = tpu.memref_slice %arg2[%dma_start3A_402, %dma_start3A_403] : memref<10240x128xf32, #tpu.memory_space<hbm>> -> memref<10240x128xf32, #tpu.memory_space<hbm>>
        tpu.enqueue_indirect_dma source(%dma_start3A_404 : memref<10240x128xf32, #tpu.memory_space<hbm>>) target(%arg22 : memref<80x128xf32, #tpu.memory_space<vmem>>) offsets(%arg10 : memref<80xi32, #tpu.memory_space<vmem>>) semaphore(%arg29 : memref<!tpu.dma_semaphore, #tpu.memory_space<semaphore_mem>>)
      } else {
      }
      %mul3A_358 = arith.constant 6 : i32
      %mul3A_359 = arith.muli %scan3A_186, %mul3A_358 : i32
      %add3A_360 = arith.constant 5 : i32
      %add3A_361 = arith.addi %mul3A_359, %add3A_360 : i32
      %dma_wait3A_362 = arith.constant 0 : i32
      %dma_wait3A_363 = arith.constant 0 : i32
      %dma_wait3A_364 = tpu.memref_slice %arg2[%dma_wait3A_362, %dma_wait3A_363] : memref<10240x128xf32, #tpu.memory_space<hbm>> -> memref<10240x128xf32, #tpu.memory_space<hbm>>
      tpu.wait_indirect_dma semaphore(%arg31 : memref<!tpu.dma_semaphore, #tpu.memory_space<semaphore_mem>>) src(%dma_wait3A_364 : memref<10240x128xf32, #tpu.memory_space<hbm>>) dst(%arg24 : memref<80x128xf32, #tpu.memory_space<vmem>>)
      %add3A_365 = arith.constant 6 : i32
      %add3A_366 = arith.addi %add3A_361, %add3A_365 : i32
      %lt3A_367 = arith.constant 125 : i32
      %lt3A_368 = arith.cmpi slt, %add3A_366, %lt3A_367 : i32
      %convert_element_type3A_369 = arith.extui %lt3A_368 : i1 to i32
      %cond3A_370 = arith.constant 0 : i32
      %cond3A_371 = arith.cmpi ne, %convert_element_type3A_369, %cond3A_370 : i32
      scf.if %cond3A_371 {
        %add3A_394 = arith.constant 6 : i32
        %add3A_395 = arith.addi %add3A_361, %add3A_394 : i32
        %mul3A_396 = arith.constant 80 : i32
        %mul3A_397 = arith.muli %add3A_395, %mul3A_396 : i32
        %add3A_398 = arith.addi %mul3A_2, %mul3A_397 : i32
        %dma_start3A_399 = tpu.memref_slice %arg3[%add3A_398] : memref<320000xi32, #tpu.memory_space<hbm>> -> memref<80xi32, #tpu.memory_space<hbm>>
        %dma_start3A_400 = tpu.memref_slice %arg3[%add3A_398] : memref<320000xi32, #tpu.memory_space<hbm>> -> memref<80xi32, #tpu.memory_space<hbm>>
        tpu.enqueue_dma source(%dma_start3A_400 : memref<80xi32, #tpu.memory_space<hbm>>) target(%arg12 : memref<80xi32, #tpu.memory_space<vmem>>) target_semaphore(%arg43 : memref<!tpu.dma_semaphore, #tpu.memory_space<semaphore_mem>>)
      } else {
      }
      %dma_wait3A_372 = arith.constant 0 : i32
      %dma_wait3A_373 = tpu.memref_slice %arg4[%dma_wait3A_372] : memref<320000xi32, #tpu.memory_space<hbm>> -> memref<80xi32, #tpu.memory_space<hbm>>
      %dma_wait3A_374 = arith.constant 0 : i32
      %dma_wait3A_375 = tpu.memref_slice %arg4[%dma_wait3A_374] : memref<320000xi32, #tpu.memory_space<hbm>> -> memref<80xi32, #tpu.memory_space<hbm>>
      tpu.wait_dma2 semaphore(%arg49 : memref<!tpu.dma_semaphore, #tpu.memory_space<semaphore_mem>>) src(%dma_wait3A_375 : memref<80xi32, #tpu.memory_space<hbm>>) dst(%arg18 : memref<80xi32, #tpu.memory_space<vmem>>)
      %dma_start3A_376 = arith.constant 0 : i32
      %dma_start3A_377 = arith.constant 0 : i32
      %dma_start3A_378 = tpu.memref_slice %arg6[%dma_start3A_376, %dma_start3A_377] : memref<5120x128xf32, #tpu.memory_space<vmem_shared>> -> memref<5120x128xf32, #tpu.memory_space<vmem_shared>>
      tpu.enqueue_indirect_dma source(%arg24 : memref<80x128xf32, #tpu.memory_space<vmem>>) target(%dma_start3A_378 : memref<5120x128xf32, #tpu.memory_space<vmem_shared>>) offsets(%arg18 : memref<80xi32, #tpu.memory_space<vmem>>) semaphore(%arg37 : memref<!tpu.dma_semaphore, #tpu.memory_space<semaphore_mem>>) {add = true}
      %ge3A_379 = arith.constant 1 : i32
      %ge3A_380 = arith.cmpi sge, %add3A_361, %ge3A_379 : i32
      %convert_element_type3A_381 = arith.extui %ge3A_380 : i1 to i32
      %cond3A_382 = arith.constant 0 : i32
      %cond3A_383 = arith.cmpi ne, %convert_element_type3A_381, %cond3A_382 : i32
      scf.if %cond3A_383 {
        %dma_wait3A_394 = arith.constant 0 : i32
        %dma_wait3A_395 = arith.constant 0 : i32
        %dma_wait3A_396 = tpu.memref_slice %arg6[%dma_wait3A_394, %dma_wait3A_395] : memref<5120x128xf32, #tpu.memory_space<vmem_shared>> -> memref<5120x128xf32, #tpu.memory_space<vmem_shared>>
        tpu.wait_indirect_dma semaphore(%arg36 : memref<!tpu.dma_semaphore, #tpu.memory_space<semaphore_mem>>) src(%arg23 : memref<80x128xf32, #tpu.memory_space<vmem>>) dst(%dma_wait3A_396 : memref<5120x128xf32, #tpu.memory_space<vmem_shared>>)
        %sub3A_397 = arith.constant 1 : i32
        %sub3A_398 = arith.subi %add3A_361, %sub3A_397 : i32
        %add3A_399 = arith.constant 6 : i32
        %add3A_400 = arith.addi %sub3A_398, %add3A_399 : i32
        %lt3A_401 = arith.constant 125 : i32
        %lt3A_402 = arith.cmpi slt, %add3A_400, %lt3A_401 : i32
        %convert_element_type3A_403 = arith.extui %lt3A_402 : i1 to i32
        %cond3A_404 = arith.constant 0 : i32
        %cond3A_405 = arith.cmpi ne, %convert_element_type3A_403, %cond3A_404 : i32
        scf.if %cond3A_405 {
          %sub3A_406 = arith.constant 1 : i32
          %sub3A_407 = arith.subi %add3A_361, %sub3A_406 : i32
          %add3A_408 = arith.constant 6 : i32
          %add3A_409 = arith.addi %sub3A_407, %add3A_408 : i32
          %mul3A_410 = arith.constant 80 : i32
          %mul3A_411 = arith.muli %add3A_409, %mul3A_410 : i32
          %add3A_412 = arith.addi %mul3A_2, %mul3A_411 : i32
          %dma_start3A_413 = tpu.memref_slice %arg4[%add3A_412] : memref<320000xi32, #tpu.memory_space<hbm>> -> memref<80xi32, #tpu.memory_space<hbm>>
          %dma_start3A_414 = tpu.memref_slice %arg4[%add3A_412] : memref<320000xi32, #tpu.memory_space<hbm>> -> memref<80xi32, #tpu.memory_space<hbm>>
          tpu.enqueue_dma source(%dma_start3A_414 : memref<80xi32, #tpu.memory_space<hbm>>) target(%arg17 : memref<80xi32, #tpu.memory_space<vmem>>) target_semaphore(%arg48 : memref<!tpu.dma_semaphore, #tpu.memory_space<semaphore_mem>>)
        } else {
        }
      } else {
      }
      %add3A_384 = arith.constant 6 : i32
      %add3A_385 = arith.addi %add3A_361, %add3A_384 : i32
      %sub3A_386 = arith.constant 1 : i32
      %sub3A_387 = arith.subi %add3A_385, %sub3A_386 : i32
      %lt3A_388 = arith.constant 125 : i32
      %lt3A_389 = arith.cmpi slt, %sub3A_387, %lt3A_388 : i32
      %convert_element_type3A_390 = arith.extui %lt3A_389 : i1 to i32
      %cond3A_391 = arith.constant 0 : i32
      %cond3A_392 = arith.cmpi ne, %convert_element_type3A_390, %cond3A_391 : i32
      scf.if %cond3A_392 {
        %dma_wait3A_394 = arith.constant 0 : i32
        %dma_wait3A_395 = tpu.memref_slice %arg3[%dma_wait3A_394] : memref<320000xi32, #tpu.memory_space<hbm>> -> memref<80xi32, #tpu.memory_space<hbm>>
        %dma_wait3A_396 = arith.constant 0 : i32
        %dma_wait3A_397 = tpu.memref_slice %arg3[%dma_wait3A_396] : memref<320000xi32, #tpu.memory_space<hbm>> -> memref<80xi32, #tpu.memory_space<hbm>>
        tpu.wait_dma2 semaphore(%arg42 : memref<!tpu.dma_semaphore, #tpu.memory_space<semaphore_mem>>) src(%dma_wait3A_397 : memref<80xi32, #tpu.memory_space<hbm>>) dst(%arg11 : memref<80xi32, #tpu.memory_space<vmem>>)
        %add3A_398 = arith.constant 6 : i32
        %add3A_399 = arith.addi %add3A_361, %add3A_398 : i32
        %sub3A_400 = arith.constant 1 : i32
        %sub3A_401 = arith.subi %add3A_399, %sub3A_400 : i32
        %dma_start3A_402 = arith.constant 0 : i32
        %dma_start3A_403 = arith.constant 0 : i32
        %dma_start3A_404 = tpu.memref_slice %arg2[%dma_start3A_402, %dma_start3A_403] : memref<10240x128xf32, #tpu.memory_space<hbm>> -> memref<10240x128xf32, #tpu.memory_space<hbm>>
        tpu.enqueue_indirect_dma source(%dma_start3A_404 : memref<10240x128xf32, #tpu.memory_space<hbm>>) target(%arg23 : memref<80x128xf32, #tpu.memory_space<vmem>>) offsets(%arg11 : memref<80xi32, #tpu.memory_space<vmem>>) semaphore(%arg30 : memref<!tpu.dma_semaphore, #tpu.memory_space<semaphore_mem>>)
      } else {
      }
      %scan3A_393 = arith.constant 0 : i32
      scf.yield %scan3A_393 : i32
    }
    %scan3A_112 = arith.constant 20 : i32
    %dma_wait3A_113 = arith.constant 0 : i32
    %dma_wait3A_114 = arith.constant 0 : i32
    %dma_wait3A_115 = tpu.memref_slice %arg2[%dma_wait3A_113, %dma_wait3A_114] : memref<10240x128xf32, #tpu.memory_space<hbm>> -> memref<10240x128xf32, #tpu.memory_space<hbm>>
    tpu.wait_indirect_dma semaphore(%arg26 : memref<!tpu.dma_semaphore, #tpu.memory_space<semaphore_mem>>) src(%dma_wait3A_115 : memref<10240x128xf32, #tpu.memory_space<hbm>>) dst(%arg19 : memref<80x128xf32, #tpu.memory_space<vmem>>)
    %dma_wait3A_116 = arith.constant 0 : i32
    %dma_wait3A_117 = tpu.memref_slice %arg4[%dma_wait3A_116] : memref<320000xi32, #tpu.memory_space<hbm>> -> memref<80xi32, #tpu.memory_space<hbm>>
    %dma_wait3A_118 = arith.constant 0 : i32
    %dma_wait3A_119 = tpu.memref_slice %arg4[%dma_wait3A_118] : memref<320000xi32, #tpu.memory_space<hbm>> -> memref<80xi32, #tpu.memory_space<hbm>>
    tpu.wait_dma2 semaphore(%arg44 : memref<!tpu.dma_semaphore, #tpu.memory_space<semaphore_mem>>) src(%dma_wait3A_119 : memref<80xi32, #tpu.memory_space<hbm>>) dst(%arg13 : memref<80xi32, #tpu.memory_space<vmem>>)
    %dma_start3A_120 = arith.constant 0 : i32
    %dma_start3A_121 = arith.constant 0 : i32
    %dma_start3A_122 = tpu.memref_slice %arg6[%dma_start3A_120, %dma_start3A_121] : memref<5120x128xf32, #tpu.memory_space<vmem_shared>> -> memref<5120x128xf32, #tpu.memory_space<vmem_shared>>
    tpu.enqueue_indirect_dma source(%arg19 : memref<80x128xf32, #tpu.memory_space<vmem>>) target(%dma_start3A_122 : memref<5120x128xf32, #tpu.memory_space<vmem_shared>>) offsets(%arg13 : memref<80xi32, #tpu.memory_space<vmem>>) semaphore(%arg32 : memref<!tpu.dma_semaphore, #tpu.memory_space<semaphore_mem>>) {add = true}
    %dma_wait3A_123 = arith.constant 0 : i32
    %dma_wait3A_124 = arith.constant 0 : i32
    %dma_wait3A_125 = tpu.memref_slice %arg6[%dma_wait3A_123, %dma_wait3A_124] : memref<5120x128xf32, #tpu.memory_space<vmem_shared>> -> memref<5120x128xf32, #tpu.memory_space<vmem_shared>>
    tpu.wait_indirect_dma semaphore(%arg37 : memref<!tpu.dma_semaphore, #tpu.memory_space<semaphore_mem>>) src(%arg24 : memref<80x128xf32, #tpu.memory_space<vmem>>) dst(%dma_wait3A_125 : memref<5120x128xf32, #tpu.memory_space<vmem_shared>>)
    %dma_wait3A_126 = arith.constant 0 : i32
    %dma_wait3A_127 = arith.constant 0 : i32
    %dma_wait3A_128 = tpu.memref_slice %arg2[%dma_wait3A_126, %dma_wait3A_127] : memref<10240x128xf32, #tpu.memory_space<hbm>> -> memref<10240x128xf32, #tpu.memory_space<hbm>>
    tpu.wait_indirect_dma semaphore(%arg27 : memref<!tpu.dma_semaphore, #tpu.memory_space<semaphore_mem>>) src(%dma_wait3A_128 : memref<10240x128xf32, #tpu.memory_space<hbm>>) dst(%arg20 : memref<80x128xf32, #tpu.memory_space<vmem>>)
    %dma_wait3A_129 = arith.constant 0 : i32
    %dma_wait3A_130 = tpu.memref_slice %arg4[%dma_wait3A_129] : memref<320000xi32, #tpu.memory_space<hbm>> -> memref<80xi32, #tpu.memory_space<hbm>>
    %dma_wait3A_131 = arith.constant 0 : i32
    %dma_wait3A_132 = tpu.memref_slice %arg4[%dma_wait3A_131] : memref<320000xi32, #tpu.memory_space<hbm>> -> memref<80xi32, #tpu.memory_space<hbm>>
    tpu.wait_dma2 semaphore(%arg45 : memref<!tpu.dma_semaphore, #tpu.memory_space<semaphore_mem>>) src(%dma_wait3A_132 : memref<80xi32, #tpu.memory_space<hbm>>) dst(%arg14 : memref<80xi32, #tpu.memory_space<vmem>>)
    %dma_start3A_133 = arith.constant 0 : i32
    %dma_start3A_134 = arith.constant 0 : i32
    %dma_start3A_135 = tpu.memref_slice %arg6[%dma_start3A_133, %dma_start3A_134] : memref<5120x128xf32, #tpu.memory_space<vmem_shared>> -> memref<5120x128xf32, #tpu.memory_space<vmem_shared>>
    tpu.enqueue_indirect_dma source(%arg20 : memref<80x128xf32, #tpu.memory_space<vmem>>) target(%dma_start3A_135 : memref<5120x128xf32, #tpu.memory_space<vmem_shared>>) offsets(%arg14 : memref<80xi32, #tpu.memory_space<vmem>>) semaphore(%arg33 : memref<!tpu.dma_semaphore, #tpu.memory_space<semaphore_mem>>) {add = true}
    %dma_wait3A_136 = arith.constant 0 : i32
    %dma_wait3A_137 = arith.constant 0 : i32
    %dma_wait3A_138 = tpu.memref_slice %arg6[%dma_wait3A_136, %dma_wait3A_137] : memref<5120x128xf32, #tpu.memory_space<vmem_shared>> -> memref<5120x128xf32, #tpu.memory_space<vmem_shared>>
    tpu.wait_indirect_dma semaphore(%arg32 : memref<!tpu.dma_semaphore, #tpu.memory_space<semaphore_mem>>) src(%arg19 : memref<80x128xf32, #tpu.memory_space<vmem>>) dst(%dma_wait3A_138 : memref<5120x128xf32, #tpu.memory_space<vmem_shared>>)
    %dma_wait3A_139 = arith.constant 0 : i32
    %dma_wait3A_140 = arith.constant 0 : i32
    %dma_wait3A_141 = tpu.memref_slice %arg2[%dma_wait3A_139, %dma_wait3A_140] : memref<10240x128xf32, #tpu.memory_space<hbm>> -> memref<10240x128xf32, #tpu.memory_space<hbm>>
    tpu.wait_indirect_dma semaphore(%arg28 : memref<!tpu.dma_semaphore, #tpu.memory_space<semaphore_mem>>) src(%dma_wait3A_141 : memref<10240x128xf32, #tpu.memory_space<hbm>>) dst(%arg21 : memref<80x128xf32, #tpu.memory_space<vmem>>)
    %dma_wait3A_142 = arith.constant 0 : i32
    %dma_wait3A_143 = tpu.memref_slice %arg4[%dma_wait3A_142] : memref<320000xi32, #tpu.memory_space<hbm>> -> memref<80xi32, #tpu.memory_space<hbm>>
    %dma_wait3A_144 = arith.constant 0 : i32
    %dma_wait3A_145 = tpu.memref_slice %arg4[%dma_wait3A_144] : memref<320000xi32, #tpu.memory_space<hbm>> -> memref<80xi32, #tpu.memory_space<hbm>>
    tpu.wait_dma2 semaphore(%arg46 : memref<!tpu.dma_semaphore, #tpu.memory_space<semaphore_mem>>) src(%dma_wait3A_145 : memref<80xi32, #tpu.memory_space<hbm>>) dst(%arg15 : memref<80xi32, #tpu.memory_space<vmem>>)
    %dma_start3A_146 = arith.constant 0 : i32
    %dma_start3A_147 = arith.constant 0 : i32
    %dma_start3A_148 = tpu.memref_slice %arg6[%dma_start3A_146, %dma_start3A_147] : memref<5120x128xf32, #tpu.memory_space<vmem_shared>> -> memref<5120x128xf32, #tpu.memory_space<vmem_shared>>
    tpu.enqueue_indirect_dma source(%arg21 : memref<80x128xf32, #tpu.memory_space<vmem>>) target(%dma_start3A_148 : memref<5120x128xf32, #tpu.memory_space<vmem_shared>>) offsets(%arg15 : memref<80xi32, #tpu.memory_space<vmem>>) semaphore(%arg34 : memref<!tpu.dma_semaphore, #tpu.memory_space<semaphore_mem>>) {add = true}
    %dma_wait3A_149 = arith.constant 0 : i32
    %dma_wait3A_150 = arith.constant 0 : i32
    %dma_wait3A_151 = tpu.memref_slice %arg6[%dma_wait3A_149, %dma_wait3A_150] : memref<5120x128xf32, #tpu.memory_space<vmem_shared>> -> memref<5120x128xf32, #tpu.memory_space<vmem_shared>>
    tpu.wait_indirect_dma semaphore(%arg33 : memref<!tpu.dma_semaphore, #tpu.memory_space<semaphore_mem>>) src(%arg20 : memref<80x128xf32, #tpu.memory_space<vmem>>) dst(%dma_wait3A_151 : memref<5120x128xf32, #tpu.memory_space<vmem_shared>>)
    %dma_wait3A_152 = arith.constant 0 : i32
    %dma_wait3A_153 = arith.constant 0 : i32
    %dma_wait3A_154 = tpu.memref_slice %arg2[%dma_wait3A_152, %dma_wait3A_153] : memref<10240x128xf32, #tpu.memory_space<hbm>> -> memref<10240x128xf32, #tpu.memory_space<hbm>>
    tpu.wait_indirect_dma semaphore(%arg29 : memref<!tpu.dma_semaphore, #tpu.memory_space<semaphore_mem>>) src(%dma_wait3A_154 : memref<10240x128xf32, #tpu.memory_space<hbm>>) dst(%arg22 : memref<80x128xf32, #tpu.memory_space<vmem>>)
    %dma_wait3A_155 = arith.constant 0 : i32
    %dma_wait3A_156 = tpu.memref_slice %arg4[%dma_wait3A_155] : memref<320000xi32, #tpu.memory_space<hbm>> -> memref<80xi32, #tpu.memory_space<hbm>>
    %dma_wait3A_157 = arith.constant 0 : i32
    %dma_wait3A_158 = tpu.memref_slice %arg4[%dma_wait3A_157] : memref<320000xi32, #tpu.memory_space<hbm>> -> memref<80xi32, #tpu.memory_space<hbm>>
    tpu.wait_dma2 semaphore(%arg47 : memref<!tpu.dma_semaphore, #tpu.memory_space<semaphore_mem>>) src(%dma_wait3A_158 : memref<80xi32, #tpu.memory_space<hbm>>) dst(%arg16 : memref<80xi32, #tpu.memory_space<vmem>>)
    %dma_start3A_159 = arith.constant 0 : i32
    %dma_start3A_160 = arith.constant 0 : i32
    %dma_start3A_161 = tpu.memref_slice %arg6[%dma_start3A_159, %dma_start3A_160] : memref<5120x128xf32, #tpu.memory_space<vmem_shared>> -> memref<5120x128xf32, #tpu.memory_space<vmem_shared>>
    tpu.enqueue_indirect_dma source(%arg22 : memref<80x128xf32, #tpu.memory_space<vmem>>) target(%dma_start3A_161 : memref<5120x128xf32, #tpu.memory_space<vmem_shared>>) offsets(%arg16 : memref<80xi32, #tpu.memory_space<vmem>>) semaphore(%arg35 : memref<!tpu.dma_semaphore, #tpu.memory_space<semaphore_mem>>) {add = true}
    %dma_wait3A_162 = arith.constant 0 : i32
    %dma_wait3A_163 = arith.constant 0 : i32
    %dma_wait3A_164 = tpu.memref_slice %arg6[%dma_wait3A_162, %dma_wait3A_163] : memref<5120x128xf32, #tpu.memory_space<vmem_shared>> -> memref<5120x128xf32, #tpu.memory_space<vmem_shared>>
    tpu.wait_indirect_dma semaphore(%arg34 : memref<!tpu.dma_semaphore, #tpu.memory_space<semaphore_mem>>) src(%arg21 : memref<80x128xf32, #tpu.memory_space<vmem>>) dst(%dma_wait3A_164 : memref<5120x128xf32, #tpu.memory_space<vmem_shared>>)
    %dma_wait3A_165 = arith.constant 0 : i32
    %dma_wait3A_166 = arith.constant 0 : i32
    %dma_wait3A_167 = tpu.memref_slice %arg2[%dma_wait3A_165, %dma_wait3A_166] : memref<10240x128xf32, #tpu.memory_space<hbm>> -> memref<10240x128xf32, #tpu.memory_space<hbm>>
    tpu.wait_indirect_dma semaphore(%arg30 : memref<!tpu.dma_semaphore, #tpu.memory_space<semaphore_mem>>) src(%dma_wait3A_167 : memref<10240x128xf32, #tpu.memory_space<hbm>>) dst(%arg23 : memref<80x128xf32, #tpu.memory_space<vmem>>)
    %dma_wait3A_168 = arith.constant 0 : i32
    %dma_wait3A_169 = tpu.memref_slice %arg4[%dma_wait3A_168] : memref<320000xi32, #tpu.memory_space<hbm>> -> memref<80xi32, #tpu.memory_space<hbm>>
    %dma_wait3A_170 = arith.constant 0 : i32
    %dma_wait3A_171 = tpu.memref_slice %arg4[%dma_wait3A_170] : memref<320000xi32, #tpu.memory_space<hbm>> -> memref<80xi32, #tpu.memory_space<hbm>>
    tpu.wait_dma2 semaphore(%arg48 : memref<!tpu.dma_semaphore, #tpu.memory_space<semaphore_mem>>) src(%dma_wait3A_171 : memref<80xi32, #tpu.memory_space<hbm>>) dst(%arg17 : memref<80xi32, #tpu.memory_space<vmem>>)
    %dma_start3A_172 = arith.constant 0 : i32
    %dma_start3A_173 = arith.constant 0 : i32
    %dma_start3A_174 = tpu.memref_slice %arg6[%dma_start3A_172, %dma_start3A_173] : memref<5120x128xf32, #tpu.memory_space<vmem_shared>> -> memref<5120x128xf32, #tpu.memory_space<vmem_shared>>
    tpu.enqueue_indirect_dma source(%arg23 : memref<80x128xf32, #tpu.memory_space<vmem>>) target(%dma_start3A_174 : memref<5120x128xf32, #tpu.memory_space<vmem_shared>>) offsets(%arg17 : memref<80xi32, #tpu.memory_space<vmem>>) semaphore(%arg36 : memref<!tpu.dma_semaphore, #tpu.memory_space<semaphore_mem>>) {add = true}
    %dma_wait3A_175 = arith.constant 0 : i32
    %dma_wait3A_176 = arith.constant 0 : i32
    %dma_wait3A_177 = tpu.memref_slice %arg6[%dma_wait3A_175, %dma_wait3A_176] : memref<5120x128xf32, #tpu.memory_space<vmem_shared>> -> memref<5120x128xf32, #tpu.memory_space<vmem_shared>>
    tpu.wait_indirect_dma semaphore(%arg35 : memref<!tpu.dma_semaphore, #tpu.memory_space<semaphore_mem>>) src(%arg22 : memref<80x128xf32, #tpu.memory_space<vmem>>) dst(%dma_wait3A_177 : memref<5120x128xf32, #tpu.memory_space<vmem_shared>>)
    %dma_wait3A_178 = arith.constant 0 : i32
    %dma_wait3A_179 = arith.constant 0 : i32
    %dma_wait3A_180 = tpu.memref_slice %arg6[%dma_wait3A_178, %dma_wait3A_179] : memref<5120x128xf32, #tpu.memory_space<vmem_shared>> -> memref<5120x128xf32, #tpu.memory_space<vmem_shared>>
    tpu.wait_indirect_dma semaphore(%arg36 : memref<!tpu.dma_semaphore, #tpu.memory_space<semaphore_mem>>) src(%arg23 : memref<80x128xf32, #tpu.memory_space<vmem>>) dst(%dma_wait3A_180 : memref<5120x128xf32, #tpu.memory_space<vmem_shared>>)
    %barrier3A_181 = arith.constant 0 : index
    tpu.barrier barrier_id(%barrier3A_181)
    %mul3A_182 = arith.constant 320 : i32
    %mul3A_183 = arith.muli %arg1, %mul3A_182 : i32
    %mul3A_184 = arith.constant 320 : i32
    %mul3A_185 = arith.muli %arg1, %mul3A_184 : i32
    "tpu.region"() ({
      %run_scoped3A = tpu.sem_alloc : memref<!tpu.dma_semaphore, #tpu.memory_space<semaphore_mem>>
      %dma_start3A_186 = arith.constant 0 : i32
      %dma_start3A_187 = tpu.memref_slice %arg5[%arg0, %mul3A_185, %dma_start3A_186] : memref<2x5120x128xf32, #tpu.memory_space<hbm>> -> memref<1x320x128xf32, #tpu.memory_space<hbm>>
      %dma_start3A_188 = tpu.memref_squeeze %dma_start3A_187 : memref<1x320x128xf32, #tpu.memory_space<hbm>> -> memref<320x128xf32, #tpu.memory_space<hbm>>
      %dma_start3A_189 = arith.constant 0 : i32
      %dma_start3A_190 = tpu.memref_slice %arg6[%mul3A_183, %dma_start3A_189] : memref<5120x128xf32, #tpu.memory_space<vmem_shared>> -> memref<320x128xf32, #tpu.memory_space<vmem_shared>>
      tpu.enqueue_dma source(%dma_start3A_190 : memref<320x128xf32, #tpu.memory_space<vmem_shared>>) target(%dma_start3A_188 : memref<320x128xf32, #tpu.memory_space<hbm>>) target_semaphore(%run_scoped3A : memref<!tpu.dma_semaphore, #tpu.memory_space<semaphore_mem>>)
      %dma_wait3A_191 = arith.constant 0 : i32
      %dma_wait3A_192 = tpu.memref_slice %arg5[%arg0, %mul3A_185, %dma_wait3A_191] : memref<2x5120x128xf32, #tpu.memory_space<hbm>> -> memref<1x320x128xf32, #tpu.memory_space<hbm>>
      %dma_wait3A_193 = tpu.memref_squeeze %dma_wait3A_192 : memref<1x320x128xf32, #tpu.memory_space<hbm>> -> memref<320x128xf32, #tpu.memory_space<hbm>>
      %dma_wait3A_194 = arith.constant 0 : i32
      %dma_wait3A_195 = tpu.memref_slice %arg6[%mul3A_183, %dma_wait3A_194] : memref<5120x128xf32, #tpu.memory_space<vmem_shared>> -> memref<320x128xf32, #tpu.memory_space<vmem_shared>>
      tpu.wait_dma2 semaphore(%run_scoped3A : memref<!tpu.dma_semaphore, #tpu.memory_space<semaphore_mem>>) src(%dma_wait3A_195 : memref<320x128xf32, #tpu.memory_space<vmem_shared>>) dst(%dma_wait3A_193 : memref<320x128xf32, #tpu.memory_space<hbm>>)
      tpu.yield
    }) : () -> ()
    return
  }
}

#map = affine_map<(d0, d1) -> (0, 0)>
#map1 = affine_map<(d0, d1) -> (0)>
#map2 = affine_map<(d0, d1) -> (0, 0, 0)>
module attributes {stable_mosaic.version = 14 : i64} {
  func.func @_sc_stage_body(%arg0: i32, %arg1: i32, %arg2: memref<5120x128xf32, #tpu.memory_space<hbm>>, %arg3: memref<320000xi32, #tpu.memory_space<hbm>>, %arg4: memref<320000xi32, #tpu.memory_space<hbm>>, %arg5: memref<2x10240x128xf32, #tpu.memory_space<hbm>>, %arg6: memref<10240x128xf32, #tpu.memory_space<vmem_shared>>, %arg7: memref<80xi32, #tpu.memory_space<vmem>>, %arg8: memref<80xi32, #tpu.memory_space<vmem>>, %arg9: memref<80xi32, #tpu.memory_space<vmem>>, %arg10: memref<80xi32, #tpu.memory_space<vmem>>, %arg11: memref<80xi32, #tpu.memory_space<vmem>>, %arg12: memref<80xi32, #tpu.memory_space<vmem>>, %arg13: memref<80xi32, #tpu.memory_space<vmem>>, %arg14: memref<80xi32, #tpu.memory_space<vmem>>, %arg15: memref<80x128xf32, #tpu.memory_space<vmem>>, %arg16: memref<80x128xf32, #tpu.memory_space<vmem>>, %arg17: memref<80x128xf32, #tpu.memory_space<vmem>>, %arg18: memref<80x128xf32, #tpu.memory_space<vmem>>, %arg19: memref<8x128xf32, #tpu.memory_space<vmem>>, %arg20: memref<!tpu.dma_semaphore, #tpu.memory_space<semaphore_mem>>, %arg21: memref<!tpu.dma_semaphore, #tpu.memory_space<semaphore_mem>>, %arg22: memref<!tpu.dma_semaphore, #tpu.memory_space<semaphore_mem>>, %arg23: memref<!tpu.dma_semaphore, #tpu.memory_space<semaphore_mem>>, %arg24: memref<!tpu.dma_semaphore, #tpu.memory_space<semaphore_mem>>, %arg25: memref<!tpu.dma_semaphore, #tpu.memory_space<semaphore_mem>>, %arg26: memref<!tpu.dma_semaphore, #tpu.memory_space<semaphore_mem>>, %arg27: memref<!tpu.dma_semaphore, #tpu.memory_space<semaphore_mem>>, %arg28: memref<!tpu.dma_semaphore, #tpu.memory_space<semaphore_mem>>, %arg29: memref<!tpu.dma_semaphore, #tpu.memory_space<semaphore_mem>>, %arg30: memref<!tpu.dma_semaphore, #tpu.memory_space<semaphore_mem>>, %arg31: memref<!tpu.dma_semaphore, #tpu.memory_space<semaphore_mem>>, %arg32: memref<!tpu.dma_semaphore, #tpu.memory_space<semaphore_mem>>, %arg33: memref<!tpu.dma_semaphore, #tpu.memory_space<semaphore_mem>>, %arg34: memref<!tpu.dma_semaphore, #tpu.memory_space<semaphore_mem>>, %arg35: memref<!tpu.dma_semaphore, #tpu.memory_space<semaphore_mem>>) attributes {dimension_semantics = [#tpu.dimension_semantics<core_parallel>, #tpu.dimension_semantics<subcore_parallel>], iteration_bounds = array<i64: 2, 16>, scalar_prefetch = 0 : i64, scratch_operands = 30 : i64, tpu.core_type = #tpu.core_type<sc_vector_subcore>, window_params = [{transform_indices = #map}, {transform_indices = #map1}, {transform_indices = #map1}, {transform_indices = #map2}]} {
    %mul3A = arith.constant 16 : i32
    %mul3A_0 = arith.muli %arg0, %mul3A : i32
    %add3A = arith.addi %mul3A_0, %arg1 : i32
    %mul3A_1 = arith.constant 10000 : i32
    %mul3A_2 = arith.muli %add3A, %mul3A_1 : i32
    %add3A_3 = arith.constant 0 : i32
    %add3A_4 = arith.addi %mul3A_2, %add3A_3 : i32
    %dma_start3A = tpu.memref_slice %arg3[%add3A_4] : memref<320000xi32, #tpu.memory_space<hbm>> -> memref<80xi32, #tpu.memory_space<hbm>>
    %dma_start3A_5 = tpu.memref_slice %arg3[%add3A_4] : memref<320000xi32, #tpu.memory_space<hbm>> -> memref<80xi32, #tpu.memory_space<hbm>>
    tpu.enqueue_dma source(%dma_start3A_5 : memref<80xi32, #tpu.memory_space<hbm>>) target(%arg7 : memref<80xi32, #tpu.memory_space<vmem>>) target_semaphore(%arg28 : memref<!tpu.dma_semaphore, #tpu.memory_space<semaphore_mem>>)
    %add3A_6 = arith.constant 0 : i32
    %add3A_7 = arith.addi %mul3A_2, %add3A_6 : i32
    %dma_start3A_8 = tpu.memref_slice %arg4[%add3A_7] : memref<320000xi32, #tpu.memory_space<hbm>> -> memref<80xi32, #tpu.memory_space<hbm>>
    %dma_start3A_9 = tpu.memref_slice %arg4[%add3A_7] : memref<320000xi32, #tpu.memory_space<hbm>> -> memref<80xi32, #tpu.memory_space<hbm>>
    tpu.enqueue_dma source(%dma_start3A_9 : memref<80xi32, #tpu.memory_space<hbm>>) target(%arg11 : memref<80xi32, #tpu.memory_space<vmem>>) target_semaphore(%arg32 : memref<!tpu.dma_semaphore, #tpu.memory_space<semaphore_mem>>)
    %add3A_10 = arith.constant 80 : i32
    %add3A_11 = arith.addi %mul3A_2, %add3A_10 : i32
    %dma_start3A_12 = tpu.memref_slice %arg3[%add3A_11] : memref<320000xi32, #tpu.memory_space<hbm>> -> memref<80xi32, #tpu.memory_space<hbm>>
    %dma_start3A_13 = tpu.memref_slice %arg3[%add3A_11] : memref<320000xi32, #tpu.memory_space<hbm>> -> memref<80xi32, #tpu.memory_space<hbm>>
    tpu.enqueue_dma source(%dma_start3A_13 : memref<80xi32, #tpu.memory_space<hbm>>) target(%arg8 : memref<80xi32, #tpu.memory_space<vmem>>) target_semaphore(%arg29 : memref<!tpu.dma_semaphore, #tpu.memory_space<semaphore_mem>>)
    %add3A_14 = arith.constant 80 : i32
    %add3A_15 = arith.addi %mul3A_2, %add3A_14 : i32
    %dma_start3A_16 = tpu.memref_slice %arg4[%add3A_15] : memref<320000xi32, #tpu.memory_space<hbm>> -> memref<80xi32, #tpu.memory_space<hbm>>
    %dma_start3A_17 = tpu.memref_slice %arg4[%add3A_15] : memref<320000xi32, #tpu.memory_space<hbm>> -> memref<80xi32, #tpu.memory_space<hbm>>
    tpu.enqueue_dma source(%dma_start3A_17 : memref<80xi32, #tpu.memory_space<hbm>>) target(%arg12 : memref<80xi32, #tpu.memory_space<vmem>>) target_semaphore(%arg33 : memref<!tpu.dma_semaphore, #tpu.memory_space<semaphore_mem>>)
    %add3A_18 = arith.constant 160 : i32
    %add3A_19 = arith.addi %mul3A_2, %add3A_18 : i32
    %dma_start3A_20 = tpu.memref_slice %arg3[%add3A_19] : memref<320000xi32, #tpu.memory_space<hbm>> -> memref<80xi32, #tpu.memory_space<hbm>>
    %dma_start3A_21 = tpu.memref_slice %arg3[%add3A_19] : memref<320000xi32, #tpu.memory_space<hbm>> -> memref<80xi32, #tpu.memory_space<hbm>>
    tpu.enqueue_dma source(%dma_start3A_21 : memref<80xi32, #tpu.memory_space<hbm>>) target(%arg9 : memref<80xi32, #tpu.memory_space<vmem>>) target_semaphore(%arg30 : memref<!tpu.dma_semaphore, #tpu.memory_space<semaphore_mem>>)
    %add3A_22 = arith.constant 160 : i32
    %add3A_23 = arith.addi %mul3A_2, %add3A_22 : i32
    %dma_start3A_24 = tpu.memref_slice %arg4[%add3A_23] : memref<320000xi32, #tpu.memory_space<hbm>> -> memref<80xi32, #tpu.memory_space<hbm>>
    %dma_start3A_25 = tpu.memref_slice %arg4[%add3A_23] : memref<320000xi32, #tpu.memory_space<hbm>> -> memref<80xi32, #tpu.memory_space<hbm>>
    tpu.enqueue_dma source(%dma_start3A_25 : memref<80xi32, #tpu.memory_space<hbm>>) target(%arg13 : memref<80xi32, #tpu.memory_space<vmem>>) target_semaphore(%arg34 : memref<!tpu.dma_semaphore, #tpu.memory_space<semaphore_mem>>)
    %add3A_26 = arith.constant 240 : i32
    %add3A_27 = arith.addi %mul3A_2, %add3A_26 : i32
    %dma_start3A_28 = tpu.memref_slice %arg3[%add3A_27] : memref<320000xi32, #tpu.memory_space<hbm>> -> memref<80xi32, #tpu.memory_space<hbm>>
    %dma_start3A_29 = tpu.memref_slice %arg3[%add3A_27] : memref<320000xi32, #tpu.memory_space<hbm>> -> memref<80xi32, #tpu.memory_space<hbm>>
    tpu.enqueue_dma source(%dma_start3A_29 : memref<80xi32, #tpu.memory_space<hbm>>) target(%arg10 : memref<80xi32, #tpu.memory_space<vmem>>) target_semaphore(%arg31 : memref<!tpu.dma_semaphore, #tpu.memory_space<semaphore_mem>>)
    %add3A_30 = arith.constant 240 : i32
    %add3A_31 = arith.addi %mul3A_2, %add3A_30 : i32
    %dma_start3A_32 = tpu.memref_slice %arg4[%add3A_31] : memref<320000xi32, #tpu.memory_space<hbm>> -> memref<80xi32, #tpu.memory_space<hbm>>
    %dma_start3A_33 = tpu.memref_slice %arg4[%add3A_31] : memref<320000xi32, #tpu.memory_space<hbm>> -> memref<80xi32, #tpu.memory_space<hbm>>
    tpu.enqueue_dma source(%dma_start3A_33 : memref<80xi32, #tpu.memory_space<hbm>>) target(%arg14 : memref<80xi32, #tpu.memory_space<vmem>>) target_semaphore(%arg35 : memref<!tpu.dma_semaphore, #tpu.memory_space<semaphore_mem>>)
    %scan3A = arith.constant 0 : i32
    %scan3A_34 = arith.constant 0 : i32
    %scan3A_35 = arith.constant 8 : i32
    %scan3A_36 = arith.addi %scan3A_34, %scan3A_35 : i32
    %scan3A_37 = arith.constant 1 : i32
    %scan3A_38 = scf.for %scan3A_104 = %scan3A_34 to %scan3A_36 step %scan3A_37 iter_args(%scan3A_105 = %scan3A) -> (i32)  : i32 {
      %broadcast_in_dim3A = arith.constant 0.000000e+00 : f32
      %broadcast_in_dim3A_106 = vector.broadcast %broadcast_in_dim3A : f32 to vector<16xf32>
      %swap3A = arith.index_cast %scan3A_104 : i32 to index
      %swap3A_107 = arith.constant 0 : index
      %swap3A_108 = tpu.vector_load %arg19[%swap3A, %swap3A_107] {strides = array<i32>} : memref<8x128xf32, #tpu.memory_space<vmem>>, vector<1x16xf32>,
      %swap3A_109 = vector.shape_cast %swap3A_108 : vector<1x16xf32> to vector<16xf32>
      %swap3A_110 = vector.shape_cast %broadcast_in_dim3A_106 : vector<16xf32> to vector<1x16xf32>
      tpu.vector_store %arg19[%swap3A, %swap3A_107], %swap3A_110 {strides = array<i32>} : memref<8x128xf32, #tpu.memory_space<vmem>>, vector<1x16xf32>,
      %broadcast_in_dim3A_111 = arith.constant 0.000000e+00 : f32
      %broadcast_in_dim3A_112 = vector.broadcast %broadcast_in_dim3A_111 : f32 to vector<16xf32>
      %swap3A_113 = arith.index_cast %scan3A_104 : i32 to index
      %swap3A_114 = arith.constant 16 : index
      %swap3A_115 = tpu.vector_load %arg19[%swap3A_113, %swap3A_114] {strides = array<i32>} : memref<8x128xf32, #tpu.memory_space<vmem>>, vector<1x16xf32>,
      %swap3A_116 = vector.shape_cast %swap3A_115 : vector<1x16xf32> to vector<16xf32>
      %swap3A_117 = vector.shape_cast %broadcast_in_dim3A_112 : vector<16xf32> to vector<1x16xf32>
      tpu.vector_store %arg19[%swap3A_113, %swap3A_114], %swap3A_117 {strides = array<i32>} : memref<8x128xf32, #tpu.memory_space<vmem>>, vector<1x16xf32>,
      %broadcast_in_dim3A_118 = arith.constant 0.000000e+00 : f32
      %broadcast_in_dim3A_119 = vector.broadcast %broadcast_in_dim3A_118 : f32 to vector<16xf32>
      %swap3A_120 = arith.index_cast %scan3A_104 : i32 to index
      %swap3A_121 = arith.constant 32 : index
      %swap3A_122 = tpu.vector_load %arg19[%swap3A_120, %swap3A_121] {strides = array<i32>} : memref<8x128xf32, #tpu.memory_space<vmem>>, vector<1x16xf32>,
      %swap3A_123 = vector.shape_cast %swap3A_122 : vector<1x16xf32> to vector<16xf32>
      %swap3A_124 = vector.shape_cast %broadcast_in_dim3A_119 : vector<16xf32> to vector<1x16xf32>
      tpu.vector_store %arg19[%swap3A_120, %swap3A_121], %swap3A_124 {strides = array<i32>} : memref<8x128xf32, #tpu.memory_space<vmem>>, vector<1x16xf32>,
      %broadcast_in_dim3A_125 = arith.constant 0.000000e+00 : f32
      %broadcast_in_dim3A_126 = vector.broadcast %broadcast_in_dim3A_125 : f32 to vector<16xf32>
      %swap3A_127 = arith.index_cast %scan3A_104 : i32 to index
      %swap3A_128 = arith.constant 48 : index
      %swap3A_129 = tpu.vector_load %arg19[%swap3A_127, %swap3A_128] {strides = array<i32>} : memref<8x128xf32, #tpu.memory_space<vmem>>, vector<1x16xf32>,
      %swap3A_130 = vector.shape_cast %swap3A_129 : vector<1x16xf32> to vector<16xf32>
      %swap3A_131 = vector.shape_cast %broadcast_in_dim3A_126 : vector<16xf32> to vector<1x16xf32>
      tpu.vector_store %arg19[%swap3A_127, %swap3A_128], %swap3A_131 {strides = array<i32>} : memref<8x128xf32, #tpu.memory_space<vmem>>, vector<1x16xf32>,
      %broadcast_in_dim3A_132 = arith.constant 0.000000e+00 : f32
      %broadcast_in_dim3A_133 = vector.broadcast %broadcast_in_dim3A_132 : f32 to vector<16xf32>
      %swap3A_134 = arith.index_cast %scan3A_104 : i32 to index
      %swap3A_135 = arith.constant 64 : index
      %swap3A_136 = tpu.vector_load %arg19[%swap3A_134, %swap3A_135] {strides = array<i32>} : memref<8x128xf32, #tpu.memory_space<vmem>>, vector<1x16xf32>,
      %swap3A_137 = vector.shape_cast %swap3A_136 : vector<1x16xf32> to vector<16xf32>
      %swap3A_138 = vector.shape_cast %broadcast_in_dim3A_133 : vector<16xf32> to vector<1x16xf32>
      tpu.vector_store %arg19[%swap3A_134, %swap3A_135], %swap3A_138 {strides = array<i32>} : memref<8x128xf32, #tpu.memory_space<vmem>>, vector<1x16xf32>,
      %broadcast_in_dim3A_139 = arith.constant 0.000000e+00 : f32
      %broadcast_in_dim3A_140 = vector.broadcast %broadcast_in_dim3A_139 : f32 to vector<16xf32>
      %swap3A_141 = arith.index_cast %scan3A_104 : i32 to index
      %swap3A_142 = arith.constant 80 : index
      %swap3A_143 = tpu.vector_load %arg19[%swap3A_141, %swap3A_142] {strides = array<i32>} : memref<8x128xf32, #tpu.memory_space<vmem>>, vector<1x16xf32>,
      %swap3A_144 = vector.shape_cast %swap3A_143 : vector<1x16xf32> to vector<16xf32>
      %swap3A_145 = vector.shape_cast %broadcast_in_dim3A_140 : vector<16xf32> to vector<1x16xf32>
      tpu.vector_store %arg19[%swap3A_141, %swap3A_142], %swap3A_145 {strides = array<i32>} : memref<8x128xf32, #tpu.memory_space<vmem>>, vector<1x16xf32>,
      %broadcast_in_dim3A_146 = arith.constant 0.000000e+00 : f32
      %broadcast_in_dim3A_147 = vector.broadcast %broadcast_in_dim3A_146 : f32 to vector<16xf32>
      %swap3A_148 = arith.index_cast %scan3A_104 : i32 to index
      %swap3A_149 = arith.constant 96 : index
      %swap3A_150 = tpu.vector_load %arg19[%swap3A_148, %swap3A_149] {strides = array<i32>} : memref<8x128xf32, #tpu.memory_space<vmem>>, vector<1x16xf32>,
      %swap3A_151 = vector.shape_cast %swap3A_150 : vector<1x16xf32> to vector<16xf32>
      %swap3A_152 = vector.shape_cast %broadcast_in_dim3A_147 : vector<16xf32> to vector<1x16xf32>
      tpu.vector_store %arg19[%swap3A_148, %swap3A_149], %swap3A_152 {strides = array<i32>} : memref<8x128xf32, #tpu.memory_space<vmem>>, vector<1x16xf32>,
      %broadcast_in_dim3A_153 = arith.constant 0.000000e+00 : f32
      %broadcast_in_dim3A_154 = vector.broadcast %broadcast_in_dim3A_153 : f32 to vector<16xf32>
      %swap3A_155 = arith.index_cast %scan3A_104 : i32 to index
      %swap3A_156 = arith.constant 112 : index
      %swap3A_157 = tpu.vector_load %arg19[%swap3A_155, %swap3A_156] {strides = array<i32>} : memref<8x128xf32, #tpu.memory_space<vmem>>, vector<1x16xf32>,
      %swap3A_158 = vector.shape_cast %swap3A_157 : vector<1x16xf32> to vector<16xf32>
      %swap3A_159 = vector.shape_cast %broadcast_in_dim3A_154 : vector<16xf32> to vector<1x16xf32>
      tpu.vector_store %arg19[%swap3A_155, %swap3A_156], %swap3A_159 {strides = array<i32>} : memref<8x128xf32, #tpu.memory_space<vmem>>, vector<1x16xf32>,
      %scan3A_160 = arith.constant 0 : i32
      scf.yield %scan3A_160 : i32
    }
    %scan3A_39 = arith.constant 8 : i32
    %mul3A_40 = arith.constant 640 : i32
    %mul3A_41 = arith.muli %arg1, %mul3A_40 : i32
    %scan3A_42 = arith.constant 0 : i32
    %scan3A_43 = arith.constant 0 : i32
    %scan3A_44 = arith.constant 80 : i32
    %scan3A_45 = arith.addi %scan3A_43, %scan3A_44 : i32
    %scan3A_46 = arith.constant 1 : i32
    %scan3A_47 = scf.for %scan3A_104 = %scan3A_43 to %scan3A_45 step %scan3A_46 iter_args(%scan3A_105 = %scan3A_42) -> (i32)  : i32 {
      %mul3A_106 = arith.constant 8 : i32
      %mul3A_107 = arith.muli %scan3A_104, %mul3A_106 : i32
      %add3A_108 = arith.addi %mul3A_41, %mul3A_107 : i32
      %dma_start3A_109 = arith.constant 0 : i32
      %dma_start3A_110 = tpu.memref_slice %arg6[%add3A_108, %dma_start3A_109] : memref<10240x128xf32, #tpu.memory_space<vmem_shared>> -> memref<8x128xf32, #tpu.memory_space<vmem_shared>>
      %dma_start3A_111 = arith.constant 0 : i32
      %dma_start3A_112 = tpu.memref_slice %arg6[%add3A_108, %dma_start3A_111] : memref<10240x128xf32, #tpu.memory_space<vmem_shared>> -> memref<8x128xf32, #tpu.memory_space<vmem_shared>>
      tpu.enqueue_dma source(%arg19 : memref<8x128xf32, #tpu.memory_space<vmem>>) target(%dma_start3A_112 : memref<8x128xf32, #tpu.memory_space<vmem_shared>>) target_semaphore(%arg24 : memref<!tpu.dma_semaphore, #tpu.memory_space<semaphore_mem>>)
      %scan3A_113 = arith.constant 0 : i32
      scf.yield %scan3A_113 : i32
    }
    %scan3A_48 = arith.constant 80 : i32
    %scan3A_49 = arith.constant 0 : i32
    %scan3A_50 = arith.constant 0 : i32
    %scan3A_51 = arith.constant 80 : i32
    %scan3A_52 = arith.addi %scan3A_50, %scan3A_51 : i32
    %scan3A_53 = arith.constant 1 : i32
    %scan3A_54 = scf.for %scan3A_104 = %scan3A_50 to %scan3A_52 step %scan3A_53 iter_args(%scan3A_105 = %scan3A_49) -> (i32)  : i32 {
      %dma_wait3A_106 = arith.constant 0 : i32
      %dma_wait3A_107 = tpu.memref_slice %arg6[%mul3A_41, %dma_wait3A_106] : memref<10240x128xf32, #tpu.memory_space<vmem_shared>> -> memref<8x128xf32, #tpu.memory_space<vmem_shared>>
      %dma_wait3A_108 = arith.constant 0 : i32
      %dma_wait3A_109 = tpu.memref_slice %arg6[%mul3A_41, %dma_wait3A_108] : memref<10240x128xf32, #tpu.memory_space<vmem_shared>> -> memref<8x128xf32, #tpu.memory_space<vmem_shared>>
      tpu.wait_dma2 semaphore(%arg24 : memref<!tpu.dma_semaphore, #tpu.memory_space<semaphore_mem>>) src(%arg19 : memref<8x128xf32, #tpu.memory_space<vmem>>) dst(%dma_wait3A_109 : memref<8x128xf32, #tpu.memory_space<vmem_shared>>)
      %scan3A_110 = arith.constant 0 : i32
      scf.yield %scan3A_110 : i32
    }
    %scan3A_55 = arith.constant 80 : i32
    %barrier3A = arith.constant 0 : index
    tpu.barrier barrier_id(%barrier3A)
    %dma_wait3A = arith.constant 0 : i32
    %dma_wait3A_56 = tpu.memref_slice %arg3[%dma_wait3A] : memref<320000xi32, #tpu.memory_space<hbm>> -> memref<80xi32, #tpu.memory_space<hbm>>
    %dma_wait3A_57 = arith.constant 0 : i32
    %dma_wait3A_58 = tpu.memref_slice %arg3[%dma_wait3A_57] : memref<320000xi32, #tpu.memory_space<hbm>> -> memref<80xi32, #tpu.memory_space<hbm>>
    tpu.wait_dma2 semaphore(%arg28 : memref<!tpu.dma_semaphore, #tpu.memory_space<semaphore_mem>>) src(%dma_wait3A_58 : memref<80xi32, #tpu.memory_space<hbm>>) dst(%arg7 : memref<80xi32, #tpu.memory_space<vmem>>)
    %dma_start3A_59 = arith.constant 0 : i32
    %dma_start3A_60 = arith.constant 0 : i32
    %dma_start3A_61 = tpu.memref_slice %arg2[%dma_start3A_59, %dma_start3A_60] : memref<5120x128xf32, #tpu.memory_space<hbm>> -> memref<5120x128xf32, #tpu.memory_space<hbm>>
    tpu.enqueue_indirect_dma source(%dma_start3A_61 : memref<5120x128xf32, #tpu.memory_space<hbm>>) target(%arg15 : memref<80x128xf32, #tpu.memory_space<vmem>>) offsets(%arg7 : memref<80xi32, #tpu.memory_space<vmem>>) semaphore(%arg20 : memref<!tpu.dma_semaphore, #tpu.memory_space<semaphore_mem>>)
    %dma_wait3A_62 = arith.constant 0 : i32
    %dma_wait3A_63 = tpu.memref_slice %arg3[%dma_wait3A_62] : memref<320000xi32, #tpu.memory_space<hbm>> -> memref<80xi32, #tpu.memory_space<hbm>>
    %dma_wait3A_64 = arith.constant 0 : i32
    %dma_wait3A_65 = tpu.memref_slice %arg3[%dma_wait3A_64] : memref<320000xi32, #tpu.memory_space<hbm>> -> memref<80xi32, #tpu.memory_space<hbm>>
    tpu.wait_dma2 semaphore(%arg29 : memref<!tpu.dma_semaphore, #tpu.memory_space<semaphore_mem>>) src(%dma_wait3A_65 : memref<80xi32, #tpu.memory_space<hbm>>) dst(%arg8 : memref<80xi32, #tpu.memory_space<vmem>>)
    %dma_start3A_66 = arith.constant 0 : i32
    %dma_start3A_67 = arith.constant 0 : i32
    %dma_start3A_68 = tpu.memref_slice %arg2[%dma_start3A_66, %dma_start3A_67] : memref<5120x128xf32, #tpu.memory_space<hbm>> -> memref<5120x128xf32, #tpu.memory_space<hbm>>
    tpu.enqueue_indirect_dma source(%dma_start3A_68 : memref<5120x128xf32, #tpu.memory_space<hbm>>) target(%arg16 : memref<80x128xf32, #tpu.memory_space<vmem>>) offsets(%arg8 : memref<80xi32, #tpu.memory_space<vmem>>) semaphore(%arg21 : memref<!tpu.dma_semaphore, #tpu.memory_space<semaphore_mem>>)
    %dma_wait3A_69 = arith.constant 0 : i32
    %dma_wait3A_70 = tpu.memref_slice %arg3[%dma_wait3A_69] : memref<320000xi32, #tpu.memory_space<hbm>> -> memref<80xi32, #tpu.memory_space<hbm>>
    %dma_wait3A_71 = arith.constant 0 : i32
    %dma_wait3A_72 = tpu.memref_slice %arg3[%dma_wait3A_71] : memref<320000xi32, #tpu.memory_space<hbm>> -> memref<80xi32, #tpu.memory_space<hbm>>
    tpu.wait_dma2 semaphore(%arg30 : memref<!tpu.dma_semaphore, #tpu.memory_space<semaphore_mem>>) src(%dma_wait3A_72 : memref<80xi32, #tpu.memory_space<hbm>>) dst(%arg9 : memref<80xi32, #tpu.memory_space<vmem>>)
    %dma_start3A_73 = arith.constant 0 : i32
    %dma_start3A_74 = arith.constant 0 : i32
    %dma_start3A_75 = tpu.memref_slice %arg2[%dma_start3A_73, %dma_start3A_74] : memref<5120x128xf32, #tpu.memory_space<hbm>> -> memref<5120x128xf32, #tpu.memory_space<hbm>>
    tpu.enqueue_indirect_dma source(%dma_start3A_75 : memref<5120x128xf32, #tpu.memory_space<hbm>>) target(%arg17 : memref<80x128xf32, #tpu.memory_space<vmem>>) offsets(%arg9 : memref<80xi32, #tpu.memory_space<vmem>>) semaphore(%arg22 : memref<!tpu.dma_semaphore, #tpu.memory_space<semaphore_mem>>)
    %scan3A_76 = arith.constant 0 : i32
    %scan3A_77 = arith.constant 0 : i32
    %scan3A_78 = arith.constant 31 : i32
    %scan3A_79 = arith.addi %scan3A_77, %scan3A_78 : i32
    %scan3A_80 = arith.constant 1 : i32
    %scan3A_81 = scf.for %scan3A_104 = %scan3A_77 to %scan3A_79 step %scan3A_80 iter_args(%scan3A_105 = %scan3A_76) -> (i32)  : i32 {
      %mul3A_106 = arith.constant 4 : i32
      %mul3A_107 = arith.muli %scan3A_104, %mul3A_106 : i32
      %add3A_108 = arith.constant 0 : i32
      %add3A_109 = arith.addi %mul3A_107, %add3A_108 : i32
      %dma_wait3A_110 = arith.constant 0 : i32
      %dma_wait3A_111 = arith.constant 0 : i32
      %dma_wait3A_112 = tpu.memref_slice %arg2[%dma_wait3A_110, %dma_wait3A_111] : memref<5120x128xf32, #tpu.memory_space<hbm>> -> memref<5120x128xf32, #tpu.memory_space<hbm>>
      tpu.wait_indirect_dma semaphore(%arg20 : memref<!tpu.dma_semaphore, #tpu.memory_space<semaphore_mem>>) src(%dma_wait3A_112 : memref<5120x128xf32, #tpu.memory_space<hbm>>) dst(%arg15 : memref<80x128xf32, #tpu.memory_space<vmem>>)
      %add3A_113 = arith.constant 4 : i32
      %add3A_114 = arith.addi %add3A_109, %add3A_113 : i32
      %lt3A = arith.constant 125 : i32
      %lt3A_115 = arith.cmpi slt, %add3A_114, %lt3A : i32
      %convert_element_type3A = arith.extui %lt3A_115 : i1 to i32
      %cond3A = arith.constant 0 : i32
      %cond3A_116 = arith.cmpi ne, %convert_element_type3A, %cond3A : i32
      scf.if %cond3A_116 {
        %add3A_242 = arith.constant 4 : i32
        %add3A_243 = arith.addi %add3A_109, %add3A_242 : i32
        %mul3A_244 = arith.constant 80 : i32
        %mul3A_245 = arith.muli %add3A_243, %mul3A_244 : i32
        %add3A_246 = arith.addi %mul3A_2, %mul3A_245 : i32
        %dma_start3A_247 = tpu.memref_slice %arg3[%add3A_246] : memref<320000xi32, #tpu.memory_space<hbm>> -> memref<80xi32, #tpu.memory_space<hbm>>
        %dma_start3A_248 = tpu.memref_slice %arg3[%add3A_246] : memref<320000xi32, #tpu.memory_space<hbm>> -> memref<80xi32, #tpu.memory_space<hbm>>
        tpu.enqueue_dma source(%dma_start3A_248 : memref<80xi32, #tpu.memory_space<hbm>>) target(%arg7 : memref<80xi32, #tpu.memory_space<vmem>>) target_semaphore(%arg28 : memref<!tpu.dma_semaphore, #tpu.memory_space<semaphore_mem>>)
      } else {
      }
      %dma_wait3A_117 = arith.constant 0 : i32
      %dma_wait3A_118 = tpu.memref_slice %arg4[%dma_wait3A_117] : memref<320000xi32, #tpu.memory_space<hbm>> -> memref<80xi32, #tpu.memory_space<hbm>>
      %dma_wait3A_119 = arith.constant 0 : i32
      %dma_wait3A_120 = tpu.memref_slice %arg4[%dma_wait3A_119] : memref<320000xi32, #tpu.memory_space<hbm>> -> memref<80xi32, #tpu.memory_space<hbm>>
      tpu.wait_dma2 semaphore(%arg32 : memref<!tpu.dma_semaphore, #tpu.memory_space<semaphore_mem>>) src(%dma_wait3A_120 : memref<80xi32, #tpu.memory_space<hbm>>) dst(%arg11 : memref<80xi32, #tpu.memory_space<vmem>>)
      %dma_start3A_121 = arith.constant 0 : i32
      %dma_start3A_122 = arith.constant 0 : i32
      %dma_start3A_123 = tpu.memref_slice %arg6[%dma_start3A_121, %dma_start3A_122] : memref<10240x128xf32, #tpu.memory_space<vmem_shared>> -> memref<10240x128xf32, #tpu.memory_space<vmem_shared>>
      tpu.enqueue_indirect_dma source(%arg15 : memref<80x128xf32, #tpu.memory_space<vmem>>) target(%dma_start3A_123 : memref<10240x128xf32, #tpu.memory_space<vmem_shared>>) offsets(%arg11 : memref<80xi32, #tpu.memory_space<vmem>>) semaphore(%arg24 : memref<!tpu.dma_semaphore, #tpu.memory_space<semaphore_mem>>) {add = true}
      %ge3A = arith.constant 1 : i32
      %ge3A_124 = arith.cmpi sge, %add3A_109, %ge3A : i32
      %convert_element_type3A_125 = arith.extui %ge3A_124 : i1 to i32
      %cond3A_126 = arith.constant 0 : i32
      %cond3A_127 = arith.cmpi ne, %convert_element_type3A_125, %cond3A_126 : i32
      scf.if %cond3A_127 {
        %dma_wait3A_242 = arith.constant 0 : i32
        %dma_wait3A_243 = arith.constant 0 : i32
        %dma_wait3A_244 = tpu.memref_slice %arg6[%dma_wait3A_242, %dma_wait3A_243] : memref<10240x128xf32, #tpu.memory_space<vmem_shared>> -> memref<10240x128xf32, #tpu.memory_space<vmem_shared>>
        tpu.wait_indirect_dma semaphore(%arg27 : memref<!tpu.dma_semaphore, #tpu.memory_space<semaphore_mem>>) src(%arg18 : memref<80x128xf32, #tpu.memory_space<vmem>>) dst(%dma_wait3A_244 : memref<10240x128xf32, #tpu.memory_space<vmem_shared>>)
        %sub3A_245 = arith.constant 1 : i32
        %sub3A_246 = arith.subi %add3A_109, %sub3A_245 : i32
        %add3A_247 = arith.constant 4 : i32
        %add3A_248 = arith.addi %sub3A_246, %add3A_247 : i32
        %lt3A_249 = arith.constant 125 : i32
        %lt3A_250 = arith.cmpi slt, %add3A_248, %lt3A_249 : i32
        %convert_element_type3A_251 = arith.extui %lt3A_250 : i1 to i32
        %cond3A_252 = arith.constant 0 : i32
        %cond3A_253 = arith.cmpi ne, %convert_element_type3A_251, %cond3A_252 : i32
        scf.if %cond3A_253 {
          %sub3A_254 = arith.constant 1 : i32
          %sub3A_255 = arith.subi %add3A_109, %sub3A_254 : i32
          %add3A_256 = arith.constant 4 : i32
          %add3A_257 = arith.addi %sub3A_255, %add3A_256 : i32
          %mul3A_258 = arith.constant 80 : i32
          %mul3A_259 = arith.muli %add3A_257, %mul3A_258 : i32
          %add3A_260 = arith.addi %mul3A_2, %mul3A_259 : i32
          %dma_start3A_261 = tpu.memref_slice %arg4[%add3A_260] : memref<320000xi32, #tpu.memory_space<hbm>> -> memref<80xi32, #tpu.memory_space<hbm>>
          %dma_start3A_262 = tpu.memref_slice %arg4[%add3A_260] : memref<320000xi32, #tpu.memory_space<hbm>> -> memref<80xi32, #tpu.memory_space<hbm>>
          tpu.enqueue_dma source(%dma_start3A_262 : memref<80xi32, #tpu.memory_space<hbm>>) target(%arg14 : memref<80xi32, #tpu.memory_space<vmem>>) target_semaphore(%arg35 : memref<!tpu.dma_semaphore, #tpu.memory_space<semaphore_mem>>)
        } else {
        }
      } else {
      }
      %add3A_128 = arith.constant 4 : i32
      %add3A_129 = arith.addi %add3A_109, %add3A_128 : i32
      %sub3A = arith.constant 1 : i32
      %sub3A_130 = arith.subi %add3A_129, %sub3A : i32
      %lt3A_131 = arith.constant 125 : i32
      %lt3A_132 = arith.cmpi slt, %sub3A_130, %lt3A_131 : i32
      %convert_element_type3A_133 = arith.extui %lt3A_132 : i1 to i32
      %cond3A_134 = arith.constant 0 : i32
      %cond3A_135 = arith.cmpi ne, %convert_element_type3A_133, %cond3A_134 : i32
      scf.if %cond3A_135 {
        %dma_wait3A_242 = arith.constant 0 : i32
        %dma_wait3A_243 = tpu.memref_slice %arg3[%dma_wait3A_242] : memref<320000xi32, #tpu.memory_space<hbm>> -> memref<80xi32, #tpu.memory_space<hbm>>
        %dma_wait3A_244 = arith.constant 0 : i32
        %dma_wait3A_245 = tpu.memref_slice %arg3[%dma_wait3A_244] : memref<320000xi32, #tpu.memory_space<hbm>> -> memref<80xi32, #tpu.memory_space<hbm>>
        tpu.wait_dma2 semaphore(%arg31 : memref<!tpu.dma_semaphore, #tpu.memory_space<semaphore_mem>>) src(%dma_wait3A_245 : memref<80xi32, #tpu.memory_space<hbm>>) dst(%arg10 : memref<80xi32, #tpu.memory_space<vmem>>)
        %add3A_246 = arith.constant 4 : i32
        %add3A_247 = arith.addi %add3A_109, %add3A_246 : i32
        %sub3A_248 = arith.constant 1 : i32
        %sub3A_249 = arith.subi %add3A_247, %sub3A_248 : i32
        %dma_start3A_250 = arith.constant 0 : i32
        %dma_start3A_251 = arith.constant 0 : i32
        %dma_start3A_252 = tpu.memref_slice %arg2[%dma_start3A_250, %dma_start3A_251] : memref<5120x128xf32, #tpu.memory_space<hbm>> -> memref<5120x128xf32, #tpu.memory_space<hbm>>
        tpu.enqueue_indirect_dma source(%dma_start3A_252 : memref<5120x128xf32, #tpu.memory_space<hbm>>) target(%arg18 : memref<80x128xf32, #tpu.memory_space<vmem>>) offsets(%arg10 : memref<80xi32, #tpu.memory_space<vmem>>) semaphore(%arg23 : memref<!tpu.dma_semaphore, #tpu.memory_space<semaphore_mem>>)
      } else {
      }
      %mul3A_136 = arith.constant 4 : i32
      %mul3A_137 = arith.muli %scan3A_104, %mul3A_136 : i32
      %add3A_138 = arith.constant 1 : i32
      %add3A_139 = arith.addi %mul3A_137, %add3A_138 : i32
      %dma_wait3A_140 = arith.constant 0 : i32
      %dma_wait3A_141 = arith.constant 0 : i32
      %dma_wait3A_142 = tpu.memref_slice %arg2[%dma_wait3A_140, %dma_wait3A_141] : memref<5120x128xf32, #tpu.memory_space<hbm>> -> memref<5120x128xf32, #tpu.memory_space<hbm>>
      tpu.wait_indirect_dma semaphore(%arg21 : memref<!tpu.dma_semaphore, #tpu.memory_space<semaphore_mem>>) src(%dma_wait3A_142 : memref<5120x128xf32, #tpu.memory_space<hbm>>) dst(%arg16 : memref<80x128xf32, #tpu.memory_space<vmem>>)
      %add3A_143 = arith.constant 4 : i32
      %add3A_144 = arith.addi %add3A_139, %add3A_143 : i32
      %lt3A_145 = arith.constant 125 : i32
      %lt3A_146 = arith.cmpi slt, %add3A_144, %lt3A_145 : i32
      %convert_element_type3A_147 = arith.extui %lt3A_146 : i1 to i32
      %cond3A_148 = arith.constant 0 : i32
      %cond3A_149 = arith.cmpi ne, %convert_element_type3A_147, %cond3A_148 : i32
      scf.if %cond3A_149 {
        %add3A_242 = arith.constant 4 : i32
        %add3A_243 = arith.addi %add3A_139, %add3A_242 : i32
        %mul3A_244 = arith.constant 80 : i32
        %mul3A_245 = arith.muli %add3A_243, %mul3A_244 : i32
        %add3A_246 = arith.addi %mul3A_2, %mul3A_245 : i32
        %dma_start3A_247 = tpu.memref_slice %arg3[%add3A_246] : memref<320000xi32, #tpu.memory_space<hbm>> -> memref<80xi32, #tpu.memory_space<hbm>>
        %dma_start3A_248 = tpu.memref_slice %arg3[%add3A_246] : memref<320000xi32, #tpu.memory_space<hbm>> -> memref<80xi32, #tpu.memory_space<hbm>>
        tpu.enqueue_dma source(%dma_start3A_248 : memref<80xi32, #tpu.memory_space<hbm>>) target(%arg8 : memref<80xi32, #tpu.memory_space<vmem>>) target_semaphore(%arg29 : memref<!tpu.dma_semaphore, #tpu.memory_space<semaphore_mem>>)
      } else {
      }
      %dma_wait3A_150 = arith.constant 0 : i32
      %dma_wait3A_151 = tpu.memref_slice %arg4[%dma_wait3A_150] : memref<320000xi32, #tpu.memory_space<hbm>> -> memref<80xi32, #tpu.memory_space<hbm>>
      %dma_wait3A_152 = arith.constant 0 : i32
      %dma_wait3A_153 = tpu.memref_slice %arg4[%dma_wait3A_152] : memref<320000xi32, #tpu.memory_space<hbm>> -> memref<80xi32, #tpu.memory_space<hbm>>
      tpu.wait_dma2 semaphore(%arg33 : memref<!tpu.dma_semaphore, #tpu.memory_space<semaphore_mem>>) src(%dma_wait3A_153 : memref<80xi32, #tpu.memory_space<hbm>>) dst(%arg12 : memref<80xi32, #tpu.memory_space<vmem>>)
      %dma_start3A_154 = arith.constant 0 : i32
      %dma_start3A_155 = arith.constant 0 : i32
      %dma_start3A_156 = tpu.memref_slice %arg6[%dma_start3A_154, %dma_start3A_155] : memref<10240x128xf32, #tpu.memory_space<vmem_shared>> -> memref<10240x128xf32, #tpu.memory_space<vmem_shared>>
      tpu.enqueue_indirect_dma source(%arg16 : memref<80x128xf32, #tpu.memory_space<vmem>>) target(%dma_start3A_156 : memref<10240x128xf32, #tpu.memory_space<vmem_shared>>) offsets(%arg12 : memref<80xi32, #tpu.memory_space<vmem>>) semaphore(%arg25 : memref<!tpu.dma_semaphore, #tpu.memory_space<semaphore_mem>>) {add = true}
      %ge3A_157 = arith.constant 1 : i32
      %ge3A_158 = arith.cmpi sge, %add3A_139, %ge3A_157 : i32
      %convert_element_type3A_159 = arith.extui %ge3A_158 : i1 to i32
      %cond3A_160 = arith.constant 0 : i32
      %cond3A_161 = arith.cmpi ne, %convert_element_type3A_159, %cond3A_160 : i32
      scf.if %cond3A_161 {
        %dma_wait3A_242 = arith.constant 0 : i32
        %dma_wait3A_243 = arith.constant 0 : i32
        %dma_wait3A_244 = tpu.memref_slice %arg6[%dma_wait3A_242, %dma_wait3A_243] : memref<10240x128xf32, #tpu.memory_space<vmem_shared>> -> memref<10240x128xf32, #tpu.memory_space<vmem_shared>>
        tpu.wait_indirect_dma semaphore(%arg24 : memref<!tpu.dma_semaphore, #tpu.memory_space<semaphore_mem>>) src(%arg15 : memref<80x128xf32, #tpu.memory_space<vmem>>) dst(%dma_wait3A_244 : memref<10240x128xf32, #tpu.memory_space<vmem_shared>>)
        %sub3A_245 = arith.constant 1 : i32
        %sub3A_246 = arith.subi %add3A_139, %sub3A_245 : i32
        %add3A_247 = arith.constant 4 : i32
        %add3A_248 = arith.addi %sub3A_246, %add3A_247 : i32
        %lt3A_249 = arith.constant 125 : i32
        %lt3A_250 = arith.cmpi slt, %add3A_248, %lt3A_249 : i32
        %convert_element_type3A_251 = arith.extui %lt3A_250 : i1 to i32
        %cond3A_252 = arith.constant 0 : i32
        %cond3A_253 = arith.cmpi ne, %convert_element_type3A_251, %cond3A_252 : i32
        scf.if %cond3A_253 {
          %sub3A_254 = arith.constant 1 : i32
          %sub3A_255 = arith.subi %add3A_139, %sub3A_254 : i32
          %add3A_256 = arith.constant 4 : i32
          %add3A_257 = arith.addi %sub3A_255, %add3A_256 : i32
          %mul3A_258 = arith.constant 80 : i32
          %mul3A_259 = arith.muli %add3A_257, %mul3A_258 : i32
          %add3A_260 = arith.addi %mul3A_2, %mul3A_259 : i32
          %dma_start3A_261 = tpu.memref_slice %arg4[%add3A_260] : memref<320000xi32, #tpu.memory_space<hbm>> -> memref<80xi32, #tpu.memory_space<hbm>>
          %dma_start3A_262 = tpu.memref_slice %arg4[%add3A_260] : memref<320000xi32, #tpu.memory_space<hbm>> -> memref<80xi32, #tpu.memory_space<hbm>>
          tpu.enqueue_dma source(%dma_start3A_262 : memref<80xi32, #tpu.memory_space<hbm>>) target(%arg11 : memref<80xi32, #tpu.memory_space<vmem>>) target_semaphore(%arg32 : memref<!tpu.dma_semaphore, #tpu.memory_space<semaphore_mem>>)
        } else {
        }
      } else {
      }
      %add3A_162 = arith.constant 4 : i32
      %add3A_163 = arith.addi %add3A_139, %add3A_162 : i32
      %sub3A_164 = arith.constant 1 : i32
      %sub3A_165 = arith.subi %add3A_163, %sub3A_164 : i32
      %lt3A_166 = arith.constant 125 : i32
      %lt3A_167 = arith.cmpi slt, %sub3A_165, %lt3A_166 : i32
      %convert_element_type3A_168 = arith.extui %lt3A_167 : i1 to i32
      %cond3A_169 = arith.constant 0 : i32
      %cond3A_170 = arith.cmpi ne, %convert_element_type3A_168, %cond3A_169 : i32
      scf.if %cond3A_170 {
        %dma_wait3A_242 = arith.constant 0 : i32
        %dma_wait3A_243 = tpu.memref_slice %arg3[%dma_wait3A_242] : memref<320000xi32, #tpu.memory_space<hbm>> -> memref<80xi32, #tpu.memory_space<hbm>>
        %dma_wait3A_244 = arith.constant 0 : i32
        %dma_wait3A_245 = tpu.memref_slice %arg3[%dma_wait3A_244] : memref<320000xi32, #tpu.memory_space<hbm>> -> memref<80xi32, #tpu.memory_space<hbm>>
        tpu.wait_dma2 semaphore(%arg28 : memref<!tpu.dma_semaphore, #tpu.memory_space<semaphore_mem>>) src(%dma_wait3A_245 : memref<80xi32, #tpu.memory_space<hbm>>) dst(%arg7 : memref<80xi32, #tpu.memory_space<vmem>>)
        %add3A_246 = arith.constant 4 : i32
        %add3A_247 = arith.addi %add3A_139, %add3A_246 : i32
        %sub3A_248 = arith.constant 1 : i32
        %sub3A_249 = arith.subi %add3A_247, %sub3A_248 : i32
        %dma_start3A_250 = arith.constant 0 : i32
        %dma_start3A_251 = arith.constant 0 : i32
        %dma_start3A_252 = tpu.memref_slice %arg2[%dma_start3A_250, %dma_start3A_251] : memref<5120x128xf32, #tpu.memory_space<hbm>> -> memref<5120x128xf32, #tpu.memory_space<hbm>>
        tpu.enqueue_indirect_dma source(%dma_start3A_252 : memref<5120x128xf32, #tpu.memory_space<hbm>>) target(%arg15 : memref<80x128xf32, #tpu.memory_space<vmem>>) offsets(%arg7 : memref<80xi32, #tpu.memory_space<vmem>>) semaphore(%arg20 : memref<!tpu.dma_semaphore, #tpu.memory_space<semaphore_mem>>)
      } else {
      }
      %mul3A_171 = arith.constant 4 : i32
      %mul3A_172 = arith.muli %scan3A_104, %mul3A_171 : i32
      %add3A_173 = arith.constant 2 : i32
      %add3A_174 = arith.addi %mul3A_172, %add3A_173 : i32
      %dma_wait3A_175 = arith.constant 0 : i32
      %dma_wait3A_176 = arith.constant 0 : i32
      %dma_wait3A_177 = tpu.memref_slice %arg2[%dma_wait3A_175, %dma_wait3A_176] : memref<5120x128xf32, #tpu.memory_space<hbm>> -> memref<5120x128xf32, #tpu.memory_space<hbm>>
      tpu.wait_indirect_dma semaphore(%arg22 : memref<!tpu.dma_semaphore, #tpu.memory_space<semaphore_mem>>) src(%dma_wait3A_177 : memref<5120x128xf32, #tpu.memory_space<hbm>>) dst(%arg17 : memref<80x128xf32, #tpu.memory_space<vmem>>)
      %add3A_178 = arith.constant 4 : i32
      %add3A_179 = arith.addi %add3A_174, %add3A_178 : i32
      %lt3A_180 = arith.constant 125 : i32
      %lt3A_181 = arith.cmpi slt, %add3A_179, %lt3A_180 : i32
      %convert_element_type3A_182 = arith.extui %lt3A_181 : i1 to i32
      %cond3A_183 = arith.constant 0 : i32
      %cond3A_184 = arith.cmpi ne, %convert_element_type3A_182, %cond3A_183 : i32
      scf.if %cond3A_184 {
        %add3A_242 = arith.constant 4 : i32
        %add3A_243 = arith.addi %add3A_174, %add3A_242 : i32
        %mul3A_244 = arith.constant 80 : i32
        %mul3A_245 = arith.muli %add3A_243, %mul3A_244 : i32
        %add3A_246 = arith.addi %mul3A_2, %mul3A_245 : i32
        %dma_start3A_247 = tpu.memref_slice %arg3[%add3A_246] : memref<320000xi32, #tpu.memory_space<hbm>> -> memref<80xi32, #tpu.memory_space<hbm>>
        %dma_start3A_248 = tpu.memref_slice %arg3[%add3A_246] : memref<320000xi32, #tpu.memory_space<hbm>> -> memref<80xi32, #tpu.memory_space<hbm>>
        tpu.enqueue_dma source(%dma_start3A_248 : memref<80xi32, #tpu.memory_space<hbm>>) target(%arg9 : memref<80xi32, #tpu.memory_space<vmem>>) target_semaphore(%arg30 : memref<!tpu.dma_semaphore, #tpu.memory_space<semaphore_mem>>)
      } else {
      }
      %dma_wait3A_185 = arith.constant 0 : i32
      %dma_wait3A_186 = tpu.memref_slice %arg4[%dma_wait3A_185] : memref<320000xi32, #tpu.memory_space<hbm>> -> memref<80xi32, #tpu.memory_space<hbm>>
      %dma_wait3A_187 = arith.constant 0 : i32
      %dma_wait3A_188 = tpu.memref_slice %arg4[%dma_wait3A_187] : memref<320000xi32, #tpu.memory_space<hbm>> -> memref<80xi32, #tpu.memory_space<hbm>>
      tpu.wait_dma2 semaphore(%arg34 : memref<!tpu.dma_semaphore, #tpu.memory_space<semaphore_mem>>) src(%dma_wait3A_188 : memref<80xi32, #tpu.memory_space<hbm>>) dst(%arg13 : memref<80xi32, #tpu.memory_space<vmem>>)
      %dma_start3A_189 = arith.constant 0 : i32
      %dma_start3A_190 = arith.constant 0 : i32
      %dma_start3A_191 = tpu.memref_slice %arg6[%dma_start3A_189, %dma_start3A_190] : memref<10240x128xf32, #tpu.memory_space<vmem_shared>> -> memref<10240x128xf32, #tpu.memory_space<vmem_shared>>
      tpu.enqueue_indirect_dma source(%arg17 : memref<80x128xf32, #tpu.memory_space<vmem>>) target(%dma_start3A_191 : memref<10240x128xf32, #tpu.memory_space<vmem_shared>>) offsets(%arg13 : memref<80xi32, #tpu.memory_space<vmem>>) semaphore(%arg26 : memref<!tpu.dma_semaphore, #tpu.memory_space<semaphore_mem>>) {add = true}
      %ge3A_192 = arith.constant 1 : i32
      %ge3A_193 = arith.cmpi sge, %add3A_174, %ge3A_192 : i32
      %convert_element_type3A_194 = arith.extui %ge3A_193 : i1 to i32
      %cond3A_195 = arith.constant 0 : i32
      %cond3A_196 = arith.cmpi ne, %convert_element_type3A_194, %cond3A_195 : i32
      scf.if %cond3A_196 {
        %dma_wait3A_242 = arith.constant 0 : i32
        %dma_wait3A_243 = arith.constant 0 : i32
        %dma_wait3A_244 = tpu.memref_slice %arg6[%dma_wait3A_242, %dma_wait3A_243] : memref<10240x128xf32, #tpu.memory_space<vmem_shared>> -> memref<10240x128xf32, #tpu.memory_space<vmem_shared>>
        tpu.wait_indirect_dma semaphore(%arg25 : memref<!tpu.dma_semaphore, #tpu.memory_space<semaphore_mem>>) src(%arg16 : memref<80x128xf32, #tpu.memory_space<vmem>>) dst(%dma_wait3A_244 : memref<10240x128xf32, #tpu.memory_space<vmem_shared>>)
        %sub3A_245 = arith.constant 1 : i32
        %sub3A_246 = arith.subi %add3A_174, %sub3A_245 : i32
        %add3A_247 = arith.constant 4 : i32
        %add3A_248 = arith.addi %sub3A_246, %add3A_247 : i32
        %lt3A_249 = arith.constant 125 : i32
        %lt3A_250 = arith.cmpi slt, %add3A_248, %lt3A_249 : i32
        %convert_element_type3A_251 = arith.extui %lt3A_250 : i1 to i32
        %cond3A_252 = arith.constant 0 : i32
        %cond3A_253 = arith.cmpi ne, %convert_element_type3A_251, %cond3A_252 : i32
        scf.if %cond3A_253 {
          %sub3A_254 = arith.constant 1 : i32
          %sub3A_255 = arith.subi %add3A_174, %sub3A_254 : i32
          %add3A_256 = arith.constant 4 : i32
          %add3A_257 = arith.addi %sub3A_255, %add3A_256 : i32
          %mul3A_258 = arith.constant 80 : i32
          %mul3A_259 = arith.muli %add3A_257, %mul3A_258 : i32
          %add3A_260 = arith.addi %mul3A_2, %mul3A_259 : i32
          %dma_start3A_261 = tpu.memref_slice %arg4[%add3A_260] : memref<320000xi32, #tpu.memory_space<hbm>> -> memref<80xi32, #tpu.memory_space<hbm>>
          %dma_start3A_262 = tpu.memref_slice %arg4[%add3A_260] : memref<320000xi32, #tpu.memory_space<hbm>> -> memref<80xi32, #tpu.memory_space<hbm>>
          tpu.enqueue_dma source(%dma_start3A_262 : memref<80xi32, #tpu.memory_space<hbm>>) target(%arg12 : memref<80xi32, #tpu.memory_space<vmem>>) target_semaphore(%arg33 : memref<!tpu.dma_semaphore, #tpu.memory_space<semaphore_mem>>)
        } else {
        }
      } else {
      }
      %add3A_197 = arith.constant 4 : i32
      %add3A_198 = arith.addi %add3A_174, %add3A_197 : i32
      %sub3A_199 = arith.constant 1 : i32
      %sub3A_200 = arith.subi %add3A_198, %sub3A_199 : i32
      %lt3A_201 = arith.constant 125 : i32
      %lt3A_202 = arith.cmpi slt, %sub3A_200, %lt3A_201 : i32
      %convert_element_type3A_203 = arith.extui %lt3A_202 : i1 to i32
      %cond3A_204 = arith.constant 0 : i32
      %cond3A_205 = arith.cmpi ne, %convert_element_type3A_203, %cond3A_204 : i32
      scf.if %cond3A_205 {
        %dma_wait3A_242 = arith.constant 0 : i32
        %dma_wait3A_243 = tpu.memref_slice %arg3[%dma_wait3A_242] : memref<320000xi32, #tpu.memory_space<hbm>> -> memref<80xi32, #tpu.memory_space<hbm>>
        %dma_wait3A_244 = arith.constant 0 : i32
        %dma_wait3A_245 = tpu.memref_slice %arg3[%dma_wait3A_244] : memref<320000xi32, #tpu.memory_space<hbm>> -> memref<80xi32, #tpu.memory_space<hbm>>
        tpu.wait_dma2 semaphore(%arg29 : memref<!tpu.dma_semaphore, #tpu.memory_space<semaphore_mem>>) src(%dma_wait3A_245 : memref<80xi32, #tpu.memory_space<hbm>>) dst(%arg8 : memref<80xi32, #tpu.memory_space<vmem>>)
        %add3A_246 = arith.constant 4 : i32
        %add3A_247 = arith.addi %add3A_174, %add3A_246 : i32
        %sub3A_248 = arith.constant 1 : i32
        %sub3A_249 = arith.subi %add3A_247, %sub3A_248 : i32
        %dma_start3A_250 = arith.constant 0 : i32
        %dma_start3A_251 = arith.constant 0 : i32
        %dma_start3A_252 = tpu.memref_slice %arg2[%dma_start3A_250, %dma_start3A_251] : memref<5120x128xf32, #tpu.memory_space<hbm>> -> memref<5120x128xf32, #tpu.memory_space<hbm>>
        tpu.enqueue_indirect_dma source(%dma_start3A_252 : memref<5120x128xf32, #tpu.memory_space<hbm>>) target(%arg16 : memref<80x128xf32, #tpu.memory_space<vmem>>) offsets(%arg8 : memref<80xi32, #tpu.memory_space<vmem>>) semaphore(%arg21 : memref<!tpu.dma_semaphore, #tpu.memory_space<semaphore_mem>>)
      } else {
      }
      %mul3A_206 = arith.constant 4 : i32
      %mul3A_207 = arith.muli %scan3A_104, %mul3A_206 : i32
      %add3A_208 = arith.constant 3 : i32
      %add3A_209 = arith.addi %mul3A_207, %add3A_208 : i32
      %dma_wait3A_210 = arith.constant 0 : i32
      %dma_wait3A_211 = arith.constant 0 : i32
      %dma_wait3A_212 = tpu.memref_slice %arg2[%dma_wait3A_210, %dma_wait3A_211] : memref<5120x128xf32, #tpu.memory_space<hbm>> -> memref<5120x128xf32, #tpu.memory_space<hbm>>
      tpu.wait_indirect_dma semaphore(%arg23 : memref<!tpu.dma_semaphore, #tpu.memory_space<semaphore_mem>>) src(%dma_wait3A_212 : memref<5120x128xf32, #tpu.memory_space<hbm>>) dst(%arg18 : memref<80x128xf32, #tpu.memory_space<vmem>>)
      %add3A_213 = arith.constant 4 : i32
      %add3A_214 = arith.addi %add3A_209, %add3A_213 : i32
      %lt3A_215 = arith.constant 125 : i32
      %lt3A_216 = arith.cmpi slt, %add3A_214, %lt3A_215 : i32
      %convert_element_type3A_217 = arith.extui %lt3A_216 : i1 to i32
      %cond3A_218 = arith.constant 0 : i32
      %cond3A_219 = arith.cmpi ne, %convert_element_type3A_217, %cond3A_218 : i32
      scf.if %cond3A_219 {
        %add3A_242 = arith.constant 4 : i32
        %add3A_243 = arith.addi %add3A_209, %add3A_242 : i32
        %mul3A_244 = arith.constant 80 : i32
        %mul3A_245 = arith.muli %add3A_243, %mul3A_244 : i32
        %add3A_246 = arith.addi %mul3A_2, %mul3A_245 : i32
        %dma_start3A_247 = tpu.memref_slice %arg3[%add3A_246] : memref<320000xi32, #tpu.memory_space<hbm>> -> memref<80xi32, #tpu.memory_space<hbm>>
        %dma_start3A_248 = tpu.memref_slice %arg3[%add3A_246] : memref<320000xi32, #tpu.memory_space<hbm>> -> memref<80xi32, #tpu.memory_space<hbm>>
        tpu.enqueue_dma source(%dma_start3A_248 : memref<80xi32, #tpu.memory_space<hbm>>) target(%arg10 : memref<80xi32, #tpu.memory_space<vmem>>) target_semaphore(%arg31 : memref<!tpu.dma_semaphore, #tpu.memory_space<semaphore_mem>>)
      } else {
      }
      %dma_wait3A_220 = arith.constant 0 : i32
      %dma_wait3A_221 = tpu.memref_slice %arg4[%dma_wait3A_220] : memref<320000xi32, #tpu.memory_space<hbm>> -> memref<80xi32, #tpu.memory_space<hbm>>
      %dma_wait3A_222 = arith.constant 0 : i32
      %dma_wait3A_223 = tpu.memref_slice %arg4[%dma_wait3A_222] : memref<320000xi32, #tpu.memory_space<hbm>> -> memref<80xi32, #tpu.memory_space<hbm>>
      tpu.wait_dma2 semaphore(%arg35 : memref<!tpu.dma_semaphore, #tpu.memory_space<semaphore_mem>>) src(%dma_wait3A_223 : memref<80xi32, #tpu.memory_space<hbm>>) dst(%arg14 : memref<80xi32, #tpu.memory_space<vmem>>)
      %dma_start3A_224 = arith.constant 0 : i32
      %dma_start3A_225 = arith.constant 0 : i32
      %dma_start3A_226 = tpu.memref_slice %arg6[%dma_start3A_224, %dma_start3A_225] : memref<10240x128xf32, #tpu.memory_space<vmem_shared>> -> memref<10240x128xf32, #tpu.memory_space<vmem_shared>>
      tpu.enqueue_indirect_dma source(%arg18 : memref<80x128xf32, #tpu.memory_space<vmem>>) target(%dma_start3A_226 : memref<10240x128xf32, #tpu.memory_space<vmem_shared>>) offsets(%arg14 : memref<80xi32, #tpu.memory_space<vmem>>) semaphore(%arg27 : memref<!tpu.dma_semaphore, #tpu.memory_space<semaphore_mem>>) {add = true}
      %ge3A_227 = arith.constant 1 : i32
      %ge3A_228 = arith.cmpi sge, %add3A_209, %ge3A_227 : i32
      %convert_element_type3A_229 = arith.extui %ge3A_228 : i1 to i32
      %cond3A_230 = arith.constant 0 : i32
      %cond3A_231 = arith.cmpi ne, %convert_element_type3A_229, %cond3A_230 : i32
      scf.if %cond3A_231 {
        %dma_wait3A_242 = arith.constant 0 : i32
        %dma_wait3A_243 = arith.constant 0 : i32
        %dma_wait3A_244 = tpu.memref_slice %arg6[%dma_wait3A_242, %dma_wait3A_243] : memref<10240x128xf32, #tpu.memory_space<vmem_shared>> -> memref<10240x128xf32, #tpu.memory_space<vmem_shared>>
        tpu.wait_indirect_dma semaphore(%arg26 : memref<!tpu.dma_semaphore, #tpu.memory_space<semaphore_mem>>) src(%arg17 : memref<80x128xf32, #tpu.memory_space<vmem>>) dst(%dma_wait3A_244 : memref<10240x128xf32, #tpu.memory_space<vmem_shared>>)
        %sub3A_245 = arith.constant 1 : i32
        %sub3A_246 = arith.subi %add3A_209, %sub3A_245 : i32
        %add3A_247 = arith.constant 4 : i32
        %add3A_248 = arith.addi %sub3A_246, %add3A_247 : i32
        %lt3A_249 = arith.constant 125 : i32
        %lt3A_250 = arith.cmpi slt, %add3A_248, %lt3A_249 : i32
        %convert_element_type3A_251 = arith.extui %lt3A_250 : i1 to i32
        %cond3A_252 = arith.constant 0 : i32
        %cond3A_253 = arith.cmpi ne, %convert_element_type3A_251, %cond3A_252 : i32
        scf.if %cond3A_253 {
          %sub3A_254 = arith.constant 1 : i32
          %sub3A_255 = arith.subi %add3A_209, %sub3A_254 : i32
          %add3A_256 = arith.constant 4 : i32
          %add3A_257 = arith.addi %sub3A_255, %add3A_256 : i32
          %mul3A_258 = arith.constant 80 : i32
          %mul3A_259 = arith.muli %add3A_257, %mul3A_258 : i32
          %add3A_260 = arith.addi %mul3A_2, %mul3A_259 : i32
          %dma_start3A_261 = tpu.memref_slice %arg4[%add3A_260] : memref<320000xi32, #tpu.memory_space<hbm>> -> memref<80xi32, #tpu.memory_space<hbm>>
          %dma_start3A_262 = tpu.memref_slice %arg4[%add3A_260] : memref<320000xi32, #tpu.memory_space<hbm>> -> memref<80xi32, #tpu.memory_space<hbm>>
          tpu.enqueue_dma source(%dma_start3A_262 : memref<80xi32, #tpu.memory_space<hbm>>) target(%arg13 : memref<80xi32, #tpu.memory_space<vmem>>) target_semaphore(%arg34 : memref<!tpu.dma_semaphore, #tpu.memory_space<semaphore_mem>>)
        } else {
        }
      } else {
      }
      %add3A_232 = arith.constant 4 : i32
      %add3A_233 = arith.addi %add3A_209, %add3A_232 : i32
      %sub3A_234 = arith.constant 1 : i32
      %sub3A_235 = arith.subi %add3A_233, %sub3A_234 : i32
      %lt3A_236 = arith.constant 125 : i32
      %lt3A_237 = arith.cmpi slt, %sub3A_235, %lt3A_236 : i32
      %convert_element_type3A_238 = arith.extui %lt3A_237 : i1 to i32
      %cond3A_239 = arith.constant 0 : i32
      %cond3A_240 = arith.cmpi ne, %convert_element_type3A_238, %cond3A_239 : i32
      scf.if %cond3A_240 {
        %dma_wait3A_242 = arith.constant 0 : i32
        %dma_wait3A_243 = tpu.memref_slice %arg3[%dma_wait3A_242] : memref<320000xi32, #tpu.memory_space<hbm>> -> memref<80xi32, #tpu.memory_space<hbm>>
        %dma_wait3A_244 = arith.constant 0 : i32
        %dma_wait3A_245 = tpu.memref_slice %arg3[%dma_wait3A_244] : memref<320000xi32, #tpu.memory_space<hbm>> -> memref<80xi32, #tpu.memory_space<hbm>>
        tpu.wait_dma2 semaphore(%arg30 : memref<!tpu.dma_semaphore, #tpu.memory_space<semaphore_mem>>) src(%dma_wait3A_245 : memref<80xi32, #tpu.memory_space<hbm>>) dst(%arg9 : memref<80xi32, #tpu.memory_space<vmem>>)
        %add3A_246 = arith.constant 4 : i32
        %add3A_247 = arith.addi %add3A_209, %add3A_246 : i32
        %sub3A_248 = arith.constant 1 : i32
        %sub3A_249 = arith.subi %add3A_247, %sub3A_248 : i32
        %dma_start3A_250 = arith.constant 0 : i32
        %dma_start3A_251 = arith.constant 0 : i32
        %dma_start3A_252 = tpu.memref_slice %arg2[%dma_start3A_250, %dma_start3A_251] : memref<5120x128xf32, #tpu.memory_space<hbm>> -> memref<5120x128xf32, #tpu.memory_space<hbm>>
        tpu.enqueue_indirect_dma source(%dma_start3A_252 : memref<5120x128xf32, #tpu.memory_space<hbm>>) target(%arg17 : memref<80x128xf32, #tpu.memory_space<vmem>>) offsets(%arg9 : memref<80xi32, #tpu.memory_space<vmem>>) semaphore(%arg22 : memref<!tpu.dma_semaphore, #tpu.memory_space<semaphore_mem>>)
      } else {
      }
      %scan3A_241 = arith.constant 0 : i32
      scf.yield %scan3A_241 : i32
    }
    %scan3A_82 = arith.constant 31 : i32
    %dma_wait3A_83 = arith.constant 0 : i32
    %dma_wait3A_84 = arith.constant 0 : i32
    %dma_wait3A_85 = tpu.memref_slice %arg2[%dma_wait3A_83, %dma_wait3A_84] : memref<5120x128xf32, #tpu.memory_space<hbm>> -> memref<5120x128xf32, #tpu.memory_space<hbm>>
    tpu.wait_indirect_dma semaphore(%arg20 : memref<!tpu.dma_semaphore, #tpu.memory_space<semaphore_mem>>) src(%dma_wait3A_85 : memref<5120x128xf32, #tpu.memory_space<hbm>>) dst(%arg15 : memref<80x128xf32, #tpu.memory_space<vmem>>)
    %dma_wait3A_86 = arith.constant 0 : i32
    %dma_wait3A_87 = tpu.memref_slice %arg4[%dma_wait3A_86] : memref<320000xi32, #tpu.memory_space<hbm>> -> memref<80xi32, #tpu.memory_space<hbm>>
    %dma_wait3A_88 = arith.constant 0 : i32
    %dma_wait3A_89 = tpu.memref_slice %arg4[%dma_wait3A_88] : memref<320000xi32, #tpu.memory_space<hbm>> -> memref<80xi32, #tpu.memory_space<hbm>>
    tpu.wait_dma2 semaphore(%arg32 : memref<!tpu.dma_semaphore, #tpu.memory_space<semaphore_mem>>) src(%dma_wait3A_89 : memref<80xi32, #tpu.memory_space<hbm>>) dst(%arg11 : memref<80xi32, #tpu.memory_space<vmem>>)
    %dma_start3A_90 = arith.constant 0 : i32
    %dma_start3A_91 = arith.constant 0 : i32
    %dma_start3A_92 = tpu.memref_slice %arg6[%dma_start3A_90, %dma_start3A_91] : memref<10240x128xf32, #tpu.memory_space<vmem_shared>> -> memref<10240x128xf32, #tpu.memory_space<vmem_shared>>
    tpu.enqueue_indirect_dma source(%arg15 : memref<80x128xf32, #tpu.memory_space<vmem>>) target(%dma_start3A_92 : memref<10240x128xf32, #tpu.memory_space<vmem_shared>>) offsets(%arg11 : memref<80xi32, #tpu.memory_space<vmem>>) semaphore(%arg24 : memref<!tpu.dma_semaphore, #tpu.memory_space<semaphore_mem>>) {add = true}
    %dma_wait3A_93 = arith.constant 0 : i32
    %dma_wait3A_94 = arith.constant 0 : i32
    %dma_wait3A_95 = tpu.memref_slice %arg6[%dma_wait3A_93, %dma_wait3A_94] : memref<10240x128xf32, #tpu.memory_space<vmem_shared>> -> memref<10240x128xf32, #tpu.memory_space<vmem_shared>>
    tpu.wait_indirect_dma semaphore(%arg27 : memref<!tpu.dma_semaphore, #tpu.memory_space<semaphore_mem>>) src(%arg18 : memref<80x128xf32, #tpu.memory_space<vmem>>) dst(%dma_wait3A_95 : memref<10240x128xf32, #tpu.memory_space<vmem_shared>>)
    %dma_wait3A_96 = arith.constant 0 : i32
    %dma_wait3A_97 = arith.constant 0 : i32
    %dma_wait3A_98 = tpu.memref_slice %arg6[%dma_wait3A_96, %dma_wait3A_97] : memref<10240x128xf32, #tpu.memory_space<vmem_shared>> -> memref<10240x128xf32, #tpu.memory_space<vmem_shared>>
    tpu.wait_indirect_dma semaphore(%arg24 : memref<!tpu.dma_semaphore, #tpu.memory_space<semaphore_mem>>) src(%arg15 : memref<80x128xf32, #tpu.memory_space<vmem>>) dst(%dma_wait3A_98 : memref<10240x128xf32, #tpu.memory_space<vmem_shared>>)
    %barrier3A_99 = arith.constant 0 : index
    tpu.barrier barrier_id(%barrier3A_99)
    %mul3A_100 = arith.constant 640 : i32
    %mul3A_101 = arith.muli %arg1, %mul3A_100 : i32
    %mul3A_102 = arith.constant 640 : i32
    %mul3A_103 = arith.muli %arg1, %mul3A_102 : i32
    "tpu.region"() ({
      %run_scoped3A = tpu.sem_alloc : memref<!tpu.dma_semaphore, #tpu.memory_space<semaphore_mem>>
      %dma_start3A_104 = arith.constant 0 : i32
      %dma_start3A_105 = tpu.memref_slice %arg5[%arg0, %mul3A_103, %dma_start3A_104] : memref<2x10240x128xf32, #tpu.memory_space<hbm>> -> memref<1x640x128xf32, #tpu.memory_space<hbm>>
      %dma_start3A_106 = tpu.memref_squeeze %dma_start3A_105 : memref<1x640x128xf32, #tpu.memory_space<hbm>> -> memref<640x128xf32, #tpu.memory_space<hbm>>
      %dma_start3A_107 = arith.constant 0 : i32
      %dma_start3A_108 = tpu.memref_slice %arg6[%mul3A_101, %dma_start3A_107] : memref<10240x128xf32, #tpu.memory_space<vmem_shared>> -> memref<640x128xf32, #tpu.memory_space<vmem_shared>>
      tpu.enqueue_dma source(%dma_start3A_108 : memref<640x128xf32, #tpu.memory_space<vmem_shared>>) target(%dma_start3A_106 : memref<640x128xf32, #tpu.memory_space<hbm>>) target_semaphore(%run_scoped3A : memref<!tpu.dma_semaphore, #tpu.memory_space<semaphore_mem>>)
      %dma_wait3A_109 = arith.constant 0 : i32
      %dma_wait3A_110 = tpu.memref_slice %arg5[%arg0, %mul3A_103, %dma_wait3A_109] : memref<2x10240x128xf32, #tpu.memory_space<hbm>> -> memref<1x640x128xf32, #tpu.memory_space<hbm>>
      %dma_wait3A_111 = tpu.memref_squeeze %dma_wait3A_110 : memref<1x640x128xf32, #tpu.memory_space<hbm>> -> memref<640x128xf32, #tpu.memory_space<hbm>>
      %dma_wait3A_112 = arith.constant 0 : i32
      %dma_wait3A_113 = tpu.memref_slice %arg6[%mul3A_101, %dma_wait3A_112] : memref<10240x128xf32, #tpu.memory_space<vmem_shared>> -> memref<640x128xf32, #tpu.memory_space<vmem_shared>>
      tpu.wait_dma2 semaphore(%run_scoped3A : memref<!tpu.dma_semaphore, #tpu.memory_space<semaphore_mem>>) src(%dma_wait3A_113 : memref<640x128xf32, #tpu.memory_space<vmem_shared>>) dst(%dma_wait3A_111 : memref<640x128xf32, #tpu.memory_space<hbm>>)
      tpu.yield
    }) : () -> ()
    return
  }
}

#map = affine_map<(d0, d1) -> (0, 0)>
#map1 = affine_map<(d0, d1) -> (0)>
#map2 = affine_map<(d0, d1) -> (0, 0, 0)>
module attributes {stable_mosaic.version = 14 : i64} {
  func.func @_sc_stage_body(%arg0: i32, %arg1: i32, %arg2: memref<5120x128xf32, #tpu.memory_space<hbm>>, %arg3: memref<320000xi32, #tpu.memory_space<hbm>>, %arg4: memref<320000xi32, #tpu.memory_space<hbm>>, %arg5: memref<2x10240x128xf32, #tpu.memory_space<hbm>>, %arg6: memref<10240x128xf32, #tpu.memory_space<vmem_shared>>, %arg7: memref<80xi32, #tpu.memory_space<vmem>>, %arg8: memref<80xi32, #tpu.memory_space<vmem>>, %arg9: memref<80xi32, #tpu.memory_space<vmem>>, %arg10: memref<80xi32, #tpu.memory_space<vmem>>, %arg11: memref<80xi32, #tpu.memory_space<vmem>>, %arg12: memref<80xi32, #tpu.memory_space<vmem>>, %arg13: memref<80xi32, #tpu.memory_space<vmem>>, %arg14: memref<80xi32, #tpu.memory_space<vmem>>, %arg15: memref<80x128xf32, #tpu.memory_space<vmem>>, %arg16: memref<80x128xf32, #tpu.memory_space<vmem>>, %arg17: memref<80x128xf32, #tpu.memory_space<vmem>>, %arg18: memref<80x128xf32, #tpu.memory_space<vmem>>, %arg19: memref<8x128xf32, #tpu.memory_space<vmem>>, %arg20: memref<!tpu.dma_semaphore, #tpu.memory_space<semaphore_mem>>, %arg21: memref<!tpu.dma_semaphore, #tpu.memory_space<semaphore_mem>>, %arg22: memref<!tpu.dma_semaphore, #tpu.memory_space<semaphore_mem>>, %arg23: memref<!tpu.dma_semaphore, #tpu.memory_space<semaphore_mem>>, %arg24: memref<!tpu.dma_semaphore, #tpu.memory_space<semaphore_mem>>, %arg25: memref<!tpu.dma_semaphore, #tpu.memory_space<semaphore_mem>>, %arg26: memref<!tpu.dma_semaphore, #tpu.memory_space<semaphore_mem>>, %arg27: memref<!tpu.dma_semaphore, #tpu.memory_space<semaphore_mem>>, %arg28: memref<!tpu.dma_semaphore, #tpu.memory_space<semaphore_mem>>, %arg29: memref<!tpu.dma_semaphore, #tpu.memory_space<semaphore_mem>>, %arg30: memref<!tpu.dma_semaphore, #tpu.memory_space<semaphore_mem>>, %arg31: memref<!tpu.dma_semaphore, #tpu.memory_space<semaphore_mem>>, %arg32: memref<!tpu.dma_semaphore, #tpu.memory_space<semaphore_mem>>, %arg33: memref<!tpu.dma_semaphore, #tpu.memory_space<semaphore_mem>>, %arg34: memref<!tpu.dma_semaphore, #tpu.memory_space<semaphore_mem>>, %arg35: memref<!tpu.dma_semaphore, #tpu.memory_space<semaphore_mem>>) attributes {dimension_semantics = [#tpu.dimension_semantics<core_parallel>, #tpu.dimension_semantics<subcore_parallel>], iteration_bounds = array<i64: 2, 16>, scalar_prefetch = 0 : i64, scratch_operands = 30 : i64, tpu.core_type = #tpu.core_type<sc_vector_subcore>, window_params = [{transform_indices = #map}, {transform_indices = #map1}, {transform_indices = #map1}, {transform_indices = #map2}]} {
    %mul3A = arith.constant 16 : i32
    %mul3A_0 = arith.muli %arg0, %mul3A : i32
    %add3A = arith.addi %mul3A_0, %arg1 : i32
    %mul3A_1 = arith.constant 10000 : i32
    %mul3A_2 = arith.muli %add3A, %mul3A_1 : i32
    %add3A_3 = arith.constant 0 : i32
    %add3A_4 = arith.addi %mul3A_2, %add3A_3 : i32
    %dma_start3A = tpu.memref_slice %arg3[%add3A_4] : memref<320000xi32, #tpu.memory_space<hbm>> -> memref<80xi32, #tpu.memory_space<hbm>>
    %dma_start3A_5 = tpu.memref_slice %arg3[%add3A_4] : memref<320000xi32, #tpu.memory_space<hbm>> -> memref<80xi32, #tpu.memory_space<hbm>>
    tpu.enqueue_dma source(%dma_start3A_5 : memref<80xi32, #tpu.memory_space<hbm>>) target(%arg7 : memref<80xi32, #tpu.memory_space<vmem>>) target_semaphore(%arg28 : memref<!tpu.dma_semaphore, #tpu.memory_space<semaphore_mem>>)
    %add3A_6 = arith.constant 0 : i32
    %add3A_7 = arith.addi %mul3A_2, %add3A_6 : i32
    %dma_start3A_8 = tpu.memref_slice %arg4[%add3A_7] : memref<320000xi32, #tpu.memory_space<hbm>> -> memref<80xi32, #tpu.memory_space<hbm>>
    %dma_start3A_9 = tpu.memref_slice %arg4[%add3A_7] : memref<320000xi32, #tpu.memory_space<hbm>> -> memref<80xi32, #tpu.memory_space<hbm>>
    tpu.enqueue_dma source(%dma_start3A_9 : memref<80xi32, #tpu.memory_space<hbm>>) target(%arg11 : memref<80xi32, #tpu.memory_space<vmem>>) target_semaphore(%arg32 : memref<!tpu.dma_semaphore, #tpu.memory_space<semaphore_mem>>)
    %add3A_10 = arith.constant 80 : i32
    %add3A_11 = arith.addi %mul3A_2, %add3A_10 : i32
    %dma_start3A_12 = tpu.memref_slice %arg3[%add3A_11] : memref<320000xi32, #tpu.memory_space<hbm>> -> memref<80xi32, #tpu.memory_space<hbm>>
    %dma_start3A_13 = tpu.memref_slice %arg3[%add3A_11] : memref<320000xi32, #tpu.memory_space<hbm>> -> memref<80xi32, #tpu.memory_space<hbm>>
    tpu.enqueue_dma source(%dma_start3A_13 : memref<80xi32, #tpu.memory_space<hbm>>) target(%arg8 : memref<80xi32, #tpu.memory_space<vmem>>) target_semaphore(%arg29 : memref<!tpu.dma_semaphore, #tpu.memory_space<semaphore_mem>>)
    %add3A_14 = arith.constant 80 : i32
    %add3A_15 = arith.addi %mul3A_2, %add3A_14 : i32
    %dma_start3A_16 = tpu.memref_slice %arg4[%add3A_15] : memref<320000xi32, #tpu.memory_space<hbm>> -> memref<80xi32, #tpu.memory_space<hbm>>
    %dma_start3A_17 = tpu.memref_slice %arg4[%add3A_15] : memref<320000xi32, #tpu.memory_space<hbm>> -> memref<80xi32, #tpu.memory_space<hbm>>
    tpu.enqueue_dma source(%dma_start3A_17 : memref<80xi32, #tpu.memory_space<hbm>>) target(%arg12 : memref<80xi32, #tpu.memory_space<vmem>>) target_semaphore(%arg33 : memref<!tpu.dma_semaphore, #tpu.memory_space<semaphore_mem>>)
    %add3A_18 = arith.constant 160 : i32
    %add3A_19 = arith.addi %mul3A_2, %add3A_18 : i32
    %dma_start3A_20 = tpu.memref_slice %arg3[%add3A_19] : memref<320000xi32, #tpu.memory_space<hbm>> -> memref<80xi32, #tpu.memory_space<hbm>>
    %dma_start3A_21 = tpu.memref_slice %arg3[%add3A_19] : memref<320000xi32, #tpu.memory_space<hbm>> -> memref<80xi32, #tpu.memory_space<hbm>>
    tpu.enqueue_dma source(%dma_start3A_21 : memref<80xi32, #tpu.memory_space<hbm>>) target(%arg9 : memref<80xi32, #tpu.memory_space<vmem>>) target_semaphore(%arg30 : memref<!tpu.dma_semaphore, #tpu.memory_space<semaphore_mem>>)
    %add3A_22 = arith.constant 160 : i32
    %add3A_23 = arith.addi %mul3A_2, %add3A_22 : i32
    %dma_start3A_24 = tpu.memref_slice %arg4[%add3A_23] : memref<320000xi32, #tpu.memory_space<hbm>> -> memref<80xi32, #tpu.memory_space<hbm>>
    %dma_start3A_25 = tpu.memref_slice %arg4[%add3A_23] : memref<320000xi32, #tpu.memory_space<hbm>> -> memref<80xi32, #tpu.memory_space<hbm>>
    tpu.enqueue_dma source(%dma_start3A_25 : memref<80xi32, #tpu.memory_space<hbm>>) target(%arg13 : memref<80xi32, #tpu.memory_space<vmem>>) target_semaphore(%arg34 : memref<!tpu.dma_semaphore, #tpu.memory_space<semaphore_mem>>)
    %add3A_26 = arith.constant 240 : i32
    %add3A_27 = arith.addi %mul3A_2, %add3A_26 : i32
    %dma_start3A_28 = tpu.memref_slice %arg3[%add3A_27] : memref<320000xi32, #tpu.memory_space<hbm>> -> memref<80xi32, #tpu.memory_space<hbm>>
    %dma_start3A_29 = tpu.memref_slice %arg3[%add3A_27] : memref<320000xi32, #tpu.memory_space<hbm>> -> memref<80xi32, #tpu.memory_space<hbm>>
    tpu.enqueue_dma source(%dma_start3A_29 : memref<80xi32, #tpu.memory_space<hbm>>) target(%arg10 : memref<80xi32, #tpu.memory_space<vmem>>) target_semaphore(%arg31 : memref<!tpu.dma_semaphore, #tpu.memory_space<semaphore_mem>>)
    %add3A_30 = arith.constant 240 : i32
    %add3A_31 = arith.addi %mul3A_2, %add3A_30 : i32
    %dma_start3A_32 = tpu.memref_slice %arg4[%add3A_31] : memref<320000xi32, #tpu.memory_space<hbm>> -> memref<80xi32, #tpu.memory_space<hbm>>
    %dma_start3A_33 = tpu.memref_slice %arg4[%add3A_31] : memref<320000xi32, #tpu.memory_space<hbm>> -> memref<80xi32, #tpu.memory_space<hbm>>
    tpu.enqueue_dma source(%dma_start3A_33 : memref<80xi32, #tpu.memory_space<hbm>>) target(%arg14 : memref<80xi32, #tpu.memory_space<vmem>>) target_semaphore(%arg35 : memref<!tpu.dma_semaphore, #tpu.memory_space<semaphore_mem>>)
    %scan3A = arith.constant 0 : i32
    %scan3A_34 = arith.constant 0 : i32
    %scan3A_35 = arith.constant 8 : i32
    %scan3A_36 = arith.addi %scan3A_34, %scan3A_35 : i32
    %scan3A_37 = arith.constant 1 : i32
    %scan3A_38 = scf.for %scan3A_104 = %scan3A_34 to %scan3A_36 step %scan3A_37 iter_args(%scan3A_105 = %scan3A) -> (i32)  : i32 {
      %broadcast_in_dim3A = arith.constant 0.000000e+00 : f32
      %broadcast_in_dim3A_106 = vector.broadcast %broadcast_in_dim3A : f32 to vector<16xf32>
      %swap3A = arith.index_cast %scan3A_104 : i32 to index
      %swap3A_107 = arith.constant 0 : index
      %swap3A_108 = tpu.vector_load %arg19[%swap3A, %swap3A_107] {strides = array<i32>} : memref<8x128xf32, #tpu.memory_space<vmem>>, vector<1x16xf32>,
      %swap3A_109 = vector.shape_cast %swap3A_108 : vector<1x16xf32> to vector<16xf32>
      %swap3A_110 = vector.shape_cast %broadcast_in_dim3A_106 : vector<16xf32> to vector<1x16xf32>
      tpu.vector_store %arg19[%swap3A, %swap3A_107], %swap3A_110 {strides = array<i32>} : memref<8x128xf32, #tpu.memory_space<vmem>>, vector<1x16xf32>,
      %broadcast_in_dim3A_111 = arith.constant 0.000000e+00 : f32
      %broadcast_in_dim3A_112 = vector.broadcast %broadcast_in_dim3A_111 : f32 to vector<16xf32>
      %swap3A_113 = arith.index_cast %scan3A_104 : i32 to index
      %swap3A_114 = arith.constant 16 : index
      %swap3A_115 = tpu.vector_load %arg19[%swap3A_113, %swap3A_114] {strides = array<i32>} : memref<8x128xf32, #tpu.memory_space<vmem>>, vector<1x16xf32>,
      %swap3A_116 = vector.shape_cast %swap3A_115 : vector<1x16xf32> to vector<16xf32>
      %swap3A_117 = vector.shape_cast %broadcast_in_dim3A_112 : vector<16xf32> to vector<1x16xf32>
      tpu.vector_store %arg19[%swap3A_113, %swap3A_114], %swap3A_117 {strides = array<i32>} : memref<8x128xf32, #tpu.memory_space<vmem>>, vector<1x16xf32>,
      %broadcast_in_dim3A_118 = arith.constant 0.000000e+00 : f32
      %broadcast_in_dim3A_119 = vector.broadcast %broadcast_in_dim3A_118 : f32 to vector<16xf32>
      %swap3A_120 = arith.index_cast %scan3A_104 : i32 to index
      %swap3A_121 = arith.constant 32 : index
      %swap3A_122 = tpu.vector_load %arg19[%swap3A_120, %swap3A_121] {strides = array<i32>} : memref<8x128xf32, #tpu.memory_space<vmem>>, vector<1x16xf32>,
      %swap3A_123 = vector.shape_cast %swap3A_122 : vector<1x16xf32> to vector<16xf32>
      %swap3A_124 = vector.shape_cast %broadcast_in_dim3A_119 : vector<16xf32> to vector<1x16xf32>
      tpu.vector_store %arg19[%swap3A_120, %swap3A_121], %swap3A_124 {strides = array<i32>} : memref<8x128xf32, #tpu.memory_space<vmem>>, vector<1x16xf32>,
      %broadcast_in_dim3A_125 = arith.constant 0.000000e+00 : f32
      %broadcast_in_dim3A_126 = vector.broadcast %broadcast_in_dim3A_125 : f32 to vector<16xf32>
      %swap3A_127 = arith.index_cast %scan3A_104 : i32 to index
      %swap3A_128 = arith.constant 48 : index
      %swap3A_129 = tpu.vector_load %arg19[%swap3A_127, %swap3A_128] {strides = array<i32>} : memref<8x128xf32, #tpu.memory_space<vmem>>, vector<1x16xf32>,
      %swap3A_130 = vector.shape_cast %swap3A_129 : vector<1x16xf32> to vector<16xf32>
      %swap3A_131 = vector.shape_cast %broadcast_in_dim3A_126 : vector<16xf32> to vector<1x16xf32>
      tpu.vector_store %arg19[%swap3A_127, %swap3A_128], %swap3A_131 {strides = array<i32>} : memref<8x128xf32, #tpu.memory_space<vmem>>, vector<1x16xf32>,
      %broadcast_in_dim3A_132 = arith.constant 0.000000e+00 : f32
      %broadcast_in_dim3A_133 = vector.broadcast %broadcast_in_dim3A_132 : f32 to vector<16xf32>
      %swap3A_134 = arith.index_cast %scan3A_104 : i32 to index
      %swap3A_135 = arith.constant 64 : index
      %swap3A_136 = tpu.vector_load %arg19[%swap3A_134, %swap3A_135] {strides = array<i32>} : memref<8x128xf32, #tpu.memory_space<vmem>>, vector<1x16xf32>,
      %swap3A_137 = vector.shape_cast %swap3A_136 : vector<1x16xf32> to vector<16xf32>
      %swap3A_138 = vector.shape_cast %broadcast_in_dim3A_133 : vector<16xf32> to vector<1x16xf32>
      tpu.vector_store %arg19[%swap3A_134, %swap3A_135], %swap3A_138 {strides = array<i32>} : memref<8x128xf32, #tpu.memory_space<vmem>>, vector<1x16xf32>,
      %broadcast_in_dim3A_139 = arith.constant 0.000000e+00 : f32
      %broadcast_in_dim3A_140 = vector.broadcast %broadcast_in_dim3A_139 : f32 to vector<16xf32>
      %swap3A_141 = arith.index_cast %scan3A_104 : i32 to index
      %swap3A_142 = arith.constant 80 : index
      %swap3A_143 = tpu.vector_load %arg19[%swap3A_141, %swap3A_142] {strides = array<i32>} : memref<8x128xf32, #tpu.memory_space<vmem>>, vector<1x16xf32>,
      %swap3A_144 = vector.shape_cast %swap3A_143 : vector<1x16xf32> to vector<16xf32>
      %swap3A_145 = vector.shape_cast %broadcast_in_dim3A_140 : vector<16xf32> to vector<1x16xf32>
      tpu.vector_store %arg19[%swap3A_141, %swap3A_142], %swap3A_145 {strides = array<i32>} : memref<8x128xf32, #tpu.memory_space<vmem>>, vector<1x16xf32>,
      %broadcast_in_dim3A_146 = arith.constant 0.000000e+00 : f32
      %broadcast_in_dim3A_147 = vector.broadcast %broadcast_in_dim3A_146 : f32 to vector<16xf32>
      %swap3A_148 = arith.index_cast %scan3A_104 : i32 to index
      %swap3A_149 = arith.constant 96 : index
      %swap3A_150 = tpu.vector_load %arg19[%swap3A_148, %swap3A_149] {strides = array<i32>} : memref<8x128xf32, #tpu.memory_space<vmem>>, vector<1x16xf32>,
      %swap3A_151 = vector.shape_cast %swap3A_150 : vector<1x16xf32> to vector<16xf32>
      %swap3A_152 = vector.shape_cast %broadcast_in_dim3A_147 : vector<16xf32> to vector<1x16xf32>
      tpu.vector_store %arg19[%swap3A_148, %swap3A_149], %swap3A_152 {strides = array<i32>} : memref<8x128xf32, #tpu.memory_space<vmem>>, vector<1x16xf32>,
      %broadcast_in_dim3A_153 = arith.constant 0.000000e+00 : f32
      %broadcast_in_dim3A_154 = vector.broadcast %broadcast_in_dim3A_153 : f32 to vector<16xf32>
      %swap3A_155 = arith.index_cast %scan3A_104 : i32 to index
      %swap3A_156 = arith.constant 112 : index
      %swap3A_157 = tpu.vector_load %arg19[%swap3A_155, %swap3A_156] {strides = array<i32>} : memref<8x128xf32, #tpu.memory_space<vmem>>, vector<1x16xf32>,
      %swap3A_158 = vector.shape_cast %swap3A_157 : vector<1x16xf32> to vector<16xf32>
      %swap3A_159 = vector.shape_cast %broadcast_in_dim3A_154 : vector<16xf32> to vector<1x16xf32>
      tpu.vector_store %arg19[%swap3A_155, %swap3A_156], %swap3A_159 {strides = array<i32>} : memref<8x128xf32, #tpu.memory_space<vmem>>, vector<1x16xf32>,
      %scan3A_160 = arith.constant 0 : i32
      scf.yield %scan3A_160 : i32
    }
    %scan3A_39 = arith.constant 8 : i32
    %mul3A_40 = arith.constant 640 : i32
    %mul3A_41 = arith.muli %arg1, %mul3A_40 : i32
    %scan3A_42 = arith.constant 0 : i32
    %scan3A_43 = arith.constant 0 : i32
    %scan3A_44 = arith.constant 80 : i32
    %scan3A_45 = arith.addi %scan3A_43, %scan3A_44 : i32
    %scan3A_46 = arith.constant 1 : i32
    %scan3A_47 = scf.for %scan3A_104 = %scan3A_43 to %scan3A_45 step %scan3A_46 iter_args(%scan3A_105 = %scan3A_42) -> (i32)  : i32 {
      %mul3A_106 = arith.constant 8 : i32
      %mul3A_107 = arith.muli %scan3A_104, %mul3A_106 : i32
      %add3A_108 = arith.addi %mul3A_41, %mul3A_107 : i32
      %dma_start3A_109 = arith.constant 0 : i32
      %dma_start3A_110 = tpu.memref_slice %arg6[%add3A_108, %dma_start3A_109] : memref<10240x128xf32, #tpu.memory_space<vmem_shared>> -> memref<8x128xf32, #tpu.memory_space<vmem_shared>>
      %dma_start3A_111 = arith.constant 0 : i32
      %dma_start3A_112 = tpu.memref_slice %arg6[%add3A_108, %dma_start3A_111] : memref<10240x128xf32, #tpu.memory_space<vmem_shared>> -> memref<8x128xf32, #tpu.memory_space<vmem_shared>>
      tpu.enqueue_dma source(%arg19 : memref<8x128xf32, #tpu.memory_space<vmem>>) target(%dma_start3A_112 : memref<8x128xf32, #tpu.memory_space<vmem_shared>>) target_semaphore(%arg24 : memref<!tpu.dma_semaphore, #tpu.memory_space<semaphore_mem>>)
      %scan3A_113 = arith.constant 0 : i32
      scf.yield %scan3A_113 : i32
    }
    %scan3A_48 = arith.constant 80 : i32
    %scan3A_49 = arith.constant 0 : i32
    %scan3A_50 = arith.constant 0 : i32
    %scan3A_51 = arith.constant 80 : i32
    %scan3A_52 = arith.addi %scan3A_50, %scan3A_51 : i32
    %scan3A_53 = arith.constant 1 : i32
    %scan3A_54 = scf.for %scan3A_104 = %scan3A_50 to %scan3A_52 step %scan3A_53 iter_args(%scan3A_105 = %scan3A_49) -> (i32)  : i32 {
      %dma_wait3A_106 = arith.constant 0 : i32
      %dma_wait3A_107 = tpu.memref_slice %arg6[%mul3A_41, %dma_wait3A_106] : memref<10240x128xf32, #tpu.memory_space<vmem_shared>> -> memref<8x128xf32, #tpu.memory_space<vmem_shared>>
      %dma_wait3A_108 = arith.constant 0 : i32
      %dma_wait3A_109 = tpu.memref_slice %arg6[%mul3A_41, %dma_wait3A_108] : memref<10240x128xf32, #tpu.memory_space<vmem_shared>> -> memref<8x128xf32, #tpu.memory_space<vmem_shared>>
      tpu.wait_dma2 semaphore(%arg24 : memref<!tpu.dma_semaphore, #tpu.memory_space<semaphore_mem>>) src(%arg19 : memref<8x128xf32, #tpu.memory_space<vmem>>) dst(%dma_wait3A_109 : memref<8x128xf32, #tpu.memory_space<vmem_shared>>)
      %scan3A_110 = arith.constant 0 : i32
      scf.yield %scan3A_110 : i32
    }
    %scan3A_55 = arith.constant 80 : i32
    %barrier3A = arith.constant 0 : index
    tpu.barrier barrier_id(%barrier3A)
    %dma_wait3A = arith.constant 0 : i32
    %dma_wait3A_56 = tpu.memref_slice %arg3[%dma_wait3A] : memref<320000xi32, #tpu.memory_space<hbm>> -> memref<80xi32, #tpu.memory_space<hbm>>
    %dma_wait3A_57 = arith.constant 0 : i32
    %dma_wait3A_58 = tpu.memref_slice %arg3[%dma_wait3A_57] : memref<320000xi32, #tpu.memory_space<hbm>> -> memref<80xi32, #tpu.memory_space<hbm>>
    tpu.wait_dma2 semaphore(%arg28 : memref<!tpu.dma_semaphore, #tpu.memory_space<semaphore_mem>>) src(%dma_wait3A_58 : memref<80xi32, #tpu.memory_space<hbm>>) dst(%arg7 : memref<80xi32, #tpu.memory_space<vmem>>)
    %dma_start3A_59 = arith.constant 0 : i32
    %dma_start3A_60 = arith.constant 0 : i32
    %dma_start3A_61 = tpu.memref_slice %arg2[%dma_start3A_59, %dma_start3A_60] : memref<5120x128xf32, #tpu.memory_space<hbm>> -> memref<5120x128xf32, #tpu.memory_space<hbm>>
    tpu.enqueue_indirect_dma source(%dma_start3A_61 : memref<5120x128xf32, #tpu.memory_space<hbm>>) target(%arg15 : memref<80x128xf32, #tpu.memory_space<vmem>>) offsets(%arg7 : memref<80xi32, #tpu.memory_space<vmem>>) semaphore(%arg20 : memref<!tpu.dma_semaphore, #tpu.memory_space<semaphore_mem>>)
    %dma_wait3A_62 = arith.constant 0 : i32
    %dma_wait3A_63 = tpu.memref_slice %arg3[%dma_wait3A_62] : memref<320000xi32, #tpu.memory_space<hbm>> -> memref<80xi32, #tpu.memory_space<hbm>>
    %dma_wait3A_64 = arith.constant 0 : i32
    %dma_wait3A_65 = tpu.memref_slice %arg3[%dma_wait3A_64] : memref<320000xi32, #tpu.memory_space<hbm>> -> memref<80xi32, #tpu.memory_space<hbm>>
    tpu.wait_dma2 semaphore(%arg29 : memref<!tpu.dma_semaphore, #tpu.memory_space<semaphore_mem>>) src(%dma_wait3A_65 : memref<80xi32, #tpu.memory_space<hbm>>) dst(%arg8 : memref<80xi32, #tpu.memory_space<vmem>>)
    %dma_start3A_66 = arith.constant 0 : i32
    %dma_start3A_67 = arith.constant 0 : i32
    %dma_start3A_68 = tpu.memref_slice %arg2[%dma_start3A_66, %dma_start3A_67] : memref<5120x128xf32, #tpu.memory_space<hbm>> -> memref<5120x128xf32, #tpu.memory_space<hbm>>
    tpu.enqueue_indirect_dma source(%dma_start3A_68 : memref<5120x128xf32, #tpu.memory_space<hbm>>) target(%arg16 : memref<80x128xf32, #tpu.memory_space<vmem>>) offsets(%arg8 : memref<80xi32, #tpu.memory_space<vmem>>) semaphore(%arg21 : memref<!tpu.dma_semaphore, #tpu.memory_space<semaphore_mem>>)
    %dma_wait3A_69 = arith.constant 0 : i32
    %dma_wait3A_70 = tpu.memref_slice %arg3[%dma_wait3A_69] : memref<320000xi32, #tpu.memory_space<hbm>> -> memref<80xi32, #tpu.memory_space<hbm>>
    %dma_wait3A_71 = arith.constant 0 : i32
    %dma_wait3A_72 = tpu.memref_slice %arg3[%dma_wait3A_71] : memref<320000xi32, #tpu.memory_space<hbm>> -> memref<80xi32, #tpu.memory_space<hbm>>
    tpu.wait_dma2 semaphore(%arg30 : memref<!tpu.dma_semaphore, #tpu.memory_space<semaphore_mem>>) src(%dma_wait3A_72 : memref<80xi32, #tpu.memory_space<hbm>>) dst(%arg9 : memref<80xi32, #tpu.memory_space<vmem>>)
    %dma_start3A_73 = arith.constant 0 : i32
    %dma_start3A_74 = arith.constant 0 : i32
    %dma_start3A_75 = tpu.memref_slice %arg2[%dma_start3A_73, %dma_start3A_74] : memref<5120x128xf32, #tpu.memory_space<hbm>> -> memref<5120x128xf32, #tpu.memory_space<hbm>>
    tpu.enqueue_indirect_dma source(%dma_start3A_75 : memref<5120x128xf32, #tpu.memory_space<hbm>>) target(%arg17 : memref<80x128xf32, #tpu.memory_space<vmem>>) offsets(%arg9 : memref<80xi32, #tpu.memory_space<vmem>>) semaphore(%arg22 : memref<!tpu.dma_semaphore, #tpu.memory_space<semaphore_mem>>)
    %scan3A_76 = arith.constant 0 : i32
    %scan3A_77 = arith.constant 0 : i32
    %scan3A_78 = arith.constant 31 : i32
    %scan3A_79 = arith.addi %scan3A_77, %scan3A_78 : i32
    %scan3A_80 = arith.constant 1 : i32
    %scan3A_81 = scf.for %scan3A_104 = %scan3A_77 to %scan3A_79 step %scan3A_80 iter_args(%scan3A_105 = %scan3A_76) -> (i32)  : i32 {
      %mul3A_106 = arith.constant 4 : i32
      %mul3A_107 = arith.muli %scan3A_104, %mul3A_106 : i32
      %add3A_108 = arith.constant 0 : i32
      %add3A_109 = arith.addi %mul3A_107, %add3A_108 : i32
      %dma_wait3A_110 = arith.constant 0 : i32
      %dma_wait3A_111 = arith.constant 0 : i32
      %dma_wait3A_112 = tpu.memref_slice %arg2[%dma_wait3A_110, %dma_wait3A_111] : memref<5120x128xf32, #tpu.memory_space<hbm>> -> memref<5120x128xf32, #tpu.memory_space<hbm>>
      tpu.wait_indirect_dma semaphore(%arg20 : memref<!tpu.dma_semaphore, #tpu.memory_space<semaphore_mem>>) src(%dma_wait3A_112 : memref<5120x128xf32, #tpu.memory_space<hbm>>) dst(%arg15 : memref<80x128xf32, #tpu.memory_space<vmem>>)
      %add3A_113 = arith.constant 4 : i32
      %add3A_114 = arith.addi %add3A_109, %add3A_113 : i32
      %lt3A = arith.constant 125 : i32
      %lt3A_115 = arith.cmpi slt, %add3A_114, %lt3A : i32
      %convert_element_type3A = arith.extui %lt3A_115 : i1 to i32
      %cond3A = arith.constant 0 : i32
      %cond3A_116 = arith.cmpi ne, %convert_element_type3A, %cond3A : i32
      scf.if %cond3A_116 {
        %add3A_242 = arith.constant 4 : i32
        %add3A_243 = arith.addi %add3A_109, %add3A_242 : i32
        %mul3A_244 = arith.constant 80 : i32
        %mul3A_245 = arith.muli %add3A_243, %mul3A_244 : i32
        %add3A_246 = arith.addi %mul3A_2, %mul3A_245 : i32
        %dma_start3A_247 = tpu.memref_slice %arg3[%add3A_246] : memref<320000xi32, #tpu.memory_space<hbm>> -> memref<80xi32, #tpu.memory_space<hbm>>
        %dma_start3A_248 = tpu.memref_slice %arg3[%add3A_246] : memref<320000xi32, #tpu.memory_space<hbm>> -> memref<80xi32, #tpu.memory_space<hbm>>
        tpu.enqueue_dma source(%dma_start3A_248 : memref<80xi32, #tpu.memory_space<hbm>>) target(%arg7 : memref<80xi32, #tpu.memory_space<vmem>>) target_semaphore(%arg28 : memref<!tpu.dma_semaphore, #tpu.memory_space<semaphore_mem>>)
      } else {
      }
      %dma_wait3A_117 = arith.constant 0 : i32
      %dma_wait3A_118 = tpu.memref_slice %arg4[%dma_wait3A_117] : memref<320000xi32, #tpu.memory_space<hbm>> -> memref<80xi32, #tpu.memory_space<hbm>>
      %dma_wait3A_119 = arith.constant 0 : i32
      %dma_wait3A_120 = tpu.memref_slice %arg4[%dma_wait3A_119] : memref<320000xi32, #tpu.memory_space<hbm>> -> memref<80xi32, #tpu.memory_space<hbm>>
      tpu.wait_dma2 semaphore(%arg32 : memref<!tpu.dma_semaphore, #tpu.memory_space<semaphore_mem>>) src(%dma_wait3A_120 : memref<80xi32, #tpu.memory_space<hbm>>) dst(%arg11 : memref<80xi32, #tpu.memory_space<vmem>>)
      %dma_start3A_121 = arith.constant 0 : i32
      %dma_start3A_122 = arith.constant 0 : i32
      %dma_start3A_123 = tpu.memref_slice %arg6[%dma_start3A_121, %dma_start3A_122] : memref<10240x128xf32, #tpu.memory_space<vmem_shared>> -> memref<10240x128xf32, #tpu.memory_space<vmem_shared>>
      tpu.enqueue_indirect_dma source(%arg15 : memref<80x128xf32, #tpu.memory_space<vmem>>) target(%dma_start3A_123 : memref<10240x128xf32, #tpu.memory_space<vmem_shared>>) offsets(%arg11 : memref<80xi32, #tpu.memory_space<vmem>>) semaphore(%arg24 : memref<!tpu.dma_semaphore, #tpu.memory_space<semaphore_mem>>) {add = true}
      %ge3A = arith.constant 1 : i32
      %ge3A_124 = arith.cmpi sge, %add3A_109, %ge3A : i32
      %convert_element_type3A_125 = arith.extui %ge3A_124 : i1 to i32
      %cond3A_126 = arith.constant 0 : i32
      %cond3A_127 = arith.cmpi ne, %convert_element_type3A_125, %cond3A_126 : i32
      scf.if %cond3A_127 {
        %dma_wait3A_242 = arith.constant 0 : i32
        %dma_wait3A_243 = arith.constant 0 : i32
        %dma_wait3A_244 = tpu.memref_slice %arg6[%dma_wait3A_242, %dma_wait3A_243] : memref<10240x128xf32, #tpu.memory_space<vmem_shared>> -> memref<10240x128xf32, #tpu.memory_space<vmem_shared>>
        tpu.wait_indirect_dma semaphore(%arg27 : memref<!tpu.dma_semaphore, #tpu.memory_space<semaphore_mem>>) src(%arg18 : memref<80x128xf32, #tpu.memory_space<vmem>>) dst(%dma_wait3A_244 : memref<10240x128xf32, #tpu.memory_space<vmem_shared>>)
        %sub3A_245 = arith.constant 1 : i32
        %sub3A_246 = arith.subi %add3A_109, %sub3A_245 : i32
        %add3A_247 = arith.constant 4 : i32
        %add3A_248 = arith.addi %sub3A_246, %add3A_247 : i32
        %lt3A_249 = arith.constant 125 : i32
        %lt3A_250 = arith.cmpi slt, %add3A_248, %lt3A_249 : i32
        %convert_element_type3A_251 = arith.extui %lt3A_250 : i1 to i32
        %cond3A_252 = arith.constant 0 : i32
        %cond3A_253 = arith.cmpi ne, %convert_element_type3A_251, %cond3A_252 : i32
        scf.if %cond3A_253 {
          %sub3A_254 = arith.constant 1 : i32
          %sub3A_255 = arith.subi %add3A_109, %sub3A_254 : i32
          %add3A_256 = arith.constant 4 : i32
          %add3A_257 = arith.addi %sub3A_255, %add3A_256 : i32
          %mul3A_258 = arith.constant 80 : i32
          %mul3A_259 = arith.muli %add3A_257, %mul3A_258 : i32
          %add3A_260 = arith.addi %mul3A_2, %mul3A_259 : i32
          %dma_start3A_261 = tpu.memref_slice %arg4[%add3A_260] : memref<320000xi32, #tpu.memory_space<hbm>> -> memref<80xi32, #tpu.memory_space<hbm>>
          %dma_start3A_262 = tpu.memref_slice %arg4[%add3A_260] : memref<320000xi32, #tpu.memory_space<hbm>> -> memref<80xi32, #tpu.memory_space<hbm>>
          tpu.enqueue_dma source(%dma_start3A_262 : memref<80xi32, #tpu.memory_space<hbm>>) target(%arg14 : memref<80xi32, #tpu.memory_space<vmem>>) target_semaphore(%arg35 : memref<!tpu.dma_semaphore, #tpu.memory_space<semaphore_mem>>)
        } else {
        }
      } else {
      }
      %add3A_128 = arith.constant 4 : i32
      %add3A_129 = arith.addi %add3A_109, %add3A_128 : i32
      %sub3A = arith.constant 1 : i32
      %sub3A_130 = arith.subi %add3A_129, %sub3A : i32
      %lt3A_131 = arith.constant 125 : i32
      %lt3A_132 = arith.cmpi slt, %sub3A_130, %lt3A_131 : i32
      %convert_element_type3A_133 = arith.extui %lt3A_132 : i1 to i32
      %cond3A_134 = arith.constant 0 : i32
      %cond3A_135 = arith.cmpi ne, %convert_element_type3A_133, %cond3A_134 : i32
      scf.if %cond3A_135 {
        %dma_wait3A_242 = arith.constant 0 : i32
        %dma_wait3A_243 = tpu.memref_slice %arg3[%dma_wait3A_242] : memref<320000xi32, #tpu.memory_space<hbm>> -> memref<80xi32, #tpu.memory_space<hbm>>
        %dma_wait3A_244 = arith.constant 0 : i32
        %dma_wait3A_245 = tpu.memref_slice %arg3[%dma_wait3A_244] : memref<320000xi32, #tpu.memory_space<hbm>> -> memref<80xi32, #tpu.memory_space<hbm>>
        tpu.wait_dma2 semaphore(%arg31 : memref<!tpu.dma_semaphore, #tpu.memory_space<semaphore_mem>>) src(%dma_wait3A_245 : memref<80xi32, #tpu.memory_space<hbm>>) dst(%arg10 : memref<80xi32, #tpu.memory_space<vmem>>)
        %add3A_246 = arith.constant 4 : i32
        %add3A_247 = arith.addi %add3A_109, %add3A_246 : i32
        %sub3A_248 = arith.constant 1 : i32
        %sub3A_249 = arith.subi %add3A_247, %sub3A_248 : i32
        %dma_start3A_250 = arith.constant 0 : i32
        %dma_start3A_251 = arith.constant 0 : i32
        %dma_start3A_252 = tpu.memref_slice %arg2[%dma_start3A_250, %dma_start3A_251] : memref<5120x128xf32, #tpu.memory_space<hbm>> -> memref<5120x128xf32, #tpu.memory_space<hbm>>
        tpu.enqueue_indirect_dma source(%dma_start3A_252 : memref<5120x128xf32, #tpu.memory_space<hbm>>) target(%arg18 : memref<80x128xf32, #tpu.memory_space<vmem>>) offsets(%arg10 : memref<80xi32, #tpu.memory_space<vmem>>) semaphore(%arg23 : memref<!tpu.dma_semaphore, #tpu.memory_space<semaphore_mem>>)
      } else {
      }
      %mul3A_136 = arith.constant 4 : i32
      %mul3A_137 = arith.muli %scan3A_104, %mul3A_136 : i32
      %add3A_138 = arith.constant 1 : i32
      %add3A_139 = arith.addi %mul3A_137, %add3A_138 : i32
      %dma_wait3A_140 = arith.constant 0 : i32
      %dma_wait3A_141 = arith.constant 0 : i32
      %dma_wait3A_142 = tpu.memref_slice %arg2[%dma_wait3A_140, %dma_wait3A_141] : memref<5120x128xf32, #tpu.memory_space<hbm>> -> memref<5120x128xf32, #tpu.memory_space<hbm>>
      tpu.wait_indirect_dma semaphore(%arg21 : memref<!tpu.dma_semaphore, #tpu.memory_space<semaphore_mem>>) src(%dma_wait3A_142 : memref<5120x128xf32, #tpu.memory_space<hbm>>) dst(%arg16 : memref<80x128xf32, #tpu.memory_space<vmem>>)
      %add3A_143 = arith.constant 4 : i32
      %add3A_144 = arith.addi %add3A_139, %add3A_143 : i32
      %lt3A_145 = arith.constant 125 : i32
      %lt3A_146 = arith.cmpi slt, %add3A_144, %lt3A_145 : i32
      %convert_element_type3A_147 = arith.extui %lt3A_146 : i1 to i32
      %cond3A_148 = arith.constant 0 : i32
      %cond3A_149 = arith.cmpi ne, %convert_element_type3A_147, %cond3A_148 : i32
      scf.if %cond3A_149 {
        %add3A_242 = arith.constant 4 : i32
        %add3A_243 = arith.addi %add3A_139, %add3A_242 : i32
        %mul3A_244 = arith.constant 80 : i32
        %mul3A_245 = arith.muli %add3A_243, %mul3A_244 : i32
        %add3A_246 = arith.addi %mul3A_2, %mul3A_245 : i32
        %dma_start3A_247 = tpu.memref_slice %arg3[%add3A_246] : memref<320000xi32, #tpu.memory_space<hbm>> -> memref<80xi32, #tpu.memory_space<hbm>>
        %dma_start3A_248 = tpu.memref_slice %arg3[%add3A_246] : memref<320000xi32, #tpu.memory_space<hbm>> -> memref<80xi32, #tpu.memory_space<hbm>>
        tpu.enqueue_dma source(%dma_start3A_248 : memref<80xi32, #tpu.memory_space<hbm>>) target(%arg8 : memref<80xi32, #tpu.memory_space<vmem>>) target_semaphore(%arg29 : memref<!tpu.dma_semaphore, #tpu.memory_space<semaphore_mem>>)
      } else {
      }
      %dma_wait3A_150 = arith.constant 0 : i32
      %dma_wait3A_151 = tpu.memref_slice %arg4[%dma_wait3A_150] : memref<320000xi32, #tpu.memory_space<hbm>> -> memref<80xi32, #tpu.memory_space<hbm>>
      %dma_wait3A_152 = arith.constant 0 : i32
      %dma_wait3A_153 = tpu.memref_slice %arg4[%dma_wait3A_152] : memref<320000xi32, #tpu.memory_space<hbm>> -> memref<80xi32, #tpu.memory_space<hbm>>
      tpu.wait_dma2 semaphore(%arg33 : memref<!tpu.dma_semaphore, #tpu.memory_space<semaphore_mem>>) src(%dma_wait3A_153 : memref<80xi32, #tpu.memory_space<hbm>>) dst(%arg12 : memref<80xi32, #tpu.memory_space<vmem>>)
      %dma_start3A_154 = arith.constant 0 : i32
      %dma_start3A_155 = arith.constant 0 : i32
      %dma_start3A_156 = tpu.memref_slice %arg6[%dma_start3A_154, %dma_start3A_155] : memref<10240x128xf32, #tpu.memory_space<vmem_shared>> -> memref<10240x128xf32, #tpu.memory_space<vmem_shared>>
      tpu.enqueue_indirect_dma source(%arg16 : memref<80x128xf32, #tpu.memory_space<vmem>>) target(%dma_start3A_156 : memref<10240x128xf32, #tpu.memory_space<vmem_shared>>) offsets(%arg12 : memref<80xi32, #tpu.memory_space<vmem>>) semaphore(%arg25 : memref<!tpu.dma_semaphore, #tpu.memory_space<semaphore_mem>>) {add = true}
      %ge3A_157 = arith.constant 1 : i32
      %ge3A_158 = arith.cmpi sge, %add3A_139, %ge3A_157 : i32
      %convert_element_type3A_159 = arith.extui %ge3A_158 : i1 to i32
      %cond3A_160 = arith.constant 0 : i32
      %cond3A_161 = arith.cmpi ne, %convert_element_type3A_159, %cond3A_160 : i32
      scf.if %cond3A_161 {
        %dma_wait3A_242 = arith.constant 0 : i32
        %dma_wait3A_243 = arith.constant 0 : i32
        %dma_wait3A_244 = tpu.memref_slice %arg6[%dma_wait3A_242, %dma_wait3A_243] : memref<10240x128xf32, #tpu.memory_space<vmem_shared>> -> memref<10240x128xf32, #tpu.memory_space<vmem_shared>>
        tpu.wait_indirect_dma semaphore(%arg24 : memref<!tpu.dma_semaphore, #tpu.memory_space<semaphore_mem>>) src(%arg15 : memref<80x128xf32, #tpu.memory_space<vmem>>) dst(%dma_wait3A_244 : memref<10240x128xf32, #tpu.memory_space<vmem_shared>>)
        %sub3A_245 = arith.constant 1 : i32
        %sub3A_246 = arith.subi %add3A_139, %sub3A_245 : i32
        %add3A_247 = arith.constant 4 : i32
        %add3A_248 = arith.addi %sub3A_246, %add3A_247 : i32
        %lt3A_249 = arith.constant 125 : i32
        %lt3A_250 = arith.cmpi slt, %add3A_248, %lt3A_249 : i32
        %convert_element_type3A_251 = arith.extui %lt3A_250 : i1 to i32
        %cond3A_252 = arith.constant 0 : i32
        %cond3A_253 = arith.cmpi ne, %convert_element_type3A_251, %cond3A_252 : i32
        scf.if %cond3A_253 {
          %sub3A_254 = arith.constant 1 : i32
          %sub3A_255 = arith.subi %add3A_139, %sub3A_254 : i32
          %add3A_256 = arith.constant 4 : i32
          %add3A_257 = arith.addi %sub3A_255, %add3A_256 : i32
          %mul3A_258 = arith.constant 80 : i32
          %mul3A_259 = arith.muli %add3A_257, %mul3A_258 : i32
          %add3A_260 = arith.addi %mul3A_2, %mul3A_259 : i32
          %dma_start3A_261 = tpu.memref_slice %arg4[%add3A_260] : memref<320000xi32, #tpu.memory_space<hbm>> -> memref<80xi32, #tpu.memory_space<hbm>>
          %dma_start3A_262 = tpu.memref_slice %arg4[%add3A_260] : memref<320000xi32, #tpu.memory_space<hbm>> -> memref<80xi32, #tpu.memory_space<hbm>>
          tpu.enqueue_dma source(%dma_start3A_262 : memref<80xi32, #tpu.memory_space<hbm>>) target(%arg11 : memref<80xi32, #tpu.memory_space<vmem>>) target_semaphore(%arg32 : memref<!tpu.dma_semaphore, #tpu.memory_space<semaphore_mem>>)
        } else {
        }
      } else {
      }
      %add3A_162 = arith.constant 4 : i32
      %add3A_163 = arith.addi %add3A_139, %add3A_162 : i32
      %sub3A_164 = arith.constant 1 : i32
      %sub3A_165 = arith.subi %add3A_163, %sub3A_164 : i32
      %lt3A_166 = arith.constant 125 : i32
      %lt3A_167 = arith.cmpi slt, %sub3A_165, %lt3A_166 : i32
      %convert_element_type3A_168 = arith.extui %lt3A_167 : i1 to i32
      %cond3A_169 = arith.constant 0 : i32
      %cond3A_170 = arith.cmpi ne, %convert_element_type3A_168, %cond3A_169 : i32
      scf.if %cond3A_170 {
        %dma_wait3A_242 = arith.constant 0 : i32
        %dma_wait3A_243 = tpu.memref_slice %arg3[%dma_wait3A_242] : memref<320000xi32, #tpu.memory_space<hbm>> -> memref<80xi32, #tpu.memory_space<hbm>>
        %dma_wait3A_244 = arith.constant 0 : i32
        %dma_wait3A_245 = tpu.memref_slice %arg3[%dma_wait3A_244] : memref<320000xi32, #tpu.memory_space<hbm>> -> memref<80xi32, #tpu.memory_space<hbm>>
        tpu.wait_dma2 semaphore(%arg28 : memref<!tpu.dma_semaphore, #tpu.memory_space<semaphore_mem>>) src(%dma_wait3A_245 : memref<80xi32, #tpu.memory_space<hbm>>) dst(%arg7 : memref<80xi32, #tpu.memory_space<vmem>>)
        %add3A_246 = arith.constant 4 : i32
        %add3A_247 = arith.addi %add3A_139, %add3A_246 : i32
        %sub3A_248 = arith.constant 1 : i32
        %sub3A_249 = arith.subi %add3A_247, %sub3A_248 : i32
        %dma_start3A_250 = arith.constant 0 : i32
        %dma_start3A_251 = arith.constant 0 : i32
        %dma_start3A_252 = tpu.memref_slice %arg2[%dma_start3A_250, %dma_start3A_251] : memref<5120x128xf32, #tpu.memory_space<hbm>> -> memref<5120x128xf32, #tpu.memory_space<hbm>>
        tpu.enqueue_indirect_dma source(%dma_start3A_252 : memref<5120x128xf32, #tpu.memory_space<hbm>>) target(%arg15 : memref<80x128xf32, #tpu.memory_space<vmem>>) offsets(%arg7 : memref<80xi32, #tpu.memory_space<vmem>>) semaphore(%arg20 : memref<!tpu.dma_semaphore, #tpu.memory_space<semaphore_mem>>)
      } else {
      }
      %mul3A_171 = arith.constant 4 : i32
      %mul3A_172 = arith.muli %scan3A_104, %mul3A_171 : i32
      %add3A_173 = arith.constant 2 : i32
      %add3A_174 = arith.addi %mul3A_172, %add3A_173 : i32
      %dma_wait3A_175 = arith.constant 0 : i32
      %dma_wait3A_176 = arith.constant 0 : i32
      %dma_wait3A_177 = tpu.memref_slice %arg2[%dma_wait3A_175, %dma_wait3A_176] : memref<5120x128xf32, #tpu.memory_space<hbm>> -> memref<5120x128xf32, #tpu.memory_space<hbm>>
      tpu.wait_indirect_dma semaphore(%arg22 : memref<!tpu.dma_semaphore, #tpu.memory_space<semaphore_mem>>) src(%dma_wait3A_177 : memref<5120x128xf32, #tpu.memory_space<hbm>>) dst(%arg17 : memref<80x128xf32, #tpu.memory_space<vmem>>)
      %add3A_178 = arith.constant 4 : i32
      %add3A_179 = arith.addi %add3A_174, %add3A_178 : i32
      %lt3A_180 = arith.constant 125 : i32
      %lt3A_181 = arith.cmpi slt, %add3A_179, %lt3A_180 : i32
      %convert_element_type3A_182 = arith.extui %lt3A_181 : i1 to i32
      %cond3A_183 = arith.constant 0 : i32
      %cond3A_184 = arith.cmpi ne, %convert_element_type3A_182, %cond3A_183 : i32
      scf.if %cond3A_184 {
        %add3A_242 = arith.constant 4 : i32
        %add3A_243 = arith.addi %add3A_174, %add3A_242 : i32
        %mul3A_244 = arith.constant 80 : i32
        %mul3A_245 = arith.muli %add3A_243, %mul3A_244 : i32
        %add3A_246 = arith.addi %mul3A_2, %mul3A_245 : i32
        %dma_start3A_247 = tpu.memref_slice %arg3[%add3A_246] : memref<320000xi32, #tpu.memory_space<hbm>> -> memref<80xi32, #tpu.memory_space<hbm>>
        %dma_start3A_248 = tpu.memref_slice %arg3[%add3A_246] : memref<320000xi32, #tpu.memory_space<hbm>> -> memref<80xi32, #tpu.memory_space<hbm>>
        tpu.enqueue_dma source(%dma_start3A_248 : memref<80xi32, #tpu.memory_space<hbm>>) target(%arg9 : memref<80xi32, #tpu.memory_space<vmem>>) target_semaphore(%arg30 : memref<!tpu.dma_semaphore, #tpu.memory_space<semaphore_mem>>)
      } else {
      }
      %dma_wait3A_185 = arith.constant 0 : i32
      %dma_wait3A_186 = tpu.memref_slice %arg4[%dma_wait3A_185] : memref<320000xi32, #tpu.memory_space<hbm>> -> memref<80xi32, #tpu.memory_space<hbm>>
      %dma_wait3A_187 = arith.constant 0 : i32
      %dma_wait3A_188 = tpu.memref_slice %arg4[%dma_wait3A_187] : memref<320000xi32, #tpu.memory_space<hbm>> -> memref<80xi32, #tpu.memory_space<hbm>>
      tpu.wait_dma2 semaphore(%arg34 : memref<!tpu.dma_semaphore, #tpu.memory_space<semaphore_mem>>) src(%dma_wait3A_188 : memref<80xi32, #tpu.memory_space<hbm>>) dst(%arg13 : memref<80xi32, #tpu.memory_space<vmem>>)
      %dma_start3A_189 = arith.constant 0 : i32
      %dma_start3A_190 = arith.constant 0 : i32
      %dma_start3A_191 = tpu.memref_slice %arg6[%dma_start3A_189, %dma_start3A_190] : memref<10240x128xf32, #tpu.memory_space<vmem_shared>> -> memref<10240x128xf32, #tpu.memory_space<vmem_shared>>
      tpu.enqueue_indirect_dma source(%arg17 : memref<80x128xf32, #tpu.memory_space<vmem>>) target(%dma_start3A_191 : memref<10240x128xf32, #tpu.memory_space<vmem_shared>>) offsets(%arg13 : memref<80xi32, #tpu.memory_space<vmem>>) semaphore(%arg26 : memref<!tpu.dma_semaphore, #tpu.memory_space<semaphore_mem>>) {add = true}
      %ge3A_192 = arith.constant 1 : i32
      %ge3A_193 = arith.cmpi sge, %add3A_174, %ge3A_192 : i32
      %convert_element_type3A_194 = arith.extui %ge3A_193 : i1 to i32
      %cond3A_195 = arith.constant 0 : i32
      %cond3A_196 = arith.cmpi ne, %convert_element_type3A_194, %cond3A_195 : i32
      scf.if %cond3A_196 {
        %dma_wait3A_242 = arith.constant 0 : i32
        %dma_wait3A_243 = arith.constant 0 : i32
        %dma_wait3A_244 = tpu.memref_slice %arg6[%dma_wait3A_242, %dma_wait3A_243] : memref<10240x128xf32, #tpu.memory_space<vmem_shared>> -> memref<10240x128xf32, #tpu.memory_space<vmem_shared>>
        tpu.wait_indirect_dma semaphore(%arg25 : memref<!tpu.dma_semaphore, #tpu.memory_space<semaphore_mem>>) src(%arg16 : memref<80x128xf32, #tpu.memory_space<vmem>>) dst(%dma_wait3A_244 : memref<10240x128xf32, #tpu.memory_space<vmem_shared>>)
        %sub3A_245 = arith.constant 1 : i32
        %sub3A_246 = arith.subi %add3A_174, %sub3A_245 : i32
        %add3A_247 = arith.constant 4 : i32
        %add3A_248 = arith.addi %sub3A_246, %add3A_247 : i32
        %lt3A_249 = arith.constant 125 : i32
        %lt3A_250 = arith.cmpi slt, %add3A_248, %lt3A_249 : i32
        %convert_element_type3A_251 = arith.extui %lt3A_250 : i1 to i32
        %cond3A_252 = arith.constant 0 : i32
        %cond3A_253 = arith.cmpi ne, %convert_element_type3A_251, %cond3A_252 : i32
        scf.if %cond3A_253 {
          %sub3A_254 = arith.constant 1 : i32
          %sub3A_255 = arith.subi %add3A_174, %sub3A_254 : i32
          %add3A_256 = arith.constant 4 : i32
          %add3A_257 = arith.addi %sub3A_255, %add3A_256 : i32
          %mul3A_258 = arith.constant 80 : i32
          %mul3A_259 = arith.muli %add3A_257, %mul3A_258 : i32
          %add3A_260 = arith.addi %mul3A_2, %mul3A_259 : i32
          %dma_start3A_261 = tpu.memref_slice %arg4[%add3A_260] : memref<320000xi32, #tpu.memory_space<hbm>> -> memref<80xi32, #tpu.memory_space<hbm>>
          %dma_start3A_262 = tpu.memref_slice %arg4[%add3A_260] : memref<320000xi32, #tpu.memory_space<hbm>> -> memref<80xi32, #tpu.memory_space<hbm>>
          tpu.enqueue_dma source(%dma_start3A_262 : memref<80xi32, #tpu.memory_space<hbm>>) target(%arg12 : memref<80xi32, #tpu.memory_space<vmem>>) target_semaphore(%arg33 : memref<!tpu.dma_semaphore, #tpu.memory_space<semaphore_mem>>)
        } else {
        }
      } else {
      }
      %add3A_197 = arith.constant 4 : i32
      %add3A_198 = arith.addi %add3A_174, %add3A_197 : i32
      %sub3A_199 = arith.constant 1 : i32
      %sub3A_200 = arith.subi %add3A_198, %sub3A_199 : i32
      %lt3A_201 = arith.constant 125 : i32
      %lt3A_202 = arith.cmpi slt, %sub3A_200, %lt3A_201 : i32
      %convert_element_type3A_203 = arith.extui %lt3A_202 : i1 to i32
      %cond3A_204 = arith.constant 0 : i32
      %cond3A_205 = arith.cmpi ne, %convert_element_type3A_203, %cond3A_204 : i32
      scf.if %cond3A_205 {
        %dma_wait3A_242 = arith.constant 0 : i32
        %dma_wait3A_243 = tpu.memref_slice %arg3[%dma_wait3A_242] : memref<320000xi32, #tpu.memory_space<hbm>> -> memref<80xi32, #tpu.memory_space<hbm>>
        %dma_wait3A_244 = arith.constant 0 : i32
        %dma_wait3A_245 = tpu.memref_slice %arg3[%dma_wait3A_244] : memref<320000xi32, #tpu.memory_space<hbm>> -> memref<80xi32, #tpu.memory_space<hbm>>
        tpu.wait_dma2 semaphore(%arg29 : memref<!tpu.dma_semaphore, #tpu.memory_space<semaphore_mem>>) src(%dma_wait3A_245 : memref<80xi32, #tpu.memory_space<hbm>>) dst(%arg8 : memref<80xi32, #tpu.memory_space<vmem>>)
        %add3A_246 = arith.constant 4 : i32
        %add3A_247 = arith.addi %add3A_174, %add3A_246 : i32
        %sub3A_248 = arith.constant 1 : i32
        %sub3A_249 = arith.subi %add3A_247, %sub3A_248 : i32
        %dma_start3A_250 = arith.constant 0 : i32
        %dma_start3A_251 = arith.constant 0 : i32
        %dma_start3A_252 = tpu.memref_slice %arg2[%dma_start3A_250, %dma_start3A_251] : memref<5120x128xf32, #tpu.memory_space<hbm>> -> memref<5120x128xf32, #tpu.memory_space<hbm>>
        tpu.enqueue_indirect_dma source(%dma_start3A_252 : memref<5120x128xf32, #tpu.memory_space<hbm>>) target(%arg16 : memref<80x128xf32, #tpu.memory_space<vmem>>) offsets(%arg8 : memref<80xi32, #tpu.memory_space<vmem>>) semaphore(%arg21 : memref<!tpu.dma_semaphore, #tpu.memory_space<semaphore_mem>>)
      } else {
      }
      %mul3A_206 = arith.constant 4 : i32
      %mul3A_207 = arith.muli %scan3A_104, %mul3A_206 : i32
      %add3A_208 = arith.constant 3 : i32
      %add3A_209 = arith.addi %mul3A_207, %add3A_208 : i32
      %dma_wait3A_210 = arith.constant 0 : i32
      %dma_wait3A_211 = arith.constant 0 : i32
      %dma_wait3A_212 = tpu.memref_slice %arg2[%dma_wait3A_210, %dma_wait3A_211] : memref<5120x128xf32, #tpu.memory_space<hbm>> -> memref<5120x128xf32, #tpu.memory_space<hbm>>
      tpu.wait_indirect_dma semaphore(%arg23 : memref<!tpu.dma_semaphore, #tpu.memory_space<semaphore_mem>>) src(%dma_wait3A_212 : memref<5120x128xf32, #tpu.memory_space<hbm>>) dst(%arg18 : memref<80x128xf32, #tpu.memory_space<vmem>>)
      %add3A_213 = arith.constant 4 : i32
      %add3A_214 = arith.addi %add3A_209, %add3A_213 : i32
      %lt3A_215 = arith.constant 125 : i32
      %lt3A_216 = arith.cmpi slt, %add3A_214, %lt3A_215 : i32
      %convert_element_type3A_217 = arith.extui %lt3A_216 : i1 to i32
      %cond3A_218 = arith.constant 0 : i32
      %cond3A_219 = arith.cmpi ne, %convert_element_type3A_217, %cond3A_218 : i32
      scf.if %cond3A_219 {
        %add3A_242 = arith.constant 4 : i32
        %add3A_243 = arith.addi %add3A_209, %add3A_242 : i32
        %mul3A_244 = arith.constant 80 : i32
        %mul3A_245 = arith.muli %add3A_243, %mul3A_244 : i32
        %add3A_246 = arith.addi %mul3A_2, %mul3A_245 : i32
        %dma_start3A_247 = tpu.memref_slice %arg3[%add3A_246] : memref<320000xi32, #tpu.memory_space<hbm>> -> memref<80xi32, #tpu.memory_space<hbm>>
        %dma_start3A_248 = tpu.memref_slice %arg3[%add3A_246] : memref<320000xi32, #tpu.memory_space<hbm>> -> memref<80xi32, #tpu.memory_space<hbm>>
        tpu.enqueue_dma source(%dma_start3A_248 : memref<80xi32, #tpu.memory_space<hbm>>) target(%arg10 : memref<80xi32, #tpu.memory_space<vmem>>) target_semaphore(%arg31 : memref<!tpu.dma_semaphore, #tpu.memory_space<semaphore_mem>>)
      } else {
      }
      %dma_wait3A_220 = arith.constant 0 : i32
      %dma_wait3A_221 = tpu.memref_slice %arg4[%dma_wait3A_220] : memref<320000xi32, #tpu.memory_space<hbm>> -> memref<80xi32, #tpu.memory_space<hbm>>
      %dma_wait3A_222 = arith.constant 0 : i32
      %dma_wait3A_223 = tpu.memref_slice %arg4[%dma_wait3A_222] : memref<320000xi32, #tpu.memory_space<hbm>> -> memref<80xi32, #tpu.memory_space<hbm>>
      tpu.wait_dma2 semaphore(%arg35 : memref<!tpu.dma_semaphore, #tpu.memory_space<semaphore_mem>>) src(%dma_wait3A_223 : memref<80xi32, #tpu.memory_space<hbm>>) dst(%arg14 : memref<80xi32, #tpu.memory_space<vmem>>)
      %dma_start3A_224 = arith.constant 0 : i32
      %dma_start3A_225 = arith.constant 0 : i32
      %dma_start3A_226 = tpu.memref_slice %arg6[%dma_start3A_224, %dma_start3A_225] : memref<10240x128xf32, #tpu.memory_space<vmem_shared>> -> memref<10240x128xf32, #tpu.memory_space<vmem_shared>>
      tpu.enqueue_indirect_dma source(%arg18 : memref<80x128xf32, #tpu.memory_space<vmem>>) target(%dma_start3A_226 : memref<10240x128xf32, #tpu.memory_space<vmem_shared>>) offsets(%arg14 : memref<80xi32, #tpu.memory_space<vmem>>) semaphore(%arg27 : memref<!tpu.dma_semaphore, #tpu.memory_space<semaphore_mem>>) {add = true}
      %ge3A_227 = arith.constant 1 : i32
      %ge3A_228 = arith.cmpi sge, %add3A_209, %ge3A_227 : i32
      %convert_element_type3A_229 = arith.extui %ge3A_228 : i1 to i32
      %cond3A_230 = arith.constant 0 : i32
      %cond3A_231 = arith.cmpi ne, %convert_element_type3A_229, %cond3A_230 : i32
      scf.if %cond3A_231 {
        %dma_wait3A_242 = arith.constant 0 : i32
        %dma_wait3A_243 = arith.constant 0 : i32
        %dma_wait3A_244 = tpu.memref_slice %arg6[%dma_wait3A_242, %dma_wait3A_243] : memref<10240x128xf32, #tpu.memory_space<vmem_shared>> -> memref<10240x128xf32, #tpu.memory_space<vmem_shared>>
        tpu.wait_indirect_dma semaphore(%arg26 : memref<!tpu.dma_semaphore, #tpu.memory_space<semaphore_mem>>) src(%arg17 : memref<80x128xf32, #tpu.memory_space<vmem>>) dst(%dma_wait3A_244 : memref<10240x128xf32, #tpu.memory_space<vmem_shared>>)
        %sub3A_245 = arith.constant 1 : i32
        %sub3A_246 = arith.subi %add3A_209, %sub3A_245 : i32
        %add3A_247 = arith.constant 4 : i32
        %add3A_248 = arith.addi %sub3A_246, %add3A_247 : i32
        %lt3A_249 = arith.constant 125 : i32
        %lt3A_250 = arith.cmpi slt, %add3A_248, %lt3A_249 : i32
        %convert_element_type3A_251 = arith.extui %lt3A_250 : i1 to i32
        %cond3A_252 = arith.constant 0 : i32
        %cond3A_253 = arith.cmpi ne, %convert_element_type3A_251, %cond3A_252 : i32
        scf.if %cond3A_253 {
          %sub3A_254 = arith.constant 1 : i32
          %sub3A_255 = arith.subi %add3A_209, %sub3A_254 : i32
          %add3A_256 = arith.constant 4 : i32
          %add3A_257 = arith.addi %sub3A_255, %add3A_256 : i32
          %mul3A_258 = arith.constant 80 : i32
          %mul3A_259 = arith.muli %add3A_257, %mul3A_258 : i32
          %add3A_260 = arith.addi %mul3A_2, %mul3A_259 : i32
          %dma_start3A_261 = tpu.memref_slice %arg4[%add3A_260] : memref<320000xi32, #tpu.memory_space<hbm>> -> memref<80xi32, #tpu.memory_space<hbm>>
          %dma_start3A_262 = tpu.memref_slice %arg4[%add3A_260] : memref<320000xi32, #tpu.memory_space<hbm>> -> memref<80xi32, #tpu.memory_space<hbm>>
          tpu.enqueue_dma source(%dma_start3A_262 : memref<80xi32, #tpu.memory_space<hbm>>) target(%arg13 : memref<80xi32, #tpu.memory_space<vmem>>) target_semaphore(%arg34 : memref<!tpu.dma_semaphore, #tpu.memory_space<semaphore_mem>>)
        } else {
        }
      } else {
      }
      %add3A_232 = arith.constant 4 : i32
      %add3A_233 = arith.addi %add3A_209, %add3A_232 : i32
      %sub3A_234 = arith.constant 1 : i32
      %sub3A_235 = arith.subi %add3A_233, %sub3A_234 : i32
      %lt3A_236 = arith.constant 125 : i32
      %lt3A_237 = arith.cmpi slt, %sub3A_235, %lt3A_236 : i32
      %convert_element_type3A_238 = arith.extui %lt3A_237 : i1 to i32
      %cond3A_239 = arith.constant 0 : i32
      %cond3A_240 = arith.cmpi ne, %convert_element_type3A_238, %cond3A_239 : i32
      scf.if %cond3A_240 {
        %dma_wait3A_242 = arith.constant 0 : i32
        %dma_wait3A_243 = tpu.memref_slice %arg3[%dma_wait3A_242] : memref<320000xi32, #tpu.memory_space<hbm>> -> memref<80xi32, #tpu.memory_space<hbm>>
        %dma_wait3A_244 = arith.constant 0 : i32
        %dma_wait3A_245 = tpu.memref_slice %arg3[%dma_wait3A_244] : memref<320000xi32, #tpu.memory_space<hbm>> -> memref<80xi32, #tpu.memory_space<hbm>>
        tpu.wait_dma2 semaphore(%arg30 : memref<!tpu.dma_semaphore, #tpu.memory_space<semaphore_mem>>) src(%dma_wait3A_245 : memref<80xi32, #tpu.memory_space<hbm>>) dst(%arg9 : memref<80xi32, #tpu.memory_space<vmem>>)
        %add3A_246 = arith.constant 4 : i32
        %add3A_247 = arith.addi %add3A_209, %add3A_246 : i32
        %sub3A_248 = arith.constant 1 : i32
        %sub3A_249 = arith.subi %add3A_247, %sub3A_248 : i32
        %dma_start3A_250 = arith.constant 0 : i32
        %dma_start3A_251 = arith.constant 0 : i32
        %dma_start3A_252 = tpu.memref_slice %arg2[%dma_start3A_250, %dma_start3A_251] : memref<5120x128xf32, #tpu.memory_space<hbm>> -> memref<5120x128xf32, #tpu.memory_space<hbm>>
        tpu.enqueue_indirect_dma source(%dma_start3A_252 : memref<5120x128xf32, #tpu.memory_space<hbm>>) target(%arg17 : memref<80x128xf32, #tpu.memory_space<vmem>>) offsets(%arg9 : memref<80xi32, #tpu.memory_space<vmem>>) semaphore(%arg22 : memref<!tpu.dma_semaphore, #tpu.memory_space<semaphore_mem>>)
      } else {
      }
      %scan3A_241 = arith.constant 0 : i32
      scf.yield %scan3A_241 : i32
    }
    %scan3A_82 = arith.constant 31 : i32
    %dma_wait3A_83 = arith.constant 0 : i32
    %dma_wait3A_84 = arith.constant 0 : i32
    %dma_wait3A_85 = tpu.memref_slice %arg2[%dma_wait3A_83, %dma_wait3A_84] : memref<5120x128xf32, #tpu.memory_space<hbm>> -> memref<5120x128xf32, #tpu.memory_space<hbm>>
    tpu.wait_indirect_dma semaphore(%arg20 : memref<!tpu.dma_semaphore, #tpu.memory_space<semaphore_mem>>) src(%dma_wait3A_85 : memref<5120x128xf32, #tpu.memory_space<hbm>>) dst(%arg15 : memref<80x128xf32, #tpu.memory_space<vmem>>)
    %dma_wait3A_86 = arith.constant 0 : i32
    %dma_wait3A_87 = tpu.memref_slice %arg4[%dma_wait3A_86] : memref<320000xi32, #tpu.memory_space<hbm>> -> memref<80xi32, #tpu.memory_space<hbm>>
    %dma_wait3A_88 = arith.constant 0 : i32
    %dma_wait3A_89 = tpu.memref_slice %arg4[%dma_wait3A_88] : memref<320000xi32, #tpu.memory_space<hbm>> -> memref<80xi32, #tpu.memory_space<hbm>>
    tpu.wait_dma2 semaphore(%arg32 : memref<!tpu.dma_semaphore, #tpu.memory_space<semaphore_mem>>) src(%dma_wait3A_89 : memref<80xi32, #tpu.memory_space<hbm>>) dst(%arg11 : memref<80xi32, #tpu.memory_space<vmem>>)
    %dma_start3A_90 = arith.constant 0 : i32
    %dma_start3A_91 = arith.constant 0 : i32
    %dma_start3A_92 = tpu.memref_slice %arg6[%dma_start3A_90, %dma_start3A_91] : memref<10240x128xf32, #tpu.memory_space<vmem_shared>> -> memref<10240x128xf32, #tpu.memory_space<vmem_shared>>
    tpu.enqueue_indirect_dma source(%arg15 : memref<80x128xf32, #tpu.memory_space<vmem>>) target(%dma_start3A_92 : memref<10240x128xf32, #tpu.memory_space<vmem_shared>>) offsets(%arg11 : memref<80xi32, #tpu.memory_space<vmem>>) semaphore(%arg24 : memref<!tpu.dma_semaphore, #tpu.memory_space<semaphore_mem>>) {add = true}
    %dma_wait3A_93 = arith.constant 0 : i32
    %dma_wait3A_94 = arith.constant 0 : i32
    %dma_wait3A_95 = tpu.memref_slice %arg6[%dma_wait3A_93, %dma_wait3A_94] : memref<10240x128xf32, #tpu.memory_space<vmem_shared>> -> memref<10240x128xf32, #tpu.memory_space<vmem_shared>>
    tpu.wait_indirect_dma semaphore(%arg27 : memref<!tpu.dma_semaphore, #tpu.memory_space<semaphore_mem>>) src(%arg18 : memref<80x128xf32, #tpu.memory_space<vmem>>) dst(%dma_wait3A_95 : memref<10240x128xf32, #tpu.memory_space<vmem_shared>>)
    %dma_wait3A_96 = arith.constant 0 : i32
    %dma_wait3A_97 = arith.constant 0 : i32
    %dma_wait3A_98 = tpu.memref_slice %arg6[%dma_wait3A_96, %dma_wait3A_97] : memref<10240x128xf32, #tpu.memory_space<vmem_shared>> -> memref<10240x128xf32, #tpu.memory_space<vmem_shared>>
    tpu.wait_indirect_dma semaphore(%arg24 : memref<!tpu.dma_semaphore, #tpu.memory_space<semaphore_mem>>) src(%arg15 : memref<80x128xf32, #tpu.memory_space<vmem>>) dst(%dma_wait3A_98 : memref<10240x128xf32, #tpu.memory_space<vmem_shared>>)
    %barrier3A_99 = arith.constant 0 : index
    tpu.barrier barrier_id(%barrier3A_99)
    %mul3A_100 = arith.constant 640 : i32
    %mul3A_101 = arith.muli %arg1, %mul3A_100 : i32
    %mul3A_102 = arith.constant 640 : i32
    %mul3A_103 = arith.muli %arg1, %mul3A_102 : i32
    "tpu.region"() ({
      %run_scoped3A = tpu.sem_alloc : memref<!tpu.dma_semaphore, #tpu.memory_space<semaphore_mem>>
      %dma_start3A_104 = arith.constant 0 : i32
      %dma_start3A_105 = tpu.memref_slice %arg5[%arg0, %mul3A_103, %dma_start3A_104] : memref<2x10240x128xf32, #tpu.memory_space<hbm>> -> memref<1x640x128xf32, #tpu.memory_space<hbm>>
      %dma_start3A_106 = tpu.memref_squeeze %dma_start3A_105 : memref<1x640x128xf32, #tpu.memory_space<hbm>> -> memref<640x128xf32, #tpu.memory_space<hbm>>
      %dma_start3A_107 = arith.constant 0 : i32
      %dma_start3A_108 = tpu.memref_slice %arg6[%mul3A_101, %dma_start3A_107] : memref<10240x128xf32, #tpu.memory_space<vmem_shared>> -> memref<640x128xf32, #tpu.memory_space<vmem_shared>>
      tpu.enqueue_dma source(%dma_start3A_108 : memref<640x128xf32, #tpu.memory_space<vmem_shared>>) target(%dma_start3A_106 : memref<640x128xf32, #tpu.memory_space<hbm>>) target_semaphore(%run_scoped3A : memref<!tpu.dma_semaphore, #tpu.memory_space<semaphore_mem>>)
      %dma_wait3A_109 = arith.constant 0 : i32
      %dma_wait3A_110 = tpu.memref_slice %arg5[%arg0, %mul3A_103, %dma_wait3A_109] : memref<2x10240x128xf32, #tpu.memory_space<hbm>> -> memref<1x640x128xf32, #tpu.memory_space<hbm>>
      %dma_wait3A_111 = tpu.memref_squeeze %dma_wait3A_110 : memref<1x640x128xf32, #tpu.memory_space<hbm>> -> memref<640x128xf32, #tpu.memory_space<hbm>>
      %dma_wait3A_112 = arith.constant 0 : i32
      %dma_wait3A_113 = tpu.memref_slice %arg6[%mul3A_101, %dma_wait3A_112] : memref<10240x128xf32, #tpu.memory_space<vmem_shared>> -> memref<640x128xf32, #tpu.memory_space<vmem_shared>>
      tpu.wait_dma2 semaphore(%run_scoped3A : memref<!tpu.dma_semaphore, #tpu.memory_space<semaphore_mem>>) src(%dma_wait3A_113 : memref<640x128xf32, #tpu.memory_space<vmem_shared>>) dst(%dma_wait3A_111 : memref<640x128xf32, #tpu.memory_space<hbm>>)
      tpu.yield
    }) : () -> ()
    return
  }
}

#map = affine_map<(d0, d1) -> (0, 0)>
#map1 = affine_map<(d0, d1) -> (0)>
#map2 = affine_map<(d0, d1) -> (0, 0, 0)>
module attributes {stable_mosaic.version = 14 : i64} {
  func.func @_sc_stage_body(%arg0: i32, %arg1: i32, %arg2: memref<10240x128xf32, #tpu.memory_space<hbm>>, %arg3: memref<320000xi32, #tpu.memory_space<hbm>>, %arg4: memref<320000xi32, #tpu.memory_space<hbm>>, %arg5: memref<2x5120x128xf32, #tpu.memory_space<hbm>>, %arg6: memref<5120x128xf32, #tpu.memory_space<vmem_shared>>, %arg7: memref<80xi32, #tpu.memory_space<vmem>>, %arg8: memref<80xi32, #tpu.memory_space<vmem>>, %arg9: memref<80xi32, #tpu.memory_space<vmem>>, %arg10: memref<80xi32, #tpu.memory_space<vmem>>, %arg11: memref<80xi32, #tpu.memory_space<vmem>>, %arg12: memref<80xi32, #tpu.memory_space<vmem>>, %arg13: memref<80xi32, #tpu.memory_space<vmem>>, %arg14: memref<80xi32, #tpu.memory_space<vmem>>, %arg15: memref<80xi32, #tpu.memory_space<vmem>>, %arg16: memref<80xi32, #tpu.memory_space<vmem>>, %arg17: memref<80xi32, #tpu.memory_space<vmem>>, %arg18: memref<80xi32, #tpu.memory_space<vmem>>, %arg19: memref<80x128xf32, #tpu.memory_space<vmem>>, %arg20: memref<80x128xf32, #tpu.memory_space<vmem>>, %arg21: memref<80x128xf32, #tpu.memory_space<vmem>>, %arg22: memref<80x128xf32, #tpu.memory_space<vmem>>, %arg23: memref<80x128xf32, #tpu.memory_space<vmem>>, %arg24: memref<80x128xf32, #tpu.memory_space<vmem>>, %arg25: memref<8x128xf32, #tpu.memory_space<vmem>>, %arg26: memref<!tpu.dma_semaphore, #tpu.memory_space<semaphore_mem>>, %arg27: memref<!tpu.dma_semaphore, #tpu.memory_space<semaphore_mem>>, %arg28: memref<!tpu.dma_semaphore, #tpu.memory_space<semaphore_mem>>, %arg29: memref<!tpu.dma_semaphore, #tpu.memory_space<semaphore_mem>>, %arg30: memref<!tpu.dma_semaphore, #tpu.memory_space<semaphore_mem>>, %arg31: memref<!tpu.dma_semaphore, #tpu.memory_space<semaphore_mem>>, %arg32: memref<!tpu.dma_semaphore, #tpu.memory_space<semaphore_mem>>, %arg33: memref<!tpu.dma_semaphore, #tpu.memory_space<semaphore_mem>>, %arg34: memref<!tpu.dma_semaphore, #tpu.memory_space<semaphore_mem>>, %arg35: memref<!tpu.dma_semaphore, #tpu.memory_space<semaphore_mem>>, %arg36: memref<!tpu.dma_semaphore, #tpu.memory_space<semaphore_mem>>, %arg37: memref<!tpu.dma_semaphore, #tpu.memory_space<semaphore_mem>>, %arg38: memref<!tpu.dma_semaphore, #tpu.memory_space<semaphore_mem>>, %arg39: memref<!tpu.dma_semaphore, #tpu.memory_space<semaphore_mem>>, %arg40: memref<!tpu.dma_semaphore, #tpu.memory_space<semaphore_mem>>, %arg41: memref<!tpu.dma_semaphore, #tpu.memory_space<semaphore_mem>>, %arg42: memref<!tpu.dma_semaphore, #tpu.memory_space<semaphore_mem>>, %arg43: memref<!tpu.dma_semaphore, #tpu.memory_space<semaphore_mem>>, %arg44: memref<!tpu.dma_semaphore, #tpu.memory_space<semaphore_mem>>, %arg45: memref<!tpu.dma_semaphore, #tpu.memory_space<semaphore_mem>>, %arg46: memref<!tpu.dma_semaphore, #tpu.memory_space<semaphore_mem>>, %arg47: memref<!tpu.dma_semaphore, #tpu.memory_space<semaphore_mem>>, %arg48: memref<!tpu.dma_semaphore, #tpu.memory_space<semaphore_mem>>, %arg49: memref<!tpu.dma_semaphore, #tpu.memory_space<semaphore_mem>>) attributes {dimension_semantics = [#tpu.dimension_semantics<core_parallel>, #tpu.dimension_semantics<subcore_parallel>], iteration_bounds = array<i64: 2, 16>, scalar_prefetch = 0 : i64, scratch_operands = 44 : i64, tpu.core_type = #tpu.core_type<sc_vector_subcore>, window_params = [{transform_indices = #map}, {transform_indices = #map1}, {transform_indices = #map1}, {transform_indices = #map2}]} {
    %mul3A = arith.constant 16 : i32
    %mul3A_0 = arith.muli %arg0, %mul3A : i32
    %add3A = arith.addi %mul3A_0, %arg1 : i32
    %mul3A_1 = arith.constant 10000 : i32
    %mul3A_2 = arith.muli %add3A, %mul3A_1 : i32
    %add3A_3 = arith.constant 0 : i32
    %add3A_4 = arith.addi %mul3A_2, %add3A_3 : i32
    %dma_start3A = tpu.memref_slice %arg3[%add3A_4] : memref<320000xi32, #tpu.memory_space<hbm>> -> memref<80xi32, #tpu.memory_space<hbm>>
    %dma_start3A_5 = tpu.memref_slice %arg3[%add3A_4] : memref<320000xi32, #tpu.memory_space<hbm>> -> memref<80xi32, #tpu.memory_space<hbm>>
    tpu.enqueue_dma source(%dma_start3A_5 : memref<80xi32, #tpu.memory_space<hbm>>) target(%arg7 : memref<80xi32, #tpu.memory_space<vmem>>) target_semaphore(%arg38 : memref<!tpu.dma_semaphore, #tpu.memory_space<semaphore_mem>>)
    %add3A_6 = arith.constant 0 : i32
    %add3A_7 = arith.addi %mul3A_2, %add3A_6 : i32
    %dma_start3A_8 = tpu.memref_slice %arg4[%add3A_7] : memref<320000xi32, #tpu.memory_space<hbm>> -> memref<80xi32, #tpu.memory_space<hbm>>
    %dma_start3A_9 = tpu.memref_slice %arg4[%add3A_7] : memref<320000xi32, #tpu.memory_space<hbm>> -> memref<80xi32, #tpu.memory_space<hbm>>
    tpu.enqueue_dma source(%dma_start3A_9 : memref<80xi32, #tpu.memory_space<hbm>>) target(%arg13 : memref<80xi32, #tpu.memory_space<vmem>>) target_semaphore(%arg44 : memref<!tpu.dma_semaphore, #tpu.memory_space<semaphore_mem>>)
    %add3A_10 = arith.constant 80 : i32
    %add3A_11 = arith.addi %mul3A_2, %add3A_10 : i32
    %dma_start3A_12 = tpu.memref_slice %arg3[%add3A_11] : memref<320000xi32, #tpu.memory_space<hbm>> -> memref<80xi32, #tpu.memory_space<hbm>>
    %dma_start3A_13 = tpu.memref_slice %arg3[%add3A_11] : memref<320000xi32, #tpu.memory_space<hbm>> -> memref<80xi32, #tpu.memory_space<hbm>>
    tpu.enqueue_dma source(%dma_start3A_13 : memref<80xi32, #tpu.memory_space<hbm>>) target(%arg8 : memref<80xi32, #tpu.memory_space<vmem>>) target_semaphore(%arg39 : memref<!tpu.dma_semaphore, #tpu.memory_space<semaphore_mem>>)
    %add3A_14 = arith.constant 80 : i32
    %add3A_15 = arith.addi %mul3A_2, %add3A_14 : i32
    %dma_start3A_16 = tpu.memref_slice %arg4[%add3A_15] : memref<320000xi32, #tpu.memory_space<hbm>> -> memref<80xi32, #tpu.memory_space<hbm>>
    %dma_start3A_17 = tpu.memref_slice %arg4[%add3A_15] : memref<320000xi32, #tpu.memory_space<hbm>> -> memref<80xi32, #tpu.memory_space<hbm>>
    tpu.enqueue_dma source(%dma_start3A_17 : memref<80xi32, #tpu.memory_space<hbm>>) target(%arg14 : memref<80xi32, #tpu.memory_space<vmem>>) target_semaphore(%arg45 : memref<!tpu.dma_semaphore, #tpu.memory_space<semaphore_mem>>)
    %add3A_18 = arith.constant 160 : i32
    %add3A_19 = arith.addi %mul3A_2, %add3A_18 : i32
    %dma_start3A_20 = tpu.memref_slice %arg3[%add3A_19] : memref<320000xi32, #tpu.memory_space<hbm>> -> memref<80xi32, #tpu.memory_space<hbm>>
    %dma_start3A_21 = tpu.memref_slice %arg3[%add3A_19] : memref<320000xi32, #tpu.memory_space<hbm>> -> memref<80xi32, #tpu.memory_space<hbm>>
    tpu.enqueue_dma source(%dma_start3A_21 : memref<80xi32, #tpu.memory_space<hbm>>) target(%arg9 : memref<80xi32, #tpu.memory_space<vmem>>) target_semaphore(%arg40 : memref<!tpu.dma_semaphore, #tpu.memory_space<semaphore_mem>>)
    %add3A_22 = arith.constant 160 : i32
    %add3A_23 = arith.addi %mul3A_2, %add3A_22 : i32
    %dma_start3A_24 = tpu.memref_slice %arg4[%add3A_23] : memref<320000xi32, #tpu.memory_space<hbm>> -> memref<80xi32, #tpu.memory_space<hbm>>
    %dma_start3A_25 = tpu.memref_slice %arg4[%add3A_23] : memref<320000xi32, #tpu.memory_space<hbm>> -> memref<80xi32, #tpu.memory_space<hbm>>
    tpu.enqueue_dma source(%dma_start3A_25 : memref<80xi32, #tpu.memory_space<hbm>>) target(%arg15 : memref<80xi32, #tpu.memory_space<vmem>>) target_semaphore(%arg46 : memref<!tpu.dma_semaphore, #tpu.memory_space<semaphore_mem>>)
    %add3A_26 = arith.constant 240 : i32
    %add3A_27 = arith.addi %mul3A_2, %add3A_26 : i32
    %dma_start3A_28 = tpu.memref_slice %arg3[%add3A_27] : memref<320000xi32, #tpu.memory_space<hbm>> -> memref<80xi32, #tpu.memory_space<hbm>>
    %dma_start3A_29 = tpu.memref_slice %arg3[%add3A_27] : memref<320000xi32, #tpu.memory_space<hbm>> -> memref<80xi32, #tpu.memory_space<hbm>>
    tpu.enqueue_dma source(%dma_start3A_29 : memref<80xi32, #tpu.memory_space<hbm>>) target(%arg10 : memref<80xi32, #tpu.memory_space<vmem>>) target_semaphore(%arg41 : memref<!tpu.dma_semaphore, #tpu.memory_space<semaphore_mem>>)
    %add3A_30 = arith.constant 240 : i32
    %add3A_31 = arith.addi %mul3A_2, %add3A_30 : i32
    %dma_start3A_32 = tpu.memref_slice %arg4[%add3A_31] : memref<320000xi32, #tpu.memory_space<hbm>> -> memref<80xi32, #tpu.memory_space<hbm>>
    %dma_start3A_33 = tpu.memref_slice %arg4[%add3A_31] : memref<320000xi32, #tpu.memory_space<hbm>> -> memref<80xi32, #tpu.memory_space<hbm>>
    tpu.enqueue_dma source(%dma_start3A_33 : memref<80xi32, #tpu.memory_space<hbm>>) target(%arg16 : memref<80xi32, #tpu.memory_space<vmem>>) target_semaphore(%arg47 : memref<!tpu.dma_semaphore, #tpu.memory_space<semaphore_mem>>)
    %add3A_34 = arith.constant 320 : i32
    %add3A_35 = arith.addi %mul3A_2, %add3A_34 : i32
    %dma_start3A_36 = tpu.memref_slice %arg3[%add3A_35] : memref<320000xi32, #tpu.memory_space<hbm>> -> memref<80xi32, #tpu.memory_space<hbm>>
    %dma_start3A_37 = tpu.memref_slice %arg3[%add3A_35] : memref<320000xi32, #tpu.memory_space<hbm>> -> memref<80xi32, #tpu.memory_space<hbm>>
    tpu.enqueue_dma source(%dma_start3A_37 : memref<80xi32, #tpu.memory_space<hbm>>) target(%arg11 : memref<80xi32, #tpu.memory_space<vmem>>) target_semaphore(%arg42 : memref<!tpu.dma_semaphore, #tpu.memory_space<semaphore_mem>>)
    %add3A_38 = arith.constant 320 : i32
    %add3A_39 = arith.addi %mul3A_2, %add3A_38 : i32
    %dma_start3A_40 = tpu.memref_slice %arg4[%add3A_39] : memref<320000xi32, #tpu.memory_space<hbm>> -> memref<80xi32, #tpu.memory_space<hbm>>
    %dma_start3A_41 = tpu.memref_slice %arg4[%add3A_39] : memref<320000xi32, #tpu.memory_space<hbm>> -> memref<80xi32, #tpu.memory_space<hbm>>
    tpu.enqueue_dma source(%dma_start3A_41 : memref<80xi32, #tpu.memory_space<hbm>>) target(%arg17 : memref<80xi32, #tpu.memory_space<vmem>>) target_semaphore(%arg48 : memref<!tpu.dma_semaphore, #tpu.memory_space<semaphore_mem>>)
    %add3A_42 = arith.constant 400 : i32
    %add3A_43 = arith.addi %mul3A_2, %add3A_42 : i32
    %dma_start3A_44 = tpu.memref_slice %arg3[%add3A_43] : memref<320000xi32, #tpu.memory_space<hbm>> -> memref<80xi32, #tpu.memory_space<hbm>>
    %dma_start3A_45 = tpu.memref_slice %arg3[%add3A_43] : memref<320000xi32, #tpu.memory_space<hbm>> -> memref<80xi32, #tpu.memory_space<hbm>>
    tpu.enqueue_dma source(%dma_start3A_45 : memref<80xi32, #tpu.memory_space<hbm>>) target(%arg12 : memref<80xi32, #tpu.memory_space<vmem>>) target_semaphore(%arg43 : memref<!tpu.dma_semaphore, #tpu.memory_space<semaphore_mem>>)
    %add3A_46 = arith.constant 400 : i32
    %add3A_47 = arith.addi %mul3A_2, %add3A_46 : i32
    %dma_start3A_48 = tpu.memref_slice %arg4[%add3A_47] : memref<320000xi32, #tpu.memory_space<hbm>> -> memref<80xi32, #tpu.memory_space<hbm>>
    %dma_start3A_49 = tpu.memref_slice %arg4[%add3A_47] : memref<320000xi32, #tpu.memory_space<hbm>> -> memref<80xi32, #tpu.memory_space<hbm>>
    tpu.enqueue_dma source(%dma_start3A_49 : memref<80xi32, #tpu.memory_space<hbm>>) target(%arg18 : memref<80xi32, #tpu.memory_space<vmem>>) target_semaphore(%arg49 : memref<!tpu.dma_semaphore, #tpu.memory_space<semaphore_mem>>)
    %scan3A = arith.constant 0 : i32
    %scan3A_50 = arith.constant 0 : i32
    %scan3A_51 = arith.constant 8 : i32
    %scan3A_52 = arith.addi %scan3A_50, %scan3A_51 : i32
    %scan3A_53 = arith.constant 1 : i32
    %scan3A_54 = scf.for %scan3A_186 = %scan3A_50 to %scan3A_52 step %scan3A_53 iter_args(%scan3A_187 = %scan3A) -> (i32)  : i32 {
      %broadcast_in_dim3A = arith.constant 0.000000e+00 : f32
      %broadcast_in_dim3A_188 = vector.broadcast %broadcast_in_dim3A : f32 to vector<16xf32>
      %swap3A = arith.index_cast %scan3A_186 : i32 to index
      %swap3A_189 = arith.constant 0 : index
      %swap3A_190 = tpu.vector_load %arg25[%swap3A, %swap3A_189] {strides = array<i32>} : memref<8x128xf32, #tpu.memory_space<vmem>>, vector<1x16xf32>,
      %swap3A_191 = vector.shape_cast %swap3A_190 : vector<1x16xf32> to vector<16xf32>
      %swap3A_192 = vector.shape_cast %broadcast_in_dim3A_188 : vector<16xf32> to vector<1x16xf32>
      tpu.vector_store %arg25[%swap3A, %swap3A_189], %swap3A_192 {strides = array<i32>} : memref<8x128xf32, #tpu.memory_space<vmem>>, vector<1x16xf32>,
      %broadcast_in_dim3A_193 = arith.constant 0.000000e+00 : f32
      %broadcast_in_dim3A_194 = vector.broadcast %broadcast_in_dim3A_193 : f32 to vector<16xf32>
      %swap3A_195 = arith.index_cast %scan3A_186 : i32 to index
      %swap3A_196 = arith.constant 16 : index
      %swap3A_197 = tpu.vector_load %arg25[%swap3A_195, %swap3A_196] {strides = array<i32>} : memref<8x128xf32, #tpu.memory_space<vmem>>, vector<1x16xf32>,
      %swap3A_198 = vector.shape_cast %swap3A_197 : vector<1x16xf32> to vector<16xf32>
      %swap3A_199 = vector.shape_cast %broadcast_in_dim3A_194 : vector<16xf32> to vector<1x16xf32>
      tpu.vector_store %arg25[%swap3A_195, %swap3A_196], %swap3A_199 {strides = array<i32>} : memref<8x128xf32, #tpu.memory_space<vmem>>, vector<1x16xf32>,
      %broadcast_in_dim3A_200 = arith.constant 0.000000e+00 : f32
      %broadcast_in_dim3A_201 = vector.broadcast %broadcast_in_dim3A_200 : f32 to vector<16xf32>
      %swap3A_202 = arith.index_cast %scan3A_186 : i32 to index
      %swap3A_203 = arith.constant 32 : index
      %swap3A_204 = tpu.vector_load %arg25[%swap3A_202, %swap3A_203] {strides = array<i32>} : memref<8x128xf32, #tpu.memory_space<vmem>>, vector<1x16xf32>,
      %swap3A_205 = vector.shape_cast %swap3A_204 : vector<1x16xf32> to vector<16xf32>
      %swap3A_206 = vector.shape_cast %broadcast_in_dim3A_201 : vector<16xf32> to vector<1x16xf32>
      tpu.vector_store %arg25[%swap3A_202, %swap3A_203], %swap3A_206 {strides = array<i32>} : memref<8x128xf32, #tpu.memory_space<vmem>>, vector<1x16xf32>,
      %broadcast_in_dim3A_207 = arith.constant 0.000000e+00 : f32
      %broadcast_in_dim3A_208 = vector.broadcast %broadcast_in_dim3A_207 : f32 to vector<16xf32>
      %swap3A_209 = arith.index_cast %scan3A_186 : i32 to index
      %swap3A_210 = arith.constant 48 : index
      %swap3A_211 = tpu.vector_load %arg25[%swap3A_209, %swap3A_210] {strides = array<i32>} : memref<8x128xf32, #tpu.memory_space<vmem>>, vector<1x16xf32>,
      %swap3A_212 = vector.shape_cast %swap3A_211 : vector<1x16xf32> to vector<16xf32>
      %swap3A_213 = vector.shape_cast %broadcast_in_dim3A_208 : vector<16xf32> to vector<1x16xf32>
      tpu.vector_store %arg25[%swap3A_209, %swap3A_210], %swap3A_213 {strides = array<i32>} : memref<8x128xf32, #tpu.memory_space<vmem>>, vector<1x16xf32>,
      %broadcast_in_dim3A_214 = arith.constant 0.000000e+00 : f32
      %broadcast_in_dim3A_215 = vector.broadcast %broadcast_in_dim3A_214 : f32 to vector<16xf32>
      %swap3A_216 = arith.index_cast %scan3A_186 : i32 to index
      %swap3A_217 = arith.constant 64 : index
      %swap3A_218 = tpu.vector_load %arg25[%swap3A_216, %swap3A_217] {strides = array<i32>} : memref<8x128xf32, #tpu.memory_space<vmem>>, vector<1x16xf32>,
      %swap3A_219 = vector.shape_cast %swap3A_218 : vector<1x16xf32> to vector<16xf32>
      %swap3A_220 = vector.shape_cast %broadcast_in_dim3A_215 : vector<16xf32> to vector<1x16xf32>
      tpu.vector_store %arg25[%swap3A_216, %swap3A_217], %swap3A_220 {strides = array<i32>} : memref<8x128xf32, #tpu.memory_space<vmem>>, vector<1x16xf32>,
      %broadcast_in_dim3A_221 = arith.constant 0.000000e+00 : f32
      %broadcast_in_dim3A_222 = vector.broadcast %broadcast_in_dim3A_221 : f32 to vector<16xf32>
      %swap3A_223 = arith.index_cast %scan3A_186 : i32 to index
      %swap3A_224 = arith.constant 80 : index
      %swap3A_225 = tpu.vector_load %arg25[%swap3A_223, %swap3A_224] {strides = array<i32>} : memref<8x128xf32, #tpu.memory_space<vmem>>, vector<1x16xf32>,
      %swap3A_226 = vector.shape_cast %swap3A_225 : vector<1x16xf32> to vector<16xf32>
      %swap3A_227 = vector.shape_cast %broadcast_in_dim3A_222 : vector<16xf32> to vector<1x16xf32>
      tpu.vector_store %arg25[%swap3A_223, %swap3A_224], %swap3A_227 {strides = array<i32>} : memref<8x128xf32, #tpu.memory_space<vmem>>, vector<1x16xf32>,
      %broadcast_in_dim3A_228 = arith.constant 0.000000e+00 : f32
      %broadcast_in_dim3A_229 = vector.broadcast %broadcast_in_dim3A_228 : f32 to vector<16xf32>
      %swap3A_230 = arith.index_cast %scan3A_186 : i32 to index
      %swap3A_231 = arith.constant 96 : index
      %swap3A_232 = tpu.vector_load %arg25[%swap3A_230, %swap3A_231] {strides = array<i32>} : memref<8x128xf32, #tpu.memory_space<vmem>>, vector<1x16xf32>,
      %swap3A_233 = vector.shape_cast %swap3A_232 : vector<1x16xf32> to vector<16xf32>
      %swap3A_234 = vector.shape_cast %broadcast_in_dim3A_229 : vector<16xf32> to vector<1x16xf32>
      tpu.vector_store %arg25[%swap3A_230, %swap3A_231], %swap3A_234 {strides = array<i32>} : memref<8x128xf32, #tpu.memory_space<vmem>>, vector<1x16xf32>,
      %broadcast_in_dim3A_235 = arith.constant 0.000000e+00 : f32
      %broadcast_in_dim3A_236 = vector.broadcast %broadcast_in_dim3A_235 : f32 to vector<16xf32>
      %swap3A_237 = arith.index_cast %scan3A_186 : i32 to index
      %swap3A_238 = arith.constant 112 : index
      %swap3A_239 = tpu.vector_load %arg25[%swap3A_237, %swap3A_238] {strides = array<i32>} : memref<8x128xf32, #tpu.memory_space<vmem>>, vector<1x16xf32>,
      %swap3A_240 = vector.shape_cast %swap3A_239 : vector<1x16xf32> to vector<16xf32>
      %swap3A_241 = vector.shape_cast %broadcast_in_dim3A_236 : vector<16xf32> to vector<1x16xf32>
      tpu.vector_store %arg25[%swap3A_237, %swap3A_238], %swap3A_241 {strides = array<i32>} : memref<8x128xf32, #tpu.memory_space<vmem>>, vector<1x16xf32>,
      %scan3A_242 = arith.constant 0 : i32
      scf.yield %scan3A_242 : i32
    }
    %scan3A_55 = arith.constant 8 : i32
    %mul3A_56 = arith.constant 320 : i32
    %mul3A_57 = arith.muli %arg1, %mul3A_56 : i32
    %scan3A_58 = arith.constant 0 : i32
    %scan3A_59 = arith.constant 0 : i32
    %scan3A_60 = arith.constant 40 : i32
    %scan3A_61 = arith.addi %scan3A_59, %scan3A_60 : i32
    %scan3A_62 = arith.constant 1 : i32
    %scan3A_63 = scf.for %scan3A_186 = %scan3A_59 to %scan3A_61 step %scan3A_62 iter_args(%scan3A_187 = %scan3A_58) -> (i32)  : i32 {
      %mul3A_188 = arith.constant 8 : i32
      %mul3A_189 = arith.muli %scan3A_186, %mul3A_188 : i32
      %add3A_190 = arith.addi %mul3A_57, %mul3A_189 : i32
      %dma_start3A_191 = arith.constant 0 : i32
      %dma_start3A_192 = tpu.memref_slice %arg6[%add3A_190, %dma_start3A_191] : memref<5120x128xf32, #tpu.memory_space<vmem_shared>> -> memref<8x128xf32, #tpu.memory_space<vmem_shared>>
      %dma_start3A_193 = arith.constant 0 : i32
      %dma_start3A_194 = tpu.memref_slice %arg6[%add3A_190, %dma_start3A_193] : memref<5120x128xf32, #tpu.memory_space<vmem_shared>> -> memref<8x128xf32, #tpu.memory_space<vmem_shared>>
      tpu.enqueue_dma source(%arg25 : memref<8x128xf32, #tpu.memory_space<vmem>>) target(%dma_start3A_194 : memref<8x128xf32, #tpu.memory_space<vmem_shared>>) target_semaphore(%arg32 : memref<!tpu.dma_semaphore, #tpu.memory_space<semaphore_mem>>)
      %scan3A_195 = arith.constant 0 : i32
      scf.yield %scan3A_195 : i32
    }
    %scan3A_64 = arith.constant 40 : i32
    %scan3A_65 = arith.constant 0 : i32
    %scan3A_66 = arith.constant 0 : i32
    %scan3A_67 = arith.constant 40 : i32
    %scan3A_68 = arith.addi %scan3A_66, %scan3A_67 : i32
    %scan3A_69 = arith.constant 1 : i32
    %scan3A_70 = scf.for %scan3A_186 = %scan3A_66 to %scan3A_68 step %scan3A_69 iter_args(%scan3A_187 = %scan3A_65) -> (i32)  : i32 {
      %dma_wait3A_188 = arith.constant 0 : i32
      %dma_wait3A_189 = tpu.memref_slice %arg6[%mul3A_57, %dma_wait3A_188] : memref<5120x128xf32, #tpu.memory_space<vmem_shared>> -> memref<8x128xf32, #tpu.memory_space<vmem_shared>>
      %dma_wait3A_190 = arith.constant 0 : i32
      %dma_wait3A_191 = tpu.memref_slice %arg6[%mul3A_57, %dma_wait3A_190] : memref<5120x128xf32, #tpu.memory_space<vmem_shared>> -> memref<8x128xf32, #tpu.memory_space<vmem_shared>>
      tpu.wait_dma2 semaphore(%arg32 : memref<!tpu.dma_semaphore, #tpu.memory_space<semaphore_mem>>) src(%arg25 : memref<8x128xf32, #tpu.memory_space<vmem>>) dst(%dma_wait3A_191 : memref<8x128xf32, #tpu.memory_space<vmem_shared>>)
      %scan3A_192 = arith.constant 0 : i32
      scf.yield %scan3A_192 : i32
    }
    %scan3A_71 = arith.constant 40 : i32
    %barrier3A = arith.constant 0 : index
    tpu.barrier barrier_id(%barrier3A)
    %dma_wait3A = arith.constant 0 : i32
    %dma_wait3A_72 = tpu.memref_slice %arg3[%dma_wait3A] : memref<320000xi32, #tpu.memory_space<hbm>> -> memref<80xi32, #tpu.memory_space<hbm>>
    %dma_wait3A_73 = arith.constant 0 : i32
    %dma_wait3A_74 = tpu.memref_slice %arg3[%dma_wait3A_73] : memref<320000xi32, #tpu.memory_space<hbm>> -> memref<80xi32, #tpu.memory_space<hbm>>
    tpu.wait_dma2 semaphore(%arg38 : memref<!tpu.dma_semaphore, #tpu.memory_space<semaphore_mem>>) src(%dma_wait3A_74 : memref<80xi32, #tpu.memory_space<hbm>>) dst(%arg7 : memref<80xi32, #tpu.memory_space<vmem>>)
    %dma_start3A_75 = arith.constant 0 : i32
    %dma_start3A_76 = arith.constant 0 : i32
    %dma_start3A_77 = tpu.memref_slice %arg2[%dma_start3A_75, %dma_start3A_76] : memref<10240x128xf32, #tpu.memory_space<hbm>> -> memref<10240x128xf32, #tpu.memory_space<hbm>>
    tpu.enqueue_indirect_dma source(%dma_start3A_77 : memref<10240x128xf32, #tpu.memory_space<hbm>>) target(%arg19 : memref<80x128xf32, #tpu.memory_space<vmem>>) offsets(%arg7 : memref<80xi32, #tpu.memory_space<vmem>>) semaphore(%arg26 : memref<!tpu.dma_semaphore, #tpu.memory_space<semaphore_mem>>)
    %dma_wait3A_78 = arith.constant 0 : i32
    %dma_wait3A_79 = tpu.memref_slice %arg3[%dma_wait3A_78] : memref<320000xi32, #tpu.memory_space<hbm>> -> memref<80xi32, #tpu.memory_space<hbm>>
    %dma_wait3A_80 = arith.constant 0 : i32
    %dma_wait3A_81 = tpu.memref_slice %arg3[%dma_wait3A_80] : memref<320000xi32, #tpu.memory_space<hbm>> -> memref<80xi32, #tpu.memory_space<hbm>>
    tpu.wait_dma2 semaphore(%arg39 : memref<!tpu.dma_semaphore, #tpu.memory_space<semaphore_mem>>) src(%dma_wait3A_81 : memref<80xi32, #tpu.memory_space<hbm>>) dst(%arg8 : memref<80xi32, #tpu.memory_space<vmem>>)
    %dma_start3A_82 = arith.constant 0 : i32
    %dma_start3A_83 = arith.constant 0 : i32
    %dma_start3A_84 = tpu.memref_slice %arg2[%dma_start3A_82, %dma_start3A_83] : memref<10240x128xf32, #tpu.memory_space<hbm>> -> memref<10240x128xf32, #tpu.memory_space<hbm>>
    tpu.enqueue_indirect_dma source(%dma_start3A_84 : memref<10240x128xf32, #tpu.memory_space<hbm>>) target(%arg20 : memref<80x128xf32, #tpu.memory_space<vmem>>) offsets(%arg8 : memref<80xi32, #tpu.memory_space<vmem>>) semaphore(%arg27 : memref<!tpu.dma_semaphore, #tpu.memory_space<semaphore_mem>>)
    %dma_wait3A_85 = arith.constant 0 : i32
    %dma_wait3A_86 = tpu.memref_slice %arg3[%dma_wait3A_85] : memref<320000xi32, #tpu.memory_space<hbm>> -> memref<80xi32, #tpu.memory_space<hbm>>
    %dma_wait3A_87 = arith.constant 0 : i32
    %dma_wait3A_88 = tpu.memref_slice %arg3[%dma_wait3A_87] : memref<320000xi32, #tpu.memory_space<hbm>> -> memref<80xi32, #tpu.memory_space<hbm>>
    tpu.wait_dma2 semaphore(%arg40 : memref<!tpu.dma_semaphore, #tpu.memory_space<semaphore_mem>>) src(%dma_wait3A_88 : memref<80xi32, #tpu.memory_space<hbm>>) dst(%arg9 : memref<80xi32, #tpu.memory_space<vmem>>)
    %dma_start3A_89 = arith.constant 0 : i32
    %dma_start3A_90 = arith.constant 0 : i32
    %dma_start3A_91 = tpu.memref_slice %arg2[%dma_start3A_89, %dma_start3A_90] : memref<10240x128xf32, #tpu.memory_space<hbm>> -> memref<10240x128xf32, #tpu.memory_space<hbm>>
    tpu.enqueue_indirect_dma source(%dma_start3A_91 : memref<10240x128xf32, #tpu.memory_space<hbm>>) target(%arg21 : memref<80x128xf32, #tpu.memory_space<vmem>>) offsets(%arg9 : memref<80xi32, #tpu.memory_space<vmem>>) semaphore(%arg28 : memref<!tpu.dma_semaphore, #tpu.memory_space<semaphore_mem>>)
    %dma_wait3A_92 = arith.constant 0 : i32
    %dma_wait3A_93 = tpu.memref_slice %arg3[%dma_wait3A_92] : memref<320000xi32, #tpu.memory_space<hbm>> -> memref<80xi32, #tpu.memory_space<hbm>>
    %dma_wait3A_94 = arith.constant 0 : i32
    %dma_wait3A_95 = tpu.memref_slice %arg3[%dma_wait3A_94] : memref<320000xi32, #tpu.memory_space<hbm>> -> memref<80xi32, #tpu.memory_space<hbm>>
    tpu.wait_dma2 semaphore(%arg41 : memref<!tpu.dma_semaphore, #tpu.memory_space<semaphore_mem>>) src(%dma_wait3A_95 : memref<80xi32, #tpu.memory_space<hbm>>) dst(%arg10 : memref<80xi32, #tpu.memory_space<vmem>>)
    %dma_start3A_96 = arith.constant 0 : i32
    %dma_start3A_97 = arith.constant 0 : i32
    %dma_start3A_98 = tpu.memref_slice %arg2[%dma_start3A_96, %dma_start3A_97] : memref<10240x128xf32, #tpu.memory_space<hbm>> -> memref<10240x128xf32, #tpu.memory_space<hbm>>
    tpu.enqueue_indirect_dma source(%dma_start3A_98 : memref<10240x128xf32, #tpu.memory_space<hbm>>) target(%arg22 : memref<80x128xf32, #tpu.memory_space<vmem>>) offsets(%arg10 : memref<80xi32, #tpu.memory_space<vmem>>) semaphore(%arg29 : memref<!tpu.dma_semaphore, #tpu.memory_space<semaphore_mem>>)
    %dma_wait3A_99 = arith.constant 0 : i32
    %dma_wait3A_100 = tpu.memref_slice %arg3[%dma_wait3A_99] : memref<320000xi32, #tpu.memory_space<hbm>> -> memref<80xi32, #tpu.memory_space<hbm>>
    %dma_wait3A_101 = arith.constant 0 : i32
    %dma_wait3A_102 = tpu.memref_slice %arg3[%dma_wait3A_101] : memref<320000xi32, #tpu.memory_space<hbm>> -> memref<80xi32, #tpu.memory_space<hbm>>
    tpu.wait_dma2 semaphore(%arg42 : memref<!tpu.dma_semaphore, #tpu.memory_space<semaphore_mem>>) src(%dma_wait3A_102 : memref<80xi32, #tpu.memory_space<hbm>>) dst(%arg11 : memref<80xi32, #tpu.memory_space<vmem>>)
    %dma_start3A_103 = arith.constant 0 : i32
    %dma_start3A_104 = arith.constant 0 : i32
    %dma_start3A_105 = tpu.memref_slice %arg2[%dma_start3A_103, %dma_start3A_104] : memref<10240x128xf32, #tpu.memory_space<hbm>> -> memref<10240x128xf32, #tpu.memory_space<hbm>>
    tpu.enqueue_indirect_dma source(%dma_start3A_105 : memref<10240x128xf32, #tpu.memory_space<hbm>>) target(%arg23 : memref<80x128xf32, #tpu.memory_space<vmem>>) offsets(%arg11 : memref<80xi32, #tpu.memory_space<vmem>>) semaphore(%arg30 : memref<!tpu.dma_semaphore, #tpu.memory_space<semaphore_mem>>)
    %scan3A_106 = arith.constant 0 : i32
    %scan3A_107 = arith.constant 0 : i32
    %scan3A_108 = arith.constant 20 : i32
    %scan3A_109 = arith.addi %scan3A_107, %scan3A_108 : i32
    %scan3A_110 = arith.constant 1 : i32
    %scan3A_111 = scf.for %scan3A_186 = %scan3A_107 to %scan3A_109 step %scan3A_110 iter_args(%scan3A_187 = %scan3A_106) -> (i32)  : i32 {
      %mul3A_188 = arith.constant 6 : i32
      %mul3A_189 = arith.muli %scan3A_186, %mul3A_188 : i32
      %add3A_190 = arith.constant 0 : i32
      %add3A_191 = arith.addi %mul3A_189, %add3A_190 : i32
      %dma_wait3A_192 = arith.constant 0 : i32
      %dma_wait3A_193 = arith.constant 0 : i32
      %dma_wait3A_194 = tpu.memref_slice %arg2[%dma_wait3A_192, %dma_wait3A_193] : memref<10240x128xf32, #tpu.memory_space<hbm>> -> memref<10240x128xf32, #tpu.memory_space<hbm>>
      tpu.wait_indirect_dma semaphore(%arg26 : memref<!tpu.dma_semaphore, #tpu.memory_space<semaphore_mem>>) src(%dma_wait3A_194 : memref<10240x128xf32, #tpu.memory_space<hbm>>) dst(%arg19 : memref<80x128xf32, #tpu.memory_space<vmem>>)
      %add3A_195 = arith.constant 6 : i32
      %add3A_196 = arith.addi %add3A_191, %add3A_195 : i32
      %lt3A = arith.constant 125 : i32
      %lt3A_197 = arith.cmpi slt, %add3A_196, %lt3A : i32
      %convert_element_type3A = arith.extui %lt3A_197 : i1 to i32
      %cond3A = arith.constant 0 : i32
      %cond3A_198 = arith.cmpi ne, %convert_element_type3A, %cond3A : i32
      scf.if %cond3A_198 {
        %add3A_394 = arith.constant 6 : i32
        %add3A_395 = arith.addi %add3A_191, %add3A_394 : i32
        %mul3A_396 = arith.constant 80 : i32
        %mul3A_397 = arith.muli %add3A_395, %mul3A_396 : i32
        %add3A_398 = arith.addi %mul3A_2, %mul3A_397 : i32
        %dma_start3A_399 = tpu.memref_slice %arg3[%add3A_398] : memref<320000xi32, #tpu.memory_space<hbm>> -> memref<80xi32, #tpu.memory_space<hbm>>
        %dma_start3A_400 = tpu.memref_slice %arg3[%add3A_398] : memref<320000xi32, #tpu.memory_space<hbm>> -> memref<80xi32, #tpu.memory_space<hbm>>
        tpu.enqueue_dma source(%dma_start3A_400 : memref<80xi32, #tpu.memory_space<hbm>>) target(%arg7 : memref<80xi32, #tpu.memory_space<vmem>>) target_semaphore(%arg38 : memref<!tpu.dma_semaphore, #tpu.memory_space<semaphore_mem>>)
      } else {
      }
      %dma_wait3A_199 = arith.constant 0 : i32
      %dma_wait3A_200 = tpu.memref_slice %arg4[%dma_wait3A_199] : memref<320000xi32, #tpu.memory_space<hbm>> -> memref<80xi32, #tpu.memory_space<hbm>>
      %dma_wait3A_201 = arith.constant 0 : i32
      %dma_wait3A_202 = tpu.memref_slice %arg4[%dma_wait3A_201] : memref<320000xi32, #tpu.memory_space<hbm>> -> memref<80xi32, #tpu.memory_space<hbm>>
      tpu.wait_dma2 semaphore(%arg44 : memref<!tpu.dma_semaphore, #tpu.memory_space<semaphore_mem>>) src(%dma_wait3A_202 : memref<80xi32, #tpu.memory_space<hbm>>) dst(%arg13 : memref<80xi32, #tpu.memory_space<vmem>>)
      %dma_start3A_203 = arith.constant 0 : i32
      %dma_start3A_204 = arith.constant 0 : i32
      %dma_start3A_205 = tpu.memref_slice %arg6[%dma_start3A_203, %dma_start3A_204] : memref<5120x128xf32, #tpu.memory_space<vmem_shared>> -> memref<5120x128xf32, #tpu.memory_space<vmem_shared>>
      tpu.enqueue_indirect_dma source(%arg19 : memref<80x128xf32, #tpu.memory_space<vmem>>) target(%dma_start3A_205 : memref<5120x128xf32, #tpu.memory_space<vmem_shared>>) offsets(%arg13 : memref<80xi32, #tpu.memory_space<vmem>>) semaphore(%arg32 : memref<!tpu.dma_semaphore, #tpu.memory_space<semaphore_mem>>) {add = true}
      %ge3A = arith.constant 1 : i32
      %ge3A_206 = arith.cmpi sge, %add3A_191, %ge3A : i32
      %convert_element_type3A_207 = arith.extui %ge3A_206 : i1 to i32
      %cond3A_208 = arith.constant 0 : i32
      %cond3A_209 = arith.cmpi ne, %convert_element_type3A_207, %cond3A_208 : i32
      scf.if %cond3A_209 {
        %dma_wait3A_394 = arith.constant 0 : i32
        %dma_wait3A_395 = arith.constant 0 : i32
        %dma_wait3A_396 = tpu.memref_slice %arg6[%dma_wait3A_394, %dma_wait3A_395] : memref<5120x128xf32, #tpu.memory_space<vmem_shared>> -> memref<5120x128xf32, #tpu.memory_space<vmem_shared>>
        tpu.wait_indirect_dma semaphore(%arg37 : memref<!tpu.dma_semaphore, #tpu.memory_space<semaphore_mem>>) src(%arg24 : memref<80x128xf32, #tpu.memory_space<vmem>>) dst(%dma_wait3A_396 : memref<5120x128xf32, #tpu.memory_space<vmem_shared>>)
        %sub3A_397 = arith.constant 1 : i32
        %sub3A_398 = arith.subi %add3A_191, %sub3A_397 : i32
        %add3A_399 = arith.constant 6 : i32
        %add3A_400 = arith.addi %sub3A_398, %add3A_399 : i32
        %lt3A_401 = arith.constant 125 : i32
        %lt3A_402 = arith.cmpi slt, %add3A_400, %lt3A_401 : i32
        %convert_element_type3A_403 = arith.extui %lt3A_402 : i1 to i32
        %cond3A_404 = arith.constant 0 : i32
        %cond3A_405 = arith.cmpi ne, %convert_element_type3A_403, %cond3A_404 : i32
        scf.if %cond3A_405 {
          %sub3A_406 = arith.constant 1 : i32
          %sub3A_407 = arith.subi %add3A_191, %sub3A_406 : i32
          %add3A_408 = arith.constant 6 : i32
          %add3A_409 = arith.addi %sub3A_407, %add3A_408 : i32
          %mul3A_410 = arith.constant 80 : i32
          %mul3A_411 = arith.muli %add3A_409, %mul3A_410 : i32
          %add3A_412 = arith.addi %mul3A_2, %mul3A_411 : i32
          %dma_start3A_413 = tpu.memref_slice %arg4[%add3A_412] : memref<320000xi32, #tpu.memory_space<hbm>> -> memref<80xi32, #tpu.memory_space<hbm>>
          %dma_start3A_414 = tpu.memref_slice %arg4[%add3A_412] : memref<320000xi32, #tpu.memory_space<hbm>> -> memref<80xi32, #tpu.memory_space<hbm>>
          tpu.enqueue_dma source(%dma_start3A_414 : memref<80xi32, #tpu.memory_space<hbm>>) target(%arg18 : memref<80xi32, #tpu.memory_space<vmem>>) target_semaphore(%arg49 : memref<!tpu.dma_semaphore, #tpu.memory_space<semaphore_mem>>)
        } else {
        }
      } else {
      }
      %add3A_210 = arith.constant 6 : i32
      %add3A_211 = arith.addi %add3A_191, %add3A_210 : i32
      %sub3A = arith.constant 1 : i32
      %sub3A_212 = arith.subi %add3A_211, %sub3A : i32
      %lt3A_213 = arith.constant 125 : i32
      %lt3A_214 = arith.cmpi slt, %sub3A_212, %lt3A_213 : i32
      %convert_element_type3A_215 = arith.extui %lt3A_214 : i1 to i32
      %cond3A_216 = arith.constant 0 : i32
      %cond3A_217 = arith.cmpi ne, %convert_element_type3A_215, %cond3A_216 : i32
      scf.if %cond3A_217 {
        %dma_wait3A_394 = arith.constant 0 : i32
        %dma_wait3A_395 = tpu.memref_slice %arg3[%dma_wait3A_394] : memref<320000xi32, #tpu.memory_space<hbm>> -> memref<80xi32, #tpu.memory_space<hbm>>
        %dma_wait3A_396 = arith.constant 0 : i32
        %dma_wait3A_397 = tpu.memref_slice %arg3[%dma_wait3A_396] : memref<320000xi32, #tpu.memory_space<hbm>> -> memref<80xi32, #tpu.memory_space<hbm>>
        tpu.wait_dma2 semaphore(%arg43 : memref<!tpu.dma_semaphore, #tpu.memory_space<semaphore_mem>>) src(%dma_wait3A_397 : memref<80xi32, #tpu.memory_space<hbm>>) dst(%arg12 : memref<80xi32, #tpu.memory_space<vmem>>)
        %add3A_398 = arith.constant 6 : i32
        %add3A_399 = arith.addi %add3A_191, %add3A_398 : i32
        %sub3A_400 = arith.constant 1 : i32
        %sub3A_401 = arith.subi %add3A_399, %sub3A_400 : i32
        %dma_start3A_402 = arith.constant 0 : i32
        %dma_start3A_403 = arith.constant 0 : i32
        %dma_start3A_404 = tpu.memref_slice %arg2[%dma_start3A_402, %dma_start3A_403] : memref<10240x128xf32, #tpu.memory_space<hbm>> -> memref<10240x128xf32, #tpu.memory_space<hbm>>
        tpu.enqueue_indirect_dma source(%dma_start3A_404 : memref<10240x128xf32, #tpu.memory_space<hbm>>) target(%arg24 : memref<80x128xf32, #tpu.memory_space<vmem>>) offsets(%arg12 : memref<80xi32, #tpu.memory_space<vmem>>) semaphore(%arg31 : memref<!tpu.dma_semaphore, #tpu.memory_space<semaphore_mem>>)
      } else {
      }
      %mul3A_218 = arith.constant 6 : i32
      %mul3A_219 = arith.muli %scan3A_186, %mul3A_218 : i32
      %add3A_220 = arith.constant 1 : i32
      %add3A_221 = arith.addi %mul3A_219, %add3A_220 : i32
      %dma_wait3A_222 = arith.constant 0 : i32
      %dma_wait3A_223 = arith.constant 0 : i32
      %dma_wait3A_224 = tpu.memref_slice %arg2[%dma_wait3A_222, %dma_wait3A_223] : memref<10240x128xf32, #tpu.memory_space<hbm>> -> memref<10240x128xf32, #tpu.memory_space<hbm>>
      tpu.wait_indirect_dma semaphore(%arg27 : memref<!tpu.dma_semaphore, #tpu.memory_space<semaphore_mem>>) src(%dma_wait3A_224 : memref<10240x128xf32, #tpu.memory_space<hbm>>) dst(%arg20 : memref<80x128xf32, #tpu.memory_space<vmem>>)
      %add3A_225 = arith.constant 6 : i32
      %add3A_226 = arith.addi %add3A_221, %add3A_225 : i32
      %lt3A_227 = arith.constant 125 : i32
      %lt3A_228 = arith.cmpi slt, %add3A_226, %lt3A_227 : i32
      %convert_element_type3A_229 = arith.extui %lt3A_228 : i1 to i32
      %cond3A_230 = arith.constant 0 : i32
      %cond3A_231 = arith.cmpi ne, %convert_element_type3A_229, %cond3A_230 : i32
      scf.if %cond3A_231 {
        %add3A_394 = arith.constant 6 : i32
        %add3A_395 = arith.addi %add3A_221, %add3A_394 : i32
        %mul3A_396 = arith.constant 80 : i32
        %mul3A_397 = arith.muli %add3A_395, %mul3A_396 : i32
        %add3A_398 = arith.addi %mul3A_2, %mul3A_397 : i32
        %dma_start3A_399 = tpu.memref_slice %arg3[%add3A_398] : memref<320000xi32, #tpu.memory_space<hbm>> -> memref<80xi32, #tpu.memory_space<hbm>>
        %dma_start3A_400 = tpu.memref_slice %arg3[%add3A_398] : memref<320000xi32, #tpu.memory_space<hbm>> -> memref<80xi32, #tpu.memory_space<hbm>>
        tpu.enqueue_dma source(%dma_start3A_400 : memref<80xi32, #tpu.memory_space<hbm>>) target(%arg8 : memref<80xi32, #tpu.memory_space<vmem>>) target_semaphore(%arg39 : memref<!tpu.dma_semaphore, #tpu.memory_space<semaphore_mem>>)
      } else {
      }
      %dma_wait3A_232 = arith.constant 0 : i32
      %dma_wait3A_233 = tpu.memref_slice %arg4[%dma_wait3A_232] : memref<320000xi32, #tpu.memory_space<hbm>> -> memref<80xi32, #tpu.memory_space<hbm>>
      %dma_wait3A_234 = arith.constant 0 : i32
      %dma_wait3A_235 = tpu.memref_slice %arg4[%dma_wait3A_234] : memref<320000xi32, #tpu.memory_space<hbm>> -> memref<80xi32, #tpu.memory_space<hbm>>
      tpu.wait_dma2 semaphore(%arg45 : memref<!tpu.dma_semaphore, #tpu.memory_space<semaphore_mem>>) src(%dma_wait3A_235 : memref<80xi32, #tpu.memory_space<hbm>>) dst(%arg14 : memref<80xi32, #tpu.memory_space<vmem>>)
      %dma_start3A_236 = arith.constant 0 : i32
      %dma_start3A_237 = arith.constant 0 : i32
      %dma_start3A_238 = tpu.memref_slice %arg6[%dma_start3A_236, %dma_start3A_237] : memref<5120x128xf32, #tpu.memory_space<vmem_shared>> -> memref<5120x128xf32, #tpu.memory_space<vmem_shared>>
      tpu.enqueue_indirect_dma source(%arg20 : memref<80x128xf32, #tpu.memory_space<vmem>>) target(%dma_start3A_238 : memref<5120x128xf32, #tpu.memory_space<vmem_shared>>) offsets(%arg14 : memref<80xi32, #tpu.memory_space<vmem>>) semaphore(%arg33 : memref<!tpu.dma_semaphore, #tpu.memory_space<semaphore_mem>>) {add = true}
      %ge3A_239 = arith.constant 1 : i32
      %ge3A_240 = arith.cmpi sge, %add3A_221, %ge3A_239 : i32
      %convert_element_type3A_241 = arith.extui %ge3A_240 : i1 to i32
      %cond3A_242 = arith.constant 0 : i32
      %cond3A_243 = arith.cmpi ne, %convert_element_type3A_241, %cond3A_242 : i32
      scf.if %cond3A_243 {
        %dma_wait3A_394 = arith.constant 0 : i32
        %dma_wait3A_395 = arith.constant 0 : i32
        %dma_wait3A_396 = tpu.memref_slice %arg6[%dma_wait3A_394, %dma_wait3A_395] : memref<5120x128xf32, #tpu.memory_space<vmem_shared>> -> memref<5120x128xf32, #tpu.memory_space<vmem_shared>>
        tpu.wait_indirect_dma semaphore(%arg32 : memref<!tpu.dma_semaphore, #tpu.memory_space<semaphore_mem>>) src(%arg19 : memref<80x128xf32, #tpu.memory_space<vmem>>) dst(%dma_wait3A_396 : memref<5120x128xf32, #tpu.memory_space<vmem_shared>>)
        %sub3A_397 = arith.constant 1 : i32
        %sub3A_398 = arith.subi %add3A_221, %sub3A_397 : i32
        %add3A_399 = arith.constant 6 : i32
        %add3A_400 = arith.addi %sub3A_398, %add3A_399 : i32
        %lt3A_401 = arith.constant 125 : i32
        %lt3A_402 = arith.cmpi slt, %add3A_400, %lt3A_401 : i32
        %convert_element_type3A_403 = arith.extui %lt3A_402 : i1 to i32
        %cond3A_404 = arith.constant 0 : i32
        %cond3A_405 = arith.cmpi ne, %convert_element_type3A_403, %cond3A_404 : i32
        scf.if %cond3A_405 {
          %sub3A_406 = arith.constant 1 : i32
          %sub3A_407 = arith.subi %add3A_221, %sub3A_406 : i32
          %add3A_408 = arith.constant 6 : i32
          %add3A_409 = arith.addi %sub3A_407, %add3A_408 : i32
          %mul3A_410 = arith.constant 80 : i32
          %mul3A_411 = arith.muli %add3A_409, %mul3A_410 : i32
          %add3A_412 = arith.addi %mul3A_2, %mul3A_411 : i32
          %dma_start3A_413 = tpu.memref_slice %arg4[%add3A_412] : memref<320000xi32, #tpu.memory_space<hbm>> -> memref<80xi32, #tpu.memory_space<hbm>>
          %dma_start3A_414 = tpu.memref_slice %arg4[%add3A_412] : memref<320000xi32, #tpu.memory_space<hbm>> -> memref<80xi32, #tpu.memory_space<hbm>>
          tpu.enqueue_dma source(%dma_start3A_414 : memref<80xi32, #tpu.memory_space<hbm>>) target(%arg13 : memref<80xi32, #tpu.memory_space<vmem>>) target_semaphore(%arg44 : memref<!tpu.dma_semaphore, #tpu.memory_space<semaphore_mem>>)
        } else {
        }
      } else {
      }
      %add3A_244 = arith.constant 6 : i32
      %add3A_245 = arith.addi %add3A_221, %add3A_244 : i32
      %sub3A_246 = arith.constant 1 : i32
      %sub3A_247 = arith.subi %add3A_245, %sub3A_246 : i32
      %lt3A_248 = arith.constant 125 : i32
      %lt3A_249 = arith.cmpi slt, %sub3A_247, %lt3A_248 : i32
      %convert_element_type3A_250 = arith.extui %lt3A_249 : i1 to i32
      %cond3A_251 = arith.constant 0 : i32
      %cond3A_252 = arith.cmpi ne, %convert_element_type3A_250, %cond3A_251 : i32
      scf.if %cond3A_252 {
        %dma_wait3A_394 = arith.constant 0 : i32
        %dma_wait3A_395 = tpu.memref_slice %arg3[%dma_wait3A_394] : memref<320000xi32, #tpu.memory_space<hbm>> -> memref<80xi32, #tpu.memory_space<hbm>>
        %dma_wait3A_396 = arith.constant 0 : i32
        %dma_wait3A_397 = tpu.memref_slice %arg3[%dma_wait3A_396] : memref<320000xi32, #tpu.memory_space<hbm>> -> memref<80xi32, #tpu.memory_space<hbm>>
        tpu.wait_dma2 semaphore(%arg38 : memref<!tpu.dma_semaphore, #tpu.memory_space<semaphore_mem>>) src(%dma_wait3A_397 : memref<80xi32, #tpu.memory_space<hbm>>) dst(%arg7 : memref<80xi32, #tpu.memory_space<vmem>>)
        %add3A_398 = arith.constant 6 : i32
        %add3A_399 = arith.addi %add3A_221, %add3A_398 : i32
        %sub3A_400 = arith.constant 1 : i32
        %sub3A_401 = arith.subi %add3A_399, %sub3A_400 : i32
        %dma_start3A_402 = arith.constant 0 : i32
        %dma_start3A_403 = arith.constant 0 : i32
        %dma_start3A_404 = tpu.memref_slice %arg2[%dma_start3A_402, %dma_start3A_403] : memref<10240x128xf32, #tpu.memory_space<hbm>> -> memref<10240x128xf32, #tpu.memory_space<hbm>>
        tpu.enqueue_indirect_dma source(%dma_start3A_404 : memref<10240x128xf32, #tpu.memory_space<hbm>>) target(%arg19 : memref<80x128xf32, #tpu.memory_space<vmem>>) offsets(%arg7 : memref<80xi32, #tpu.memory_space<vmem>>) semaphore(%arg26 : memref<!tpu.dma_semaphore, #tpu.memory_space<semaphore_mem>>)
      } else {
      }
      %mul3A_253 = arith.constant 6 : i32
      %mul3A_254 = arith.muli %scan3A_186, %mul3A_253 : i32
      %add3A_255 = arith.constant 2 : i32
      %add3A_256 = arith.addi %mul3A_254, %add3A_255 : i32
      %dma_wait3A_257 = arith.constant 0 : i32
      %dma_wait3A_258 = arith.constant 0 : i32
      %dma_wait3A_259 = tpu.memref_slice %arg2[%dma_wait3A_257, %dma_wait3A_258] : memref<10240x128xf32, #tpu.memory_space<hbm>> -> memref<10240x128xf32, #tpu.memory_space<hbm>>
      tpu.wait_indirect_dma semaphore(%arg28 : memref<!tpu.dma_semaphore, #tpu.memory_space<semaphore_mem>>) src(%dma_wait3A_259 : memref<10240x128xf32, #tpu.memory_space<hbm>>) dst(%arg21 : memref<80x128xf32, #tpu.memory_space<vmem>>)
      %add3A_260 = arith.constant 6 : i32
      %add3A_261 = arith.addi %add3A_256, %add3A_260 : i32
      %lt3A_262 = arith.constant 125 : i32
      %lt3A_263 = arith.cmpi slt, %add3A_261, %lt3A_262 : i32
      %convert_element_type3A_264 = arith.extui %lt3A_263 : i1 to i32
      %cond3A_265 = arith.constant 0 : i32
      %cond3A_266 = arith.cmpi ne, %convert_element_type3A_264, %cond3A_265 : i32
      scf.if %cond3A_266 {
        %add3A_394 = arith.constant 6 : i32
        %add3A_395 = arith.addi %add3A_256, %add3A_394 : i32
        %mul3A_396 = arith.constant 80 : i32
        %mul3A_397 = arith.muli %add3A_395, %mul3A_396 : i32
        %add3A_398 = arith.addi %mul3A_2, %mul3A_397 : i32
        %dma_start3A_399 = tpu.memref_slice %arg3[%add3A_398] : memref<320000xi32, #tpu.memory_space<hbm>> -> memref<80xi32, #tpu.memory_space<hbm>>
        %dma_start3A_400 = tpu.memref_slice %arg3[%add3A_398] : memref<320000xi32, #tpu.memory_space<hbm>> -> memref<80xi32, #tpu.memory_space<hbm>>
        tpu.enqueue_dma source(%dma_start3A_400 : memref<80xi32, #tpu.memory_space<hbm>>) target(%arg9 : memref<80xi32, #tpu.memory_space<vmem>>) target_semaphore(%arg40 : memref<!tpu.dma_semaphore, #tpu.memory_space<semaphore_mem>>)
      } else {
      }
      %dma_wait3A_267 = arith.constant 0 : i32
      %dma_wait3A_268 = tpu.memref_slice %arg4[%dma_wait3A_267] : memref<320000xi32, #tpu.memory_space<hbm>> -> memref<80xi32, #tpu.memory_space<hbm>>
      %dma_wait3A_269 = arith.constant 0 : i32
      %dma_wait3A_270 = tpu.memref_slice %arg4[%dma_wait3A_269] : memref<320000xi32, #tpu.memory_space<hbm>> -> memref<80xi32, #tpu.memory_space<hbm>>
      tpu.wait_dma2 semaphore(%arg46 : memref<!tpu.dma_semaphore, #tpu.memory_space<semaphore_mem>>) src(%dma_wait3A_270 : memref<80xi32, #tpu.memory_space<hbm>>) dst(%arg15 : memref<80xi32, #tpu.memory_space<vmem>>)
      %dma_start3A_271 = arith.constant 0 : i32
      %dma_start3A_272 = arith.constant 0 : i32
      %dma_start3A_273 = tpu.memref_slice %arg6[%dma_start3A_271, %dma_start3A_272] : memref<5120x128xf32, #tpu.memory_space<vmem_shared>> -> memref<5120x128xf32, #tpu.memory_space<vmem_shared>>
      tpu.enqueue_indirect_dma source(%arg21 : memref<80x128xf32, #tpu.memory_space<vmem>>) target(%dma_start3A_273 : memref<5120x128xf32, #tpu.memory_space<vmem_shared>>) offsets(%arg15 : memref<80xi32, #tpu.memory_space<vmem>>) semaphore(%arg34 : memref<!tpu.dma_semaphore, #tpu.memory_space<semaphore_mem>>) {add = true}
      %ge3A_274 = arith.constant 1 : i32
      %ge3A_275 = arith.cmpi sge, %add3A_256, %ge3A_274 : i32
      %convert_element_type3A_276 = arith.extui %ge3A_275 : i1 to i32
      %cond3A_277 = arith.constant 0 : i32
      %cond3A_278 = arith.cmpi ne, %convert_element_type3A_276, %cond3A_277 : i32
      scf.if %cond3A_278 {
        %dma_wait3A_394 = arith.constant 0 : i32
        %dma_wait3A_395 = arith.constant 0 : i32
        %dma_wait3A_396 = tpu.memref_slice %arg6[%dma_wait3A_394, %dma_wait3A_395] : memref<5120x128xf32, #tpu.memory_space<vmem_shared>> -> memref<5120x128xf32, #tpu.memory_space<vmem_shared>>
        tpu.wait_indirect_dma semaphore(%arg33 : memref<!tpu.dma_semaphore, #tpu.memory_space<semaphore_mem>>) src(%arg20 : memref<80x128xf32, #tpu.memory_space<vmem>>) dst(%dma_wait3A_396 : memref<5120x128xf32, #tpu.memory_space<vmem_shared>>)
        %sub3A_397 = arith.constant 1 : i32
        %sub3A_398 = arith.subi %add3A_256, %sub3A_397 : i32
        %add3A_399 = arith.constant 6 : i32
        %add3A_400 = arith.addi %sub3A_398, %add3A_399 : i32
        %lt3A_401 = arith.constant 125 : i32
        %lt3A_402 = arith.cmpi slt, %add3A_400, %lt3A_401 : i32
        %convert_element_type3A_403 = arith.extui %lt3A_402 : i1 to i32
        %cond3A_404 = arith.constant 0 : i32
        %cond3A_405 = arith.cmpi ne, %convert_element_type3A_403, %cond3A_404 : i32
        scf.if %cond3A_405 {
          %sub3A_406 = arith.constant 1 : i32
          %sub3A_407 = arith.subi %add3A_256, %sub3A_406 : i32
          %add3A_408 = arith.constant 6 : i32
          %add3A_409 = arith.addi %sub3A_407, %add3A_408 : i32
          %mul3A_410 = arith.constant 80 : i32
          %mul3A_411 = arith.muli %add3A_409, %mul3A_410 : i32
          %add3A_412 = arith.addi %mul3A_2, %mul3A_411 : i32
          %dma_start3A_413 = tpu.memref_slice %arg4[%add3A_412] : memref<320000xi32, #tpu.memory_space<hbm>> -> memref<80xi32, #tpu.memory_space<hbm>>
          %dma_start3A_414 = tpu.memref_slice %arg4[%add3A_412] : memref<320000xi32, #tpu.memory_space<hbm>> -> memref<80xi32, #tpu.memory_space<hbm>>
          tpu.enqueue_dma source(%dma_start3A_414 : memref<80xi32, #tpu.memory_space<hbm>>) target(%arg14 : memref<80xi32, #tpu.memory_space<vmem>>) target_semaphore(%arg45 : memref<!tpu.dma_semaphore, #tpu.memory_space<semaphore_mem>>)
        } else {
        }
      } else {
      }
      %add3A_279 = arith.constant 6 : i32
      %add3A_280 = arith.addi %add3A_256, %add3A_279 : i32
      %sub3A_281 = arith.constant 1 : i32
      %sub3A_282 = arith.subi %add3A_280, %sub3A_281 : i32
      %lt3A_283 = arith.constant 125 : i32
      %lt3A_284 = arith.cmpi slt, %sub3A_282, %lt3A_283 : i32
      %convert_element_type3A_285 = arith.extui %lt3A_284 : i1 to i32
      %cond3A_286 = arith.constant 0 : i32
      %cond3A_287 = arith.cmpi ne, %convert_element_type3A_285, %cond3A_286 : i32
      scf.if %cond3A_287 {
        %dma_wait3A_394 = arith.constant 0 : i32
        %dma_wait3A_395 = tpu.memref_slice %arg3[%dma_wait3A_394] : memref<320000xi32, #tpu.memory_space<hbm>> -> memref<80xi32, #tpu.memory_space<hbm>>
        %dma_wait3A_396 = arith.constant 0 : i32
        %dma_wait3A_397 = tpu.memref_slice %arg3[%dma_wait3A_396] : memref<320000xi32, #tpu.memory_space<hbm>> -> memref<80xi32, #tpu.memory_space<hbm>>
        tpu.wait_dma2 semaphore(%arg39 : memref<!tpu.dma_semaphore, #tpu.memory_space<semaphore_mem>>) src(%dma_wait3A_397 : memref<80xi32, #tpu.memory_space<hbm>>) dst(%arg8 : memref<80xi32, #tpu.memory_space<vmem>>)
        %add3A_398 = arith.constant 6 : i32
        %add3A_399 = arith.addi %add3A_256, %add3A_398 : i32
        %sub3A_400 = arith.constant 1 : i32
        %sub3A_401 = arith.subi %add3A_399, %sub3A_400 : i32
        %dma_start3A_402 = arith.constant 0 : i32
        %dma_start3A_403 = arith.constant 0 : i32
        %dma_start3A_404 = tpu.memref_slice %arg2[%dma_start3A_402, %dma_start3A_403] : memref<10240x128xf32, #tpu.memory_space<hbm>> -> memref<10240x128xf32, #tpu.memory_space<hbm>>
        tpu.enqueue_indirect_dma source(%dma_start3A_404 : memref<10240x128xf32, #tpu.memory_space<hbm>>) target(%arg20 : memref<80x128xf32, #tpu.memory_space<vmem>>) offsets(%arg8 : memref<80xi32, #tpu.memory_space<vmem>>) semaphore(%arg27 : memref<!tpu.dma_semaphore, #tpu.memory_space<semaphore_mem>>)
      } else {
      }
      %mul3A_288 = arith.constant 6 : i32
      %mul3A_289 = arith.muli %scan3A_186, %mul3A_288 : i32
      %add3A_290 = arith.constant 3 : i32
      %add3A_291 = arith.addi %mul3A_289, %add3A_290 : i32
      %dma_wait3A_292 = arith.constant 0 : i32
      %dma_wait3A_293 = arith.constant 0 : i32
      %dma_wait3A_294 = tpu.memref_slice %arg2[%dma_wait3A_292, %dma_wait3A_293] : memref<10240x128xf32, #tpu.memory_space<hbm>> -> memref<10240x128xf32, #tpu.memory_space<hbm>>
      tpu.wait_indirect_dma semaphore(%arg29 : memref<!tpu.dma_semaphore, #tpu.memory_space<semaphore_mem>>) src(%dma_wait3A_294 : memref<10240x128xf32, #tpu.memory_space<hbm>>) dst(%arg22 : memref<80x128xf32, #tpu.memory_space<vmem>>)
      %add3A_295 = arith.constant 6 : i32
      %add3A_296 = arith.addi %add3A_291, %add3A_295 : i32
      %lt3A_297 = arith.constant 125 : i32
      %lt3A_298 = arith.cmpi slt, %add3A_296, %lt3A_297 : i32
      %convert_element_type3A_299 = arith.extui %lt3A_298 : i1 to i32
      %cond3A_300 = arith.constant 0 : i32
      %cond3A_301 = arith.cmpi ne, %convert_element_type3A_299, %cond3A_300 : i32
      scf.if %cond3A_301 {
        %add3A_394 = arith.constant 6 : i32
        %add3A_395 = arith.addi %add3A_291, %add3A_394 : i32
        %mul3A_396 = arith.constant 80 : i32
        %mul3A_397 = arith.muli %add3A_395, %mul3A_396 : i32
        %add3A_398 = arith.addi %mul3A_2, %mul3A_397 : i32
        %dma_start3A_399 = tpu.memref_slice %arg3[%add3A_398] : memref<320000xi32, #tpu.memory_space<hbm>> -> memref<80xi32, #tpu.memory_space<hbm>>
        %dma_start3A_400 = tpu.memref_slice %arg3[%add3A_398] : memref<320000xi32, #tpu.memory_space<hbm>> -> memref<80xi32, #tpu.memory_space<hbm>>
        tpu.enqueue_dma source(%dma_start3A_400 : memref<80xi32, #tpu.memory_space<hbm>>) target(%arg10 : memref<80xi32, #tpu.memory_space<vmem>>) target_semaphore(%arg41 : memref<!tpu.dma_semaphore, #tpu.memory_space<semaphore_mem>>)
      } else {
      }
      %dma_wait3A_302 = arith.constant 0 : i32
      %dma_wait3A_303 = tpu.memref_slice %arg4[%dma_wait3A_302] : memref<320000xi32, #tpu.memory_space<hbm>> -> memref<80xi32, #tpu.memory_space<hbm>>
      %dma_wait3A_304 = arith.constant 0 : i32
      %dma_wait3A_305 = tpu.memref_slice %arg4[%dma_wait3A_304] : memref<320000xi32, #tpu.memory_space<hbm>> -> memref<80xi32, #tpu.memory_space<hbm>>
      tpu.wait_dma2 semaphore(%arg47 : memref<!tpu.dma_semaphore, #tpu.memory_space<semaphore_mem>>) src(%dma_wait3A_305 : memref<80xi32, #tpu.memory_space<hbm>>) dst(%arg16 : memref<80xi32, #tpu.memory_space<vmem>>)
      %dma_start3A_306 = arith.constant 0 : i32
      %dma_start3A_307 = arith.constant 0 : i32
      %dma_start3A_308 = tpu.memref_slice %arg6[%dma_start3A_306, %dma_start3A_307] : memref<5120x128xf32, #tpu.memory_space<vmem_shared>> -> memref<5120x128xf32, #tpu.memory_space<vmem_shared>>
      tpu.enqueue_indirect_dma source(%arg22 : memref<80x128xf32, #tpu.memory_space<vmem>>) target(%dma_start3A_308 : memref<5120x128xf32, #tpu.memory_space<vmem_shared>>) offsets(%arg16 : memref<80xi32, #tpu.memory_space<vmem>>) semaphore(%arg35 : memref<!tpu.dma_semaphore, #tpu.memory_space<semaphore_mem>>) {add = true}
      %ge3A_309 = arith.constant 1 : i32
      %ge3A_310 = arith.cmpi sge, %add3A_291, %ge3A_309 : i32
      %convert_element_type3A_311 = arith.extui %ge3A_310 : i1 to i32
      %cond3A_312 = arith.constant 0 : i32
      %cond3A_313 = arith.cmpi ne, %convert_element_type3A_311, %cond3A_312 : i32
      scf.if %cond3A_313 {
        %dma_wait3A_394 = arith.constant 0 : i32
        %dma_wait3A_395 = arith.constant 0 : i32
        %dma_wait3A_396 = tpu.memref_slice %arg6[%dma_wait3A_394, %dma_wait3A_395] : memref<5120x128xf32, #tpu.memory_space<vmem_shared>> -> memref<5120x128xf32, #tpu.memory_space<vmem_shared>>
        tpu.wait_indirect_dma semaphore(%arg34 : memref<!tpu.dma_semaphore, #tpu.memory_space<semaphore_mem>>) src(%arg21 : memref<80x128xf32, #tpu.memory_space<vmem>>) dst(%dma_wait3A_396 : memref<5120x128xf32, #tpu.memory_space<vmem_shared>>)
        %sub3A_397 = arith.constant 1 : i32
        %sub3A_398 = arith.subi %add3A_291, %sub3A_397 : i32
        %add3A_399 = arith.constant 6 : i32
        %add3A_400 = arith.addi %sub3A_398, %add3A_399 : i32
        %lt3A_401 = arith.constant 125 : i32
        %lt3A_402 = arith.cmpi slt, %add3A_400, %lt3A_401 : i32
        %convert_element_type3A_403 = arith.extui %lt3A_402 : i1 to i32
        %cond3A_404 = arith.constant 0 : i32
        %cond3A_405 = arith.cmpi ne, %convert_element_type3A_403, %cond3A_404 : i32
        scf.if %cond3A_405 {
          %sub3A_406 = arith.constant 1 : i32
          %sub3A_407 = arith.subi %add3A_291, %sub3A_406 : i32
          %add3A_408 = arith.constant 6 : i32
          %add3A_409 = arith.addi %sub3A_407, %add3A_408 : i32
          %mul3A_410 = arith.constant 80 : i32
          %mul3A_411 = arith.muli %add3A_409, %mul3A_410 : i32
          %add3A_412 = arith.addi %mul3A_2, %mul3A_411 : i32
          %dma_start3A_413 = tpu.memref_slice %arg4[%add3A_412] : memref<320000xi32, #tpu.memory_space<hbm>> -> memref<80xi32, #tpu.memory_space<hbm>>
          %dma_start3A_414 = tpu.memref_slice %arg4[%add3A_412] : memref<320000xi32, #tpu.memory_space<hbm>> -> memref<80xi32, #tpu.memory_space<hbm>>
          tpu.enqueue_dma source(%dma_start3A_414 : memref<80xi32, #tpu.memory_space<hbm>>) target(%arg15 : memref<80xi32, #tpu.memory_space<vmem>>) target_semaphore(%arg46 : memref<!tpu.dma_semaphore, #tpu.memory_space<semaphore_mem>>)
        } else {
        }
      } else {
      }
      %add3A_314 = arith.constant 6 : i32
      %add3A_315 = arith.addi %add3A_291, %add3A_314 : i32
      %sub3A_316 = arith.constant 1 : i32
      %sub3A_317 = arith.subi %add3A_315, %sub3A_316 : i32
      %lt3A_318 = arith.constant 125 : i32
      %lt3A_319 = arith.cmpi slt, %sub3A_317, %lt3A_318 : i32
      %convert_element_type3A_320 = arith.extui %lt3A_319 : i1 to i32
      %cond3A_321 = arith.constant 0 : i32
      %cond3A_322 = arith.cmpi ne, %convert_element_type3A_320, %cond3A_321 : i32
      scf.if %cond3A_322 {
        %dma_wait3A_394 = arith.constant 0 : i32
        %dma_wait3A_395 = tpu.memref_slice %arg3[%dma_wait3A_394] : memref<320000xi32, #tpu.memory_space<hbm>> -> memref<80xi32, #tpu.memory_space<hbm>>
        %dma_wait3A_396 = arith.constant 0 : i32
        %dma_wait3A_397 = tpu.memref_slice %arg3[%dma_wait3A_396] : memref<320000xi32, #tpu.memory_space<hbm>> -> memref<80xi32, #tpu.memory_space<hbm>>
        tpu.wait_dma2 semaphore(%arg40 : memref<!tpu.dma_semaphore, #tpu.memory_space<semaphore_mem>>) src(%dma_wait3A_397 : memref<80xi32, #tpu.memory_space<hbm>>) dst(%arg9 : memref<80xi32, #tpu.memory_space<vmem>>)
        %add3A_398 = arith.constant 6 : i32
        %add3A_399 = arith.addi %add3A_291, %add3A_398 : i32
        %sub3A_400 = arith.constant 1 : i32
        %sub3A_401 = arith.subi %add3A_399, %sub3A_400 : i32
        %dma_start3A_402 = arith.constant 0 : i32
        %dma_start3A_403 = arith.constant 0 : i32
        %dma_start3A_404 = tpu.memref_slice %arg2[%dma_start3A_402, %dma_start3A_403] : memref<10240x128xf32, #tpu.memory_space<hbm>> -> memref<10240x128xf32, #tpu.memory_space<hbm>>
        tpu.enqueue_indirect_dma source(%dma_start3A_404 : memref<10240x128xf32, #tpu.memory_space<hbm>>) target(%arg21 : memref<80x128xf32, #tpu.memory_space<vmem>>) offsets(%arg9 : memref<80xi32, #tpu.memory_space<vmem>>) semaphore(%arg28 : memref<!tpu.dma_semaphore, #tpu.memory_space<semaphore_mem>>)
      } else {
      }
      %mul3A_323 = arith.constant 6 : i32
      %mul3A_324 = arith.muli %scan3A_186, %mul3A_323 : i32
      %add3A_325 = arith.constant 4 : i32
      %add3A_326 = arith.addi %mul3A_324, %add3A_325 : i32
      %dma_wait3A_327 = arith.constant 0 : i32
      %dma_wait3A_328 = arith.constant 0 : i32
      %dma_wait3A_329 = tpu.memref_slice %arg2[%dma_wait3A_327, %dma_wait3A_328] : memref<10240x128xf32, #tpu.memory_space<hbm>> -> memref<10240x128xf32, #tpu.memory_space<hbm>>
      tpu.wait_indirect_dma semaphore(%arg30 : memref<!tpu.dma_semaphore, #tpu.memory_space<semaphore_mem>>) src(%dma_wait3A_329 : memref<10240x128xf32, #tpu.memory_space<hbm>>) dst(%arg23 : memref<80x128xf32, #tpu.memory_space<vmem>>)
      %add3A_330 = arith.constant 6 : i32
      %add3A_331 = arith.addi %add3A_326, %add3A_330 : i32
      %lt3A_332 = arith.constant 125 : i32
      %lt3A_333 = arith.cmpi slt, %add3A_331, %lt3A_332 : i32
      %convert_element_type3A_334 = arith.extui %lt3A_333 : i1 to i32
      %cond3A_335 = arith.constant 0 : i32
      %cond3A_336 = arith.cmpi ne, %convert_element_type3A_334, %cond3A_335 : i32
      scf.if %cond3A_336 {
        %add3A_394 = arith.constant 6 : i32
        %add3A_395 = arith.addi %add3A_326, %add3A_394 : i32
        %mul3A_396 = arith.constant 80 : i32
        %mul3A_397 = arith.muli %add3A_395, %mul3A_396 : i32
        %add3A_398 = arith.addi %mul3A_2, %mul3A_397 : i32
        %dma_start3A_399 = tpu.memref_slice %arg3[%add3A_398] : memref<320000xi32, #tpu.memory_space<hbm>> -> memref<80xi32, #tpu.memory_space<hbm>>
        %dma_start3A_400 = tpu.memref_slice %arg3[%add3A_398] : memref<320000xi32, #tpu.memory_space<hbm>> -> memref<80xi32, #tpu.memory_space<hbm>>
        tpu.enqueue_dma source(%dma_start3A_400 : memref<80xi32, #tpu.memory_space<hbm>>) target(%arg11 : memref<80xi32, #tpu.memory_space<vmem>>) target_semaphore(%arg42 : memref<!tpu.dma_semaphore, #tpu.memory_space<semaphore_mem>>)
      } else {
      }
      %dma_wait3A_337 = arith.constant 0 : i32
      %dma_wait3A_338 = tpu.memref_slice %arg4[%dma_wait3A_337] : memref<320000xi32, #tpu.memory_space<hbm>> -> memref<80xi32, #tpu.memory_space<hbm>>
      %dma_wait3A_339 = arith.constant 0 : i32
      %dma_wait3A_340 = tpu.memref_slice %arg4[%dma_wait3A_339] : memref<320000xi32, #tpu.memory_space<hbm>> -> memref<80xi32, #tpu.memory_space<hbm>>
      tpu.wait_dma2 semaphore(%arg48 : memref<!tpu.dma_semaphore, #tpu.memory_space<semaphore_mem>>) src(%dma_wait3A_340 : memref<80xi32, #tpu.memory_space<hbm>>) dst(%arg17 : memref<80xi32, #tpu.memory_space<vmem>>)
      %dma_start3A_341 = arith.constant 0 : i32
      %dma_start3A_342 = arith.constant 0 : i32
      %dma_start3A_343 = tpu.memref_slice %arg6[%dma_start3A_341, %dma_start3A_342] : memref<5120x128xf32, #tpu.memory_space<vmem_shared>> -> memref<5120x128xf32, #tpu.memory_space<vmem_shared>>
      tpu.enqueue_indirect_dma source(%arg23 : memref<80x128xf32, #tpu.memory_space<vmem>>) target(%dma_start3A_343 : memref<5120x128xf32, #tpu.memory_space<vmem_shared>>) offsets(%arg17 : memref<80xi32, #tpu.memory_space<vmem>>) semaphore(%arg36 : memref<!tpu.dma_semaphore, #tpu.memory_space<semaphore_mem>>) {add = true}
      %ge3A_344 = arith.constant 1 : i32
      %ge3A_345 = arith.cmpi sge, %add3A_326, %ge3A_344 : i32
      %convert_element_type3A_346 = arith.extui %ge3A_345 : i1 to i32
      %cond3A_347 = arith.constant 0 : i32
      %cond3A_348 = arith.cmpi ne, %convert_element_type3A_346, %cond3A_347 : i32
      scf.if %cond3A_348 {
        %dma_wait3A_394 = arith.constant 0 : i32
        %dma_wait3A_395 = arith.constant 0 : i32
        %dma_wait3A_396 = tpu.memref_slice %arg6[%dma_wait3A_394, %dma_wait3A_395] : memref<5120x128xf32, #tpu.memory_space<vmem_shared>> -> memref<5120x128xf32, #tpu.memory_space<vmem_shared>>
        tpu.wait_indirect_dma semaphore(%arg35 : memref<!tpu.dma_semaphore, #tpu.memory_space<semaphore_mem>>) src(%arg22 : memref<80x128xf32, #tpu.memory_space<vmem>>) dst(%dma_wait3A_396 : memref<5120x128xf32, #tpu.memory_space<vmem_shared>>)
        %sub3A_397 = arith.constant 1 : i32
        %sub3A_398 = arith.subi %add3A_326, %sub3A_397 : i32
        %add3A_399 = arith.constant 6 : i32
        %add3A_400 = arith.addi %sub3A_398, %add3A_399 : i32
        %lt3A_401 = arith.constant 125 : i32
        %lt3A_402 = arith.cmpi slt, %add3A_400, %lt3A_401 : i32
        %convert_element_type3A_403 = arith.extui %lt3A_402 : i1 to i32
        %cond3A_404 = arith.constant 0 : i32
        %cond3A_405 = arith.cmpi ne, %convert_element_type3A_403, %cond3A_404 : i32
        scf.if %cond3A_405 {
          %sub3A_406 = arith.constant 1 : i32
          %sub3A_407 = arith.subi %add3A_326, %sub3A_406 : i32
          %add3A_408 = arith.constant 6 : i32
          %add3A_409 = arith.addi %sub3A_407, %add3A_408 : i32
          %mul3A_410 = arith.constant 80 : i32
          %mul3A_411 = arith.muli %add3A_409, %mul3A_410 : i32
          %add3A_412 = arith.addi %mul3A_2, %mul3A_411 : i32
          %dma_start3A_413 = tpu.memref_slice %arg4[%add3A_412] : memref<320000xi32, #tpu.memory_space<hbm>> -> memref<80xi32, #tpu.memory_space<hbm>>
          %dma_start3A_414 = tpu.memref_slice %arg4[%add3A_412] : memref<320000xi32, #tpu.memory_space<hbm>> -> memref<80xi32, #tpu.memory_space<hbm>>
          tpu.enqueue_dma source(%dma_start3A_414 : memref<80xi32, #tpu.memory_space<hbm>>) target(%arg16 : memref<80xi32, #tpu.memory_space<vmem>>) target_semaphore(%arg47 : memref<!tpu.dma_semaphore, #tpu.memory_space<semaphore_mem>>)
        } else {
        }
      } else {
      }
      %add3A_349 = arith.constant 6 : i32
      %add3A_350 = arith.addi %add3A_326, %add3A_349 : i32
      %sub3A_351 = arith.constant 1 : i32
      %sub3A_352 = arith.subi %add3A_350, %sub3A_351 : i32
      %lt3A_353 = arith.constant 125 : i32
      %lt3A_354 = arith.cmpi slt, %sub3A_352, %lt3A_353 : i32
      %convert_element_type3A_355 = arith.extui %lt3A_354 : i1 to i32
      %cond3A_356 = arith.constant 0 : i32
      %cond3A_357 = arith.cmpi ne, %convert_element_type3A_355, %cond3A_356 : i32
      scf.if %cond3A_357 {
        %dma_wait3A_394 = arith.constant 0 : i32
        %dma_wait3A_395 = tpu.memref_slice %arg3[%dma_wait3A_394] : memref<320000xi32, #tpu.memory_space<hbm>> -> memref<80xi32, #tpu.memory_space<hbm>>
        %dma_wait3A_396 = arith.constant 0 : i32
        %dma_wait3A_397 = tpu.memref_slice %arg3[%dma_wait3A_396] : memref<320000xi32, #tpu.memory_space<hbm>> -> memref<80xi32, #tpu.memory_space<hbm>>
        tpu.wait_dma2 semaphore(%arg41 : memref<!tpu.dma_semaphore, #tpu.memory_space<semaphore_mem>>) src(%dma_wait3A_397 : memref<80xi32, #tpu.memory_space<hbm>>) dst(%arg10 : memref<80xi32, #tpu.memory_space<vmem>>)
        %add3A_398 = arith.constant 6 : i32
        %add3A_399 = arith.addi %add3A_326, %add3A_398 : i32
        %sub3A_400 = arith.constant 1 : i32
        %sub3A_401 = arith.subi %add3A_399, %sub3A_400 : i32
        %dma_start3A_402 = arith.constant 0 : i32
        %dma_start3A_403 = arith.constant 0 : i32
        %dma_start3A_404 = tpu.memref_slice %arg2[%dma_start3A_402, %dma_start3A_403] : memref<10240x128xf32, #tpu.memory_space<hbm>> -> memref<10240x128xf32, #tpu.memory_space<hbm>>
        tpu.enqueue_indirect_dma source(%dma_start3A_404 : memref<10240x128xf32, #tpu.memory_space<hbm>>) target(%arg22 : memref<80x128xf32, #tpu.memory_space<vmem>>) offsets(%arg10 : memref<80xi32, #tpu.memory_space<vmem>>) semaphore(%arg29 : memref<!tpu.dma_semaphore, #tpu.memory_space<semaphore_mem>>)
      } else {
      }
      %mul3A_358 = arith.constant 6 : i32
      %mul3A_359 = arith.muli %scan3A_186, %mul3A_358 : i32
      %add3A_360 = arith.constant 5 : i32
      %add3A_361 = arith.addi %mul3A_359, %add3A_360 : i32
      %dma_wait3A_362 = arith.constant 0 : i32
      %dma_wait3A_363 = arith.constant 0 : i32
      %dma_wait3A_364 = tpu.memref_slice %arg2[%dma_wait3A_362, %dma_wait3A_363] : memref<10240x128xf32, #tpu.memory_space<hbm>> -> memref<10240x128xf32, #tpu.memory_space<hbm>>
      tpu.wait_indirect_dma semaphore(%arg31 : memref<!tpu.dma_semaphore, #tpu.memory_space<semaphore_mem>>) src(%dma_wait3A_364 : memref<10240x128xf32, #tpu.memory_space<hbm>>) dst(%arg24 : memref<80x128xf32, #tpu.memory_space<vmem>>)
      %add3A_365 = arith.constant 6 : i32
      %add3A_366 = arith.addi %add3A_361, %add3A_365 : i32
      %lt3A_367 = arith.constant 125 : i32
      %lt3A_368 = arith.cmpi slt, %add3A_366, %lt3A_367 : i32
      %convert_element_type3A_369 = arith.extui %lt3A_368 : i1 to i32
      %cond3A_370 = arith.constant 0 : i32
      %cond3A_371 = arith.cmpi ne, %convert_element_type3A_369, %cond3A_370 : i32
      scf.if %cond3A_371 {
        %add3A_394 = arith.constant 6 : i32
        %add3A_395 = arith.addi %add3A_361, %add3A_394 : i32
        %mul3A_396 = arith.constant 80 : i32
        %mul3A_397 = arith.muli %add3A_395, %mul3A_396 : i32
        %add3A_398 = arith.addi %mul3A_2, %mul3A_397 : i32
        %dma_start3A_399 = tpu.memref_slice %arg3[%add3A_398] : memref<320000xi32, #tpu.memory_space<hbm>> -> memref<80xi32, #tpu.memory_space<hbm>>
        %dma_start3A_400 = tpu.memref_slice %arg3[%add3A_398] : memref<320000xi32, #tpu.memory_space<hbm>> -> memref<80xi32, #tpu.memory_space<hbm>>
        tpu.enqueue_dma source(%dma_start3A_400 : memref<80xi32, #tpu.memory_space<hbm>>) target(%arg12 : memref<80xi32, #tpu.memory_space<vmem>>) target_semaphore(%arg43 : memref<!tpu.dma_semaphore, #tpu.memory_space<semaphore_mem>>)
      } else {
      }
      %dma_wait3A_372 = arith.constant 0 : i32
      %dma_wait3A_373 = tpu.memref_slice %arg4[%dma_wait3A_372] : memref<320000xi32, #tpu.memory_space<hbm>> -> memref<80xi32, #tpu.memory_space<hbm>>
      %dma_wait3A_374 = arith.constant 0 : i32
      %dma_wait3A_375 = tpu.memref_slice %arg4[%dma_wait3A_374] : memref<320000xi32, #tpu.memory_space<hbm>> -> memref<80xi32, #tpu.memory_space<hbm>>
      tpu.wait_dma2 semaphore(%arg49 : memref<!tpu.dma_semaphore, #tpu.memory_space<semaphore_mem>>) src(%dma_wait3A_375 : memref<80xi32, #tpu.memory_space<hbm>>) dst(%arg18 : memref<80xi32, #tpu.memory_space<vmem>>)
      %dma_start3A_376 = arith.constant 0 : i32
      %dma_start3A_377 = arith.constant 0 : i32
      %dma_start3A_378 = tpu.memref_slice %arg6[%dma_start3A_376, %dma_start3A_377] : memref<5120x128xf32, #tpu.memory_space<vmem_shared>> -> memref<5120x128xf32, #tpu.memory_space<vmem_shared>>
      tpu.enqueue_indirect_dma source(%arg24 : memref<80x128xf32, #tpu.memory_space<vmem>>) target(%dma_start3A_378 : memref<5120x128xf32, #tpu.memory_space<vmem_shared>>) offsets(%arg18 : memref<80xi32, #tpu.memory_space<vmem>>) semaphore(%arg37 : memref<!tpu.dma_semaphore, #tpu.memory_space<semaphore_mem>>) {add = true}
      %ge3A_379 = arith.constant 1 : i32
      %ge3A_380 = arith.cmpi sge, %add3A_361, %ge3A_379 : i32
      %convert_element_type3A_381 = arith.extui %ge3A_380 : i1 to i32
      %cond3A_382 = arith.constant 0 : i32
      %cond3A_383 = arith.cmpi ne, %convert_element_type3A_381, %cond3A_382 : i32
      scf.if %cond3A_383 {
        %dma_wait3A_394 = arith.constant 0 : i32
        %dma_wait3A_395 = arith.constant 0 : i32
        %dma_wait3A_396 = tpu.memref_slice %arg6[%dma_wait3A_394, %dma_wait3A_395] : memref<5120x128xf32, #tpu.memory_space<vmem_shared>> -> memref<5120x128xf32, #tpu.memory_space<vmem_shared>>
        tpu.wait_indirect_dma semaphore(%arg36 : memref<!tpu.dma_semaphore, #tpu.memory_space<semaphore_mem>>) src(%arg23 : memref<80x128xf32, #tpu.memory_space<vmem>>) dst(%dma_wait3A_396 : memref<5120x128xf32, #tpu.memory_space<vmem_shared>>)
        %sub3A_397 = arith.constant 1 : i32
        %sub3A_398 = arith.subi %add3A_361, %sub3A_397 : i32
        %add3A_399 = arith.constant 6 : i32
        %add3A_400 = arith.addi %sub3A_398, %add3A_399 : i32
        %lt3A_401 = arith.constant 125 : i32
        %lt3A_402 = arith.cmpi slt, %add3A_400, %lt3A_401 : i32
        %convert_element_type3A_403 = arith.extui %lt3A_402 : i1 to i32
        %cond3A_404 = arith.constant 0 : i32
        %cond3A_405 = arith.cmpi ne, %convert_element_type3A_403, %cond3A_404 : i32
        scf.if %cond3A_405 {
          %sub3A_406 = arith.constant 1 : i32
          %sub3A_407 = arith.subi %add3A_361, %sub3A_406 : i32
          %add3A_408 = arith.constant 6 : i32
          %add3A_409 = arith.addi %sub3A_407, %add3A_408 : i32
          %mul3A_410 = arith.constant 80 : i32
          %mul3A_411 = arith.muli %add3A_409, %mul3A_410 : i32
          %add3A_412 = arith.addi %mul3A_2, %mul3A_411 : i32
          %dma_start3A_413 = tpu.memref_slice %arg4[%add3A_412] : memref<320000xi32, #tpu.memory_space<hbm>> -> memref<80xi32, #tpu.memory_space<hbm>>
          %dma_start3A_414 = tpu.memref_slice %arg4[%add3A_412] : memref<320000xi32, #tpu.memory_space<hbm>> -> memref<80xi32, #tpu.memory_space<hbm>>
          tpu.enqueue_dma source(%dma_start3A_414 : memref<80xi32, #tpu.memory_space<hbm>>) target(%arg17 : memref<80xi32, #tpu.memory_space<vmem>>) target_semaphore(%arg48 : memref<!tpu.dma_semaphore, #tpu.memory_space<semaphore_mem>>)
        } else {
        }
      } else {
      }
      %add3A_384 = arith.constant 6 : i32
      %add3A_385 = arith.addi %add3A_361, %add3A_384 : i32
      %sub3A_386 = arith.constant 1 : i32
      %sub3A_387 = arith.subi %add3A_385, %sub3A_386 : i32
      %lt3A_388 = arith.constant 125 : i32
      %lt3A_389 = arith.cmpi slt, %sub3A_387, %lt3A_388 : i32
      %convert_element_type3A_390 = arith.extui %lt3A_389 : i1 to i32
      %cond3A_391 = arith.constant 0 : i32
      %cond3A_392 = arith.cmpi ne, %convert_element_type3A_390, %cond3A_391 : i32
      scf.if %cond3A_392 {
        %dma_wait3A_394 = arith.constant 0 : i32
        %dma_wait3A_395 = tpu.memref_slice %arg3[%dma_wait3A_394] : memref<320000xi32, #tpu.memory_space<hbm>> -> memref<80xi32, #tpu.memory_space<hbm>>
        %dma_wait3A_396 = arith.constant 0 : i32
        %dma_wait3A_397 = tpu.memref_slice %arg3[%dma_wait3A_396] : memref<320000xi32, #tpu.memory_space<hbm>> -> memref<80xi32, #tpu.memory_space<hbm>>
        tpu.wait_dma2 semaphore(%arg42 : memref<!tpu.dma_semaphore, #tpu.memory_space<semaphore_mem>>) src(%dma_wait3A_397 : memref<80xi32, #tpu.memory_space<hbm>>) dst(%arg11 : memref<80xi32, #tpu.memory_space<vmem>>)
        %add3A_398 = arith.constant 6 : i32
        %add3A_399 = arith.addi %add3A_361, %add3A_398 : i32
        %sub3A_400 = arith.constant 1 : i32
        %sub3A_401 = arith.subi %add3A_399, %sub3A_400 : i32
        %dma_start3A_402 = arith.constant 0 : i32
        %dma_start3A_403 = arith.constant 0 : i32
        %dma_start3A_404 = tpu.memref_slice %arg2[%dma_start3A_402, %dma_start3A_403] : memref<10240x128xf32, #tpu.memory_space<hbm>> -> memref<10240x128xf32, #tpu.memory_space<hbm>>
        tpu.enqueue_indirect_dma source(%dma_start3A_404 : memref<10240x128xf32, #tpu.memory_space<hbm>>) target(%arg23 : memref<80x128xf32, #tpu.memory_space<vmem>>) offsets(%arg11 : memref<80xi32, #tpu.memory_space<vmem>>) semaphore(%arg30 : memref<!tpu.dma_semaphore, #tpu.memory_space<semaphore_mem>>)
      } else {
      }
      %scan3A_393 = arith.constant 0 : i32
      scf.yield %scan3A_393 : i32
    }
    %scan3A_112 = arith.constant 20 : i32
    %dma_wait3A_113 = arith.constant 0 : i32
    %dma_wait3A_114 = arith.constant 0 : i32
    %dma_wait3A_115 = tpu.memref_slice %arg2[%dma_wait3A_113, %dma_wait3A_114] : memref<10240x128xf32, #tpu.memory_space<hbm>> -> memref<10240x128xf32, #tpu.memory_space<hbm>>
    tpu.wait_indirect_dma semaphore(%arg26 : memref<!tpu.dma_semaphore, #tpu.memory_space<semaphore_mem>>) src(%dma_wait3A_115 : memref<10240x128xf32, #tpu.memory_space<hbm>>) dst(%arg19 : memref<80x128xf32, #tpu.memory_space<vmem>>)
    %dma_wait3A_116 = arith.constant 0 : i32
    %dma_wait3A_117 = tpu.memref_slice %arg4[%dma_wait3A_116] : memref<320000xi32, #tpu.memory_space<hbm>> -> memref<80xi32, #tpu.memory_space<hbm>>
    %dma_wait3A_118 = arith.constant 0 : i32
    %dma_wait3A_119 = tpu.memref_slice %arg4[%dma_wait3A_118] : memref<320000xi32, #tpu.memory_space<hbm>> -> memref<80xi32, #tpu.memory_space<hbm>>
    tpu.wait_dma2 semaphore(%arg44 : memref<!tpu.dma_semaphore, #tpu.memory_space<semaphore_mem>>) src(%dma_wait3A_119 : memref<80xi32, #tpu.memory_space<hbm>>) dst(%arg13 : memref<80xi32, #tpu.memory_space<vmem>>)
    %dma_start3A_120 = arith.constant 0 : i32
    %dma_start3A_121 = arith.constant 0 : i32
    %dma_start3A_122 = tpu.memref_slice %arg6[%dma_start3A_120, %dma_start3A_121] : memref<5120x128xf32, #tpu.memory_space<vmem_shared>> -> memref<5120x128xf32, #tpu.memory_space<vmem_shared>>
    tpu.enqueue_indirect_dma source(%arg19 : memref<80x128xf32, #tpu.memory_space<vmem>>) target(%dma_start3A_122 : memref<5120x128xf32, #tpu.memory_space<vmem_shared>>) offsets(%arg13 : memref<80xi32, #tpu.memory_space<vmem>>) semaphore(%arg32 : memref<!tpu.dma_semaphore, #tpu.memory_space<semaphore_mem>>) {add = true}
    %dma_wait3A_123 = arith.constant 0 : i32
    %dma_wait3A_124 = arith.constant 0 : i32
    %dma_wait3A_125 = tpu.memref_slice %arg6[%dma_wait3A_123, %dma_wait3A_124] : memref<5120x128xf32, #tpu.memory_space<vmem_shared>> -> memref<5120x128xf32, #tpu.memory_space<vmem_shared>>
    tpu.wait_indirect_dma semaphore(%arg37 : memref<!tpu.dma_semaphore, #tpu.memory_space<semaphore_mem>>) src(%arg24 : memref<80x128xf32, #tpu.memory_space<vmem>>) dst(%dma_wait3A_125 : memref<5120x128xf32, #tpu.memory_space<vmem_shared>>)
    %dma_wait3A_126 = arith.constant 0 : i32
    %dma_wait3A_127 = arith.constant 0 : i32
    %dma_wait3A_128 = tpu.memref_slice %arg2[%dma_wait3A_126, %dma_wait3A_127] : memref<10240x128xf32, #tpu.memory_space<hbm>> -> memref<10240x128xf32, #tpu.memory_space<hbm>>
    tpu.wait_indirect_dma semaphore(%arg27 : memref<!tpu.dma_semaphore, #tpu.memory_space<semaphore_mem>>) src(%dma_wait3A_128 : memref<10240x128xf32, #tpu.memory_space<hbm>>) dst(%arg20 : memref<80x128xf32, #tpu.memory_space<vmem>>)
    %dma_wait3A_129 = arith.constant 0 : i32
    %dma_wait3A_130 = tpu.memref_slice %arg4[%dma_wait3A_129] : memref<320000xi32, #tpu.memory_space<hbm>> -> memref<80xi32, #tpu.memory_space<hbm>>
    %dma_wait3A_131 = arith.constant 0 : i32
    %dma_wait3A_132 = tpu.memref_slice %arg4[%dma_wait3A_131] : memref<320000xi32, #tpu.memory_space<hbm>> -> memref<80xi32, #tpu.memory_space<hbm>>
    tpu.wait_dma2 semaphore(%arg45 : memref<!tpu.dma_semaphore, #tpu.memory_space<semaphore_mem>>) src(%dma_wait3A_132 : memref<80xi32, #tpu.memory_space<hbm>>) dst(%arg14 : memref<80xi32, #tpu.memory_space<vmem>>)
    %dma_start3A_133 = arith.constant 0 : i32
    %dma_start3A_134 = arith.constant 0 : i32
    %dma_start3A_135 = tpu.memref_slice %arg6[%dma_start3A_133, %dma_start3A_134] : memref<5120x128xf32, #tpu.memory_space<vmem_shared>> -> memref<5120x128xf32, #tpu.memory_space<vmem_shared>>
    tpu.enqueue_indirect_dma source(%arg20 : memref<80x128xf32, #tpu.memory_space<vmem>>) target(%dma_start3A_135 : memref<5120x128xf32, #tpu.memory_space<vmem_shared>>) offsets(%arg14 : memref<80xi32, #tpu.memory_space<vmem>>) semaphore(%arg33 : memref<!tpu.dma_semaphore, #tpu.memory_space<semaphore_mem>>) {add = true}
    %dma_wait3A_136 = arith.constant 0 : i32
    %dma_wait3A_137 = arith.constant 0 : i32
    %dma_wait3A_138 = tpu.memref_slice %arg6[%dma_wait3A_136, %dma_wait3A_137] : memref<5120x128xf32, #tpu.memory_space<vmem_shared>> -> memref<5120x128xf32, #tpu.memory_space<vmem_shared>>
    tpu.wait_indirect_dma semaphore(%arg32 : memref<!tpu.dma_semaphore, #tpu.memory_space<semaphore_mem>>) src(%arg19 : memref<80x128xf32, #tpu.memory_space<vmem>>) dst(%dma_wait3A_138 : memref<5120x128xf32, #tpu.memory_space<vmem_shared>>)
    %dma_wait3A_139 = arith.constant 0 : i32
    %dma_wait3A_140 = arith.constant 0 : i32
    %dma_wait3A_141 = tpu.memref_slice %arg2[%dma_wait3A_139, %dma_wait3A_140] : memref<10240x128xf32, #tpu.memory_space<hbm>> -> memref<10240x128xf32, #tpu.memory_space<hbm>>
    tpu.wait_indirect_dma semaphore(%arg28 : memref<!tpu.dma_semaphore, #tpu.memory_space<semaphore_mem>>) src(%dma_wait3A_141 : memref<10240x128xf32, #tpu.memory_space<hbm>>) dst(%arg21 : memref<80x128xf32, #tpu.memory_space<vmem>>)
    %dma_wait3A_142 = arith.constant 0 : i32
    %dma_wait3A_143 = tpu.memref_slice %arg4[%dma_wait3A_142] : memref<320000xi32, #tpu.memory_space<hbm>> -> memref<80xi32, #tpu.memory_space<hbm>>
    %dma_wait3A_144 = arith.constant 0 : i32
    %dma_wait3A_145 = tpu.memref_slice %arg4[%dma_wait3A_144] : memref<320000xi32, #tpu.memory_space<hbm>> -> memref<80xi32, #tpu.memory_space<hbm>>
    tpu.wait_dma2 semaphore(%arg46 : memref<!tpu.dma_semaphore, #tpu.memory_space<semaphore_mem>>) src(%dma_wait3A_145 : memref<80xi32, #tpu.memory_space<hbm>>) dst(%arg15 : memref<80xi32, #tpu.memory_space<vmem>>)
    %dma_start3A_146 = arith.constant 0 : i32
    %dma_start3A_147 = arith.constant 0 : i32
    %dma_start3A_148 = tpu.memref_slice %arg6[%dma_start3A_146, %dma_start3A_147] : memref<5120x128xf32, #tpu.memory_space<vmem_shared>> -> memref<5120x128xf32, #tpu.memory_space<vmem_shared>>
    tpu.enqueue_indirect_dma source(%arg21 : memref<80x128xf32, #tpu.memory_space<vmem>>) target(%dma_start3A_148 : memref<5120x128xf32, #tpu.memory_space<vmem_shared>>) offsets(%arg15 : memref<80xi32, #tpu.memory_space<vmem>>) semaphore(%arg34 : memref<!tpu.dma_semaphore, #tpu.memory_space<semaphore_mem>>) {add = true}
    %dma_wait3A_149 = arith.constant 0 : i32
    %dma_wait3A_150 = arith.constant 0 : i32
    %dma_wait3A_151 = tpu.memref_slice %arg6[%dma_wait3A_149, %dma_wait3A_150] : memref<5120x128xf32, #tpu.memory_space<vmem_shared>> -> memref<5120x128xf32, #tpu.memory_space<vmem_shared>>
    tpu.wait_indirect_dma semaphore(%arg33 : memref<!tpu.dma_semaphore, #tpu.memory_space<semaphore_mem>>) src(%arg20 : memref<80x128xf32, #tpu.memory_space<vmem>>) dst(%dma_wait3A_151 : memref<5120x128xf32, #tpu.memory_space<vmem_shared>>)
    %dma_wait3A_152 = arith.constant 0 : i32
    %dma_wait3A_153 = arith.constant 0 : i32
    %dma_wait3A_154 = tpu.memref_slice %arg2[%dma_wait3A_152, %dma_wait3A_153] : memref<10240x128xf32, #tpu.memory_space<hbm>> -> memref<10240x128xf32, #tpu.memory_space<hbm>>
    tpu.wait_indirect_dma semaphore(%arg29 : memref<!tpu.dma_semaphore, #tpu.memory_space<semaphore_mem>>) src(%dma_wait3A_154 : memref<10240x128xf32, #tpu.memory_space<hbm>>) dst(%arg22 : memref<80x128xf32, #tpu.memory_space<vmem>>)
    %dma_wait3A_155 = arith.constant 0 : i32
    %dma_wait3A_156 = tpu.memref_slice %arg4[%dma_wait3A_155] : memref<320000xi32, #tpu.memory_space<hbm>> -> memref<80xi32, #tpu.memory_space<hbm>>
    %dma_wait3A_157 = arith.constant 0 : i32
    %dma_wait3A_158 = tpu.memref_slice %arg4[%dma_wait3A_157] : memref<320000xi32, #tpu.memory_space<hbm>> -> memref<80xi32, #tpu.memory_space<hbm>>
    tpu.wait_dma2 semaphore(%arg47 : memref<!tpu.dma_semaphore, #tpu.memory_space<semaphore_mem>>) src(%dma_wait3A_158 : memref<80xi32, #tpu.memory_space<hbm>>) dst(%arg16 : memref<80xi32, #tpu.memory_space<vmem>>)
    %dma_start3A_159 = arith.constant 0 : i32
    %dma_start3A_160 = arith.constant 0 : i32
    %dma_start3A_161 = tpu.memref_slice %arg6[%dma_start3A_159, %dma_start3A_160] : memref<5120x128xf32, #tpu.memory_space<vmem_shared>> -> memref<5120x128xf32, #tpu.memory_space<vmem_shared>>
    tpu.enqueue_indirect_dma source(%arg22 : memref<80x128xf32, #tpu.memory_space<vmem>>) target(%dma_start3A_161 : memref<5120x128xf32, #tpu.memory_space<vmem_shared>>) offsets(%arg16 : memref<80xi32, #tpu.memory_space<vmem>>) semaphore(%arg35 : memref<!tpu.dma_semaphore, #tpu.memory_space<semaphore_mem>>) {add = true}
    %dma_wait3A_162 = arith.constant 0 : i32
    %dma_wait3A_163 = arith.constant 0 : i32
    %dma_wait3A_164 = tpu.memref_slice %arg6[%dma_wait3A_162, %dma_wait3A_163] : memref<5120x128xf32, #tpu.memory_space<vmem_shared>> -> memref<5120x128xf32, #tpu.memory_space<vmem_shared>>
    tpu.wait_indirect_dma semaphore(%arg34 : memref<!tpu.dma_semaphore, #tpu.memory_space<semaphore_mem>>) src(%arg21 : memref<80x128xf32, #tpu.memory_space<vmem>>) dst(%dma_wait3A_164 : memref<5120x128xf32, #tpu.memory_space<vmem_shared>>)
    %dma_wait3A_165 = arith.constant 0 : i32
    %dma_wait3A_166 = arith.constant 0 : i32
    %dma_wait3A_167 = tpu.memref_slice %arg2[%dma_wait3A_165, %dma_wait3A_166] : memref<10240x128xf32, #tpu.memory_space<hbm>> -> memref<10240x128xf32, #tpu.memory_space<hbm>>
    tpu.wait_indirect_dma semaphore(%arg30 : memref<!tpu.dma_semaphore, #tpu.memory_space<semaphore_mem>>) src(%dma_wait3A_167 : memref<10240x128xf32, #tpu.memory_space<hbm>>) dst(%arg23 : memref<80x128xf32, #tpu.memory_space<vmem>>)
    %dma_wait3A_168 = arith.constant 0 : i32
    %dma_wait3A_169 = tpu.memref_slice %arg4[%dma_wait3A_168] : memref<320000xi32, #tpu.memory_space<hbm>> -> memref<80xi32, #tpu.memory_space<hbm>>
    %dma_wait3A_170 = arith.constant 0 : i32
    %dma_wait3A_171 = tpu.memref_slice %arg4[%dma_wait3A_170] : memref<320000xi32, #tpu.memory_space<hbm>> -> memref<80xi32, #tpu.memory_space<hbm>>
    tpu.wait_dma2 semaphore(%arg48 : memref<!tpu.dma_semaphore, #tpu.memory_space<semaphore_mem>>) src(%dma_wait3A_171 : memref<80xi32, #tpu.memory_space<hbm>>) dst(%arg17 : memref<80xi32, #tpu.memory_space<vmem>>)
    %dma_start3A_172 = arith.constant 0 : i32
    %dma_start3A_173 = arith.constant 0 : i32
    %dma_start3A_174 = tpu.memref_slice %arg6[%dma_start3A_172, %dma_start3A_173] : memref<5120x128xf32, #tpu.memory_space<vmem_shared>> -> memref<5120x128xf32, #tpu.memory_space<vmem_shared>>
    tpu.enqueue_indirect_dma source(%arg23 : memref<80x128xf32, #tpu.memory_space<vmem>>) target(%dma_start3A_174 : memref<5120x128xf32, #tpu.memory_space<vmem_shared>>) offsets(%arg17 : memref<80xi32, #tpu.memory_space<vmem>>) semaphore(%arg36 : memref<!tpu.dma_semaphore, #tpu.memory_space<semaphore_mem>>) {add = true}
    %dma_wait3A_175 = arith.constant 0 : i32
    %dma_wait3A_176 = arith.constant 0 : i32
    %dma_wait3A_177 = tpu.memref_slice %arg6[%dma_wait3A_175, %dma_wait3A_176] : memref<5120x128xf32, #tpu.memory_space<vmem_shared>> -> memref<5120x128xf32, #tpu.memory_space<vmem_shared>>
    tpu.wait_indirect_dma semaphore(%arg35 : memref<!tpu.dma_semaphore, #tpu.memory_space<semaphore_mem>>) src(%arg22 : memref<80x128xf32, #tpu.memory_space<vmem>>) dst(%dma_wait3A_177 : memref<5120x128xf32, #tpu.memory_space<vmem_shared>>)
    %dma_wait3A_178 = arith.constant 0 : i32
    %dma_wait3A_179 = arith.constant 0 : i32
    %dma_wait3A_180 = tpu.memref_slice %arg6[%dma_wait3A_178, %dma_wait3A_179] : memref<5120x128xf32, #tpu.memory_space<vmem_shared>> -> memref<5120x128xf32, #tpu.memory_space<vmem_shared>>
    tpu.wait_indirect_dma semaphore(%arg36 : memref<!tpu.dma_semaphore, #tpu.memory_space<semaphore_mem>>) src(%arg23 : memref<80x128xf32, #tpu.memory_space<vmem>>) dst(%dma_wait3A_180 : memref<5120x128xf32, #tpu.memory_space<vmem_shared>>)
    %barrier3A_181 = arith.constant 0 : index
    tpu.barrier barrier_id(%barrier3A_181)
    %mul3A_182 = arith.constant 320 : i32
    %mul3A_183 = arith.muli %arg1, %mul3A_182 : i32
    %mul3A_184 = arith.constant 320 : i32
    %mul3A_185 = arith.muli %arg1, %mul3A_184 : i32
    "tpu.region"() ({
      %run_scoped3A = tpu.sem_alloc : memref<!tpu.dma_semaphore, #tpu.memory_space<semaphore_mem>>
      %dma_start3A_186 = arith.constant 0 : i32
      %dma_start3A_187 = tpu.memref_slice %arg5[%arg0, %mul3A_185, %dma_start3A_186] : memref<2x5120x128xf32, #tpu.memory_space<hbm>> -> memref<1x320x128xf32, #tpu.memory_space<hbm>>
      %dma_start3A_188 = tpu.memref_squeeze %dma_start3A_187 : memref<1x320x128xf32, #tpu.memory_space<hbm>> -> memref<320x128xf32, #tpu.memory_space<hbm>>
      %dma_start3A_189 = arith.constant 0 : i32
      %dma_start3A_190 = tpu.memref_slice %arg6[%mul3A_183, %dma_start3A_189] : memref<5120x128xf32, #tpu.memory_space<vmem_shared>> -> memref<320x128xf32, #tpu.memory_space<vmem_shared>>
      tpu.enqueue_dma source(%dma_start3A_190 : memref<320x128xf32, #tpu.memory_space<vmem_shared>>) target(%dma_start3A_188 : memref<320x128xf32, #tpu.memory_space<hbm>>) target_semaphore(%run_scoped3A : memref<!tpu.dma_semaphore, #tpu.memory_space<semaphore_mem>>)
      %dma_wait3A_191 = arith.constant 0 : i32
      %dma_wait3A_192 = tpu.memref_slice %arg5[%arg0, %mul3A_185, %dma_wait3A_191] : memref<2x5120x128xf32, #tpu.memory_space<hbm>> -> memref<1x320x128xf32, #tpu.memory_space<hbm>>
      %dma_wait3A_193 = tpu.memref_squeeze %dma_wait3A_192 : memref<1x320x128xf32, #tpu.memory_space<hbm>> -> memref<320x128xf32, #tpu.memory_space<hbm>>
      %dma_wait3A_194 = arith.constant 0 : i32
      %dma_wait3A_195 = tpu.memref_slice %arg6[%mul3A_183, %dma_wait3A_194] : memref<5120x128xf32, #tpu.memory_space<vmem_shared>> -> memref<320x128xf32, #tpu.memory_space<vmem_shared>>
      tpu.wait_dma2 semaphore(%run_scoped3A : memref<!tpu.dma_semaphore, #tpu.memory_space<semaphore_mem>>) src(%dma_wait3A_195 : memref<320x128xf32, #tpu.memory_space<vmem_shared>>) dst(%dma_wait3A_193 : memref<320x128xf32, #tpu.memory_space<hbm>>)
      tpu.yield
    }) : () -> ()
    return
  }
}

module attributes {stable_mosaic.version = 14 : i64} {
  func.func @_k0_body(%arg0: i32, %arg1: memref<1024x128xf32, #tpu.memory_space<vmem>>, %arg2: memref<128x128xf32, #tpu.memory_space<vmem>>, %arg3: memref<1x128xf32, #tpu.memory_space<vmem>>, %arg4: memref<1024x128xf32, #tpu.memory_space<vmem>>) attributes {dimension_semantics = [#tpu.dimension_semantics<arbitrary>], iteration_bounds = array<i64: 10>, scalar_prefetch = 0 : i64, scratch_operands = 0 : i64, tpu.core_type = #tpu.core_type<tc>, window_params = [{transform_indices = @transform_0, window_bounds = array<i64: 1024, 128>}, {pipeline_mode = #tpu.pipeline_mode<synchronous>, transform_indices = @transform_1, window_bounds = array<i64: 128, 128>}, {pipeline_mode = #tpu.pipeline_mode<synchronous>, transform_indices = @transform_2, window_bounds = array<i64: 1, 128>}, {transform_indices = @transform_3, window_bounds = array<i64: 1024, 128>}]} {
    %get3A = arith.constant 0 : index
    %get3A_0 = arith.constant 0 : index
    %get3A_1 = vector.load %arg1[%get3A, %get3A_0] : memref<1024x128xf32, #tpu.memory_space<vmem>>, vector<1024x128xf32>
    %get3A_2 = arith.constant 0 : index
    %get3A_3 = arith.constant 0 : index
    %get3A_4 = vector.load %arg2[%get3A_2, %get3A_3] : memref<128x128xf32, #tpu.memory_space<vmem>>, vector<128x128xf32>
    %dot_general3A = arith.constant dense<0.000000e+00> : vector<1024x128xf32>
    %dot_general3A_5 = tpu.matmul %get3A_1, %get3A_4, %dot_general3A {dimension_numbers = #tpu.dot_dimension_numbers<[1], [0], [0], [1], [0, 0, 1, 1], [], []>, transpose_lhs_hint = false} : vector<1024x128xf32>, vector<128x128xf32>, vector<1024x128xf32> -> vector<1024x128xf32>
    %get3A_6 = arith.constant 0 : index
    %get3A_7 = arith.constant 0 : index
    %get3A_8 = vector.load %arg3[%get3A_6, %get3A_7] : memref<1x128xf32, #tpu.memory_space<vmem>>, vector<1x128xf32>
    %add3A = vector.broadcast %get3A_8 : vector<1x128xf32> to vector<1024x128xf32>
    %add3A_9 = arith.addf %dot_general3A_5, %add3A : vector<1024x128xf32>
    %max3A = arith.constant 0.000000e+00 : f32
    %max3A_10 = vector.broadcast %max3A : f32 to vector<1024x128xf32>
    %max3A_11 = arith.maximumf %add3A_9, %max3A_10 : vector<1024x128xf32>
    %swap3A = arith.constant 0 : index
    %swap3A_12 = arith.constant 0 : index
    %swap3A_13 = vector.load %arg4[%swap3A, %swap3A_12] : memref<1024x128xf32, #tpu.memory_space<vmem>>, vector<1024x128xf32>
    tpu.vector_store %arg4[%swap3A, %swap3A_12], %max3A_11 {strides = array<i32>} : memref<1024x128xf32, #tpu.memory_space<vmem>>, vector<1024x128xf32>,
    return
  }
  func.func @transform_0(%arg0: i32) -> (i32, i32) {
    %c0_i32 = arith.constant 0 : i32
    %c0_i32_0 = arith.constant 0 : i32
    return %arg0, %c0_i32 : i32, i32
  }
  func.func @transform_1(%arg0: i32) -> (i32, i32) {
    %c0_i32 = arith.constant 0 : i32
    %c0_i32_0 = arith.constant 0 : i32
    %c0_i32_1 = arith.constant 0 : i32
    return %c0_i32, %c0_i32_0 : i32, i32
  }
  func.func @transform_2(%arg0: i32) -> (i32, i32) {
    %c0_i32 = arith.constant 0 : i32
    %c0_i32_0 = arith.constant 0 : i32
    %c0_i32_1 = arith.constant 0 : i32
    return %c0_i32, %c0_i32_0 : i32, i32
  }
  func.func @transform_3(%arg0: i32) -> (i32, i32) {
    %c0_i32 = arith.constant 0 : i32
    %c0_i32_0 = arith.constant 0 : i32
    return %arg0, %c0_i32 : i32, i32
  }
}

module attributes {stable_mosaic.version = 14 : i64} {
  func.func @_kc_body(%arg0: i32, %arg1: memref<2x1024x128xf32, #tpu.memory_space<vmem>>, %arg2: memref<1024x1xf32, #tpu.memory_space<vmem>>, %arg3: memref<1024x128xf32, #tpu.memory_space<vmem>>) attributes {dimension_semantics = [#tpu.dimension_semantics<arbitrary>], iteration_bounds = array<i64: 5>, scalar_prefetch = 0 : i64, scratch_operands = 0 : i64, tpu.core_type = #tpu.core_type<tc>, window_params = [{transform_indices = @transform_0, window_bounds = array<i64: 2, 1024, 128>}, {transform_indices = @transform_1, window_bounds = array<i64: 1024, 1>}, {transform_indices = @transform_2, window_bounds = array<i64: 1024, 128>}]} {
    %get3A = arith.constant 0 : index
    %get3A_0 = arith.constant 0 : index
    %get3A_1 = vector.load %arg2[%get3A, %get3A_0] : memref<1024x1xf32, #tpu.memory_space<vmem>>, vector<1024x1xf32>
    %get3A_2 = arith.constant 0 : index
    %get3A_3 = arith.constant 0 : index
    %get3A_4 = arith.constant 0 : index
    %get3A_5 = vector.load %arg1[%get3A_2, %get3A_3, %get3A_4] : memref<2x1024x128xf32, #tpu.memory_space<vmem>>, vector<1x1024x128xf32>
    %get3A_6 = vector.shape_cast %get3A_5 : vector<1x1024x128xf32> to vector<1024x128xf32>
    %get3A_7 = arith.constant 1 : index
    %get3A_8 = arith.constant 0 : index
    %get3A_9 = arith.constant 0 : index
    %get3A_10 = vector.load %arg1[%get3A_7, %get3A_8, %get3A_9] : memref<2x1024x128xf32, #tpu.memory_space<vmem>>, vector<1x1024x128xf32>
    %get3A_11 = vector.shape_cast %get3A_10 : vector<1x1024x128xf32> to vector<1024x128xf32>
    %add3A = arith.addf %get3A_6, %get3A_11 : vector<1024x128xf32>
    %mul3A = arith.mulf %get3A_1, %get3A_1 : vector<1024x1xf32>
    %mul3A_12 = arith.mulf %mul3A, %get3A_1 : vector<1024x1xf32>
    %mul3A_13 = vector.broadcast %mul3A_12 : vector<1024x1xf32> to vector<1024x128xf32>
    %mul3A_14 = arith.mulf %add3A, %mul3A_13 : vector<1024x128xf32>
    %swap3A = arith.constant 0 : index
    %swap3A_15 = arith.constant 0 : index
    %swap3A_16 = vector.load %arg3[%swap3A, %swap3A_15] : memref<1024x128xf32, #tpu.memory_space<vmem>>, vector<1024x128xf32>
    tpu.vector_store %arg3[%swap3A, %swap3A_15], %mul3A_14 {strides = array<i32>} : memref<1024x128xf32, #tpu.memory_space<vmem>>, vector<1024x128xf32>,
    return
  }
  func.func @transform_0(%arg0: i32) -> (i32, i32, i32) {
    %c0_i32 = arith.constant 0 : i32
    %c0_i32_0 = arith.constant 0 : i32
    %c0_i32_1 = arith.constant 0 : i32
    return %c0_i32, %arg0, %c0_i32_0 : i32, i32, i32
  }
  func.func @transform_1(%arg0: i32) -> (i32, i32) {
    %c0_i32 = arith.constant 0 : i32
    %c0_i32_0 = arith.constant 0 : i32
    return %arg0, %c0_i32 : i32, i32
  }
  func.func @transform_2(%arg0: i32) -> (i32, i32) {
    %c0_i32 = arith.constant 0 : i32
    %c0_i32_0 = arith.constant 0 : i32
    return %arg0, %c0_i32 : i32, i32
  }
}

module attributes {stable_mosaic.version = 14 : i64} {
  func.func @_k1_body(%arg0: i32, %arg1: memref<2x1024x128xf32, #tpu.memory_space<vmem>>, %arg2: memref<1024x1xf32, #tpu.memory_space<vmem>>, %arg3: memref<1024x128xf32, #tpu.memory_space<vmem>>, %arg4: memref<128x128xf32, #tpu.memory_space<vmem>>, %arg5: memref<1024x128xf32, #tpu.memory_space<vmem>>) attributes {dimension_semantics = [#tpu.dimension_semantics<arbitrary>], iteration_bounds = array<i64: 10>, scalar_prefetch = 0 : i64, scratch_operands = 0 : i64, tpu.core_type = #tpu.core_type<tc>, window_params = [{transform_indices = @transform_0, window_bounds = array<i64: 2, 1024, 128>}, {transform_indices = @transform_1, window_bounds = array<i64: 1024, 1>}, {transform_indices = @transform_2, window_bounds = array<i64: 1024, 128>}, {pipeline_mode = #tpu.pipeline_mode<synchronous>, transform_indices = @transform_3, window_bounds = array<i64: 128, 128>}, {transform_indices = @transform_4, window_bounds = array<i64: 1024, 128>}]} {
    %get3A = arith.constant 0 : index
    %get3A_0 = arith.constant 0 : index
    %get3A_1 = arith.constant 0 : index
    %get3A_2 = vector.load %arg1[%get3A, %get3A_0, %get3A_1] : memref<2x1024x128xf32, #tpu.memory_space<vmem>>, vector<1x1024x128xf32>
    %get3A_3 = vector.shape_cast %get3A_2 : vector<1x1024x128xf32> to vector<1024x128xf32>
    %get3A_4 = arith.constant 1 : index
    %get3A_5 = arith.constant 0 : index
    %get3A_6 = arith.constant 0 : index
    %get3A_7 = vector.load %arg1[%get3A_4, %get3A_5, %get3A_6] : memref<2x1024x128xf32, #tpu.memory_space<vmem>>, vector<1x1024x128xf32>
    %get3A_8 = vector.shape_cast %get3A_7 : vector<1x1024x128xf32> to vector<1024x128xf32>
    %add3A = arith.addf %get3A_3, %get3A_8 : vector<1024x128xf32>
    %get3A_9 = arith.constant 0 : index
    %get3A_10 = arith.constant 0 : index
    %get3A_11 = vector.load %arg2[%get3A_9, %get3A_10] : memref<1024x1xf32, #tpu.memory_space<vmem>>, vector<1024x1xf32>
    %mul3A = vector.broadcast %get3A_11 : vector<1024x1xf32> to vector<1024x128xf32>
    %mul3A_12 = arith.mulf %add3A, %mul3A : vector<1024x128xf32>
    %get3A_13 = arith.constant 0 : index
    %get3A_14 = arith.constant 0 : index
    %get3A_15 = vector.load %arg3[%get3A_13, %get3A_14] : memref<1024x128xf32, #tpu.memory_space<vmem>>, vector<1024x128xf32>
    %mul3A_16 = arith.constant 1.000000e-01 : f32
    %mul3A_17 = vector.broadcast %mul3A_16 : f32 to vector<1024x128xf32>
    %mul3A_18 = arith.mulf %mul3A_17, %get3A_15 : vector<1024x128xf32>
    %add3A_19 = arith.addf %mul3A_12, %mul3A_18 : vector<1024x128xf32>
    %get3A_20 = arith.constant 0 : index
    %get3A_21 = arith.constant 0 : index
    %get3A_22 = vector.load %arg4[%get3A_20, %get3A_21] : memref<128x128xf32, #tpu.memory_space<vmem>>, vector<128x128xf32>
    %dot_general3A = arith.constant dense<0.000000e+00> : vector<1024x128xf32>
    %dot_general3A_23 = tpu.matmul %add3A_19, %get3A_22, %dot_general3A {dimension_numbers = #tpu.dot_dimension_numbers<[1], [0], [0], [1], [0, 0, 1, 1], [], []>, transpose_lhs_hint = false} : vector<1024x128xf32>, vector<128x128xf32>, vector<1024x128xf32> -> vector<1024x128xf32>
    %mul3A_24 = arith.constant 0.594534874 : f32
    %mul3A_25 = vector.broadcast %mul3A_24 : f32 to vector<1024x128xf32>
    %mul3A_26 = arith.mulf %mul3A_25, %add3A_19 : vector<1024x128xf32>
    %mul3A_27 = arith.constant 0.405465096 : f32
    %mul3A_28 = vector.broadcast %mul3A_27 : f32 to vector<1024x128xf32>
    %mul3A_29 = arith.mulf %mul3A_28, %dot_general3A_23 : vector<1024x128xf32>
    %add3A_30 = arith.addf %mul3A_26, %mul3A_29 : vector<1024x128xf32>
    %max3A = arith.constant 0.000000e+00 : f32
    %max3A_31 = vector.broadcast %max3A : f32 to vector<1024x128xf32>
    %max3A_32 = arith.maximumf %add3A_30, %max3A_31 : vector<1024x128xf32>
    %swap3A = arith.constant 0 : index
    %swap3A_33 = arith.constant 0 : index
    %swap3A_34 = vector.load %arg5[%swap3A, %swap3A_33] : memref<1024x128xf32, #tpu.memory_space<vmem>>, vector<1024x128xf32>
    tpu.vector_store %arg5[%swap3A, %swap3A_33], %max3A_32 {strides = array<i32>} : memref<1024x128xf32, #tpu.memory_space<vmem>>, vector<1024x128xf32>,
    return
  }
  func.func @transform_0(%arg0: i32) -> (i32, i32, i32) {
    %c0_i32 = arith.constant 0 : i32
    %c0_i32_0 = arith.constant 0 : i32
    %c0_i32_1 = arith.constant 0 : i32
    return %c0_i32, %arg0, %c0_i32_0 : i32, i32, i32
  }
  func.func @transform_1(%arg0: i32) -> (i32, i32) {
    %c0_i32 = arith.constant 0 : i32
    %c0_i32_0 = arith.constant 0 : i32
    return %arg0, %c0_i32 : i32, i32
  }
  func.func @transform_2(%arg0: i32) -> (i32, i32) {
    %c0_i32 = arith.constant 0 : i32
    %c0_i32_0 = arith.constant 0 : i32
    return %arg0, %c0_i32 : i32, i32
  }
  func.func @transform_3(%arg0: i32) -> (i32, i32) {
    %c0_i32 = arith.constant 0 : i32
    %c0_i32_0 = arith.constant 0 : i32
    %c0_i32_1 = arith.constant 0 : i32
    return %c0_i32, %c0_i32_0 : i32, i32
  }
  func.func @transform_4(%arg0: i32) -> (i32, i32) {
    %c0_i32 = arith.constant 0 : i32
    %c0_i32_0 = arith.constant 0 : i32
    return %arg0, %c0_i32 : i32, i32
  }
}

module attributes {stable_mosaic.version = 14 : i64} {
  func.func @_k1o_body(%arg0: i32, %arg1: memref<2x1024x128xf32, #tpu.memory_space<vmem>>, %arg2: memref<1024x1xf32, #tpu.memory_space<vmem>>, %arg3: memref<1024x128xf32, #tpu.memory_space<vmem>>, %arg4: memref<128x128xf32, #tpu.memory_space<vmem>>, %arg5: memref<128x40xf32, #tpu.memory_space<vmem>>, %arg6: memref<1x40xf32, #tpu.memory_space<vmem>>, %arg7: memref<1024x40xf32, #tpu.memory_space<vmem>>) attributes {dimension_semantics = [#tpu.dimension_semantics<arbitrary>], iteration_bounds = array<i64: 10>, scalar_prefetch = 0 : i64, scratch_operands = 0 : i64, tpu.core_type = #tpu.core_type<tc>, window_params = [{transform_indices = @transform_0, window_bounds = array<i64: 2, 1024, 128>}, {transform_indices = @transform_1, window_bounds = array<i64: 1024, 1>}, {transform_indices = @transform_2, window_bounds = array<i64: 1024, 128>}, {pipeline_mode = #tpu.pipeline_mode<synchronous>, transform_indices = @transform_3, window_bounds = array<i64: 128, 128>}, {pipeline_mode = #tpu.pipeline_mode<synchronous>, transform_indices = @transform_4, window_bounds = array<i64: 128, 40>}, {pipeline_mode = #tpu.pipeline_mode<synchronous>, transform_indices = @transform_5, window_bounds = array<i64: 1, 40>}, {transform_indices = @transform_6, window_bounds = array<i64: 1024, 40>}]} {
    %get3A = arith.constant 0 : index
    %get3A_0 = arith.constant 0 : index
    %get3A_1 = arith.constant 0 : index
    %get3A_2 = vector.load %arg1[%get3A, %get3A_0, %get3A_1] : memref<2x1024x128xf32, #tpu.memory_space<vmem>>, vector<1x1024x128xf32>
    %get3A_3 = vector.shape_cast %get3A_2 : vector<1x1024x128xf32> to vector<1024x128xf32>
    %get3A_4 = arith.constant 1 : index
    %get3A_5 = arith.constant 0 : index
    %get3A_6 = arith.constant 0 : index
    %get3A_7 = vector.load %arg1[%get3A_4, %get3A_5, %get3A_6] : memref<2x1024x128xf32, #tpu.memory_space<vmem>>, vector<1x1024x128xf32>
    %get3A_8 = vector.shape_cast %get3A_7 : vector<1x1024x128xf32> to vector<1024x128xf32>
    %add3A = arith.addf %get3A_3, %get3A_8 : vector<1024x128xf32>
    %get3A_9 = arith.constant 0 : index
    %get3A_10 = arith.constant 0 : index
    %get3A_11 = vector.load %arg2[%get3A_9, %get3A_10] : memref<1024x1xf32, #tpu.memory_space<vmem>>, vector<1024x1xf32>
    %mul3A = vector.broadcast %get3A_11 : vector<1024x1xf32> to vector<1024x128xf32>
    %mul3A_12 = arith.mulf %add3A, %mul3A : vector<1024x128xf32>
    %get3A_13 = arith.constant 0 : index
    %get3A_14 = arith.constant 0 : index
    %get3A_15 = vector.load %arg3[%get3A_13, %get3A_14] : memref<1024x128xf32, #tpu.memory_space<vmem>>, vector<1024x128xf32>
    %mul3A_16 = arith.constant 1.000000e-01 : f32
    %mul3A_17 = vector.broadcast %mul3A_16 : f32 to vector<1024x128xf32>
    %mul3A_18 = arith.mulf %mul3A_17, %get3A_15 : vector<1024x128xf32>
    %add3A_19 = arith.addf %mul3A_12, %mul3A_18 : vector<1024x128xf32>
    %get3A_20 = arith.constant 0 : index
    %get3A_21 = arith.constant 0 : index
    %get3A_22 = vector.load %arg4[%get3A_20, %get3A_21] : memref<128x128xf32, #tpu.memory_space<vmem>>, vector<128x128xf32>
    %dot_general3A = arith.constant dense<0.000000e+00> : vector<1024x128xf32>
    %dot_general3A_23 = tpu.matmul %add3A_19, %get3A_22, %dot_general3A {dimension_numbers = #tpu.dot_dimension_numbers<[1], [0], [0], [1], [0, 0, 1, 1], [], []>, transpose_lhs_hint = false} : vector<1024x128xf32>, vector<128x128xf32>, vector<1024x128xf32> -> vector<1024x128xf32>
    %mul3A_24 = arith.constant 0.776856422 : f32
    %mul3A_25 = vector.broadcast %mul3A_24 : f32 to vector<1024x128xf32>
    %mul3A_26 = arith.mulf %mul3A_25, %add3A_19 : vector<1024x128xf32>
    %mul3A_27 = arith.constant 0.223143548 : f32
    %mul3A_28 = vector.broadcast %mul3A_27 : f32 to vector<1024x128xf32>
    %mul3A_29 = arith.mulf %mul3A_28, %dot_general3A_23 : vector<1024x128xf32>
    %add3A_30 = arith.addf %mul3A_26, %mul3A_29 : vector<1024x128xf32>
    %max3A = arith.constant 0.000000e+00 : f32
    %max3A_31 = vector.broadcast %max3A : f32 to vector<1024x128xf32>
    %max3A_32 = arith.maximumf %add3A_30, %max3A_31 : vector<1024x128xf32>
    %get3A_33 = arith.constant 0 : index
    %get3A_34 = arith.constant 0 : index
    %get3A_35 = vector.load %arg5[%get3A_33, %get3A_34] : memref<128x40xf32, #tpu.memory_space<vmem>>, vector<128x40xf32>
    %dot_general3A_36 = arith.constant dense<0.000000e+00> : vector<1024x40xf32>
    %dot_general3A_37 = tpu.matmul %max3A_32, %get3A_35, %dot_general3A_36 {dimension_numbers = #tpu.dot_dimension_numbers<[1], [0], [0], [1], [0, 0, 1, 1], [], []>, transpose_lhs_hint = false} : vector<1024x128xf32>, vector<128x40xf32>, vector<1024x40xf32> -> vector<1024x40xf32>
    %get3A_38 = arith.constant 0 : index
    %get3A_39 = arith.constant 0 : index
    %get3A_40 = vector.load %arg6[%get3A_38, %get3A_39] : memref<1x40xf32, #tpu.memory_space<vmem>>, vector<1x40xf32>
    %add3A_41 = vector.broadcast %get3A_40 : vector<1x40xf32> to vector<1024x40xf32>
    %add3A_42 = arith.addf %dot_general3A_37, %add3A_41 : vector<1024x40xf32>
    %swap3A = arith.constant 0 : index
    %swap3A_43 = arith.constant 0 : index
    %swap3A_44 = vector.load %arg7[%swap3A, %swap3A_43] : memref<1024x40xf32, #tpu.memory_space<vmem>>, vector<1024x40xf32>
    tpu.vector_store %arg7[%swap3A, %swap3A_43], %add3A_42 {strides = array<i32>} : memref<1024x40xf32, #tpu.memory_space<vmem>>, vector<1024x40xf32>,
    return
  }
  func.func @transform_0(%arg0: i32) -> (i32, i32, i32) {
    %c0_i32 = arith.constant 0 : i32
    %c0_i32_0 = arith.constant 0 : i32
    %c0_i32_1 = arith.constant 0 : i32
    return %c0_i32, %arg0, %c0_i32_0 : i32, i32, i32
  }
  func.func @transform_1(%arg0: i32) -> (i32, i32) {
    %c0_i32 = arith.constant 0 : i32
    %c0_i32_0 = arith.constant 0 : i32
    return %arg0, %c0_i32 : i32, i32
  }
  func.func @transform_2(%arg0: i32) -> (i32, i32) {
    %c0_i32 = arith.constant 0 : i32
    %c0_i32_0 = arith.constant 0 : i32
    return %arg0, %c0_i32 : i32, i32
  }
  func.func @transform_3(%arg0: i32) -> (i32, i32) {
    %c0_i32 = arith.constant 0 : i32
    %c0_i32_0 = arith.constant 0 : i32
    %c0_i32_1 = arith.constant 0 : i32
    return %c0_i32, %c0_i32_0 : i32, i32
  }
  func.func @transform_4(%arg0: i32) -> (i32, i32) {
    %c0_i32 = arith.constant 0 : i32
    %c0_i32_0 = arith.constant 0 : i32
    %c0_i32_1 = arith.constant 0 : i32
    return %c0_i32, %c0_i32_0 : i32, i32
  }
  func.func @transform_5(%arg0: i32) -> (i32, i32) {
    %c0_i32 = arith.constant 0 : i32
    %c0_i32_0 = arith.constant 0 : i32
    %c0_i32_1 = arith.constant 0 : i32
    return %c0_i32, %c0_i32_0 : i32, i32
  }
  func.func @transform_6(%arg0: i32) -> (i32, i32) {
    %c0_i32 = arith.constant 0 : i32
    %c0_i32_0 = arith.constant 0 : i32
    return %arg0, %c0_i32 : i32, i32
  }
}

</mosaic_0001>

<sc_bundles>
// kernel: kernel.11.cloned.1.call-start
scs
__scs_entry_jumppad:
0x0: {  	(pc) =	sbr.rel $0x88, $3  }
0x1: {  	(tag) =	ssettag $0x0;
	lr =	simm.s32 $0x1  }
0x2: {  	[smem:$0x3F96] =	sst lr;
	_ =	strace $0xD0000000  }
0x3: {  	_ = 	snop  }
0x4: {  	_ = 	snop  }
0x5: {  	_ = 	snop  }
0x6: {  	_ = 	snop  }
0x7: {  	_ = 	snop  }
__scs_overlays_trampoline_lowered:
0x8: {  	[smem:$0x3FA5] =	sst s0  }
0x9: {  	[smem:$0x3FA6] =	sst s1  }
0xa: {  	[smem:$0x3FA7] =	sst s2  }
0xb: {  	[smem:$0x3FA8] =	sst s3  }
0xc: {  	[smem:$0x3FA9] =	sst s4  }
0xd: {  	[smem:$0x3FAA] =	sst s5  }
0xe: {  	[smem:$0x3FAB] =	sst s6  }
0xf: {  	[smem:$0x3FAC] =	sst s7  }
0x10: {  	[smem:$0x3FAD] =	sst s8  }
0x11: {  	[smem:$0x3FAE] =	sst s9;
	s0 =	simm.s32 @!p0 $0x0  }
0x12: {  	s1 =	sld [smem:$0x3F94];
	s0 =	simm.s32 @p0 $0x1  }
0x13: {  	[smem:$0x3FAF] =	sst s0;
	s0 =	simm.s32 @!p1 $0x0  }
0x14: {  	s2 =	sld [smem:$0x3F93];
	s0 =	simm.s32 @p1 $0x1  }
0x15: {  	[smem:$0x3FB0] =	sst s0;
	s0 =	simm.s32 @!p2 $0x0  }
0x16: {  	s3 =	sld [smem:$0x3FDB];
	s0 =	simm.s32 @p2 $0x1  }
0x17: {  	s4 =	simm.s32 $0x1BF5;
	[smem:$0x3FB2] =	sst s0  }
0x18: {  	s0 =	sld [smem:$0x3F95];
	_ =	swait.ge [sflag:s4], $0x0  }
0x19: {  	s7 =	sld [smem:$0x3F96]  }
0x1a: {  	s8 =	sadd.s32 $0xFFFFE003, lr  }
0x1b: {  	s9 =	sadd.s32 $0xFFFFFEF7, lr;
	s5 =	simm.s32 $0xFFFFFFFF;
	p2 =	slt.u32 s8, $0xFFFFF086  }
0x1c: {  	p1 =	slt.u32 s9, $0xF7A;
	s5 =	simm.s32 @!p2 $0x0  }
0x1d: {  	s5 =	simm.s32 @p1 $0x1;
	p0 =	seq.s32 s7, s2  }
0x1e: {  	s7 =	smul.u32 @!p0 $0xF7A, s2;
	p2 =	seq.s32 @!p0 s5, $0x0  }
0x1f: {  	s9 =	smul.u32 $0xF7A, s1;
	s8 =	simm.s32 @!p0 $0x1BF5;
	p2 =	por !p2, p0  }
0x20: {  	[sflag:s8] =	ssyncset.s32 @!p0 $0xFFFFF086;
	s6 =	sadd.s32 @!p0 s3, s7;
	s7 =	simm.s32 @!p0 $0x108  }
0x21: {  	s3 =	sadd.s32 s3, s9;
	s6 =	sadd.s32 @!p0 $0x88, s6;
	s7 =	simm.s32 @p2 $0x1082  }
0x22: {  	[simem:s7], [sflag:s8] =	dma.local @!p0 [hbm:s6], $0xF7A  }
0x23: {  	s9 =	sor.u32 $0xD0000000, s2;
	s6 =	simm.s32 $0x108;
	_ =	swait.ge @!p0 [sflag:s8], $0x0  }
0x24: {  	s3 =	sadd.s32 $0x88, s3;
	s6 =	simm.s32 @!p1 $0x1082;
	[sflag:s4] =	ssyncset.s32 $0xFFFFF086  }
0x25: {  	[simem:s6], [sflag:s4] =	dma.local [hbm:s3], $0xF7A  }
0x26: {  	[smem:$0x3F96] =	sst s1;
	(tag) =	ssettag s2;
	_ =	strace s9  }
0x27: {  	s1 =	sld [smem:$0x3FA6]  }
0x28: {  	s2 =	sld [smem:$0x3FA7]  }
0x29: {  	s4 =	sld [smem:$0x3FA9]  }
0x2a: {  	p0 =	seq.s32 s5, $0x0;
	s5 =	sld [smem:$0x3FAA]  }
0x2b: {  	s6 =	sld [smem:$0x3FAB]  }
0x2c: {  	s7 =	sld [smem:$0x3FAC]  }
0x2d: {  	s3 =	simm.s32 $0x108;
	s8 =	sld [smem:$0x3FAD]  }
0x2e: {  	s3 =	simm.s32 @!p0 $0x1082;
	s9 =	sld [smem:$0x3FAE]  }
0x2f: {  	lr =	sadd.s32 s0, s3;
	s0 =	sld [smem:$0x3FA5]  }
0x30: {  	s3 =	sld [smem:$0x3FA8]  }
0x31: {  	[smem:$0x3FB1] =	sst s10  }
0x32: {  	s10 =	sld [smem:$0x3FAF];
	_ =	sdelay $0x3  }
0x33: {  	p0 =	seq.s32 s10, $0x1;
	s10 =	sld [smem:$0x3FB1];
	_ =	sdelay $0x3  }
0x34: {  	[smem:$0x3FB1] =	sst s10  }
0x35: {  	s10 =	sld [smem:$0x3FB0];
	_ =	sdelay $0x3  }
0x36: {  	p1 =	seq.s32 s10, $0x1;
	s10 =	sld [smem:$0x3FB1];
	_ =	sdelay $0x3  }
0x37: {  	[smem:$0x3FB1] =	sst s10  }
0x38: {  	s10 =	sld [smem:$0x3FB2]  }
0x39: {  	_ = 	snop;
	(pc) =	sbr.ind lr, $3  }
0x3a: {  	_ = 	snop  }
0x3b: {  	_ = 	snop  }
0x3c: {  	p2 =	seq.s32 s10, $0x1;
	s10 =	sld [smem:$0x3FB1]  }
0x3d: {  	_ =	shalt  }
0x3e: {  	_ =	shalt  }
0x3f: {  	_ =	shalt  }
0x40: {  	_ =	shalt  }
0x41: {  	_ =	shalt  }
0x42: {  	_ =	shalt  }
0x43: {  	_ =	shalt  }
0x44: {  	_ =	shalt  }
0x45: {  	_ =	shalt  }
0x46: {  	_ =	shalt  }
0x47: {  	_ =	shalt  }
0x48: {  	_ =	shalt  }
0x49: {  	_ =	shalt  }
0x4a: {  	_ =	shalt  }
0x4b: {  	_ =	shalt  }
0x4c: {  	_ =	shalt  }
0x4d: {  	_ =	shalt  }
0x4e: {  	_ =	shalt  }
0x4f: {  	_ =	shalt  }
0x50: {  	_ =	shalt  }
0x51: {  	_ =	shalt  }
0x52: {  	_ =	shalt  }
0x53: {  	_ =	shalt  }
0x54: {  	_ =	shalt  }
0x55: {  	_ =	shalt  }
0x56: {  	_ =	shalt  }
0x57: {  	_ =	shalt  }
0x58: {  	_ =	shalt  }
0x59: {  	_ =	shalt  }
0x5a: {  	_ =	shalt  }
0x5b: {  	_ =	shalt  }
0x5c: {  	_ =	shalt  }
0x5d: {  	_ =	shalt  }
0x5e: {  	_ =	shalt  }
0x5f: {  	_ =	shalt  }
0x60: {  	_ =	shalt  }
0x61: {  	_ =	shalt  }
0x62: {  	_ =	shalt  }
0x63: {  	_ =	shalt  }
0x64: {  	_ =	shalt  }
0x65: {  	_ =	shalt  }
0x66: {  	_ =	shalt  }
0x67: {  	_ =	shalt  }
0x68: {  	_ =	shalt  }
0x69: {  	_ =	shalt  }
0x6a: {  	_ =	shalt  }
0x6b: {  	_ =	shalt  }
0x6c: {  	_ =	shalt  }
0x6d: {  	_ =	shalt  }
0x6e: {  	_ =	shalt  }
0x6f: {  	_ =	shalt  }
0x70: {  	_ =	shalt  }
0x71: {  	_ =	shalt  }
0x72: {  	_ =	shalt  }
0x73: {  	_ =	shalt  }
0x74: {  	_ =	shalt  }
0x75: {  	_ =	shalt  }
0x76: {  	_ =	shalt  }
0x77: {  	_ =	shalt  }
0x78: {  	_ =	shalt  }
0x79: {  	_ =	shalt  }
0x7a: {  	_ =	shalt  }
0x7b: {  	_ =	shalt  }
0x7c: {  	_ =	shalt  }
0x7d: {  	_ =	shalt  }
0x7e: {  	_ =	shalt  }
0x7f: {  	_ =	shalt  }
0x80: {  	_ =	shalt  }
0x81: {  	_ =	shalt  }
0x82: {  	_ =	shalt  }
0x83: {  	_ =	shalt  }
0x84: {  	_ =	shalt  }
0x85: {  	_ =	shalt  }
0x86: {  	_ =	shalt  }
0x87: {  	_ =	shalt  }
.Lfunc_end0:
.L_simem_size_0:
called_computation_lowered:
.L_overlay_start_0:
0x88: {  	s2 =	sld [smem:$0x3FD9]  }
0x89: {  	s3 =	sld [smem:$0x3FFE];
	_ =	sdelay $0x1  }
0x8a: {  	s1 =	srdreg.scid  }
0x8b: {  	s0 =	sand.u32 $0x1, s1  }
0x8c: {  	s17 =	sshll.u32 s0, $0xA;
	s2 =	sadd.s32 s3, s2  }
0x8d: {  	s2 =	sadd.s32 s2, s17  }
0x8e: {  	[smem:$0x3FBD] =	sst s2  }
0x8f: {  	_ = 	snop  }
0x90: {  	s2 =	sld [smem:$0x3FC8]  }
0x91: {  	s18 =	sld [smem:$0x3FC7];
	(tm) =	ssettm $0x1  }
0x92: {  	s4 =	sld [smem:$0x3FFB];
	_ =	sdelay $0x3  }
0x93: {  	_ =	strace s4  }
0x94: {  	s4 =	sld [smem:$0x3FFC];
	_ =	sdelay $0x3  }
0x95: {  	_ =	strace s4  }
0x96: {  	s4 =	sld [smem:$0x3FFD];
	_ =	sdelay $0x3  }
0x97: {  	_ =	strace s4  }
0x98: {  	_ =	strace $0x8FFFFFFF  }
0x99: {  	s19 =	sld [smem:$0x3FDB];
	_ =	sdelay $0x1  }
0x9a: {  	s5 =	simm.s32 $_scs_section_size  }
0x9b: {  	s6 =	simm.s32 $_size__tile_overlayer_lowered;
	s7 =	simm.s32 $_tile_overlayer_lowered  }
0x9c: {  	s22 =	simm.s32 $0x1BFF;
	s21 =	sshll.u32 s7, $0x1;
	s4 =	sadd.s32 s5, s19  }
0x9d: {  	s8 =	simm.s32 $0x0;
	s20 =	sshll.u32 s6, $0x1;
	s6 =	sadd.s32 s21, s4  }
0x9e: {  	[timem:s8], [sflag:s22] =	dma.local [hbm:s6], s20  }
0x9f: {  	_ =	swait.ge [sflag:s22], s20  }
0xa0: {  	s5 =	ssub.s32 $0x0, s20;
	[sflag:s22] =	ssyncset.done $0x0  }
0xa1: {  	[sflag:s22] =	ssyncadd.s32 s5;
	_ =	sdelay $0x1  }
0xa2: {  	s23 =	simm.s32 $0x1B8B  }
0xa3: {  	_ =	swait.ge [sflag:s23], $0x1  }
0xa4: {  	[sflag:s23] =	ssyncset.done $0x0  }
0xa5: {  	s25 =	simm.s32 $0x1B8E;
	s24 =	sld [smem:$0x3FFE];
	[sflag:s23] =	ssyncadd.s32 $0xFFFFFFFF  }
0xa6: {  	s26 =	simm.s32 $execute0_lowered;
	[smem:$0x3FD2] =	sst s25  }
0xa7: {  	s6 =	sshll.u32 s26, $0x1;
	_ =	strace $0x80000046;
	[dreg:$0x1] =	wrdreg $0xFFFFFFFF  }
0xa8: {  	s28 =	simm.s32 $_size_execute0_lowered;
	s4 =	sadd.s32 s4, s6;
	[dreg:$0x0] =	wrdreg $0x0  }
0xa9: {  	s6 =	sshll.u32 s28, $0x1;
	[dreg:$0x2] =	wrdreg s4  }
0xaa: {  	[dreg:$0x3] =	wrdreg s6  }
0xab: {  	[dreg:$0x4] =	wrdreg $0xC0  }
0xac: {  	_ =	task [dreg:s8], $0x5FFFF  }
0xad: {  	[dreg:$0x1] =	wrdreg $0xFFFFFFFF  }
0xae: {  	[dreg:$0x0] =	wrdreg $0x60  }
0xaf: {  	[dreg:$0x2] =	wrdreg s24  }
0xb0: {  	[dreg:$0x3] =	wrdreg s2  }
0xb1: {  	[dreg:$0x4] =	wrdreg s18  }
0xb2: {  	[dreg:$0x5] =	wrdreg $0x0  }
0xb3: {  	[dreg:$0x6] =	wrdreg $0x9  }
0xb4: {  	_ =	task.clear_ibuf [dreg:s8], $0x7FFFF;
	_ =	strace $0x90000046  }
0xb5: {  	s29 =	simm.s32 $0x9;
	_ =	strace $0x80000048  }
0xb6: {  	_ =	swait.ge [sflag:s29], $0x1  }
0xb7: {  	[sflag:s29] =	ssyncadd.s32 $0xFFFFFFFF  }
0xb8: {  	_ =	strace $0x90000048  }
0xb9: {  	_ =	sfence  }
0xba: {  	s30 =	sld [smem:$0x0];
	_ =	sdelay $0x2  }
0xbb: {  	s31 =	sshll.u32 s1, $0xD;
	s1 =	sshrl.u32 s1, $0x2  }
0xbc: {  	s3 =	sand.u32 $0x4000, s31;
	s1 =	sadd.s32 s1, s30  }
0xbd: {  	s0 =	sor.u32 s3, s0;
	s1 =	sshll.u32 s1, $0x11  }
0xbe: {  	s0 =	sor.u32 s1, s0  }
0xbf: {  	s0 =	sadd.s32 $0x8F2B, s0  }
0xc0: {  	[sflag:s0] =	ssyncadd.remote.s32 $0x1  }
0xc1: {  	_ =	sfence.sel $0xFFFF  }
0xc2: {  	[dreg:$0x0] =	wrdreg $0xFFFFFFFF;
	(pc) =	sbr.abs _section_cstart, $3  }
0xc3: {  	[dreg:$0x1] =	wrdreg $0xFFFFFFFF  }
0xc4: {  	_ =	task.clear_ibuf [dreg:s8], $0x2FFFF;
	_ =	strace $0x9FFFFFFF  }
0xc5: {  	(tm) =	ssettm $0x7FFFFFFF  }
tec
execute0_lowered:
.L_overlay_start_1:
0x0: {  	(tag) =	ssettag $0x1  }
0x1: {  	s0 =	rddreg [dreg:$0x0]  }
0x2: {  	s29 =	rddreg [dreg:$0x1]  }
0x3: {  	s10 =	rddreg [dreg:$0x2];
	s9 =	stileid.u32  }
0x4: {  	s1 =	srdreg.scid;
	s3 =	smul.u32 $0xA000, s9  }
0x5: {  	s5 =	simm.s32 $0x0;
	s1 =	sand.u32 $0x1, s1;
	s19 =	smul.u32 $0x2710, s9  }
0x6: {  	[smem:$0x7FF] =	sst s5;
	s2 =	smul.u32 $0xA0000, s1;
	s6 =	sshll.u32 s1, $0x4  }
0x7: {  	s7 =	ssub.s32 $0x2, s1;
	s1 =	smul.u32 $0x27100, s1;
	s6 =	sor.u32 s9, s6  }
0x8: {  	s4 =	rddreg [dreg:$0x3];
	_ =	strace $0x80000047;
	s26 =	smul.u32 $0x2710, s6  }
0x9: {  	s8 =	sshrl.u32 s7, $0x1;
	s2 =	sadd.s32 s3, s2;
	s6 =	sadd.s32 $0x3800, s0  }
0xa: {  	s1 =	sadd.s32 s19, s1;
	s2 =	sshrl.u32 s2, $0x3;
	s3 =	sshrl.u32 s26, $0x3  }
0xb: {  	s22 =	sadd.s32 $0x370, s1;
	s0 =	sadd.s32 s2, s0;
	s11 =	sadd.s32 s29, s3  }
0xc: {  	s2 =	ssub.s32 s7, s8;
	s8 =	sadd.s32 s10, s3;
	[dreg:$0xf] =	wrdreg s11  }
0xd: {  	s23 =	sshrl.u32 s22, $0x3;
	s0 =	sadd.s32 $0x2B800, s0;
	[dreg:$0x10] =	wrdreg s8  }
0xe: {  	s25 =	sadd.s32 s23, s29;
	[dreg:$0x1c] =	wrdreg s0  }
0xf: {  	s12 =	sadd.s32 $0xA, s3;
	s2 =	smax.u32 s2, $0x1;
	[dreg:$0x5] =	wrdreg s25  }
0x10: {  	s13 =	sadd.s32 s29, s12;
	[dreg:$0x1d] =	wrdreg s2  }
0x11: {  	s14 =	sadd.s32 $0x14, s3;
	s7 =	sadd.s32 s10, s12;
	[dreg:$0x11] =	wrdreg s13  }
0x12: {  	s15 =	sadd.s32 s29, s14;
	[dreg:$0x12] =	wrdreg s7  }
0x13: {  	s16 =	sadd.s32 $0x1E, s3;
	s8 =	sadd.s32 s10, s14;
	[dreg:$0x13] =	wrdreg s15  }
0x14: {  	s18 =	sadd.s32 $0x28, s3;
	s17 =	sadd.s32 s29, s16;
	[dreg:$0x14] =	wrdreg s8  }
0x15: {  	s3 =	sadd.s32 $0x32, s3;
	s11 =	sadd.s32 s29, s18;
	[dreg:$0x15] =	wrdreg s17  }
0x16: {  	s24 =	sadd.s32 $0x320, s1;
	s20 =	sadd.s32 s29, s3;
	[dreg:$0x17] =	wrdreg s11  }
0x17: {  	s26 =	sshrl.u32 s24, $0x3;
	s3 =	sadd.s32 s10, s3;
	[dreg:$0x19] =	wrdreg s20  }
0x18: {  	s9 =	smul.u32 $0x28000, s9;
	s12 =	sadd.s32 s26, s29;
	[dreg:$0x1a] =	wrdreg s3  }
0x19: {  	s0 =	simm.s32 $0x0;
	[dreg:$0x7] =	wrdreg s12  }
0x1a: {  	s21 =	sshrl.u32 s9, $0x2;
	s7 =	sadd.s32 s10, s16;
	[smem:$0x7FD] =	sst s0  }
0x1b: {  	s19 =	sadd.s32 $0x230, s1;
	s8 =	sadd.s32 s21, s4;
	[dreg:$0x16] =	wrdreg s7  }
0x1c: {  	s21 =	sshrl.u32 s19, $0x3;
	s7 =	sadd.s32 s10, s18;
	[dreg:$0x1b] =	wrdreg s8  }
0x1d: {  	s22 =	sadd.s32 s21, s10;
	[dreg:$0x18] =	wrdreg s7  }
0x1e: {  	s24 =	sadd.s32 s21, s29;
	[dreg:$0xc] =	wrdreg s22  }
0x1f: {  	s11 =	sadd.s32 $0x2D0, s1;
	s3 =	sadd.s32 $0x400, s8;
	[dreg:$0xd] =	wrdreg s24  }
0x20: {  	s13 =	sshrl.u32 s11, $0x3;
	s11 =	sadd.s32 $0x1E0, s1;
	[dreg:$0x1e] =	wrdreg s3  }
0x21: {  	s15 =	sadd.s32 $0x280, s1;
	s12 =	sadd.s32 $0x1000, s8;
	[smem:$0x7D8] =	sst s11  }
0x22: {  	s17 =	sshrl.u32 s15, $0x3;
	s15 =	sadd.s32 $0x1C00, s8;
	[smem:$0x7D9] =	sst s12  }
0x23: {  	s19 =	sadd.s32 $0x2C00, s8;
	[smem:$0x7DC] =	sst s15  }
0x24: {  	s23 =	sadd.s32 $0x190, s1;
	s21 =	sadd.s32 $0x3400, s8;
	[smem:$0x7E0] =	sst s19  }
0x25: {  	s25 =	sshrl.u32 s23, $0x3;
	s23 =	sadd.s32 $0x3C00, s8;
	[smem:$0x7E2] =	sst s21  }
0x26: {  	s1 =	sadd.s32 $0x4C00, s8;
	[smem:$0x7E4] =	sst s23  }
0x27: {  	s2 =	sadd.s32 $0x5000, s8;
	[smem:$0x7E8] =	sst s1  }
0x28: {  	s7 =	sadd.s32 s26, s10;
	[smem:$0x7E9] =	sst s2  }
0x29: {  	s14 =	sadd.s32 s13, s10;
	[dreg:$0x6] =	wrdreg s7  }
0x2a: {  	s16 =	sadd.s32 s13, s29;
	[dreg:$0x8] =	wrdreg s14  }
0x2b: {  	s18 =	sadd.s32 s17, s10;
	[dreg:$0x9] =	wrdreg s16  }
0x2c: {  	s20 =	sadd.s32 s17, s29;
	[dreg:$0xa] =	wrdreg s18  }
0x2d: {  	s26 =	sadd.s32 s25, s10;
	[dreg:$0xb] =	wrdreg s20  }
0x2e: {  	s9 =	smov.u32 s10;
	s10 =	sadd.s32 $0xC00, s8;
	[dreg:$0xe] =	wrdreg s26  }
0x2f: {  	s13 =	sadd.s32 $0x1400, s8;
	[smem:$0x7D7] =	sst s10  }
0x30: {  	s17 =	sadd.s32 $0x2400, s8;
	[smem:$0x7DA] =	sst s13  }
0x31: {  	s22 =	sadd.s32 $0x3800, s8;
	[smem:$0x7DE] =	sst s17  }
0x32: {  	s24 =	sadd.s32 $0x4000, s8;
	[smem:$0x7E3] =	sst s22  }
0x33: {  	s25 =	sadd.s32 $0x4400, s8;
	[smem:$0x7E5] =	sst s24  }
0x34: {  	s3 =	sadd.s32 $0x5400, s8;
	[smem:$0x7E6] =	sst s25  }
0x35: {  	s11 =	sadd.s32 $0x6000, s8;
	[smem:$0x7EA] =	sst s3  }
0x36: {  	s12 =	sadd.s32 $0x6400, s8;
	[smem:$0x7ED] =	sst s11  }
0x37: {  	s15 =	sadd.s32 $0x7000, s8;
	[smem:$0x7EE] =	sst s12  }
0x38: {  	s19 =	sadd.s32 $0x8000, s8;
	[smem:$0x7F1] =	sst s15  }
0x39: {  	s21 =	sadd.s32 $0x8800, s8;
	[smem:$0x7F5] =	sst s19  }
0x3a: {  	s23 =	sadd.s32 $0x9000, s8;
	[smem:$0x7F7] =	sst s21  }
0x3b: {  	s7 =	sadd.s32 $0x800, s8;
	[smem:$0x7F9] =	sst s23  }
0x3c: {  	s14 =	sadd.s32 $0x1800, s8;
	[dreg:$0x1f] =	wrdreg s7  }
0x3d: {  	s28 =	simm.s32 $0x7;
	s16 =	sadd.s32 $0x2000, s8;
	[smem:$0x7DB] =	sst s14  }
0x3e: {  	s30 =	simm.s32 $0x50;
	s18 =	sadd.s32 $0x2800, s8;
	[smem:$0x7DD] =	sst s16  }
0x3f: {  	s31 =	simm.s32 $0x14600;
	s20 =	sadd.s32 $0x3000, s8;
	[smem:$0x7DF] =	sst s18  }
0x40: {  	s1 =	simm.s32 $0xA380;
	s26 =	sadd.s32 $0x4800, s8;
	[smem:$0x7E1] =	sst s20  }
0x41: {  	s2 =	simm.s32 $0xA400;
	s10 =	sadd.s32 $0x5C00, s8;
	[smem:$0x7E7] =	sst s26  }
0x42: {  	s13 =	sadd.s32 $0x6800, s8;
	s17 =	sadd.s32 $0x7800, s8;
	[smem:$0x7EC] =	sst s10  }
0x43: {  	s22 =	sadd.s32 $0x8C00, s8;
	s24 =	sadd.s32 $0x9400, s8;
	[smem:$0x7EF] =	sst s13  }
0x44: {  	s25 =	sadd.s32 $0x9800, s8;
	s11 =	simm.s32 $0xA080;
	[smem:$0x7F3] =	sst s17  }
0x45: {  	s19 =	simm.s32 $0xA100;
	s12 =	simm.s32 $0xA180;
	[smem:$0x7F8] =	sst s22  }
0x46: {  	s15 =	simm.s32 $0xA500;
	s23 =	simm.s32 $0xA580;
	[smem:$0x7FA] =	sst s24  }
0x47: {  	s21 =	simm.s32 $0xF;
	s7 =	sadd.s32 $0x5800, s8;
	[smem:$0x7FB] =	sst s25  }
0x48: {  	s3 =	simm.s32 $0x11;
	s14 =	sadd.s32 $0x6C00, s8;
	[smem:$0x7EB] =	sst s7  }
0x49: {  	s16 =	sadd.s32 $0x7400, s8;
	s18 =	sadd.s32 $0x7C00, s8;
	[smem:$0x7F0] =	sst s14  }
0x4a: {  	s20 =	sadd.s32 $0x8400, s8;
	s26 =	sadd.s32 $0x9C00, s8;
	[smem:$0x7F2] =	sst s16  }
0x4b: {  	s10 =	simm.s32 $0xA300;
	s13 =	simm.s32 $0xA480;
	[smem:$0x7F4] =	sst s18  }
0x4c: {  	s24 =	simm.s32 $0xA280;
	s17 =	simm.s32 $0xA600;
	[smem:$0x7F6] =	sst s20  }
0x4d: {  	s22 =	simm.s32 $0xF600;
	s25 =	simm.s32 $0x10;
	[smem:$0x7FC] =	sst s26  }
0x4e: {  	s7 =	simm.s32 $0xA000;
	s14 =	simm.s32 $0xA200;
	s16 =	simm.s32 $0xD  }
0x4f: {  	v0 =	vimm.f32 $0.0e+00;
	s18 =	simm.s32 $0xE;
	s20 =	simm.s32 $0xCE00;
	s26 =	simm.s32 $0x11E00  }
.LBB2_1:
0x50: {  	s0 =	rddreg [dreg:$0xf]  }
0x51: {  	[tilespmem:s7], [sflag:$0xD] =	stream.linear.gather [hbm4b:s0+s5], $0x50, $0x38;
	[tilespmem:$0x19A00] =	vst v63  }
0x52: {  	s0 =	rddreg [dreg:$0x10]  }
0x53: {  	[tilespmem:s10], [sflag:$0x13] =	stream.linear.gather [hbm4b:s0+s5], $0x50, $0x38;
	[tilespmem:$0x19A00] =	vst v63  }
0x54: {  	s0 =	rddreg [dreg:$0x11]  }
0x55: {  	[tilespmem:s11], [sflag:$0xE] =	stream.linear.gather [hbm4b:s0+s5], $0x50, $0x38;
	[tilespmem:$0x19A00] =	vst v63  }
0x56: {  	s0 =	rddreg [dreg:$0x12]  }
0x57: {  	[tilespmem:s1], [sflag:$0x14] =	stream.linear.gather [hbm4b:s0+s5], $0x50, $0x38;
	[tilespmem:$0x19A00] =	vst v63  }
0x58: {  	s1 =	rddreg [dreg:$0x13]  }
0x59: {  	[tilespmem:s19], [sflag:$0xF] =	stream.linear.gather [hbm4b:s1+s5], $0x50, $0x38;
	[tilespmem:$0x19A00] =	vst v63  }
0x5a: {  	s1 =	rddreg [dreg:$0x14]  }
0x5b: {  	[tilespmem:s2], [sflag:$0x15] =	stream.linear.gather [hbm4b:s1+s5], $0x50, $0x38;
	[tilespmem:$0x19A00] =	vst v63  }
0x5c: {  	s2 =	rddreg [dreg:$0x15]  }
0x5d: {  	[tilespmem:s12], [sflag:$0x10] =	stream.linear.gather [hbm4b:s2+s5], $0x50, $0x38;
	[tilespmem:$0x19A00] =	vst v63  }
0x5e: {  	s1 =	rddreg [dreg:$0x16]  }
0x5f: {  	[tilespmem:s13], [sflag:$0x16] =	stream.linear.gather [hbm4b:s1+s5], $0x50, $0x38;
	[tilespmem:$0x19A00] =	vst v63  }
0x60: {  	s2 =	rddreg [dreg:$0x17]  }
0x61: {  	[tilespmem:s14], [sflag:$0x11] =	stream.linear.gather [hbm4b:s2+s5], $0x50, $0x38;
	[tilespmem:$0x19A00] =	vst v63  }
0x62: {  	s13 =	rddreg [dreg:$0x18]  }
0x63: {  	[tilespmem:s15], [sflag:$0x17] =	stream.linear.gather [hbm4b:s13+s5], $0x50, $0x38;
	[tilespmem:$0x19A00] =	vst v63  }
0x64: {  	s1 =	rddreg [dreg:$0x19]  }
0x65: {  	[tilespmem:s24], [sflag:$0x12] =	stream.linear.gather [hbm4b:s1+s5], $0x50, $0x38;
	[tilespmem:$0x19A00] =	vst v63  }
0x66: {  	s2 =	rddreg [dreg:$0x1a]  }
0x67: {  	[tilespmem:s23], [sflag:$0x18] =	stream.linear.gather [hbm4b:s2+s5], $0x50, $0x38;
	[tilespmem:$0x19A00] =	vst v63  }
0x68: {  	[tilespmem:$0x19600] =	vst v0  }
0x69: {  	[tilespmem:$0x19610] =	vst v0  }
0x6a: {  	[tilespmem:$0x19620] =	vst v0  }
0x6b: {  	[tilespmem:$0x19630] =	vst v0  }
0x6c: {  	[tilespmem:$0x19640] =	vst v0  }
0x6d: {  	[tilespmem:$0x19650] =	vst v0  }
0x6e: {  	[tilespmem:$0x19660] =	vst v0  }
0x6f: {  	[tilespmem:$0x19670] =	vst v0  }
0x70: {  	[tilespmem:$0x19680] =	vst v0  }
0x71: {  	[tilespmem:$0x19690] =	vst v0  }
0x72: {  	[tilespmem:$0x196A0] =	vst v0  }
0x73: {  	[tilespmem:$0x196B0] =	vst v0  }
0x74: {  	[tilespmem:$0x196C0] =	vst v0  }
0x75: {  	[tilespmem:$0x196D0] =	vst v0  }
0x76: {  	[tilespmem:$0x196E0] =	vst v0  }
0x77: {  	[tilespmem:$0x196F0] =	vst v0  }
0x78: {  	[tilespmem:$0x19700] =	vst v0  }
0x79: {  	[tilespmem:$0x19710] =	vst v0  }
0x7a: {  	[tilespmem:$0x19720] =	vst v0  }
0x7b: {  	[tilespmem:$0x19730] =	vst v0  }
0x7c: {  	[tilespmem:$0x19740] =	vst v0  }
0x7d: {  	[tilespmem:$0x19750] =	vst v0  }
0x7e: {  	[tilespmem:$0x19760] =	vst v0  }
0x7f: {  	[tilespmem:$0x19770] =	vst v0  }
0x80: {  	[tilespmem:$0x19780] =	vst v0  }
0x81: {  	[tilespmem:$0x19790] =	vst v0  }
0x82: {  	[tilespmem:$0x197A0] =	vst v0  }
0x83: {  	[tilespmem:$0x197B0] =	vst v0  }
0x84: {  	[tilespmem:$0x197C0] =	vst v0  }
0x85: {  	[tilespmem:$0x197D0] =	vst v0  }
0x86: {  	[tilespmem:$0x197E0] =	vst v0  }
0x87: {  	[tilespmem:$0x197F0] =	vst v0  }
0x88: {  	[tilespmem:$0x19800] =	vst v0  }
0x89: {  	[tilespmem:$0x19810] =	vst v0  }
0x8a: {  	[tilespmem:$0x19820] =	vst v0  }
0x8b: {  	[tilespmem:$0x19830] =	vst v0  }
0x8c: {  	[tilespmem:$0x19840] =	vst v0  }
0x8d: {  	[tilespmem:$0x19850] =	vst v0  }
0x8e: {  	[tilespmem:$0x19860] =	vst v0  }
0x8f: {  	[tilespmem:$0x19870] =	vst v0  }
0x90: {  	[tilespmem:$0x19880] =	vst v0  }
0x91: {  	[tilespmem:$0x19890] =	vst v0  }
0x92: {  	[tilespmem:$0x198A0] =	vst v0  }
0x93: {  	[tilespmem:$0x198B0] =	vst v0  }
0x94: {  	[tilespmem:$0x198C0] =	vst v0  }
0x95: {  	[tilespmem:$0x198D0] =	vst v0  }
0x96: {  	[tilespmem:$0x198E0] =	vst v0  }
0x97: {  	[tilespmem:$0x198F0] =	vst v0  }
0x98: {  	[tilespmem:$0x19900] =	vst v0  }
0x99: {  	[tilespmem:$0x19910] =	vst v0  }
0x9a: {  	[tilespmem:$0x19920] =	vst v0  }
0x9b: {  	[tilespmem:$0x19930] =	vst v0  }
0x9c: {  	[tilespmem:$0x19940] =	vst v0  }
0x9d: {  	[tilespmem:$0x19950] =	vst v0  }
0x9e: {  	[tilespmem:$0x19960] =	vst v0  }
0x9f: {  	[tilespmem:$0x19970] =	vst v0  }
0xa0: {  	[tilespmem:$0x19980] =	vst v0  }
0xa1: {  	[tilespmem:$0x19990] =	vst v0  }
0xa2: {  	[tilespmem:$0x199A0] =	vst v0  }
0xa3: {  	[tilespmem:$0x199B0] =	vst v0  }
0xa4: {  	[tilespmem:$0x199C0] =	vst v0  }
0xa5: {  	[tilespmem:$0x199D0] =	vst v0  }
0xa6: {  	[tilespmem:$0x199E0] =	vst v0  }
0xa7: {  	s13 =	rddreg [dreg:$0x1f];
	s1 =	simm.s32 $0x19600;
	[tilespmem:$0x199F0] =	vst v0  }
0xa8: {  	[spmem:s8] =	stream.linear.scatter [tilespmem:s1], [sflag:$0x7], $0x400, $0x38;
	[tilespmem:$0x19A00] =	vst v63  }
0xa9: {  	s8 =	rddreg [dreg:$0x1e]  }
0xaa: {  	[spmem:s8] =	stream.linear.scatter [tilespmem:s1], [sflag:$0x7], $0x400, $0x38;
	[tilespmem:$0x19A00] =	vst v63  }
0xab: {  	s15 =	sld [smem:$0x7D7]  }
0xac: {  	[spmem:s13] =	stream.linear.scatter [tilespmem:s1], [sflag:$0x7], $0x400, $0x38;
	[tilespmem:$0x19A00] =	vst v63  }
0xad: {  	s23 =	sld [smem:$0x7D9]  }
0xae: {  	[spmem:s15] =	stream.linear.scatter [tilespmem:s1], [sflag:$0x7], $0x400, $0x38;
	[tilespmem:$0x19A00] =	vst v63  }
0xaf: {  	s2 =	sld [smem:$0x7DA]  }
0xb0: {  	[spmem:s23] =	stream.linear.scatter [tilespmem:s1], [sflag:$0x7], $0x400, $0x38;
	[tilespmem:$0x19A00] =	vst v63  }
0xb1: {  	s8 =	sld [smem:$0x7DB]  }
0xb2: {  	[spmem:s2] =	stream.linear.scatter [tilespmem:s1], [sflag:$0x7], $0x400, $0x38;
	[tilespmem:$0x19A00] =	vst v63  }
0xb3: {  	s13 =	sld [smem:$0x7DC]  }
0xb4: {  	[spmem:s8] =	stream.linear.scatter [tilespmem:s1], [sflag:$0x7], $0x400, $0x38;
	[tilespmem:$0x19A00] =	vst v63  }
0xb5: {  	s15 =	sld [smem:$0x7DD]  }
0xb6: {  	[spmem:s13] =	stream.linear.scatter [tilespmem:s1], [sflag:$0x7], $0x400, $0x38;
	[tilespmem:$0x19A00] =	vst v63  }
0xb7: {  	s23 =	sld [smem:$0x7DE]  }
0xb8: {  	[spmem:s15] =	stream.linear.scatter [tilespmem:s1], [sflag:$0x7], $0x400, $0x38;
	[tilespmem:$0x19A00] =	vst v63  }
0xb9: {  	s2 =	sld [smem:$0x7DF]  }
0xba: {  	[spmem:s23] =	stream.linear.scatter [tilespmem:s1], [sflag:$0x7], $0x400, $0x38;
	[tilespmem:$0x19A00] =	vst v63  }
0xbb: {  	s8 =	sld [smem:$0x7E0]  }
0xbc: {  	[spmem:s2] =	stream.linear.scatter [tilespmem:s1], [sflag:$0x7], $0x400, $0x38;
	[tilespmem:$0x19A00] =	vst v63  }
0xbd: {  	s13 =	sld [smem:$0x7E1]  }
0xbe: {  	[spmem:s8] =	stream.linear.scatter [tilespmem:s1], [sflag:$0x7], $0x400, $0x38;
	[tilespmem:$0x19A00] =	vst v63  }
0xbf: {  	s15 =	sld [smem:$0x7E2]  }
0xc0: {  	[spmem:s13] =	stream.linear.scatter [tilespmem:s1], [sflag:$0x7], $0x400, $0x38;
	[tilespmem:$0x19A00] =	vst v63  }
0xc1: {  	s23 =	sld [smem:$0x7E3]  }
0xc2: {  	[spmem:s15] =	stream.linear.scatter [tilespmem:s1], [sflag:$0x7], $0x400, $0x38;
	[tilespmem:$0x19A00] =	vst v63  }
0xc3: {  	s2 =	sld [smem:$0x7E4]  }
0xc4: {  	[spmem:s23] =	stream.linear.scatter [tilespmem:s1], [sflag:$0x7], $0x400, $0x38;
	[tilespmem:$0x19A00] =	vst v63  }
0xc5: {  	s8 =	sld [smem:$0x7E5]  }
0xc6: {  	[spmem:s2] =	stream.linear.scatter [tilespmem:s1], [sflag:$0x7], $0x400, $0x38;
	[tilespmem:$0x19A00] =	vst v63  }
0xc7: {  	s13 =	sld [smem:$0x7E6]  }
0xc8: {  	[spmem:s8] =	stream.linear.scatter [tilespmem:s1], [sflag:$0x7], $0x400, $0x38;
	[tilespmem:$0x19A00] =	vst v63  }
0xc9: {  	s15 =	sld [smem:$0x7E7]  }
0xca: {  	[spmem:s13] =	stream.linear.scatter [tilespmem:s1], [sflag:$0x7], $0x400, $0x38;
	[tilespmem:$0x19A00] =	vst v63  }
0xcb: {  	s23 =	sld [smem:$0x7E8]  }
0xcc: {  	[spmem:s15] =	stream.linear.scatter [tilespmem:s1], [sflag:$0x7], $0x400, $0x38;
	[tilespmem:$0x19A00] =	vst v63  }
0xcd: {  	s2 =	sld [smem:$0x7E9]  }
0xce: {  	[spmem:s23] =	stream.linear.scatter [tilespmem:s1], [sflag:$0x7], $0x400, $0x38;
	[tilespmem:$0x19A00] =	vst v63  }
0xcf: {  	s8 =	sld [smem:$0x7EA]  }
0xd0: {  	[spmem:s2] =	stream.linear.scatter [tilespmem:s1], [sflag:$0x7], $0x400, $0x38;
	[tilespmem:$0x19A00] =	vst v63  }
0xd1: {  	s13 =	sld [smem:$0x7EB]  }
0xd2: {  	[spmem:s8] =	stream.linear.scatter [tilespmem:s1], [sflag:$0x7], $0x400, $0x38;
	[tilespmem:$0x19A00] =	vst v63  }
0xd3: {  	s15 =	sld [smem:$0x7EC]  }
0xd4: {  	[spmem:s13] =	stream.linear.scatter [tilespmem:s1], [sflag:$0x7], $0x400, $0x38;
	[tilespmem:$0x19A00] =	vst v63  }
0xd5: {  	s23 =	sld [smem:$0x7ED]  }
0xd6: {  	[spmem:s15] =	stream.linear.scatter [tilespmem:s1], [sflag:$0x7], $0x400, $0x38;
	[tilespmem:$0x19A00] =	vst v63  }
0xd7: {  	s2 =	sld [smem:$0x7EE]  }
0xd8: {  	[spmem:s23] =	stream.linear.scatter [tilespmem:s1], [sflag:$0x7], $0x400, $0x38;
	[tilespmem:$0x19A00] =	vst v63  }
0xd9: {  	s8 =	sld [smem:$0x7EF]  }
0xda: {  	[spmem:s2] =	stream.linear.scatter [tilespmem:s1], [sflag:$0x7], $0x400, $0x38;
	[tilespmem:$0x19A00] =	vst v63  }
0xdb: {  	s13 =	sld [smem:$0x7F0]  }
0xdc: {  	[spmem:s8] =	stream.linear.scatter [tilespmem:s1], [sflag:$0x7], $0x400, $0x38;
	[tilespmem:$0x19A00] =	vst v63  }
0xdd: {  	s15 =	sld [smem:$0x7F1]  }
0xde: {  	[spmem:s13] =	stream.linear.scatter [tilespmem:s1], [sflag:$0x7], $0x400, $0x38;
	[tilespmem:$0x19A00] =	vst v63  }
0xdf: {  	s23 =	sld [smem:$0x7F2]  }
0xe0: {  	[spmem:s15] =	stream.linear.scatter [tilespmem:s1], [sflag:$0x7], $0x400, $0x38;
	[tilespmem:$0x19A00] =	vst v63  }
0xe1: {  	s2 =	sld [smem:$0x7F3]  }
0xe2: {  	[spmem:s23] =	stream.linear.scatter [tilespmem:s1], [sflag:$0x7], $0x400, $0x38;
	[tilespmem:$0x19A00] =	vst v63  }
0xe3: {  	s8 =	sld [smem:$0x7F4]  }
0xe4: {  	[spmem:s2] =	stream.linear.scatter [tilespmem:s1], [sflag:$0x7], $0x400, $0x38;
	[tilespmem:$0x19A00] =	vst v63  }
0xe5: {  	s13 =	sld [smem:$0x7F5]  }
0xe6: {  	[spmem:s8] =	stream.linear.scatter [tilespmem:s1], [sflag:$0x7], $0x400, $0x38;
	[tilespmem:$0x19A00] =	vst v63  }
0xe7: {  	s15 =	sld [smem:$0x7F6]  }
0xe8: {  	[spmem:s13] =	stream.linear.scatter [tilespmem:s1], [sflag:$0x7], $0x400, $0x38;
	[tilespmem:$0x19A00] =	vst v63  }
0xe9: {  	s23 =	sld [smem:$0x7F7]  }
0xea: {  	[spmem:s15] =	stream.linear.scatter [tilespmem:s1], [sflag:$0x7], $0x400, $0x38;
	[tilespmem:$0x19A00] =	vst v63  }
0xeb: {  	s2 =	sld [smem:$0x7F8]  }
0xec: {  	[spmem:s23] =	stream.linear.scatter [tilespmem:s1], [sflag:$0x7], $0x400, $0x38;
	[tilespmem:$0x19A00] =	vst v63  }
0xed: {  	s8 =	sld [smem:$0x7F9]  }
0xee: {  	[spmem:s2] =	stream.linear.scatter [tilespmem:s1], [sflag:$0x7], $0x400, $0x38;
	[tilespmem:$0x19A00] =	vst v63  }
0xef: {  	s13 =	sld [smem:$0x7FA]  }
0xf0: {  	[spmem:s8] =	stream.linear.scatter [tilespmem:s1], [sflag:$0x7], $0x400, $0x38;
	[tilespmem:$0x19A00] =	vst v63  }
0xf1: {  	s15 =	sld [smem:$0x7FB]  }
0xf2: {  	[spmem:s13] =	stream.linear.scatter [tilespmem:s1], [sflag:$0x7], $0x400, $0x38;
	[tilespmem:$0x19A00] =	vst v63  }
0xf3: {  	s23 =	sld [smem:$0x7FC]  }
0xf4: {  	[spmem:s15] =	stream.linear.scatter [tilespmem:s1], [sflag:$0x7], $0x400, $0x38;
	[tilespmem:$0x19A00] =	vst v63  }
0xf5: {  	_ = 	snop  }
0xf6: {  	[spmem:s23] =	stream.linear.scatter [tilespmem:s1], [sflag:$0x7], $0x400, $0x38;
	[tilespmem:$0x19A00] =	vst v63  }
0xf7: {  	_ =	swait.ge [sflag:s28], $0x400  }
0xf8: {  	s2 =	simm.s32 $0x27;
	[sflag:s28] =	ssyncset.done $0x0  }
.LBB2_2:
0xf9: {  	p0 =	sne.s32 s2, $0x1;
	s2 =	sadd.s32 $0xFFFFFFFF, s2;
	[sflag:s28] =	ssyncadd.s32 $0xFFFFFC00  }
.Ltmp0:
0xfa: {  	(pc) =	sbr.rel @p0 .LBB2_2-.Ltmp0, $3  }
0xfb: {  	_ =	sdelay $0x1  }
0xfc: {  	_ =	swait.ge [sflag:s28], $0x400  }
0xfd: {  	[sflag:s28] =	ssyncset.done $0x0  }
0xfe: {  	[sflag:s28] =	ssyncadd.s32 $0xFFFFFC00  }
0xff: {  	[bflag:$0x0] =	sbarrier.arrive $0xFFFF  }
0x100: {  	_ =	swait.ge [sflag:s16], $0x50  }
0x101: {  	[sflag:s16] =	ssyncset.done $0x0  }
0x102: {  	[sflag:s16] =	ssyncadd.s32 $0xFFFFFFB0  }
0x103: {  	[tilespmem:s17], [sflag:$0x1] =	stream.indirect.gather [hbm4b:s6+s30], $0x80, s7, s30, $0xb8;
	[tilespmem:$0x19A00] =	vst v63  }
0x104: {  	_ =	swait.ge [sflag:s18], $0x50  }
0x105: {  	[sflag:s18] =	ssyncset.done $0x0  }
0x106: {  	[sflag:s18] =	ssyncadd.s32 $0xFFFFFFB0  }
0x107: {  	[tilespmem:s20], [sflag:$0x2] =	stream.indirect.gather [hbm4b:s6+s30], $0x80, s11, s30, $0xb8;
	[tilespmem:$0x19A00] =	vst v63  }
0x108: {  	_ =	swait.ge [sflag:s21], $0x50  }
0x109: {  	[sflag:s21] =	ssyncset.done $0x0  }
0x10a: {  	[sflag:s21] =	ssyncadd.s32 $0xFFFFFFB0  }
0x10b: {  	[tilespmem:s22], [sflag:$0x3] =	stream.indirect.gather [hbm4b:s6+s30], $0x80, s19, s30, $0xb8;
	[tilespmem:$0x19A00] =	vst v63  }
0x10c: {  	_ =	swait.ge [sflag:s25], $0x50  }
0x10d: {  	[sflag:s25] =	ssyncset.done $0x0  }
0x10e: {  	[sflag:s25] =	ssyncadd.s32 $0xFFFFFFB0  }
0x10f: {  	[tilespmem:s26], [sflag:$0x4] =	stream.indirect.gather [hbm4b:s6+s30], $0x80, s12, s30, $0xb8;
	[tilespmem:$0x19A00] =	vst v63  }
0x110: {  	_ =	swait.ge [sflag:s3], $0x50  }
0x111: {  	[sflag:s3] =	ssyncset.done $0x0  }
0x112: {  	s1 =	simm.s32 $0x1;
	[sflag:s3] =	ssyncadd.s32 $0xFFFFFFB0  }
0x113: {  	[tilespmem:s31], [sflag:$0x5] =	stream.indirect.gather [hbm4b:s6+s30], $0x80, s14, s30, $0xb8;
	[tilespmem:$0x19A00] =	vst v63  }
0x114: {  	_ =	swait.ge [sflag:s1], $0x2800  }
0x115: {  	s0 =	sld [smem:$0x7D8];
	_ =	sdelay $0x2  }
0x116: {  	[sflag:s1] =	ssyncset.done $0x0;
	s2 =	sshrl.u32 s0, $0x3  }
0x117: {  	[sflag:s1] =	ssyncadd.s32 $0xFFFFD800;
	s8 =	sadd.s32 s29, s2  }
0x118: {  	[tilespmem:s7], [sflag:$0xD] =	stream.linear.gather [hbm4b:s8+s5], $0x50, $0x38;
	[tilespmem:$0x19A00] =	vst v63  }
0x119: {  	s7 =	simm.s32 $0x13  }
0x11a: {  	_ =	swait.ge [sflag:s7], $0x50  }
0x11b: {  	p0 =	por $0x1, $0x1;
	[sflag:s7] =	ssyncset.done $0x0  }
0x11c: {  	s8 =	simm.s32 @!p0 $0xC;
	[sflag:s7] =	ssyncadd.s32 $0xFFFFFFB0  }
0x11d: {  	[spmem:s4] =	stream.indirect.scatter.add.f32 [tilespmem:s17], [sflag:$0x7], $0x80, s10, s30, $0xb8;
	[tilespmem:$0x19A00] =	vst v63  }
0x11e: {  	_ =	swait.ge @!p0 [sflag:s8], $0x2800  }
0x11f: {  	s25 =	simm.s32 @!p0 $0xA580;
	s10 =	rddreg [dreg:$0xe];
	[sflag:s8] =	ssyncset.done @!p0 $0x0  }
0x120: {  	[sflag:s8] =	ssyncadd.s32 @!p0 $0xFFFFD800;
	s8 =	simm.s32 @!p0 $0x0;
	s10 =	sadd.s32 @!p0 $0x0, s10  }
0x121: {  	[tilespmem:s25], [sflag:$0x18] =	stream.linear.gather @!p0 [hbm4b:s10+s8], $0x50, $0x38;
	[tilespmem:$0x19A00] =	vst v63  }
0x122: {  	s10 =	simm.s32 $0x12  }
0x123: {  	_ =	swait.ge [sflag:s10], $0x50  }
0x124: {  	[sflag:s10] =	ssyncset.done $0x0  }
0x125: {  	s25 =	simm.s32 $0x16E00;
	[sflag:s10] =	ssyncadd.s32 $0xFFFFFFB0  }
0x126: {  	[tilespmem:s25], [sflag:$0x6] =	stream.indirect.gather [hbm4b:s6+s30], $0x80, s24, s30, $0xb8;
	[tilespmem:$0x19A00] =	vst v63  }
0x127: {  	s24 =	simm.s32 $0x2  }
0x128: {  	_ =	swait.ge [sflag:s24], $0x2800  }
0x129: {  	s26 =	rddreg [dreg:$0xd];
	[sflag:s24] =	ssyncset.done $0x0  }
0x12a: {  	s10 =	simm.s32 $0x14;
	[sflag:s24] =	ssyncadd.s32 $0xFFFFD800;
	s8 =	sadd.s32 $0x0, s26  }
0x12b: {  	[tilespmem:s11], [sflag:$0xE] =	stream.linear.gather [hbm4b:s8+s5], $0x50, $0x38;
	[tilespmem:$0x19A00] =	vst v63  }
0x12c: {  	_ =	swait.ge [sflag:s10], $0x50  }
0x12d: {  	[sflag:s10] =	ssyncset.done $0x0  }
0x12e: {  	s1 =	simm.s32 $0xCE00;
	s8 =	simm.s32 $0xA380;
	[sflag:s10] =	ssyncadd.s32 $0xFFFFFFB0  }
0x12f: {  	[spmem:s4] =	stream.indirect.scatter.add.f32 [tilespmem:s1], [sflag:$0x8], $0x80, s8, s30, $0xb8;
	[tilespmem:$0x19A00] =	vst v63  }
0x130: {  	_ =	swait.ge [sflag:s28], $0x2800  }
0x131: {  	s13 =	simm.s32 $0xA300;
	[sflag:s28] =	ssyncset.done $0x0  }
0x132: {  	s20 =	simm.s32 $0xD;
	s2 =	sadd.s32 s9, s2;
	[sflag:s28] =	ssyncadd.s32 $0xFFFFD800  }
0x133: {  	[tilespmem:s13], [sflag:$0x13] =	stream.linear.gather [hbm4b:s2+s5], $0x50, $0x38;
	[tilespmem:$0x19A00] =	vst v63  }
0x134: {  	_ =	swait.ge [sflag:s20], $0x50  }
0x135: {  	s19 =	simm.s32 $0xA000;
	[sflag:s20] =	ssyncset.done $0x0  }
0x136: {  	s12 =	simm.s32 $0xA600;
	s24 =	simm.s32 $0x3;
	[sflag:s20] =	ssyncadd.s32 $0xFFFFFFB0  }
0x137: {  	[tilespmem:s12], [sflag:$0x1] =	stream.indirect.gather [hbm4b:s6+s30], $0x80, s19, s30, $0xb8;
	[tilespmem:$0x19A00] =	vst v63  }
0x138: {  	_ =	swait.ge [sflag:s24], $0x2800  }
0x139: {  	s18 =	simm.s32 $0xA100;
	s26 =	rddreg [dreg:$0xb];
	[sflag:s24] =	ssyncset.done $0x0  }
0x13a: {  	s12 =	simm.s32 $0x15;
	[sflag:s24] =	ssyncadd.s32 $0xFFFFD800;
	s2 =	sadd.s32 $0x0, s26  }
0x13b: {  	[tilespmem:s18], [sflag:$0xF] =	stream.linear.gather [hbm4b:s2+s5], $0x50, $0x38;
	[tilespmem:$0x19A00] =	vst v63  }
0x13c: {  	_ =	swait.ge [sflag:s12], $0x50  }
0x13d: {  	s3 =	simm.s32 $0xF600;
	[sflag:s12] =	ssyncset.done $0x0  }
0x13e: {  	s13 =	simm.s32 $0x8;
	[sflag:s12] =	ssyncadd.s32 $0xFFFFFFB0;
	s12 =	simm.s32 $0xA400  }
0x13f: {  	[spmem:s4] =	stream.indirect.scatter.add.f32 [tilespmem:s3], [sflag:$0x9], $0x80, s12, s30, $0xb8;
	[tilespmem:$0x19A00] =	vst v63  }
0x140: {  	_ =	swait.ge [sflag:s13], $0x2800  }
0x141: {  	s19 =	rddreg [dreg:$0xc];
	[sflag:s13] =	ssyncset.done $0x0  }
0x142: {  	s22 =	simm.s32 $0xE;
	[sflag:s13] =	ssyncadd.s32 $0xFFFFD800;
	s2 =	sadd.s32 $0x0, s19  }
0x143: {  	[tilespmem:s8], [sflag:$0x14] =	stream.linear.gather [hbm4b:s2+s5], $0x50, $0x38;
	[tilespmem:$0x19A00] =	vst v63  }
0x144: {  	_ =	swait.ge [sflag:s22], $0x50  }
0x145: {  	[sflag:s22] =	ssyncset.done $0x0  }
0x146: {  	s20 =	simm.s32 $0x4;
	[sflag:s22] =	ssyncadd.s32 $0xFFFFFFB0  }
0x147: {  	[tilespmem:s1], [sflag:$0x2] =	stream.indirect.gather [hbm4b:s6+s30], $0x80, s11, s30, $0xb8;
	[tilespmem:$0x19A00] =	vst v63  }
0x148: {  	_ =	swait.ge [sflag:s20], $0x2800  }
0x149: {  	s17 =	simm.s32 $0xA180;
	s22 =	rddreg [dreg:$0x9];
	[sflag:s20] =	ssyncset.done $0x0  }
0x14a: {  	s24 =	simm.s32 $0x16;
	[sflag:s20] =	ssyncadd.s32 $0xFFFFD800;
	s2 =	sadd.s32 $0x0, s22  }
0x14b: {  	[tilespmem:s17], [sflag:$0x10] =	stream.linear.gather [hbm4b:s2+s5], $0x50, $0x38;
	[tilespmem:$0x19A00] =	vst v63  }
0x14c: {  	_ =	swait.ge [sflag:s24], $0x50  }
0x14d: {  	s16 =	simm.s32 $0x11E00;
	[sflag:s24] =	ssyncset.done $0x0  }
0x14e: {  	s10 =	simm.s32 $0x9;
	s26 =	simm.s32 $0xA480;
	[sflag:s24] =	ssyncadd.s32 $0xFFFFFFB0  }
0x14f: {  	[spmem:s4] =	stream.indirect.scatter.add.f32 [tilespmem:s16], [sflag:$0xA], $0x80, s26, s30, $0xb8;
	[tilespmem:$0x19A00] =	vst v63  }
0x150: {  	_ =	swait.ge [sflag:s10], $0x2800  }
0x151: {  	s11 =	rddreg [dreg:$0xa];
	[sflag:s10] =	ssyncset.done $0x0  }
0x152: {  	s23 =	simm.s32 $0xF;
	[sflag:s10] =	ssyncadd.s32 $0xFFFFD800;
	s2 =	sadd.s32 $0x0, s11  }
0x153: {  	[tilespmem:s12], [sflag:$0x15] =	stream.linear.gather [hbm4b:s2+s5], $0x50, $0x38;
	[tilespmem:$0x19A00] =	vst v63  }
0x154: {  	_ =	swait.ge [sflag:s23], $0x50  }
0x155: {  	[sflag:s23] =	ssyncset.done $0x0  }
0x156: {  	s13 =	simm.s32 $0x5;
	[sflag:s23] =	ssyncadd.s32 $0xFFFFFFB0  }
0x157: {  	[tilespmem:s3], [sflag:$0x3] =	stream.indirect.gather [hbm4b:s6+s30], $0x80, s18, s30, $0xb8;
	[tilespmem:$0x19A00] =	vst v63  }
0x158: {  	_ =	swait.ge [sflag:s13], $0x2800  }
0x159: {  	s15 =	simm.s32 $0xA200;
	s18 =	rddreg [dreg:$0x7];
	[sflag:s13] =	ssyncset.done $0x0  }
0x15a: {  	s19 =	simm.s32 $0x17;
	[sflag:s13] =	ssyncadd.s32 $0xFFFFD800;
	s2 =	sadd.s32 $0x0, s18  }
0x15b: {  	[tilespmem:s15], [sflag:$0x11] =	stream.linear.gather [hbm4b:s2+s5], $0x50, $0x38;
	[tilespmem:$0x19A00] =	vst v63  }
0x15c: {  	_ =	swait.ge [sflag:s19], $0x50  }
0x15d: {  	s14 =	simm.s32 $0x14600;
	[sflag:s19] =	ssyncset.done $0x0  }
0x15e: {  	s20 =	simm.s32 $0xA500;
	s22 =	simm.s32 $0xA;
	[sflag:s19] =	ssyncadd.s32 $0xFFFFFFB0  }
0x15f: {  	[spmem:s4] =	stream.indirect.scatter.add.f32 [tilespmem:s14], [sflag:$0xB], $0x80, s20, s30, $0xb8;
	[tilespmem:$0x19A00] =	vst v63  }
0x160: {  	_ =	swait.ge [sflag:s22], $0x2800  }
0x161: {  	s23 =	rddreg [dreg:$0x8];
	[sflag:s22] =	ssyncset.done $0x0  }
0x162: {  	s31 =	simm.s32 $0x10;
	[sflag:s22] =	ssyncadd.s32 $0xFFFFD800;
	s2 =	sadd.s32 $0x0, s23  }
0x163: {  	[tilespmem:s26], [sflag:$0x16] =	stream.linear.gather [hbm4b:s2+s5], $0x50, $0x38;
	[tilespmem:$0x19A00] =	vst v63  }
0x164: {  	_ =	swait.ge [sflag:s31], $0x50  }
0x165: {  	[sflag:s31] =	ssyncset.done $0x0  }
0x166: {  	[sflag:s31] =	ssyncadd.s32 $0xFFFFFFB0  }
0x167: {  	[tilespmem:s16], [sflag:$0x4] =	stream.indirect.gather [hbm4b:s6+s30], $0x80, s17, s30, $0xb8;
	[tilespmem:$0x19A00] =	vst v63  }
0x168: {  	p0 =	por $0x0, $0x0;
	s17 =	simm.s32 $0x6  }
0x169: {  	s8 =	simm.s32 @!p0 $0x0;
	_ =	swait.ge [sflag:s17], $0x2800  }
0x16a: {  	s10 =	simm.s32 @!p0 $0xA280;
	s2 =	rddreg [dreg:$0x5];
	[sflag:s17] =	ssyncset.done $0x0  }
0x16b: {  	s14 =	simm.s32 $0x18;
	[sflag:s17] =	ssyncadd.s32 $0xFFFFD800;
	s2 =	sadd.s32 @!p0 $0x0, s2  }
0x16c: {  	[tilespmem:s10], [sflag:$0x12] =	stream.linear.gather @!p0 [hbm4b:s2+s8], $0x50, $0x38;
	[tilespmem:$0x19A00] =	vst v63  }
0x16d: {  	_ =	swait.ge [sflag:s14], $0x50  }
0x16e: {  	[sflag:s14] =	ssyncset.done $0x0  }
0x16f: {  	s24 =	simm.s32 $0xA580;
	s26 =	simm.s32 $0xB;
	[sflag:s14] =	ssyncadd.s32 $0xFFFFFFB0  }
0x170: {  	[spmem:s4] =	stream.indirect.scatter.add.f32 [tilespmem:s25], [sflag:$0xC], $0x80, s24, s30, $0xb8;
	[tilespmem:$0x19A00] =	vst v63  }
0x171: {  	_ =	swait.ge [sflag:s26], $0x2800  }
0x172: {  	s31 =	rddreg [dreg:$0x6];
	[sflag:s26] =	ssyncset.done $0x0  }
0x173: {  	s21 =	simm.s32 $0x11;
	[sflag:s26] =	ssyncadd.s32 $0xFFFFD800;
	s2 =	sadd.s32 $0x0, s31  }
0x174: {  	[tilespmem:s20], [sflag:$0x17] =	stream.linear.gather [hbm4b:s2+s5], $0x50, $0x38;
	[tilespmem:$0x19A00] =	vst v63  }
0x175: {  	_ =	swait.ge [sflag:s21], $0x50  }
0x176: {  	s8 =	simm.s32 $0x3C;
	s10 =	smov.u32 s0;
	[sflag:s21] =	ssyncset.done $0x0  }
.LBB2_4:
0x177: {  	s24 =	simm.s32 $0x11;
	s18 =	simm.s32 $0x14600  }
0x178: {  	s12 =	simm.s32 $0xA200;
	s0 =	simm.s32 $0x1;
	[sflag:s24] =	ssyncadd.s32 $0xFFFFFFB0  }
0x179: {  	[tilespmem:s18], [sflag:$0x5] =	stream.indirect.gather [hbm4b:s6+s30], $0x80, s12, s30, $0xb8;
	[tilespmem:$0x19A00] =	vst v63  }
0x17a: {  	s10 =	sadd.s32 $0x1E0, s10;
	_ =	swait.ge [sflag:s0], $0x2800  }
0x17b: {  	s23 =	smov.u32 s29;
	s2 =	sshrl.u32 s10, $0x3;
	[sflag:s0] =	ssyncset.done $0x0  }
0x17c: {  	s1 =	simm.s32 $0xA000;
	s29 =	sadd.s32 s29, s2;
	[sflag:s0] =	ssyncadd.s32 $0xFFFFD800  }
0x17d: {  	[tilespmem:s1], [sflag:$0xD] =	stream.linear.gather [hbm4b:s29+s5], $0x50, $0x38;
	[tilespmem:$0x19A00] =	vst v63  }
0x17e: {  	s25 =	smov.u32 s8;
	_ =	swait.ge [sflag:s7], $0x50  }
0x17f: {  	s21 =	simm.s32 $0xA600;
	p1 =	seq.s32 s25, $0x0;
	[sflag:s7] =	ssyncset.done $0x0  }
0x180: {  	s31 =	simm.s32 $0xA300;
	s29 =	simm.s32 @!p1 $0xC;
	[sflag:s7] =	ssyncadd.s32 $0xFFFFFFB0  }
0x181: {  	[spmem:s4] =	stream.indirect.scatter.add.f32 [tilespmem:s21], [sflag:$0x7], $0x80, s31, s30, $0xb8;
	[tilespmem:$0x19A00] =	vst v63  }
0x182: {  	s26 =	simm.s32 $0x12;
	_ =	swait.ge @!p1 [sflag:s29], $0x2800  }
0x183: {  	s7 =	simm.s32 @!p1 $0xA580;
	[sflag:s29] =	ssyncset.done @!p1 $0x0;
	s0 =	rddreg [dreg:$0xe]  }
0x184: {  	[sflag:s29] =	ssyncadd.s32 @!p1 $0xFFFFD800;
	s29 =	simm.s32 @!p1 $0x0;
	s0 =	sadd.s32 @!p1 s25, s0  }
0x185: {  	[tilespmem:s7], [sflag:$0x18] =	stream.linear.gather @!p1 [hbm4b:s0+s29], $0x50, $0x38;
	[tilespmem:$0x19A00] =	vst v63  }
0x186: {  	_ =	swait.ge [sflag:s26], $0x50  }
0x187: {  	[sflag:s26] =	ssyncset.done $0x0  }
0x188: {  	s15 =	simm.s32 $0x16E00;
	s3 =	simm.s32 $0xA280;
	[sflag:s26] =	ssyncadd.s32 $0xFFFFFFB0  }
0x189: {  	[tilespmem:s15], [sflag:$0x6] =	stream.indirect.gather [hbm4b:s6+s30], $0x80, s3, s30, $0xb8;
	[tilespmem:$0x19A00] =	vst v63  }
0x18a: {  	s3 =	simm.s32 $0x2  }
0x18b: {  	s11 =	smov.u32 s9;
	s13 =	simm.s32 $0x14;
	_ =	swait.ge [sflag:s3], $0x2800  }
0x18c: {  	s9 =	smov.u32 s11;
	s7 =	rddreg [dreg:$0xd];
	[sflag:s3] =	ssyncset.done $0x0  }
0x18d: {  	s11 =	simm.s32 $0xA080;
	[sflag:s3] =	ssyncadd.s32 $0xFFFFD800;
	s0 =	sadd.s32 s25, s7  }
0x18e: {  	[tilespmem:s11], [sflag:$0xE] =	stream.linear.gather [hbm4b:s0+s5], $0x50, $0x38;
	[tilespmem:$0x19A00] =	vst v63  }
0x18f: {  	_ =	swait.ge [sflag:s13], $0x50  }
0x190: {  	[sflag:s13] =	ssyncset.done $0x0  }
0x191: {  	s20 =	simm.s32 $0xA380;
	s3 =	simm.s32 $0xCE00;
	[sflag:s13] =	ssyncadd.s32 $0xFFFFFFB0  }
0x192: {  	[spmem:s4] =	stream.indirect.scatter.add.f32 [tilespmem:s3], [sflag:$0x8], $0x80, s20, s30, $0xb8;
	[tilespmem:$0x19A00] =	vst v63  }
0x193: {  	_ =	swait.ge [sflag:s28], $0x2800  }
0x194: {  	[sflag:s28] =	ssyncset.done $0x0  }
0x195: {  	s19 =	simm.s32 $0xD;
	s16 =	sadd.s32 s9, s2;
	[sflag:s28] =	ssyncadd.s32 $0xFFFFD800  }
0x196: {  	[tilespmem:s31], [sflag:$0x13] =	stream.linear.gather [hbm4b:s16+s5], $0x50, $0x38;
	[tilespmem:$0x19A00] =	vst v63  }
0x197: {  	_ =	swait.ge [sflag:s19], $0x50  }
0x198: {  	[sflag:s19] =	ssyncset.done $0x0  }
0x199: {  	s22 =	simm.s32 $0x3;
	[sflag:s19] =	ssyncadd.s32 $0xFFFFFFB0  }
0x19a: {  	[tilespmem:s21], [sflag:$0x1] =	stream.indirect.gather [hbm4b:s6+s30], $0x80, s1, s30, $0xb8;
	[tilespmem:$0x19A00] =	vst v63  }
0x19b: {  	_ =	swait.ge [sflag:s22], $0x2800  }
0x19c: {  	s19 =	simm.s32 $0xA100;
	s26 =	rddreg [dreg:$0xb];
	[sflag:s22] =	ssyncset.done $0x0  }
0x19d: {  	s1 =	simm.s32 $0x15;
	[sflag:s22] =	ssyncadd.s32 $0xFFFFD800;
	s0 =	sadd.s32 s25, s26  }
0x19e: {  	[tilespmem:s19], [sflag:$0xF] =	stream.linear.gather [hbm4b:s0+s5], $0x50, $0x38;
	[tilespmem:$0x19A00] =	vst v63  }
0x19f: {  	_ =	swait.ge [sflag:s1], $0x50  }
0x1a0: {  	s2 =	simm.s32 $0x8;
	[sflag:s1] =	ssyncset.done $0x0  }
0x1a1: {  	s7 =	simm.s32 $0xF600;
	s13 =	simm.s32 $0xA400;
	[sflag:s1] =	ssyncadd.s32 $0xFFFFFFB0  }
0x1a2: {  	[spmem:s4] =	stream.indirect.scatter.add.f32 [tilespmem:s7], [sflag:$0x9], $0x80, s13, s30, $0xb8;
	[tilespmem:$0x19A00] =	vst v63  }
0x1a3: {  	_ =	swait.ge [sflag:s2], $0x2800  }
0x1a4: {  	s16 =	rddreg [dreg:$0xc];
	[sflag:s2] =	ssyncset.done $0x0  }
0x1a5: {  	s21 =	simm.s32 $0xE;
	[sflag:s2] =	ssyncadd.s32 $0xFFFFD800;
	s0 =	sadd.s32 s25, s16  }
0x1a6: {  	[tilespmem:s20], [sflag:$0x14] =	stream.linear.gather [hbm4b:s0+s5], $0x50, $0x38;
	[tilespmem:$0x19A00] =	vst v63  }
0x1a7: {  	_ =	swait.ge [sflag:s21], $0x50  }
0x1a8: {  	[sflag:s21] =	ssyncset.done $0x0  }
0x1a9: {  	s22 =	simm.s32 $0x4;
	[sflag:s21] =	ssyncadd.s32 $0xFFFFFFB0  }
0x1aa: {  	[tilespmem:s3], [sflag:$0x2] =	stream.indirect.gather [hbm4b:s6+s30], $0x80, s11, s30, $0xb8;
	[tilespmem:$0x19A00] =	vst v63  }
0x1ab: {  	_ =	swait.ge [sflag:s22], $0x2800  }
0x1ac: {  	s20 =	simm.s32 $0xA180;
	s26 =	rddreg [dreg:$0x9];
	[sflag:s22] =	ssyncset.done $0x0  }
0x1ad: {  	s3 =	simm.s32 $0x16;
	[sflag:s22] =	ssyncadd.s32 $0xFFFFD800;
	s0 =	sadd.s32 s25, s26  }
0x1ae: {  	[tilespmem:s20], [sflag:$0x10] =	stream.linear.gather [hbm4b:s0+s5], $0x50, $0x38;
	[tilespmem:$0x19A00] =	vst v63  }
0x1af: {  	_ =	swait.ge [sflag:s3], $0x50  }
0x1b0: {  	s2 =	simm.s32 $0x11E00;
	[sflag:s3] =	ssyncset.done $0x0  }
0x1b1: {  	s16 =	simm.s32 $0x9;
	s22 =	simm.s32 $0xA480;
	[sflag:s3] =	ssyncadd.s32 $0xFFFFFFB0  }
0x1b2: {  	[spmem:s4] =	stream.indirect.scatter.add.f32 [tilespmem:s2], [sflag:$0xA], $0x80, s22, s30, $0xb8;
	[tilespmem:$0x19A00] =	vst v63  }
0x1b3: {  	_ =	swait.ge [sflag:s16], $0x2800  }
0x1b4: {  	s26 =	rddreg [dreg:$0xa];
	[sflag:s16] =	ssyncset.done $0x0  }
0x1b5: {  	[sflag:s16] =	ssyncadd.s32 $0xFFFFD800;
	s0 =	sadd.s32 s25, s26  }
0x1b6: {  	[tilespmem:s13], [sflag:$0x15] =	stream.linear.gather [hbm4b:s0+s5], $0x50, $0x38;
	[tilespmem:$0x19A00] =	vst v63  }
0x1b7: {  	s13 =	simm.s32 $0xF  }
0x1b8: {  	_ =	swait.ge [sflag:s13], $0x50  }
0x1b9: {  	[sflag:s13] =	ssyncset.done $0x0  }
0x1ba: {  	s16 =	simm.s32 $0x5;
	[sflag:s13] =	ssyncadd.s32 $0xFFFFFFB0  }
0x1bb: {  	[tilespmem:s7], [sflag:$0x3] =	stream.indirect.gather [hbm4b:s6+s30], $0x80, s19, s30, $0xb8;
	[tilespmem:$0x19A00] =	vst v63  }
0x1bc: {  	_ =	swait.ge [sflag:s16], $0x2800  }
0x1bd: {  	s19 =	rddreg [dreg:$0x7];
	[sflag:s16] =	ssyncset.done $0x0  }
0x1be: {  	[sflag:s16] =	ssyncadd.s32 $0xFFFFD800;
	s0 =	sadd.s32 s25, s19  }
0x1bf: {  	[tilespmem:s12], [sflag:$0x11] =	stream.linear.gather [hbm4b:s0+s5], $0x50, $0x38;
	[tilespmem:$0x19A00] =	vst v63  }
0x1c0: {  	s12 =	simm.s32 $0x17  }
0x1c1: {  	_ =	swait.ge [sflag:s12], $0x50  }
0x1c2: {  	[sflag:s12] =	ssyncset.done $0x0  }
0x1c3: {  	s13 =	simm.s32 $0xA;
	s16 =	simm.s32 $0xA500;
	[sflag:s12] =	ssyncadd.s32 $0xFFFFFFB0  }
0x1c4: {  	[spmem:s4] =	stream.indirect.scatter.add.f32 [tilespmem:s18], [sflag:$0xB], $0x80, s16, s30, $0xb8;
	[tilespmem:$0x19A00] =	vst v63  }
0x1c5: {  	_ =	swait.ge [sflag:s13], $0x2800  }
0x1c6: {  	s18 =	rddreg [dreg:$0x8];
	[sflag:s13] =	ssyncset.done $0x0  }
0x1c7: {  	s7 =	simm.s32 $0x10;
	[sflag:s13] =	ssyncadd.s32 $0xFFFFD800;
	s0 =	sadd.s32 s25, s18  }
0x1c8: {  	[tilespmem:s22], [sflag:$0x16] =	stream.linear.gather [hbm4b:s0+s5], $0x50, $0x38;
	[tilespmem:$0x19A00] =	vst v63  }
0x1c9: {  	_ =	swait.ge [sflag:s7], $0x50  }
0x1ca: {  	s8 =	sadd.s32 $0x3C, s8;
	[sflag:s7] =	ssyncset.done $0x0  }
0x1cb: {  	p0 =	sne.s32 s8, $0x4B0;
	s29 =	smov.u32 s23;
	[sflag:s7] =	ssyncadd.s32 $0xFFFFFFB0  }
0x1cc: {  	[tilespmem:s2], [sflag:$0x4] =	stream.indirect.gather [hbm4b:s6+s30], $0x80, s20, s30, $0xb8;
	[tilespmem:$0x19A00] =	vst v63  }
0x1cd: {  	s23 =	simm.s32 $0xA300;
	p1 =	seq.s32 s25, $0x474;
	_ =	swait.ge [sflag:s17], $0x2800  }
0x1ce: {  	s7 =	simm.s32 @!p1 $0xA280;
	s0 =	rddreg [dreg:$0x5];
	[sflag:s17] =	ssyncset.done $0x0  }
0x1cf: {  	s2 =	simm.s32 @!p1 $0x0;
	[sflag:s17] =	ssyncadd.s32 $0xFFFFD800;
	s0 =	sadd.s32 @!p1 s25, s0  }
0x1d0: {  	[tilespmem:s7], [sflag:$0x12] =	stream.linear.gather @!p1 [hbm4b:s0+s2], $0x50, $0x38;
	[tilespmem:$0x19A00] =	vst v63  }
0x1d1: {  	s31 =	simm.s32 $0xA600;
	s1 =	simm.s32 $0xA380;
	_ =	swait.ge [sflag:s14], $0x50  }
0x1d2: {  	s21 =	simm.s32 $0xCE00;
	s3 =	simm.s32 $0xF600;
	[sflag:s14] =	ssyncset.done $0x0  }
0x1d3: {  	s13 =	simm.s32 $0xA580;
	s20 =	simm.s32 $0xB;
	[sflag:s14] =	ssyncadd.s32 $0xFFFFFFB0  }
0x1d4: {  	[spmem:s4] =	stream.indirect.scatter.add.f32 [tilespmem:s15], [sflag:$0xC], $0x80, s13, s30, $0xb8;
	[tilespmem:$0x19A00] =	vst v63  }
0x1d5: {  	s26 =	simm.s32 $0xA400;
	s19 =	simm.s32 $0xA200;
	_ =	swait.ge [sflag:s20], $0x2800  }
.Ltmp1:
0x1d6: {  	s22 =	rddreg [dreg:$0x6];
	[sflag:s20] =	ssyncset.done $0x0;
	(pc) =	sbr.rel @p0 .LBB2_4-.Ltmp1, $4  }
0x1d7: {  	s12 =	simm.s32 $0xA480;
	[sflag:s20] =	ssyncadd.s32 $0xFFFFD800;
	s0 =	sadd.s32 s25, s22  }
0x1d8: {  	[tilespmem:s16], [sflag:$0x17] =	stream.linear.gather [hbm4b:s0+s5], $0x50, $0x38;
	[tilespmem:$0x19A00] =	vst v63  }
0x1d9: {  	s18 =	simm.s32 $0x11E00;
	s7 =	simm.s32 $0x13;
	_ =	swait.ge [sflag:s24], $0x50  }
0x1da: {  	s13 =	simm.s32 $0xA500;
	s0 =	simm.s32 $0x11;
	[sflag:s24] =	ssyncset.done $0x0  }
0x1db: {  	[sflag:s0] =	ssyncadd.s32 $0xFFFFFFB0;
	s2 =	simm.s32 $0x14600;
	s22 =	simm.s32 $0x1  }
0x1dc: {  	[tilespmem:s2], [sflag:$0x5] =	stream.indirect.gather [hbm4b:s6+s30], $0x80, s19, s30, $0xb8;
	[tilespmem:$0x19A00] =	vst v63  }
0x1dd: {  	_ =	swait.ge [sflag:s22], $0x2800  }
0x1de: {  	[sflag:s22] =	ssyncset.done $0x0  }
0x1df: {  	[sflag:s22] =	ssyncadd.s32 $0xFFFFD800  }
0x1e0: {  	_ =	swait.ge [sflag:s7], $0x50  }
0x1e1: {  	[sflag:s7] =	ssyncset.done $0x0  }
0x1e2: {  	[sflag:s7] =	ssyncadd.s32 $0xFFFFFFB0  }
0x1e3: {  	[spmem:s4] =	stream.indirect.scatter.add.f32 [tilespmem:s31], [sflag:$0x7], $0x80, s23, s30, $0xb8;
	[tilespmem:$0x19A00] =	vst v63  }
0x1e4: {  	s23 =	simm.s32 $0xC  }
0x1e5: {  	_ =	swait.ge [sflag:s23], $0x2800  }
0x1e6: {  	[sflag:s23] =	ssyncset.done $0x0  }
0x1e7: {  	s24 =	simm.s32 $0x2;
	[sflag:s23] =	ssyncadd.s32 $0xFFFFD800  }
0x1e8: {  	_ =	swait.ge [sflag:s24], $0x2800  }
0x1e9: {  	[sflag:s24] =	ssyncset.done $0x0  }
0x1ea: {  	s25 =	simm.s32 $0x14;
	[sflag:s24] =	ssyncadd.s32 $0xFFFFD800  }
0x1eb: {  	_ =	swait.ge [sflag:s25], $0x50  }
0x1ec: {  	[sflag:s25] =	ssyncset.done $0x0  }
0x1ed: {  	[sflag:s25] =	ssyncadd.s32 $0xFFFFFFB0  }
0x1ee: {  	[spmem:s4] =	stream.indirect.scatter.add.f32 [tilespmem:s21], [sflag:$0x8], $0x80, s1, s30, $0xb8;
	[tilespmem:$0x19A00] =	vst v63  }
0x1ef: {  	_ =	swait.ge [sflag:s28], $0x2800  }
0x1f0: {  	[sflag:s28] =	ssyncset.done $0x0  }
0x1f1: {  	s7 =	simm.s32 $0x3;
	[sflag:s28] =	ssyncadd.s32 $0xFFFFD800  }
0x1f2: {  	_ =	swait.ge [sflag:s7], $0x2800  }
0x1f3: {  	[sflag:s7] =	ssyncset.done $0x0  }
0x1f4: {  	s8 =	simm.s32 $0x15;
	[sflag:s7] =	ssyncadd.s32 $0xFFFFD800  }
0x1f5: {  	_ =	swait.ge [sflag:s8], $0x50  }
0x1f6: {  	[sflag:s8] =	ssyncset.done $0x0  }
0x1f7: {  	s10 =	simm.s32 $0x8;
	[sflag:s8] =	ssyncadd.s32 $0xFFFFFFB0  }
0x1f8: {  	[spmem:s4] =	stream.indirect.scatter.add.f32 [tilespmem:s3], [sflag:$0x9], $0x80, s26, s30, $0xb8;
	[tilespmem:$0x19A00] =	vst v63  }
0x1f9: {  	_ =	swait.ge [sflag:s10], $0x2800  }
0x1fa: {  	[sflag:s10] =	ssyncset.done $0x0  }
0x1fb: {  	s14 =	simm.s32 $0x4;
	[sflag:s10] =	ssyncadd.s32 $0xFFFFD800  }
0x1fc: {  	_ =	swait.ge [sflag:s14], $0x2800  }
0x1fd: {  	[sflag:s14] =	ssyncset.done $0x0  }
0x1fe: {  	s15 =	simm.s32 $0x16;
	[sflag:s14] =	ssyncadd.s32 $0xFFFFD800  }
0x1ff: {  	_ =	swait.ge [sflag:s15], $0x50  }
0x200: {  	[sflag:s15] =	ssyncset.done $0x0  }
0x201: {  	s16 =	simm.s32 $0x9;
	[sflag:s15] =	ssyncadd.s32 $0xFFFFFFB0  }
0x202: {  	[spmem:s4] =	stream.indirect.scatter.add.f32 [tilespmem:s18], [sflag:$0xA], $0x80, s12, s30, $0xb8;
	[tilespmem:$0x19A00] =	vst v63  }
0x203: {  	_ =	swait.ge [sflag:s16], $0x2800  }
0x204: {  	[sflag:s16] =	ssyncset.done $0x0  }
0x205: {  	s17 =	simm.s32 $0x5;
	[sflag:s16] =	ssyncadd.s32 $0xFFFFD800  }
0x206: {  	_ =	swait.ge [sflag:s17], $0x2800  }
0x207: {  	[sflag:s17] =	ssyncset.done $0x0  }
0x208: {  	s18 =	simm.s32 $0x17;
	[sflag:s17] =	ssyncadd.s32 $0xFFFFD800  }
0x209: {  	_ =	swait.ge [sflag:s18], $0x50  }
0x20a: {  	[sflag:s18] =	ssyncset.done $0x0  }
0x20b: {  	s19 =	simm.s32 $0xA;
	[sflag:s18] =	ssyncadd.s32 $0xFFFFFFB0  }
0x20c: {  	[spmem:s4] =	stream.indirect.scatter.add.f32 [tilespmem:s2], [sflag:$0xB], $0x80, s13, s30, $0xb8;
	[tilespmem:$0x19A00] =	vst v63  }
0x20d: {  	_ =	swait.ge [sflag:s19], $0x2800  }
0x20e: {  	[sflag:s19] =	ssyncset.done $0x0  }
0x20f: {  	s20 =	simm.s32 $0xB;
	[sflag:s19] =	ssyncadd.s32 $0xFFFFD800  }
0x210: {  	_ =	swait.ge [sflag:s20], $0x2800  }
0x211: {  	[sflag:s20] =	ssyncset.done $0x0  }
0x212: {  	[sflag:s20] =	ssyncadd.s32 $0xFFFFD800  }
0x213: {  	s21 =	stileid.u32;
	[bflag:$0x0] =	sbarrier.arrive $0xFFFF  }
0x214: {  	s24 =	simm.s32 $0x19;
	s0 =	sshll.u32 s21, $0x6;
	s8 =	rddreg [dreg:$0x1b]  }
0x215: {  	s0 =	sor.u32 $0x1C19, s0;
	s23 =	rddreg [dreg:$0x1c];
	s22 =	sshrl.u32 s8, $0x3  }
0x216: {  	[hbm:s23], [sflag:s0] =	dma.local [spmem:s22], $0x1400  }
0x217: {  	_ =	swait.ge [sflag:s24], $0x1400  }
0x218: {  	s31 =	simm.s32 $0x14600;
	s25 =	sld [smem:$0x7FD]  }
0x219: {  	s1 =	simm.s32 $0xA380;
	s21 =	simm.s32 $0xF;
	s7 =	simm.s32 $0xA000  }
0x21a: {  	s3 =	simm.s32 $0x11;
	s10 =	simm.s32 $0xA300;
	s14 =	simm.s32 $0xA200  }
0x21b: {  	s15 =	simm.s32 $0xA500;
	s26 =	rddreg [dreg:$0x1d];
	s2 =	sadd.s32 $0x1, s25  }
0x21c: {  	s12 =	simm.s32 $0xA180;
	s16 =	simm.s32 $0xD;
	p0 =	sne.s32 s2, s26  }
.Ltmp2:
0x21d: {  	s17 =	simm.s32 $0xA600;
	s18 =	simm.s32 $0xE;
	(pc) =	sbr.rel @p0 .LBB2_1-.Ltmp2, $4  }
0x21e: {  	s13 =	simm.s32 $0xA480;
	s19 =	simm.s32 $0xA100;
	s20 =	simm.s32 $0xCE00  }
0x21f: {  	s23 =	simm.s32 $0xA580;
	s22 =	simm.s32 $0xF600;
	[sflag:s24] =	ssyncset.done $0x0  }
0x220: {  	[sflag:s24] =	ssyncadd.s32 $0xFFFFEC00;
	s24 =	simm.s32 $0xA280;
	s25 =	simm.s32 $0x10  }
0x221: {  	[smem:$0x7FD] =	sst s2;
	s2 =	simm.s32 $0xA400;
	s26 =	simm.s32 $0x11E00  }
0x222: {  	_ =	sfence.sel $0x180000  }
0x223: {  	[bflag:$0x0] =	sbarrier.arrive $0xFFFF  }
0x224: {  	_ =	strace $0x90000047  }
0x225: {  	s0 =	stileid.u32;
	[bflag:$0x2] =	sbarrier.arrive $0xFFFF  }
0x226: {  	p0 =	sne.s32 s0, $0x0;
	s0 =	rddreg [dreg:$0x4]  }
0x227: {  	s0 =	sadd.s32 @!p0 $0x100000, s0  }
0x228: {  	[sflag:s0] =	ssyncadd.tile.s32 @!p0 $0x1;
	_ =	shalt  }
.Lfunc_end2:
_tile_overlayer_lowered:
.L_overlay_start_2:
0x229: {  	(tag) =	ssettag $0x2  }
0x22a: {  	s0 =	rddreg [dreg:$0x0];
	s2 =	stileid.u32  }
0x22b: {  	s1 =	rddreg [dreg:$0x1];
	p0 =	sne.s32 s2, $0x0  }
0x22c: {  	s3 =	rddreg [dreg:$0x2];
	[bflag:$0x3] =	sbarrier.arrive $0xFFFF;
	s2 =	simm.s32 @!p0 $0x1C19  }
0x22d: {  	[timem:s3], [sflag:s2] =	dma.local @!p0 [hbm:s0], s1  }
0x22e: {  	s0 =	simm.s32 @!p0 $0x19  }
0x22f: {  	_ =	swait.ge @!p0 [sflag:s0], s1  }
0x230: {  	s1 =	ssub.s32 @!p0 $0x0, s1;
	[sflag:s0] =	ssyncset.done @!p0 $0x0  }
0x231: {  	[sflag:s0] =	ssyncadd.s32 @!p0 s1  }
0x232: {  	[bflag:$0x3] =	sbarrier.arrive $0xFFFF  }
0x233: {  	_ =	shalt  }

// kernel: kernel.14.cloned.1.call-start
scs
__scs_entry_jumppad:
0x0: {  	(pc) =	sbr.rel $0x88, $3  }
0x1: {  	(tag) =	ssettag $0x0;
	lr =	simm.s32 $0x1  }
0x2: {  	[smem:$0x3F96] =	sst lr;
	_ =	strace $0xD0000000  }
0x3: {  	_ = 	snop  }
0x4: {  	_ = 	snop  }
0x5: {  	_ = 	snop  }
0x6: {  	_ = 	snop  }
0x7: {  	_ = 	snop  }
__scs_overlays_trampoline_lowered:
0x8: {  	[smem:$0x3FA5] =	sst s0  }
0x9: {  	[smem:$0x3FA6] =	sst s1  }
0xa: {  	[smem:$0x3FA7] =	sst s2  }
0xb: {  	[smem:$0x3FA8] =	sst s3  }
0xc: {  	[smem:$0x3FA9] =	sst s4  }
0xd: {  	[smem:$0x3FAA] =	sst s5  }
0xe: {  	[smem:$0x3FAB] =	sst s6  }
0xf: {  	[smem:$0x3FAC] =	sst s7  }
0x10: {  	[smem:$0x3FAD] =	sst s8  }
0x11: {  	[smem:$0x3FAE] =	sst s9;
	s0 =	simm.s32 @!p0 $0x0  }
0x12: {  	s1 =	sld [smem:$0x3F94];
	s0 =	simm.s32 @p0 $0x1  }
0x13: {  	[smem:$0x3FAF] =	sst s0;
	s0 =	simm.s32 @!p1 $0x0  }
0x14: {  	s2 =	sld [smem:$0x3F93];
	s0 =	simm.s32 @p1 $0x1  }
0x15: {  	[smem:$0x3FB0] =	sst s0;
	s0 =	simm.s32 @!p2 $0x0  }
0x16: {  	s3 =	sld [smem:$0x3FDB];
	s0 =	simm.s32 @p2 $0x1  }
0x17: {  	s4 =	simm.s32 $0x1BF5;
	[smem:$0x3FB2] =	sst s0  }
0x18: {  	s0 =	sld [smem:$0x3F95];
	_ =	swait.ge [sflag:s4], $0x0  }
0x19: {  	s7 =	sld [smem:$0x3F96]  }
0x1a: {  	s8 =	sadd.s32 $0xFFFFE003, lr  }
0x1b: {  	s9 =	sadd.s32 $0xFFFFFEF7, lr;
	s5 =	simm.s32 $0xFFFFFFFF;
	p2 =	slt.u32 s8, $0xFFFFF086  }
0x1c: {  	p1 =	slt.u32 s9, $0xF7A;
	s5 =	simm.s32 @!p2 $0x0  }
0x1d: {  	s5 =	simm.s32 @p1 $0x1;
	p0 =	seq.s32 s7, s2  }
0x1e: {  	s7 =	smul.u32 @!p0 $0xF7A, s2;
	p2 =	seq.s32 @!p0 s5, $0x0  }
0x1f: {  	s9 =	smul.u32 $0xF7A, s1;
	s8 =	simm.s32 @!p0 $0x1BF5;
	p2 =	por !p2, p0  }
0x20: {  	[sflag:s8] =	ssyncset.s32 @!p0 $0xFFFFF086;
	s6 =	sadd.s32 @!p0 s3, s7;
	s7 =	simm.s32 @!p0 $0x108  }
0x21: {  	s3 =	sadd.s32 s3, s9;
	s6 =	sadd.s32 @!p0 $0x88, s6;
	s7 =	simm.s32 @p2 $0x1082  }
0x22: {  	[simem:s7], [sflag:s8] =	dma.local @!p0 [hbm:s6], $0xF7A  }
0x23: {  	s9 =	sor.u32 $0xD0000000, s2;
	s6 =	simm.s32 $0x108;
	_ =	swait.ge @!p0 [sflag:s8], $0x0  }
0x24: {  	s3 =	sadd.s32 $0x88, s3;
	s6 =	simm.s32 @!p1 $0x1082;
	[sflag:s4] =	ssyncset.s32 $0xFFFFF086  }
0x25: {  	[simem:s6], [sflag:s4] =	dma.local [hbm:s3], $0xF7A  }
0x26: {  	[smem:$0x3F96] =	sst s1;
	(tag) =	ssettag s2;
	_ =	strace s9  }
0x27: {  	s1 =	sld [smem:$0x3FA6]  }
0x28: {  	s2 =	sld [smem:$0x3FA7]  }
0x29: {  	s4 =	sld [smem:$0x3FA9]  }
0x2a: {  	p0 =	seq.s32 s5, $0x0;
	s5 =	sld [smem:$0x3FAA]  }
0x2b: {  	s6 =	sld [smem:$0x3FAB]  }
0x2c: {  	s7 =	sld [smem:$0x3FAC]  }
0x2d: {  	s3 =	simm.s32 $0x108;
	s8 =	sld [smem:$0x3FAD]  }
0x2e: {  	s3 =	simm.s32 @!p0 $0x1082;
	s9 =	sld [smem:$0x3FAE]  }
0x2f: {  	lr =	sadd.s32 s0, s3;
	s0 =	sld [smem:$0x3FA5]  }
0x30: {  	s3 =	sld [smem:$0x3FA8]  }
0x31: {  	[smem:$0x3FB1] =	sst s10  }
0x32: {  	s10 =	sld [smem:$0x3FAF];
	_ =	sdelay $0x3  }
0x33: {  	p0 =	seq.s32 s10, $0x1;
	s10 =	sld [smem:$0x3FB1];
	_ =	sdelay $0x3  }
0x34: {  	[smem:$0x3FB1] =	sst s10  }
0x35: {  	s10 =	sld [smem:$0x3FB0];
	_ =	sdelay $0x3  }
0x36: {  	p1 =	seq.s32 s10, $0x1;
	s10 =	sld [smem:$0x3FB1];
	_ =	sdelay $0x3  }
0x37: {  	[smem:$0x3FB1] =	sst s10  }
0x38: {  	s10 =	sld [smem:$0x3FB2]  }
0x39: {  	_ = 	snop;
	(pc) =	sbr.ind lr, $3  }
0x3a: {  	_ = 	snop  }
0x3b: {  	_ = 	snop  }
0x3c: {  	p2 =	seq.s32 s10, $0x1;
	s10 =	sld [smem:$0x3FB1]  }
0x3d: {  	_ =	shalt  }
0x3e: {  	_ =	shalt  }
0x3f: {  	_ =	shalt  }
0x40: {  	_ =	shalt  }
0x41: {  	_ =	shalt  }
0x42: {  	_ =	shalt  }
0x43: {  	_ =	shalt  }
0x44: {  	_ =	shalt  }
0x45: {  	_ =	shalt  }
0x46: {  	_ =	shalt  }
0x47: {  	_ =	shalt  }
0x48: {  	_ =	shalt  }
0x49: {  	_ =	shalt  }
0x4a: {  	_ =	shalt  }
0x4b: {  	_ =	shalt  }
0x4c: {  	_ =	shalt  }
0x4d: {  	_ =	shalt  }
0x4e: {  	_ =	shalt  }
0x4f: {  	_ =	shalt  }
0x50: {  	_ =	shalt  }
0x51: {  	_ =	shalt  }
0x52: {  	_ =	shalt  }
0x53: {  	_ =	shalt  }
0x54: {  	_ =	shalt  }
0x55: {  	_ =	shalt  }
0x56: {  	_ =	shalt  }
0x57: {  	_ =	shalt  }
0x58: {  	_ =	shalt  }
0x59: {  	_ =	shalt  }
0x5a: {  	_ =	shalt  }
0x5b: {  	_ =	shalt  }
0x5c: {  	_ =	shalt  }
0x5d: {  	_ =	shalt  }
0x5e: {  	_ =	shalt  }
0x5f: {  	_ =	shalt  }
0x60: {  	_ =	shalt  }
0x61: {  	_ =	shalt  }
0x62: {  	_ =	shalt  }
0x63: {  	_ =	shalt  }
0x64: {  	_ =	shalt  }
0x65: {  	_ =	shalt  }
0x66: {  	_ =	shalt  }
0x67: {  	_ =	shalt  }
0x68: {  	_ =	shalt  }
0x69: {  	_ =	shalt  }
0x6a: {  	_ =	shalt  }
0x6b: {  	_ =	shalt  }
0x6c: {  	_ =	shalt  }
0x6d: {  	_ =	shalt  }
0x6e: {  	_ =	shalt  }
0x6f: {  	_ =	shalt  }
0x70: {  	_ =	shalt  }
0x71: {  	_ =	shalt  }
0x72: {  	_ =	shalt  }
0x73: {  	_ =	shalt  }
0x74: {  	_ =	shalt  }
0x75: {  	_ =	shalt  }
0x76: {  	_ =	shalt  }
0x77: {  	_ =	shalt  }
0x78: {  	_ =	shalt  }
0x79: {  	_ =	shalt  }
0x7a: {  	_ =	shalt  }
0x7b: {  	_ =	shalt  }
0x7c: {  	_ =	shalt  }
0x7d: {  	_ =	shalt  }
0x7e: {  	_ =	shalt  }
0x7f: {  	_ =	shalt  }
0x80: {  	_ =	shalt  }
0x81: {  	_ =	shalt  }
0x82: {  	_ =	shalt  }
0x83: {  	_ =	shalt  }
0x84: {  	_ =	shalt  }
0x85: {  	_ =	shalt  }
0x86: {  	_ =	shalt  }
0x87: {  	_ =	shalt  }
.Lfunc_end0:
.L_simem_size_0:
called_computation.1_lowered:
.L_overlay_start_0:
0x88: {  	s2 =	sld [smem:$0x3FD9]  }
0x89: {  	s3 =	sld [smem:$0x3FFE];
	_ =	sdelay $0x1  }
0x8a: {  	s1 =	srdreg.scid  }
0x8b: {  	s0 =	sand.u32 $0x1, s1  }
0x8c: {  	s17 =	sshll.u32 s0, $0xA;
	s2 =	sadd.s32 s3, s2  }
0x8d: {  	s2 =	sadd.s32 s2, s17  }
0x8e: {  	[smem:$0x3FBD] =	sst s2  }
0x8f: {  	_ = 	snop  }
0x90: {  	s2 =	sld [smem:$0x3FD0];
	(tm) =	ssettm $0x1  }
0x91: {  	s18 =	sld [smem:$0x3FFB];
	_ =	sdelay $0x3  }
0x92: {  	_ =	strace s18  }
0x93: {  	s3 =	sld [smem:$0x3FFC];
	_ =	sdelay $0x3  }
0x94: {  	_ =	strace s3  }
0x95: {  	s3 =	sld [smem:$0x3FFD];
	_ =	sdelay $0x3  }
0x96: {  	_ =	strace s3  }
0x97: {  	_ =	strace $0x8FFFFFFF  }
0x98: {  	s19 =	sld [smem:$0x3FDB];
	_ =	sdelay $0x1  }
0x99: {  	s4 =	simm.s32 $_scs_section_size  }
0x9a: {  	s5 =	simm.s32 $_size__tile_overlayer_lowered;
	s6 =	simm.s32 $_tile_overlayer_lowered  }
0x9b: {  	s22 =	simm.s32 $0x1BFF;
	s21 =	sshll.u32 s6, $0x1;
	s3 =	sadd.s32 s4, s19  }
0x9c: {  	s7 =	simm.s32 $0x0;
	s20 =	sshll.u32 s5, $0x1;
	s5 =	sadd.s32 s21, s3  }
0x9d: {  	[timem:s7], [sflag:s22] =	dma.local [hbm:s5], s20  }
0x9e: {  	_ =	swait.ge [sflag:s22], s20  }
0x9f: {  	s4 =	ssub.s32 $0x0, s20;
	[sflag:s22] =	ssyncset.done $0x0  }
0xa0: {  	[sflag:s22] =	ssyncadd.s32 s4;
	_ =	sdelay $0x1  }
0xa1: {  	s23 =	simm.s32 $0x1B8B  }
0xa2: {  	_ =	swait.ge [sflag:s23], $0x1  }
0xa3: {  	[sflag:s23] =	ssyncset.done $0x0  }
0xa4: {  	s25 =	simm.s32 $0x1B8E;
	s24 =	sld [smem:$0x3FFE];
	[sflag:s23] =	ssyncadd.s32 $0xFFFFFFFF  }
0xa5: {  	s26 =	simm.s32 $execute0_lowered;
	[smem:$0x3FD2] =	sst s25  }
0xa6: {  	s5 =	sshll.u32 s26, $0x1;
	_ =	strace $0x80000049;
	[dreg:$0x1] =	wrdreg $0xFFFFFFFF  }
0xa7: {  	s28 =	simm.s32 $_size_execute0_lowered;
	s3 =	sadd.s32 s3, s5;
	[dreg:$0x0] =	wrdreg $0x0  }
0xa8: {  	s5 =	sshll.u32 s28, $0x1;
	[dreg:$0x2] =	wrdreg s3  }
0xa9: {  	[dreg:$0x3] =	wrdreg s5  }
0xaa: {  	[dreg:$0x4] =	wrdreg $0xC0  }
0xab: {  	_ =	task [dreg:s7], $0x5FFFF  }
0xac: {  	[dreg:$0x1] =	wrdreg $0xFFFFFFFF  }
0xad: {  	[dreg:$0x0] =	wrdreg $0x60  }
0xae: {  	[dreg:$0x2] =	wrdreg s24  }
0xaf: {  	[dreg:$0x3] =	wrdreg s2  }
0xb0: {  	[dreg:$0x4] =	wrdreg $0x0  }
0xb1: {  	[dreg:$0x5] =	wrdreg $0x9  }
0xb2: {  	_ =	task.clear_ibuf [dreg:s7], $0x6FFFF;
	_ =	strace $0x90000049  }
0xb3: {  	s29 =	simm.s32 $0x9;
	_ =	strace $0x8000004B  }
0xb4: {  	_ =	swait.ge [sflag:s29], $0x1  }
0xb5: {  	[sflag:s29] =	ssyncadd.s32 $0xFFFFFFFF  }
0xb6: {  	_ =	strace $0x9000004B  }
0xb7: {  	_ =	sfence  }
0xb8: {  	s30 =	sld [smem:$0x0];
	_ =	sdelay $0x2  }
0xb9: {  	s31 =	sshll.u32 s1, $0xD;
	s1 =	sshrl.u32 s1, $0x2  }
0xba: {  	s3 =	sand.u32 $0x4000, s31;
	s1 =	sadd.s32 s1, s30  }
0xbb: {  	s0 =	sor.u32 s3, s0;
	s1 =	sshll.u32 s1, $0x11  }
0xbc: {  	s0 =	sor.u32 s1, s0  }
0xbd: {  	s0 =	sadd.s32 $0x8F2B, s0  }
0xbe: {  	[sflag:s0] =	ssyncadd.remote.s32 $0x1  }
0xbf: {  	_ =	sfence.sel $0xFFFF  }
0xc0: {  	[dreg:$0x0] =	wrdreg $0xFFFFFFFF;
	(pc) =	sbr.abs _section_cstart, $3  }
0xc1: {  	[dreg:$0x1] =	wrdreg $0xFFFFFFFF  }
0xc2: {  	_ =	task.clear_ibuf [dreg:s7], $0x2FFFF;
	_ =	strace $0x9FFFFFFF  }
0xc3: {  	(tm) =	ssettm $0x7FFFFFFF  }
tec
execute0_lowered:
.L_overlay_start_1:
0x0: {  	(tag) =	ssettag $0x1  }
0x1: {  	s0 =	rddreg [dreg:$0x0]  }
0x2: {  	s11 =	rddreg [dreg:$0x1]  }
0x3: {  	s2 =	rddreg [dreg:$0x2];
	s1 =	srdreg.scid;
	s4 =	simm.s32 $0x0  }
0x4: {  	s10 =	stileid.u32;
	s28 =	simm.s32 $0xD;
	s31 =	simm.s32 $0xE  }
0x5: {  	s29 =	simm.s32 $0x10;
	s30 =	simm.s32 $0x7;
	s6 =	smul.u32 $0x14000, s10  }
0x6: {  	s1 =	sand.u32 $0x1, s1;
	[smem:$0x7FF] =	sst s4;
	s26 =	smul.u32 $0x50000, s10  }
0x7: {  	s5 =	sadd.s32 $0x2B800, s0;
	s3 =	smul.u32 $0x140000, s1;
	s7 =	sshll.u32 s1, $0x4  }
0x8: {  	_ =	strace $0x8000004A;
	s8 =	ssub.s32 $0x2, s1;
	s1 =	smul.u32 $0x27100, s1  }
0x9: {  	s7 =	sor.u32 s10, s7;
	s9 =	sshrl.u32 s8, $0x1;
	s10 =	smul.u32 $0x2710, s10  }
0xa: {  	s17 =	sshrl.u32 s26, $0x2;
	s3 =	sadd.s32 s6, s3;
	s7 =	smul.u32 $0x2710, s7  }
0xb: {  	s6 =	sadd.s32 $0x53800, s0;
	s23 =	ssub.s32 s8, s9;
	s9 =	simm.s32 $0x9  }
0xc: {  	s3 =	sshrl.u32 s3, $0x3;
	s1 =	sadd.s32 s10, s1;
	s19 =	smax.u32 s23, $0x1  }
0xd: {  	s10 =	simm.s32 $0x50;
	s0 =	sadd.s32 s3, s0;
	s7 =	sshrl.u32 s7, $0x3  }
0xe: {  	s18 =	sadd.s32 $0x190, s1;
	[dreg:$0xd] =	wrdreg s19;
	s22 =	sadd.s32 $0x1E0, s1  }
0xf: {  	s23 =	sadd.s32 $0x230, s1;
	s19 =	smov.u32 s6;
	s26 =	sadd.s32 $0x140, s1  }
0x10: {  	s24 =	sadd.s32 s11, s7;
	s25 =	sadd.s32 $0xA, s7;
	[dreg:$0x11] =	wrdreg s26  }
0x11: {  	s12 =	sadd.s32 s6, s7;
	s14 =	sadd.s32 $0x14, s7;
	[dreg:$0x4] =	wrdreg s24  }
0x12: {  	s7 =	sadd.s32 $0x1E, s7;
	s0 =	sadd.s32 $0x5D600, s0;
	[dreg:$0x5] =	wrdreg s12  }
0x13: {  	s20 =	sshrl.u32 s18, $0x3;
	s13 =	sadd.s32 s11, s25;
	[dreg:$0xc] =	wrdreg s0  }
0x14: {  	s3 =	sshrl.u32 s23, $0x3;
	s8 =	sadd.s32 s6, s25;
	[dreg:$0x6] =	wrdreg s13  }
0x15: {  	s26 =	simm.s32 $0x14200;
	s15 =	sadd.s32 s11, s14;
	[dreg:$0x7] =	wrdreg s8  }
0x16: {  	s16 =	sadd.s32 s11, s7;
	s7 =	sadd.s32 s6, s7;
	[dreg:$0x8] =	wrdreg s15  }
0x17: {  	s21 =	sadd.s32 s20, s6;
	s0 =	sadd.s32 s20, s11;
	[dreg:$0xa] =	wrdreg s16  }
0x18: {  	s24 =	sadd.s32 $0xF0, s1;
	s12 =	simm.s32 $0x1BC00;
	[dreg:$0xb] =	wrdreg s7  }
0x19: {  	s1 =	simm.s32 $0x2;
	s8 =	sadd.s32 s6, s14;
	[dreg:$0xe] =	wrdreg s21  }
0x1a: {  	s15 =	sadd.s32 s17, s2;
	[dreg:$0xf] =	wrdreg s0;
	s0 =	sshrl.u32 s22, $0x3  }
0x1b: {  	s7 =	sshrl.u32 s24, $0x3;
	s22 =	sadd.s32 s3, s11;
	s13 =	simm.s32 $0x1E400  }
.Ltmp0:
0x1c: {  	s14 =	simm.s32 $0xB;
	s17 =	simm.s32 $0x1;
	(pc) =	sbr.rel .LBB2_1-.Ltmp0, $4  }
0x1d: {  	s24 =	simm.s32 $0xC;
	s16 =	simm.s32 $0x0;
	[dreg:$0x9] =	wrdreg s8  }
0x1e: {  	s25 =	sadd.s32 s0, s6;
	s21 =	sadd.s32 s0, s11;
	s23 =	sadd.s32 s7, s6  }
0x1f: {  	s6 =	simm.s32 $0x14080;
	s8 =	simm.s32 $0x5;
	s11 =	simm.s32 $0x14400  }
0x20: {  	v0 =	vimm.f32 $0.0e+00;
	s7 =	simm.s32 $0x3;
	[dreg:$0x10] =	wrdreg s25;
	s25 =	simm.s32 $0x14000  }
.LBB2_8:
0x21: {  	_ =	swait.ge [sflag:s17], $0x2800  }
0x22: {  	[sflag:s17] =	ssyncset.done $0x0  }
0x23: {  	[sflag:s17] =	ssyncadd.s32 $0xFFFFD800  }
0x24: {  	_ =	swait.ge [sflag:s28], $0x50  }
0x25: {  	[sflag:s28] =	ssyncset.done $0x0  }
0x26: {  	s0 =	simm.s32 $0x8;
	[sflag:s28] =	ssyncadd.s32 $0xFFFFFFB0  }
0x27: {  	[spmem:s2] =	stream.indirect.scatter.add.f32 [tilespmem:s11], [sflag:$0x5], $0x80, s26, s10, $0xb8;
	[tilespmem:$0x1E800] =	vst v63  }
0x28: {  	_ =	swait.ge [sflag:s0], $0x2800  }
0x29: {  	[sflag:s0] =	ssyncset.done $0x0  }
0x2a: {  	[sflag:s0] =	ssyncadd.s32 $0xFFFFD800  }
0x2b: {  	_ =	swait.ge [sflag:s8], $0x2800  }
0x2c: {  	[sflag:s8] =	ssyncset.done $0x0  }
0x2d: {  	s16 =	stileid.u32;
	[sflag:s8] =	ssyncadd.s32 $0xFFFFD800  }
0x2e: {  	s3 =	sshrl.u32 s15, $0x3;
	s0 =	sshll.u32 s16, $0x6;
	[bflag:$0x0] =	sbarrier.arrive $0xFFFF  }
0x2f: {  	s18 =	simm.s32 $0x11;
	s0 =	sor.u32 $0x1C11, s0;
	s6 =	rddreg [dreg:$0xc]  }
0x30: {  	[hbm:s6], [sflag:s0] =	dma.local [spmem:s3], $0x2800  }
0x31: {  	_ =	swait.ge [sflag:s18], $0x2800  }
0x32: {  	s16 =	rddreg [dreg:$0x12]  }
0x33: {  	s20 =	rddreg [dreg:$0xd];
	s16 =	sadd.s32 $0x1, s16  }
0x34: {  	p0 =	sne.s32 s16, s20  }
.Ltmp1:
0x35: {  	_ = 	snop;
	(pc) =	sbr.rel @!p0 .LBB2_9-.Ltmp1, $3  }
0x36: {  	_ =	sdelay $0x1  }
0x37: {  	[sflag:s18] =	ssyncset.done $0x0  }
0x38: {  	s13 =	simm.s32 $0x1E400;
	s6 =	simm.s32 $0x14080;
	[sflag:s18] =	ssyncadd.s32 $0xFFFFD800  }
.LBB2_1:
0x39: {  	s0 =	rddreg [dreg:$0x4]  }
0x3a: {  	[tilespmem:s25], [sflag:$0x9] =	stream.linear.gather [hbm4b:s0+s4], $0x50, $0x38;
	[tilespmem:$0x1E800] =	vst v63  }
0x3b: {  	s3 =	rddreg [dreg:$0x5]  }
0x3c: {  	[tilespmem:s26], [sflag:$0xD] =	stream.linear.gather [hbm4b:s3+s4], $0x50, $0x38;
	[tilespmem:$0x1E800] =	vst v63  }
0x3d: {  	s18 =	rddreg [dreg:$0x6]  }
0x3e: {  	[tilespmem:s6], [sflag:$0xA] =	stream.linear.gather [hbm4b:s18+s4], $0x50, $0x38;
	[tilespmem:$0x1E800] =	vst v63  }
0x3f: {  	s20 =	rddreg [dreg:$0x7];
	s3 =	simm.s32 $0x14280  }
0x40: {  	[tilespmem:s3], [sflag:$0xE] =	stream.linear.gather [hbm4b:s20+s4], $0x50, $0x38;
	[tilespmem:$0x1E800] =	vst v63  }
0x41: {  	s18 =	rddreg [dreg:$0x8];
	s20 =	simm.s32 $0x14100  }
0x42: {  	[tilespmem:s20], [sflag:$0xB] =	stream.linear.gather [hbm4b:s18+s4], $0x50, $0x38;
	[tilespmem:$0x1E800] =	vst v63  }
0x43: {  	s18 =	rddreg [dreg:$0x9];
	s20 =	simm.s32 $0x14300  }
0x44: {  	[tilespmem:s20], [sflag:$0xF] =	stream.linear.gather [hbm4b:s18+s4], $0x50, $0x38;
	[tilespmem:$0x1E800] =	vst v63  }
0x45: {  	s18 =	rddreg [dreg:$0xa];
	s20 =	simm.s32 $0x14180  }
0x46: {  	[tilespmem:s20], [sflag:$0xC] =	stream.linear.gather [hbm4b:s18+s4], $0x50, $0x38;
	[tilespmem:$0x1E800] =	vst v63  }
0x47: {  	s18 =	rddreg [dreg:$0xb];
	s20 =	simm.s32 $0x14380  }
0x48: {  	[tilespmem:s20], [sflag:$0x10] =	stream.linear.gather [hbm4b:s18+s4], $0x50, $0x38;
	[tilespmem:$0x1E800] =	vst v63  }
0x49: {  	[tilespmem:$0x1E400] =	vst v0  }
0x4a: {  	[tilespmem:$0x1E410] =	vst v0  }
0x4b: {  	[tilespmem:$0x1E420] =	vst v0  }
0x4c: {  	[tilespmem:$0x1E430] =	vst v0  }
0x4d: {  	[tilespmem:$0x1E440] =	vst v0  }
0x4e: {  	[tilespmem:$0x1E450] =	vst v0  }
0x4f: {  	[tilespmem:$0x1E460] =	vst v0  }
0x50: {  	[tilespmem:$0x1E470] =	vst v0  }
0x51: {  	[tilespmem:$0x1E480] =	vst v0  }
0x52: {  	[tilespmem:$0x1E490] =	vst v0  }
0x53: {  	[tilespmem:$0x1E4A0] =	vst v0  }
0x54: {  	[tilespmem:$0x1E4B0] =	vst v0  }
0x55: {  	[tilespmem:$0x1E4C0] =	vst v0  }
0x56: {  	[tilespmem:$0x1E4D0] =	vst v0  }
0x57: {  	[tilespmem:$0x1E4E0] =	vst v0  }
0x58: {  	[tilespmem:$0x1E4F0] =	vst v0  }
0x59: {  	[tilespmem:$0x1E500] =	vst v0  }
0x5a: {  	[tilespmem:$0x1E510] =	vst v0  }
0x5b: {  	[tilespmem:$0x1E520] =	vst v0  }
0x5c: {  	[tilespmem:$0x1E530] =	vst v0  }
0x5d: {  	[tilespmem:$0x1E540] =	vst v0  }
0x5e: {  	[tilespmem:$0x1E550] =	vst v0  }
0x5f: {  	[tilespmem:$0x1E560] =	vst v0  }
0x60: {  	[tilespmem:$0x1E570] =	vst v0  }
0x61: {  	[tilespmem:$0x1E580] =	vst v0  }
0x62: {  	[tilespmem:$0x1E590] =	vst v0  }
0x63: {  	[tilespmem:$0x1E5A0] =	vst v0  }
0x64: {  	[tilespmem:$0x1E5B0] =	vst v0  }
0x65: {  	[tilespmem:$0x1E5C0] =	vst v0  }
0x66: {  	[tilespmem:$0x1E5D0] =	vst v0  }
0x67: {  	[tilespmem:$0x1E5E0] =	vst v0  }
0x68: {  	[tilespmem:$0x1E5F0] =	vst v0  }
0x69: {  	[tilespmem:$0x1E600] =	vst v0  }
0x6a: {  	[tilespmem:$0x1E610] =	vst v0  }
0x6b: {  	[tilespmem:$0x1E620] =	vst v0  }
0x6c: {  	[tilespmem:$0x1E630] =	vst v0  }
0x6d: {  	[tilespmem:$0x1E640] =	vst v0  }
0x6e: {  	[tilespmem:$0x1E650] =	vst v0  }
0x6f: {  	[tilespmem:$0x1E660] =	vst v0  }
0x70: {  	[tilespmem:$0x1E670] =	vst v0  }
0x71: {  	[tilespmem:$0x1E680] =	vst v0  }
0x72: {  	[tilespmem:$0x1E690] =	vst v0  }
0x73: {  	[tilespmem:$0x1E6A0] =	vst v0  }
0x74: {  	[tilespmem:$0x1E6B0] =	vst v0  }
0x75: {  	[tilespmem:$0x1E6C0] =	vst v0  }
0x76: {  	[tilespmem:$0x1E6D0] =	vst v0  }
0x77: {  	[tilespmem:$0x1E6E0] =	vst v0  }
0x78: {  	[tilespmem:$0x1E6F0] =	vst v0  }
0x79: {  	[tilespmem:$0x1E700] =	vst v0  }
0x7a: {  	[tilespmem:$0x1E710] =	vst v0  }
0x7b: {  	[tilespmem:$0x1E720] =	vst v0  }
0x7c: {  	[tilespmem:$0x1E730] =	vst v0  }
0x7d: {  	[tilespmem:$0x1E740] =	vst v0  }
0x7e: {  	[tilespmem:$0x1E750] =	vst v0  }
0x7f: {  	[tilespmem:$0x1E760] =	vst v0  }
0x80: {  	[tilespmem:$0x1E770] =	vst v0  }
0x81: {  	[tilespmem:$0x1E780] =	vst v0  }
0x82: {  	[tilespmem:$0x1E790] =	vst v0  }
0x83: {  	[tilespmem:$0x1E7A0] =	vst v0  }
0x84: {  	[tilespmem:$0x1E7B0] =	vst v0  }
0x85: {  	[tilespmem:$0x1E7C0] =	vst v0  }
0x86: {  	[tilespmem:$0x1E7D0] =	vst v0  }
0x87: {  	[tilespmem:$0x1E7E0] =	vst v0  }
0x88: {  	s0 =	simm.s32 $0x0;
	[tilespmem:$0x1E7F0] =	vst v0  }
.LBB2_2:
0x89: {  	p0 =	sne.s32 s0, $0x4F000  }
.Ltmp2:
0x8a: {  	_ = 	snop;
	(pc) =	sbr.rel @p0 .LBB2_2-.Ltmp2, $4  }
0x8b: {  	_ = 	snop  }
0x8c: {  	s3 =	sshra.s32 s0, $0x2  }
0x8d: {  	s0 =	sadd.s32 $0x1000, s0;
	s3 =	sadd.s32 s3, s15  }
0x8e: {  	[spmem:s3] =	stream.linear.scatter [tilespmem:s13], [sflag:$0x5], $0x400, $0x38;
	[tilespmem:$0x1E800] =	vst v63  }
0x8f: {  	[dreg:$0x12] =	wrdreg s16  }
0x90: {  	_ =	swait.ge [sflag:s8], $0x400  }
0x91: {  	s0 =	simm.s32 $0x4F;
	[sflag:s8] =	ssyncset.done $0x0  }
.LBB2_4:
0x92: {  	p0 =	sne.s32 s0, $0x1;
	s0 =	sadd.s32 $0xFFFFFFFF, s0;
	[sflag:s8] =	ssyncadd.s32 $0xFFFFFC00  }
.Ltmp3:
0x93: {  	(pc) =	sbr.rel @p0 .LBB2_4-.Ltmp3, $3  }
0x94: {  	_ =	sdelay $0x1  }
0x95: {  	_ =	swait.ge [sflag:s8], $0x400  }
0x96: {  	[sflag:s8] =	ssyncset.done $0x0  }
0x97: {  	[sflag:s8] =	ssyncadd.s32 $0xFFFFFC00  }
0x98: {  	[bflag:$0x0] =	sbarrier.arrive $0xFFFF  }
0x99: {  	_ =	swait.ge [sflag:s9], $0x50  }
0x9a: {  	[sflag:s9] =	ssyncset.done $0x0  }
0x9b: {  	s0 =	simm.s32 $0xA;
	[sflag:s9] =	ssyncadd.s32 $0xFFFFFFB0  }
0x9c: {  	[tilespmem:s11], [sflag:$0x1] =	stream.indirect.gather [hbm4b:s5+s10], $0x80, s25, s10, $0xb8;
	[tilespmem:$0x1E800] =	vst v63  }
0x9d: {  	_ =	swait.ge [sflag:s0], $0x50  }
0x9e: {  	[sflag:s0] =	ssyncset.done $0x0  }
0x9f: {  	s18 =	simm.s32 $0x16C00;
	[sflag:s0] =	ssyncadd.s32 $0xFFFFFFB0  }
0xa0: {  	[tilespmem:s18], [sflag:$0x2] =	stream.indirect.gather [hbm4b:s5+s10], $0x80, s6, s10, $0xb8;
	[tilespmem:$0x1E800] =	vst v63  }
0xa1: {  	_ =	swait.ge [sflag:s14], $0x50  }
0xa2: {  	s20 =	simm.s32 $0x14100;
	s3 =	simm.s32 $0x19400;
	[sflag:s14] =	ssyncset.done $0x0  }
0xa3: {  	s0 =	simm.s32 $0x0;
	s16 =	rddreg [dreg:$0x11];
	[sflag:s14] =	ssyncadd.s32 $0xFFFFFFB0  }
0xa4: {  	[tilespmem:s3], [sflag:$0x3] =	stream.indirect.gather [hbm4b:s5+s10], $0x80, s20, s10, $0xb8;
	[tilespmem:$0x1E800] =	vst v63  }
.LBB2_6:
0xa5: {  	_ =	swait.ge [sflag:s17], $0x2800  }
0xa6: {  	[sflag:s17] =	ssyncset.done $0x0  }
0xa7: {  	[sflag:s17] =	ssyncadd.s32 $0xFFFFD800  }
0xa8: {  	s13 =	sshrl.u32 s16, $0x3;
	s3 =	rddreg [dreg:$0x1]  }
0xa9: {  	s3 =	sadd.s32 s3, s13  }
0xaa: {  	[tilespmem:s25], [sflag:$0x9] =	stream.linear.gather [hbm4b:s3+s4], $0x50, $0x38;
	[tilespmem:$0x1E800] =	vst v63  }
0xab: {  	_ =	swait.ge [sflag:s28], $0x50  }
0xac: {  	p0 =	seq.s32 s0, $0x0;
	[sflag:s28] =	ssyncset.done $0x0  }
0xad: {  	s3 =	simm.s32 @!p0 $0x8;
	[sflag:s28] =	ssyncadd.s32 $0xFFFFFFB0  }
0xae: {  	[spmem:s2] =	stream.indirect.scatter.add.f32 [tilespmem:s11], [sflag:$0x5], $0x80, s26, s10, $0xb8;
	[tilespmem:$0x1E800] =	vst v63  }
0xaf: {  	_ =	swait.ge @!p0 [sflag:s3], $0x2800  }
0xb0: {  	s6 =	simm.s32 @!p0 $0x0;
	[sflag:s3] =	ssyncset.done @!p0 $0x0  }
0xb1: {  	s20 =	simm.s32 @!p0 $0x14380;
	[sflag:s3] =	ssyncadd.s32 @!p0 $0xFFFFD800;
	s3 =	sadd.s32 @!p0 s0, s23  }
0xb2: {  	[tilespmem:s20], [sflag:$0x10] =	stream.linear.gather @!p0 [hbm4b:s3+s6], $0x50, $0x38;
	[tilespmem:$0x1E800] =	vst v63  }
0xb3: {  	_ =	swait.ge [sflag:s24], $0x50  }
0xb4: {  	[sflag:s24] =	ssyncset.done $0x0  }
0xb5: {  	s6 =	simm.s32 $0x14180;
	[sflag:s24] =	ssyncadd.s32 $0xFFFFFFB0  }
0xb6: {  	[tilespmem:s12], [sflag:$0x4] =	stream.indirect.gather [hbm4b:s5+s10], $0x80, s6, s10, $0xb8;
	[tilespmem:$0x1E800] =	vst v63  }
0xb7: {  	p0 =	seq.s32 s0, $0x4B0;
	_ =	swait.ge [sflag:s1], $0x2800  }
0xb8: {  	s20 =	simm.s32 @!p0 $0x14080;
	[sflag:s1] =	ssyncset.done $0x0;
	s3 =	rddreg [dreg:$0xf]  }
0xb9: {  	[sflag:s1] =	ssyncadd.s32 $0xFFFFD800;
	s6 =	sadd.s32 @!p0 s0, s3;
	s3 =	simm.s32 @!p0 $0x0  }
0xba: {  	[tilespmem:s20], [sflag:$0xA] =	stream.linear.gather @!p0 [hbm4b:s6+s3], $0x50, $0x38;
	[tilespmem:$0x1E800] =	vst v63  }
0xbb: {  	_ =	swait.ge [sflag:s31], $0x50  }
0xbc: {  	[sflag:s31] =	ssyncset.done $0x0  }
0xbd: {  	s18 =	simm.s32 $0x16C00;
	s6 =	simm.s32 $0x14280;
	[sflag:s31] =	ssyncadd.s32 $0xFFFFFFB0  }
0xbe: {  	[spmem:s2] =	stream.indirect.scatter.add.f32 [tilespmem:s18], [sflag:$0x6], $0x80, s6, s10, $0xb8;
	[tilespmem:$0x1E800] =	vst v63  }
0xbf: {  	_ =	swait.ge [sflag:s8], $0x2800  }
0xc0: {  	[sflag:s8] =	ssyncset.done $0x0  }
0xc1: {  	s18 =	sadd.s32 s19, s13;
	[sflag:s8] =	ssyncadd.s32 $0xFFFFD800  }
0xc2: {  	[tilespmem:s26], [sflag:$0xD] =	stream.linear.gather [hbm4b:s18+s4], $0x50, $0x38;
	[tilespmem:$0x1E800] =	vst v63  }
0xc3: {  	_ =	swait.ge [sflag:s9], $0x50  }
0xc4: {  	[sflag:s9] =	ssyncset.done $0x0  }
0xc5: {  	[sflag:s9] =	ssyncadd.s32 $0xFFFFFFB0  }
0xc6: {  	[tilespmem:s11], [sflag:$0x1] =	stream.indirect.gather [hbm4b:s5+s10], $0x80, s25, s10, $0xb8;
	[tilespmem:$0x1E800] =	vst v63  }
0xc7: {  	_ =	swait.ge [sflag:s7], $0x2800  }
0xc8: {  	[sflag:s7] =	ssyncset.done $0x0  }
0xc9: {  	s6 =	simm.s32 @p0 $0xF;
	[sflag:s7] =	ssyncadd.s32 $0xFFFFD800  }
0xca: {  	_ =	swait.ge @p0 [sflag:s6], $0x50  }
0xcb: {  	s13 =	simm.s32 @p0 $0x14300;
	[sflag:s6] =	ssyncset.done @p0 $0x0  }
0xcc: {  	s18 =	simm.s32 @p0 $0x19400;
	[sflag:s6] =	ssyncadd.s32 @p0 $0xFFFFFFB0;
	s6 =	simm.s32 @p0 $0x50  }
0xcd: {  	[spmem:s2] =	stream.indirect.scatter.add.f32 @p0 [tilespmem:s18], [sflag:$0x7], $0x80, s13, s6, $0xb8;
	[tilespmem:$0x1E800] =	vst v63  }
0xce: {  	s6 =	simm.s32 @p0 $0x6  }
0xcf: {  	_ =	swait.ge @p0 [sflag:s6], $0x2800  }
0xd0: {  	[sflag:s6] =	ssyncset.done @p0 $0x0  }
0xd1: {  	[sflag:s6] =	ssyncadd.s32 @p0 $0xFFFFD800;
	s6 =	simm.s32 @p0 $0x4  }
0xd2: {  	_ =	swait.ge @p0 [sflag:s6], $0x2800  }
0xd3: {  	[sflag:s6] =	ssyncset.done @p0 $0x0  }
0xd4: {  	s13 =	simm.s32 @!p0 $0x14100;
	[sflag:s6] =	ssyncadd.s32 @p0 $0xFFFFD800;
	s6 =	sadd.s32 @!p0 s0, s21  }
0xd5: {  	[tilespmem:s13], [sflag:$0xB] =	stream.linear.gather @!p0 [hbm4b:s6+s3], $0x50, $0x38;
	[tilespmem:$0x1E800] =	vst v63  }
0xd6: {  	s6 =	simm.s32 @!p0 $0xF  }
0xd7: {  	_ =	swait.ge @!p0 [sflag:s6], $0x50  }
0xd8: {  	s18 =	simm.s32 @!p0 $0x19400;
	[sflag:s6] =	ssyncset.done @!p0 $0x0  }
0xd9: {  	s13 =	simm.s32 @!p0 $0x14300;
	[sflag:s6] =	ssyncadd.s32 @!p0 $0xFFFFFFB0;
	s6 =	simm.s32 @!p0 $0x50  }
0xda: {  	[spmem:s2] =	stream.indirect.scatter.add.f32 @!p0 [tilespmem:s18], [sflag:$0x7], $0x80, s13, s6, $0xb8;
	[tilespmem:$0x1E800] =	vst v63  }
0xdb: {  	s13 =	simm.s32 @!p0 $0x6  }
0xdc: {  	_ =	swait.ge @!p0 [sflag:s13], $0x2800  }
0xdd: {  	[sflag:s13] =	ssyncset.done @!p0 $0x0  }
0xde: {  	[sflag:s13] =	ssyncadd.s32 @!p0 $0xFFFFD800;
	s13 =	rddreg [dreg:$0xe]  }
0xdf: {  	s18 =	simm.s32 @!p0 $0x14280;
	s13 =	sadd.s32 @!p0 s0, s13  }
0xe0: {  	[tilespmem:s18], [sflag:$0xE] =	stream.linear.gather @!p0 [hbm4b:s13+s3], $0x50, $0x38;
	[tilespmem:$0x1E800] =	vst v63  }
0xe1: {  	s13 =	simm.s32 @!p0 $0xA  }
0xe2: {  	_ =	swait.ge @!p0 [sflag:s13], $0x50  }
0xe3: {  	[sflag:s13] =	ssyncset.done @!p0 $0x0  }
0xe4: {  	[sflag:s13] =	ssyncadd.s32 @!p0 $0xFFFFFFB0;
	s13 =	simm.s32 @!p0 $0x16C00  }
0xe5: {  	[tilespmem:s13], [sflag:$0x2] =	stream.indirect.gather @!p0 [hbm4b:s5+s6], $0x80, s20, s6, $0xb8;
	[tilespmem:$0x1E800] =	vst v63  }
0xe6: {  	s6 =	simm.s32 @!p0 $0x4  }
0xe7: {  	_ =	swait.ge @!p0 [sflag:s6], $0x2800  }
0xe8: {  	[sflag:s6] =	ssyncset.done @!p0 $0x0  }
0xe9: {  	s13 =	simm.s32 @!p0 $0x14180;
	[sflag:s6] =	ssyncadd.s32 @!p0 $0xFFFFD800;
	s6 =	sadd.s32 @!p0 s0, s22  }
0xea: {  	[tilespmem:s13], [sflag:$0xC] =	stream.linear.gather @!p0 [hbm4b:s6+s3], $0x50, $0x38;
	[tilespmem:$0x1E800] =	vst v63  }
0xeb: {  	_ =	swait.ge [sflag:s29], $0x50  }
0xec: {  	[sflag:s29] =	ssyncset.done $0x0  }
.Ltmp4:
0xed: {  	s20 =	simm.s32 $0x14380;
	[sflag:s29] =	ssyncadd.s32 $0xFFFFFFB0;
	(pc) =	sbr.rel @p0 .LBB2_8-.Ltmp4, $4  }
0xee: {  	[spmem:s2] =	stream.indirect.scatter.add.f32 [tilespmem:s12], [sflag:$0x8], $0x80, s20, s10, $0xb8;
	[tilespmem:$0x1E800] =	vst v63  }
0xef: {  	_ =	swait.ge [sflag:s30], $0x2800  }
0xf0: {  	[sflag:s30] =	ssyncset.done $0x0  }
0xf1: {  	[sflag:s30] =	ssyncadd.s32 $0xFFFFD800  }
0xf2: {  	s3 =	rddreg [dreg:$0x10]  }
0xf3: {  	s6 =	simm.s32 $0x14300;
	s3 =	sadd.s32 s0, s3  }
0xf4: {  	[tilespmem:s6], [sflag:$0xF] =	stream.linear.gather [hbm4b:s3+s4], $0x50, $0x38;
	[tilespmem:$0x1E800] =	vst v63  }
.Ltmp5:
0xf5: {  	_ = 	snop;
	(pc) =	sbr.rel .LBB2_6-.Ltmp5, $4  }
0xf6: {  	_ =	swait.ge [sflag:s14], $0x50  }
0xf7: {  	s18 =	simm.s32 $0x14100;
	s20 =	simm.s32 $0x19400;
	[sflag:s14] =	ssyncset.done $0x0  }
0xf8: {  	s16 =	sadd.s32 $0x140, s16;
	s0 =	sadd.s32 $0x28, s0;
	[sflag:s14] =	ssyncadd.s32 $0xFFFFFFB0  }
0xf9: {  	[tilespmem:s20], [sflag:$0x3] =	stream.indirect.gather [hbm4b:s5+s10], $0x80, s18, s10, $0xb8;
	[tilespmem:$0x1E800] =	vst v63  }
.LBB2_9:
0xfa: {  	_ =	sfence.sel $0x180000  }
0xfb: {  	[bflag:$0x0] =	sbarrier.arrive $0xFFFF  }
0xfc: {  	_ =	strace $0x9000004A  }
0xfd: {  	s0 =	stileid.u32;
	[bflag:$0x2] =	sbarrier.arrive $0xFFFF  }
0xfe: {  	p0 =	sne.s32 s0, $0x0;
	s0 =	rddreg [dreg:$0x3]  }
0xff: {  	s0 =	sadd.s32 @!p0 $0x100000, s0  }
0x100: {  	[sflag:s0] =	ssyncadd.tile.s32 @!p0 $0x1;
	_ =	shalt  }
.Lfunc_end2:
_tile_overlayer_lowered:
.L_overlay_start_2:
0x101: {  	(tag) =	ssettag $0x2  }
0x102: {  	s0 =	rddreg [dreg:$0x0];
	s2 =	stileid.u32  }
0x103: {  	s1 =	rddreg [dreg:$0x1];
	p0 =	sne.s32 s2, $0x0  }
0x104: {  	s3 =	rddreg [dreg:$0x2];
	[bflag:$0x3] =	sbarrier.arrive $0xFFFF;
	s2 =	simm.s32 @!p0 $0x1C11  }
0x105: {  	[timem:s3], [sflag:s2] =	dma.local @!p0 [hbm:s0], s1  }
0x106: {  	s0 =	simm.s32 @!p0 $0x11  }
0x107: {  	_ =	swait.ge @!p0 [sflag:s0], s1  }
0x108: {  	s1 =	ssub.s32 @!p0 $0x0, s1;
	[sflag:s0] =	ssyncset.done @!p0 $0x0  }
0x109: {  	[sflag:s0] =	ssyncadd.s32 @!p0 s1  }
0x10a: {  	[bflag:$0x3] =	sbarrier.arrive $0xFFFF  }
0x10b: {  	_ =	shalt  }

// kernel: kernel.17.cloned.1.call-start
scs
__scs_entry_jumppad:
0x0: {  	(pc) =	sbr.rel $0x88, $3  }
0x1: {  	(tag) =	ssettag $0x0;
	lr =	simm.s32 $0x1  }
0x2: {  	[smem:$0x3F96] =	sst lr;
	_ =	strace $0xD0000000  }
0x3: {  	_ = 	snop  }
0x4: {  	_ = 	snop  }
0x5: {  	_ = 	snop  }
0x6: {  	_ = 	snop  }
0x7: {  	_ = 	snop  }
__scs_overlays_trampoline_lowered:
0x8: {  	[smem:$0x3FA5] =	sst s0  }
0x9: {  	[smem:$0x3FA6] =	sst s1  }
0xa: {  	[smem:$0x3FA7] =	sst s2  }
0xb: {  	[smem:$0x3FA8] =	sst s3  }
0xc: {  	[smem:$0x3FA9] =	sst s4  }
0xd: {  	[smem:$0x3FAA] =	sst s5  }
0xe: {  	[smem:$0x3FAB] =	sst s6  }
0xf: {  	[smem:$0x3FAC] =	sst s7  }
0x10: {  	[smem:$0x3FAD] =	sst s8  }
0x11: {  	[smem:$0x3FAE] =	sst s9;
	s0 =	simm.s32 @!p0 $0x0  }
0x12: {  	s1 =	sld [smem:$0x3F94];
	s0 =	simm.s32 @p0 $0x1  }
0x13: {  	[smem:$0x3FAF] =	sst s0;
	s0 =	simm.s32 @!p1 $0x0  }
0x14: {  	s2 =	sld [smem:$0x3F93];
	s0 =	simm.s32 @p1 $0x1  }
0x15: {  	[smem:$0x3FB0] =	sst s0;
	s0 =	simm.s32 @!p2 $0x0  }
0x16: {  	s3 =	sld [smem:$0x3FDB];
	s0 =	simm.s32 @p2 $0x1  }
0x17: {  	s4 =	simm.s32 $0x1BF5;
	[smem:$0x3FB2] =	sst s0  }
0x18: {  	s0 =	sld [smem:$0x3F95];
	_ =	swait.ge [sflag:s4], $0x0  }
0x19: {  	s7 =	sld [smem:$0x3F96]  }
0x1a: {  	s8 =	sadd.s32 $0xFFFFE003, lr  }
0x1b: {  	s9 =	sadd.s32 $0xFFFFFEF7, lr;
	s5 =	simm.s32 $0xFFFFFFFF;
	p2 =	slt.u32 s8, $0xFFFFF086  }
0x1c: {  	p1 =	slt.u32 s9, $0xF7A;
	s5 =	simm.s32 @!p2 $0x0  }
0x1d: {  	s5 =	simm.s32 @p1 $0x1;
	p0 =	seq.s32 s7, s2  }
0x1e: {  	s7 =	smul.u32 @!p0 $0xF7A, s2;
	p2 =	seq.s32 @!p0 s5, $0x0  }
0x1f: {  	s9 =	smul.u32 $0xF7A, s1;
	s8 =	simm.s32 @!p0 $0x1BF5;
	p2 =	por !p2, p0  }
0x20: {  	[sflag:s8] =	ssyncset.s32 @!p0 $0xFFFFF086;
	s6 =	sadd.s32 @!p0 s3, s7;
	s7 =	simm.s32 @!p0 $0x108  }
0x21: {  	s3 =	sadd.s32 s3, s9;
	s6 =	sadd.s32 @!p0 $0x88, s6;
	s7 =	simm.s32 @p2 $0x1082  }
0x22: {  	[simem:s7], [sflag:s8] =	dma.local @!p0 [hbm:s6], $0xF7A  }
0x23: {  	s9 =	sor.u32 $0xD0000000, s2;
	s6 =	simm.s32 $0x108;
	_ =	swait.ge @!p0 [sflag:s8], $0x0  }
0x24: {  	s3 =	sadd.s32 $0x88, s3;
	s6 =	simm.s32 @!p1 $0x1082;
	[sflag:s4] =	ssyncset.s32 $0xFFFFF086  }
0x25: {  	[simem:s6], [sflag:s4] =	dma.local [hbm:s3], $0xF7A  }
0x26: {  	[smem:$0x3F96] =	sst s1;
	(tag) =	ssettag s2;
	_ =	strace s9  }
0x27: {  	s1 =	sld [smem:$0x3FA6]  }
0x28: {  	s2 =	sld [smem:$0x3FA7]  }
0x29: {  	s4 =	sld [smem:$0x3FA9]  }
0x2a: {  	p0 =	seq.s32 s5, $0x0;
	s5 =	sld [smem:$0x3FAA]  }
0x2b: {  	s6 =	sld [smem:$0x3FAB]  }
0x2c: {  	s7 =	sld [smem:$0x3FAC]  }
0x2d: {  	s3 =	simm.s32 $0x108;
	s8 =	sld [smem:$0x3FAD]  }
0x2e: {  	s3 =	simm.s32 @!p0 $0x1082;
	s9 =	sld [smem:$0x3FAE]  }
0x2f: {  	lr =	sadd.s32 s0, s3;
	s0 =	sld [smem:$0x3FA5]  }
0x30: {  	s3 =	sld [smem:$0x3FA8]  }
0x31: {  	[smem:$0x3FB1] =	sst s10  }
0x32: {  	s10 =	sld [smem:$0x3FAF];
	_ =	sdelay $0x3  }
0x33: {  	p0 =	seq.s32 s10, $0x1;
	s10 =	sld [smem:$0x3FB1];
	_ =	sdelay $0x3  }
0x34: {  	[smem:$0x3FB1] =	sst s10  }
0x35: {  	s10 =	sld [smem:$0x3FB0];
	_ =	sdelay $0x3  }
0x36: {  	p1 =	seq.s32 s10, $0x1;
	s10 =	sld [smem:$0x3FB1];
	_ =	sdelay $0x3  }
0x37: {  	[smem:$0x3FB1] =	sst s10  }
0x38: {  	s10 =	sld [smem:$0x3FB2]  }
0x39: {  	_ = 	snop;
	(pc) =	sbr.ind lr, $3  }
0x3a: {  	_ = 	snop  }
0x3b: {  	_ = 	snop  }
0x3c: {  	p2 =	seq.s32 s10, $0x1;
	s10 =	sld [smem:$0x3FB1]  }
0x3d: {  	_ =	shalt  }
0x3e: {  	_ =	shalt  }
0x3f: {  	_ =	shalt  }
0x40: {  	_ =	shalt  }
0x41: {  	_ =	shalt  }
0x42: {  	_ =	shalt  }
0x43: {  	_ =	shalt  }
0x44: {  	_ =	shalt  }
0x45: {  	_ =	shalt  }
0x46: {  	_ =	shalt  }
0x47: {  	_ =	shalt  }
0x48: {  	_ =	shalt  }
0x49: {  	_ =	shalt  }
0x4a: {  	_ =	shalt  }
0x4b: {  	_ =	shalt  }
0x4c: {  	_ =	shalt  }
0x4d: {  	_ =	shalt  }
0x4e: {  	_ =	shalt  }
0x4f: {  	_ =	shalt  }
0x50: {  	_ =	shalt  }
0x51: {  	_ =	shalt  }
0x52: {  	_ =	shalt  }
0x53: {  	_ =	shalt  }
0x54: {  	_ =	shalt  }
0x55: {  	_ =	shalt  }
0x56: {  	_ =	shalt  }
0x57: {  	_ =	shalt  }
0x58: {  	_ =	shalt  }
0x59: {  	_ =	shalt  }
0x5a: {  	_ =	shalt  }
0x5b: {  	_ =	shalt  }
0x5c: {  	_ =	shalt  }
0x5d: {  	_ =	shalt  }
0x5e: {  	_ =	shalt  }
0x5f: {  	_ =	shalt  }
0x60: {  	_ =	shalt  }
0x61: {  	_ =	shalt  }
0x62: {  	_ =	shalt  }
0x63: {  	_ =	shalt  }
0x64: {  	_ =	shalt  }
0x65: {  	_ =	shalt  }
0x66: {  	_ =	shalt  }
0x67: {  	_ =	shalt  }
0x68: {  	_ =	shalt  }
0x69: {  	_ =	shalt  }
0x6a: {  	_ =	shalt  }
0x6b: {  	_ =	shalt  }
0x6c: {  	_ =	shalt  }
0x6d: {  	_ =	shalt  }
0x6e: {  	_ =	shalt  }
0x6f: {  	_ =	shalt  }
0x70: {  	_ =	shalt  }
0x71: {  	_ =	shalt  }
0x72: {  	_ =	shalt  }
0x73: {  	_ =	shalt  }
0x74: {  	_ =	shalt  }
0x75: {  	_ =	shalt  }
0x76: {  	_ =	shalt  }
0x77: {  	_ =	shalt  }
0x78: {  	_ =	shalt  }
0x79: {  	_ =	shalt  }
0x7a: {  	_ =	shalt  }
0x7b: {  	_ =	shalt  }
0x7c: {  	_ =	shalt  }
0x7d: {  	_ =	shalt  }
0x7e: {  	_ =	shalt  }
0x7f: {  	_ =	shalt  }
0x80: {  	_ =	shalt  }
0x81: {  	_ =	shalt  }
0x82: {  	_ =	shalt  }
0x83: {  	_ =	shalt  }
0x84: {  	_ =	shalt  }
0x85: {  	_ =	shalt  }
0x86: {  	_ =	shalt  }
0x87: {  	_ =	shalt  }
.Lfunc_end0:
.L_simem_size_0:
called_computation.2_lowered:
.L_overlay_start_0:
0x88: {  	s2 =	sld [smem:$0x3FD9]  }
0x89: {  	s3 =	sld [smem:$0x3FFE];
	_ =	sdelay $0x1  }
0x8a: {  	s1 =	srdreg.scid  }
0x8b: {  	s0 =	sand.u32 $0x1, s1  }
0x8c: {  	s17 =	sshll.u32 s0, $0xA;
	s2 =	sadd.s32 s3, s2  }
0x8d: {  	s2 =	sadd.s32 s2, s17  }
0x8e: {  	[smem:$0x3FBD] =	sst s2  }
0x8f: {  	_ = 	snop  }
0x90: {  	s2 =	sld [smem:$0x3FC8]  }
0x91: {  	s18 =	sld [smem:$0x3FC7];
	(tm) =	ssettm $0x1  }
0x92: {  	s4 =	sld [smem:$0x3FFB];
	_ =	sdelay $0x3  }
0x93: {  	_ =	strace s4  }
0x94: {  	s4 =	sld [smem:$0x3FFC];
	_ =	sdelay $0x3  }
0x95: {  	_ =	strace s4  }
0x96: {  	s4 =	sld [smem:$0x3FFD];
	_ =	sdelay $0x3  }
0x97: {  	_ =	strace s4  }
0x98: {  	_ =	strace $0x8FFFFFFF  }
0x99: {  	s19 =	sld [smem:$0x3FDB];
	_ =	sdelay $0x1  }
0x9a: {  	s5 =	simm.s32 $_scs_section_size  }
0x9b: {  	s6 =	simm.s32 $_size__tile_overlayer_lowered;
	s7 =	simm.s32 $_tile_overlayer_lowered  }
0x9c: {  	s22 =	simm.s32 $0x1BFF;
	s21 =	sshll.u32 s7, $0x1;
	s4 =	sadd.s32 s5, s19  }
0x9d: {  	s8 =	simm.s32 $0x0;
	s20 =	sshll.u32 s6, $0x1;
	s6 =	sadd.s32 s21, s4  }
0x9e: {  	[timem:s8], [sflag:s22] =	dma.local [hbm:s6], s20  }
0x9f: {  	_ =	swait.ge [sflag:s22], s20  }
0xa0: {  	s5 =	ssub.s32 $0x0, s20;
	[sflag:s22] =	ssyncset.done $0x0  }
0xa1: {  	[sflag:s22] =	ssyncadd.s32 s5;
	_ =	sdelay $0x1  }
0xa2: {  	s23 =	simm.s32 $0x1B8B  }
0xa3: {  	_ =	swait.ge [sflag:s23], $0x1  }
0xa4: {  	[sflag:s23] =	ssyncset.done $0x0  }
0xa5: {  	s25 =	simm.s32 $0x1B8E;
	s24 =	sld [smem:$0x3FFE];
	[sflag:s23] =	ssyncadd.s32 $0xFFFFFFFF  }
0xa6: {  	s26 =	simm.s32 $execute0_lowered;
	[smem:$0x3FD2] =	sst s25  }
0xa7: {  	s6 =	sshll.u32 s26, $0x1;
	_ =	strace $0x8000004C;
	[dreg:$0x1] =	wrdreg $0xFFFFFFFF  }
0xa8: {  	s28 =	simm.s32 $_size_execute0_lowered;
	s4 =	sadd.s32 s4, s6;
	[dreg:$0x0] =	wrdreg $0x0  }
0xa9: {  	s6 =	sshll.u32 s28, $0x1;
	[dreg:$0x2] =	wrdreg s4  }
0xaa: {  	[dreg:$0x3] =	wrdreg s6  }
0xab: {  	[dreg:$0x4] =	wrdreg $0xC0  }
0xac: {  	_ =	task [dreg:s8], $0x5FFFF  }
0xad: {  	[dreg:$0x1] =	wrdreg $0xFFFFFFFF  }
0xae: {  	[dreg:$0x0] =	wrdreg $0x60  }
0xaf: {  	[dreg:$0x2] =	wrdreg s24  }
0xb0: {  	[dreg:$0x3] =	wrdreg s2  }
0xb1: {  	[dreg:$0x4] =	wrdreg s18  }
0xb2: {  	[dreg:$0x5] =	wrdreg $0x0  }
0xb3: {  	[dreg:$0x6] =	wrdreg $0x9  }
0xb4: {  	_ =	task.clear_ibuf [dreg:s8], $0x7FFFF;
	_ =	strace $0x9000004C  }
0xb5: {  	s29 =	simm.s32 $0x9;
	_ =	strace $0x8000004E  }
0xb6: {  	_ =	swait.ge [sflag:s29], $0x1  }
0xb7: {  	[sflag:s29] =	ssyncadd.s32 $0xFFFFFFFF  }
0xb8: {  	_ =	strace $0x9000004E  }
0xb9: {  	_ =	sfence  }
0xba: {  	s30 =	sld [smem:$0x0];
	_ =	sdelay $0x2  }
0xbb: {  	s31 =	sshll.u32 s1, $0xD;
	s1 =	sshrl.u32 s1, $0x2  }
0xbc: {  	s3 =	sand.u32 $0x4000, s31;
	s1 =	sadd.s32 s1, s30  }
0xbd: {  	s0 =	sor.u32 s3, s0;
	s1 =	sshll.u32 s1, $0x11  }
0xbe: {  	s0 =	sor.u32 s1, s0  }
0xbf: {  	s0 =	sadd.s32 $0x8F2B, s0  }
0xc0: {  	[sflag:s0] =	ssyncadd.remote.s32 $0x1  }
0xc1: {  	_ =	sfence.sel $0xFFFF  }
0xc2: {  	[dreg:$0x0] =	wrdreg $0xFFFFFFFF;
	(pc) =	sbr.abs _section_cstart, $3  }
0xc3: {  	[dreg:$0x1] =	wrdreg $0xFFFFFFFF  }
0xc4: {  	_ =	task.clear_ibuf [dreg:s8], $0x2FFFF;
	_ =	strace $0x9FFFFFFF  }
0xc5: {  	(tm) =	ssettm $0x7FFFFFFF  }
tec
execute0_lowered:
.L_overlay_start_1:
0x0: {  	(tag) =	ssettag $0x1  }
0x1: {  	s0 =	rddreg [dreg:$0x0]  }
0x2: {  	s29 =	rddreg [dreg:$0x1]  }
0x3: {  	s10 =	rddreg [dreg:$0x2];
	s9 =	stileid.u32  }
0x4: {  	s1 =	srdreg.scid;
	s3 =	smul.u32 $0xA000, s9  }
0x5: {  	s5 =	simm.s32 $0x0;
	s1 =	sand.u32 $0x1, s1;
	s19 =	smul.u32 $0x2710, s9  }
0x6: {  	[smem:$0x7FF] =	sst s5;
	s2 =	smul.u32 $0xA0000, s1;
	s6 =	sshll.u32 s1, $0x4  }
0x7: {  	s7 =	ssub.s32 $0x2, s1;
	s1 =	smul.u32 $0x27100, s1;
	s6 =	sor.u32 s9, s6  }
0x8: {  	s4 =	rddreg [dreg:$0x3];
	_ =	strace $0x8000004D;
	s26 =	smul.u32 $0x2710, s6  }
0x9: {  	s8 =	sshrl.u32 s7, $0x1;
	s2 =	sadd.s32 s3, s2;
	s6 =	sadd.s32 $0x3800, s0  }
0xa: {  	s1 =	sadd.s32 s19, s1;
	s2 =	sshrl.u32 s2, $0x3;
	s3 =	sshrl.u32 s26, $0x3  }
0xb: {  	s22 =	sadd.s32 $0x370, s1;
	s0 =	sadd.s32 s2, s0;
	s11 =	sadd.s32 s29, s3  }
0xc: {  	s2 =	ssub.s32 s7, s8;
	s8 =	sadd.s32 s10, s3;
	[dreg:$0xf] =	wrdreg s11  }
0xd: {  	s23 =	sshrl.u32 s22, $0x3;
	s0 =	sadd.s32 $0x2B800, s0;
	[dreg:$0x10] =	wrdreg s8  }
0xe: {  	s25 =	sadd.s32 s23, s29;
	[dreg:$0x1c] =	wrdreg s0  }
0xf: {  	s12 =	sadd.s32 $0xA, s3;
	s2 =	smax.u32 s2, $0x1;
	[dreg:$0x5] =	wrdreg s25  }
0x10: {  	s13 =	sadd.s32 s29, s12;
	[dreg:$0x1d] =	wrdreg s2  }
0x11: {  	s14 =	sadd.s32 $0x14, s3;
	s7 =	sadd.s32 s10, s12;
	[dreg:$0x11] =	wrdreg s13  }
0x12: {  	s15 =	sadd.s32 s29, s14;
	[dreg:$0x12] =	wrdreg s7  }
0x13: {  	s16 =	sadd.s32 $0x1E, s3;
	s8 =	sadd.s32 s10, s14;
	[dreg:$0x13] =	wrdreg s15  }
0x14: {  	s18 =	sadd.s32 $0x28, s3;
	s17 =	sadd.s32 s29, s16;
	[dreg:$0x14] =	wrdreg s8  }
0x15: {  	s3 =	sadd.s32 $0x32, s3;
	s11 =	sadd.s32 s29, s18;
	[dreg:$0x15] =	wrdreg s17  }
0x16: {  	s24 =	sadd.s32 $0x320, s1;
	s20 =	sadd.s32 s29, s3;
	[dreg:$0x17] =	wrdreg s11  }
0x17: {  	s26 =	sshrl.u32 s24, $0x3;
	s3 =	sadd.s32 s10, s3;
	[dreg:$0x19] =	wrdreg s20  }
0x18: {  	s9 =	smul.u32 $0x28000, s9;
	s12 =	sadd.s32 s26, s29;
	[dreg:$0x1a] =	wrdreg s3  }
0x19: {  	s0 =	simm.s32 $0x0;
	[dreg:$0x7] =	wrdreg s12  }
0x1a: {  	s21 =	sshrl.u32 s9, $0x2;
	s7 =	sadd.s32 s10, s16;
	[smem:$0x7FD] =	sst s0  }
0x1b: {  	s19 =	sadd.s32 $0x230, s1;
	s8 =	sadd.s32 s21, s4;
	[dreg:$0x16] =	wrdreg s7  }
0x1c: {  	s21 =	sshrl.u32 s19, $0x3;
	s7 =	sadd.s32 s10, s18;
	[dreg:$0x1b] =	wrdreg s8  }
0x1d: {  	s22 =	sadd.s32 s21, s10;
	[dreg:$0x18] =	wrdreg s7  }
0x1e: {  	s24 =	sadd.s32 s21, s29;
	[dreg:$0xc] =	wrdreg s22  }
0x1f: {  	s11 =	sadd.s32 $0x2D0, s1;
	s3 =	sadd.s32 $0x400, s8;
	[dreg:$0xd] =	wrdreg s24  }
0x20: {  	s13 =	sshrl.u32 s11, $0x3;
	s11 =	sadd.s32 $0x1E0, s1;
	[dreg:$0x1e] =	wrdreg s3  }
0x21: {  	s15 =	sadd.s32 $0x280, s1;
	s12 =	sadd.s32 $0x1000, s8;
	[smem:$0x7D8] =	sst s11  }
0x22: {  	s17 =	sshrl.u32 s15, $0x3;
	s15 =	sadd.s32 $0x1C00, s8;
	[smem:$0x7D9] =	sst s12  }
0x23: {  	s19 =	sadd.s32 $0x2C00, s8;
	[smem:$0x7DC] =	sst s15  }
0x24: {  	s23 =	sadd.s32 $0x190, s1;
	s21 =	sadd.s32 $0x3400, s8;
	[smem:$0x7E0] =	sst s19  }
0x25: {  	s25 =	sshrl.u32 s23, $0x3;
	s23 =	sadd.s32 $0x3C00, s8;
	[smem:$0x7E2] =	sst s21  }
0x26: {  	s1 =	sadd.s32 $0x4C00, s8;
	[smem:$0x7E4] =	sst s23  }
0x27: {  	s2 =	sadd.s32 $0x5000, s8;
	[smem:$0x7E8] =	sst s1  }
0x28: {  	s7 =	sadd.s32 s26, s10;
	[smem:$0x7E9] =	sst s2  }
0x29: {  	s14 =	sadd.s32 s13, s10;
	[dreg:$0x6] =	wrdreg s7  }
0x2a: {  	s16 =	sadd.s32 s13, s29;
	[dreg:$0x8] =	wrdreg s14  }
0x2b: {  	s18 =	sadd.s32 s17, s10;
	[dreg:$0x9] =	wrdreg s16  }
0x2c: {  	s20 =	sadd.s32 s17, s29;
	[dreg:$0xa] =	wrdreg s18  }
0x2d: {  	s26 =	sadd.s32 s25, s10;
	[dreg:$0xb] =	wrdreg s20  }
0x2e: {  	s9 =	smov.u32 s10;
	s10 =	sadd.s32 $0xC00, s8;
	[dreg:$0xe] =	wrdreg s26  }
0x2f: {  	s13 =	sadd.s32 $0x1400, s8;
	[smem:$0x7D7] =	sst s10  }
0x30: {  	s17 =	sadd.s32 $0x2400, s8;
	[smem:$0x7DA] =	sst s13  }
0x31: {  	s22 =	sadd.s32 $0x3800, s8;
	[smem:$0x7DE] =	sst s17  }
0x32: {  	s24 =	sadd.s32 $0x4000, s8;
	[smem:$0x7E3] =	sst s22  }
0x33: {  	s25 =	sadd.s32 $0x4400, s8;
	[smem:$0x7E5] =	sst s24  }
0x34: {  	s3 =	sadd.s32 $0x5400, s8;
	[smem:$0x7E6] =	sst s25  }
0x35: {  	s11 =	sadd.s32 $0x6000, s8;
	[smem:$0x7EA] =	sst s3  }
0x36: {  	s12 =	sadd.s32 $0x6400, s8;
	[smem:$0x7ED] =	sst s11  }
0x37: {  	s15 =	sadd.s32 $0x7000, s8;
	[smem:$0x7EE] =	sst s12  }
0x38: {  	s19 =	sadd.s32 $0x8000, s8;
	[smem:$0x7F1] =	sst s15  }
0x39: {  	s21 =	sadd.s32 $0x8800, s8;
	[smem:$0x7F5] =	sst s19  }
0x3a: {  	s23 =	sadd.s32 $0x9000, s8;
	[smem:$0x7F7] =	sst s21  }
0x3b: {  	s7 =	sadd.s32 $0x800, s8;
	[smem:$0x7F9] =	sst s23  }
0x3c: {  	s14 =	sadd.s32 $0x1800, s8;
	[dreg:$0x1f] =	wrdreg s7  }
0x3d: {  	s28 =	simm.s32 $0x7;
	s16 =	sadd.s32 $0x2000, s8;
	[smem:$0x7DB] =	sst s14  }
0x3e: {  	s30 =	simm.s32 $0x50;
	s18 =	sadd.s32 $0x2800, s8;
	[smem:$0x7DD] =	sst s16  }
0x3f: {  	s31 =	simm.s32 $0x14600;
	s20 =	sadd.s32 $0x3000, s8;
	[smem:$0x7DF] =	sst s18  }
0x40: {  	s1 =	simm.s32 $0xA380;
	s26 =	sadd.s32 $0x4800, s8;
	[smem:$0x7E1] =	sst s20  }
0x41: {  	s2 =	simm.s32 $0xA400;
	s10 =	sadd.s32 $0x5C00, s8;
	[smem:$0x7E7] =	sst s26  }
0x42: {  	s13 =	sadd.s32 $0x6800, s8;
	s17 =	sadd.s32 $0x7800, s8;
	[smem:$0x7EC] =	sst s10  }
0x43: {  	s22 =	sadd.s32 $0x8C00, s8;
	s24 =	sadd.s32 $0x9400, s8;
	[smem:$0x7EF] =	sst s13  }
0x44: {  	s25 =	sadd.s32 $0x9800, s8;
	s11 =	simm.s32 $0xA080;
	[smem:$0x7F3] =	sst s17  }
0x45: {  	s19 =	simm.s32 $0xA100;
	s12 =	simm.s32 $0xA180;
	[smem:$0x7F8] =	sst s22  }
0x46: {  	s15 =	simm.s32 $0xA500;
	s23 =	simm.s32 $0xA580;
	[smem:$0x7FA] =	sst s24  }
0x47: {  	s21 =	simm.s32 $0xF;
	s7 =	sadd.s32 $0x5800, s8;
	[smem:$0x7FB] =	sst s25  }
0x48: {  	s3 =	simm.s32 $0x11;
	s14 =	sadd.s32 $0x6C00, s8;
	[smem:$0x7EB] =	sst s7  }
0x49: {  	s16 =	sadd.s32 $0x7400, s8;
	s18 =	sadd.s32 $0x7C00, s8;
	[smem:$0x7F0] =	sst s14  }
0x4a: {  	s20 =	sadd.s32 $0x8400, s8;
	s26 =	sadd.s32 $0x9C00, s8;
	[smem:$0x7F2] =	sst s16  }
0x4b: {  	s10 =	simm.s32 $0xA300;
	s13 =	simm.s32 $0xA480;
	[smem:$0x7F4] =	sst s18  }
0x4c: {  	s24 =	simm.s32 $0xA280;
	s17 =	simm.s32 $0xA600;
	[smem:$0x7F6] =	sst s20  }
0x4d: {  	s22 =	simm.s32 $0xF600;
	s25 =	simm.s32 $0x10;
	[smem:$0x7FC] =	sst s26  }
0x4e: {  	s7 =	simm.s32 $0xA000;
	s14 =	simm.s32 $0xA200;
	s16 =	simm.s32 $0xD  }
0x4f: {  	v0 =	vimm.f32 $0.0e+00;
	s18 =	simm.s32 $0xE;
	s20 =	simm.s32 $0xCE00;
	s26 =	simm.s32 $0x11E00  }
.LBB2_1:
0x50: {  	s0 =	rddreg [dreg:$0xf]  }
0x51: {  	[tilespmem:s7], [sflag:$0xD] =	stream.linear.gather [hbm4b:s0+s5], $0x50, $0x38;
	[tilespmem:$0x19A00] =	vst v63  }
0x52: {  	s0 =	rddreg [dreg:$0x10]  }
0x53: {  	[tilespmem:s10], [sflag:$0x13] =	stream.linear.gather [hbm4b:s0+s5], $0x50, $0x38;
	[tilespmem:$0x19A00] =	vst v63  }
0x54: {  	s0 =	rddreg [dreg:$0x11]  }
0x55: {  	[tilespmem:s11], [sflag:$0xE] =	stream.linear.gather [hbm4b:s0+s5], $0x50, $0x38;
	[tilespmem:$0x19A00] =	vst v63  }
0x56: {  	s0 =	rddreg [dreg:$0x12]  }
0x57: {  	[tilespmem:s1], [sflag:$0x14] =	stream.linear.gather [hbm4b:s0+s5], $0x50, $0x38;
	[tilespmem:$0x19A00] =	vst v63  }
0x58: {  	s1 =	rddreg [dreg:$0x13]  }
0x59: {  	[tilespmem:s19], [sflag:$0xF] =	stream.linear.gather [hbm4b:s1+s5], $0x50, $0x38;
	[tilespmem:$0x19A00] =	vst v63  }
0x5a: {  	s1 =	rddreg [dreg:$0x14]  }
0x5b: {  	[tilespmem:s2], [sflag:$0x15] =	stream.linear.gather [hbm4b:s1+s5], $0x50, $0x38;
	[tilespmem:$0x19A00] =	vst v63  }
0x5c: {  	s2 =	rddreg [dreg:$0x15]  }
0x5d: {  	[tilespmem:s12], [sflag:$0x10] =	stream.linear.gather [hbm4b:s2+s5], $0x50, $0x38;
	[tilespmem:$0x19A00] =	vst v63  }
0x5e: {  	s1 =	rddreg [dreg:$0x16]  }
0x5f: {  	[tilespmem:s13], [sflag:$0x16] =	stream.linear.gather [hbm4b:s1+s5], $0x50, $0x38;
	[tilespmem:$0x19A00] =	vst v63  }
0x60: {  	s2 =	rddreg [dreg:$0x17]  }
0x61: {  	[tilespmem:s14], [sflag:$0x11] =	stream.linear.gather [hbm4b:s2+s5], $0x50, $0x38;
	[tilespmem:$0x19A00] =	vst v63  }
0x62: {  	s13 =	rddreg [dreg:$0x18]  }
0x63: {  	[tilespmem:s15], [sflag:$0x17] =	stream.linear.gather [hbm4b:s13+s5], $0x50, $0x38;
	[tilespmem:$0x19A00] =	vst v63  }
0x64: {  	s1 =	rddreg [dreg:$0x19]  }
0x65: {  	[tilespmem:s24], [sflag:$0x12] =	stream.linear.gather [hbm4b:s1+s5], $0x50, $0x38;
	[tilespmem:$0x19A00] =	vst v63  }
0x66: {  	s2 =	rddreg [dreg:$0x1a]  }
0x67: {  	[tilespmem:s23], [sflag:$0x18] =	stream.linear.gather [hbm4b:s2+s5], $0x50, $0x38;
	[tilespmem:$0x19A00] =	vst v63  }
0x68: {  	[tilespmem:$0x19600] =	vst v0  }
0x69: {  	[tilespmem:$0x19610] =	vst v0  }
0x6a: {  	[tilespmem:$0x19620] =	vst v0  }
0x6b: {  	[tilespmem:$0x19630] =	vst v0  }
0x6c: {  	[tilespmem:$0x19640] =	vst v0  }
0x6d: {  	[tilespmem:$0x19650] =	vst v0  }
0x6e: {  	[tilespmem:$0x19660] =	vst v0  }
0x6f: {  	[tilespmem:$0x19670] =	vst v0  }
0x70: {  	[tilespmem:$0x19680] =	vst v0  }
0x71: {  	[tilespmem:$0x19690] =	vst v0  }
0x72: {  	[tilespmem:$0x196A0] =	vst v0  }
0x73: {  	[tilespmem:$0x196B0] =	vst v0  }
0x74: {  	[tilespmem:$0x196C0] =	vst v0  }
0x75: {  	[tilespmem:$0x196D0] =	vst v0  }
0x76: {  	[tilespmem:$0x196E0] =	vst v0  }
0x77: {  	[tilespmem:$0x196F0] =	vst v0  }
0x78: {  	[tilespmem:$0x19700] =	vst v0  }
0x79: {  	[tilespmem:$0x19710] =	vst v0  }
0x7a: {  	[tilespmem:$0x19720] =	vst v0  }
0x7b: {  	[tilespmem:$0x19730] =	vst v0  }
0x7c: {  	[tilespmem:$0x19740] =	vst v0  }
0x7d: {  	[tilespmem:$0x19750] =	vst v0  }
0x7e: {  	[tilespmem:$0x19760] =	vst v0  }
0x7f: {  	[tilespmem:$0x19770] =	vst v0  }
0x80: {  	[tilespmem:$0x19780] =	vst v0  }
0x81: {  	[tilespmem:$0x19790] =	vst v0  }
0x82: {  	[tilespmem:$0x197A0] =	vst v0  }
0x83: {  	[tilespmem:$0x197B0] =	vst v0  }
0x84: {  	[tilespmem:$0x197C0] =	vst v0  }
0x85: {  	[tilespmem:$0x197D0] =	vst v0  }
0x86: {  	[tilespmem:$0x197E0] =	vst v0  }
0x87: {  	[tilespmem:$0x197F0] =	vst v0  }
0x88: {  	[tilespmem:$0x19800] =	vst v0  }
0x89: {  	[tilespmem:$0x19810] =	vst v0  }
0x8a: {  	[tilespmem:$0x19820] =	vst v0  }
0x8b: {  	[tilespmem:$0x19830] =	vst v0  }
0x8c: {  	[tilespmem:$0x19840] =	vst v0  }
0x8d: {  	[tilespmem:$0x19850] =	vst v0  }
0x8e: {  	[tilespmem:$0x19860] =	vst v0  }
0x8f: {  	[tilespmem:$0x19870] =	vst v0  }
0x90: {  	[tilespmem:$0x19880] =	vst v0  }
0x91: {  	[tilespmem:$0x19890] =	vst v0  }
0x92: {  	[tilespmem:$0x198A0] =	vst v0  }
0x93: {  	[tilespmem:$0x198B0] =	vst v0  }
0x94: {  	[tilespmem:$0x198C0] =	vst v0  }
0x95: {  	[tilespmem:$0x198D0] =	vst v0  }
0x96: {  	[tilespmem:$0x198E0] =	vst v0  }
0x97: {  	[tilespmem:$0x198F0] =	vst v0  }
0x98: {  	[tilespmem:$0x19900] =	vst v0  }
0x99: {  	[tilespmem:$0x19910] =	vst v0  }
0x9a: {  	[tilespmem:$0x19920] =	vst v0  }
0x9b: {  	[tilespmem:$0x19930] =	vst v0  }
0x9c: {  	[tilespmem:$0x19940] =	vst v0  }
0x9d: {  	[tilespmem:$0x19950] =	vst v0  }
0x9e: {  	[tilespmem:$0x19960] =	vst v0  }
0x9f: {  	[tilespmem:$0x19970] =	vst v0  }
0xa0: {  	[tilespmem:$0x19980] =	vst v0  }
0xa1: {  	[tilespmem:$0x19990] =	vst v0  }
0xa2: {  	[tilespmem:$0x199A0] =	vst v0  }
0xa3: {  	[tilespmem:$0x199B0] =	vst v0  }
0xa4: {  	[tilespmem:$0x199C0] =	vst v0  }
0xa5: {  	[tilespmem:$0x199D0] =	vst v0  }
0xa6: {  	[tilespmem:$0x199E0] =	vst v0  }
0xa7: {  	s13 =	rddreg [dreg:$0x1f];
	s1 =	simm.s32 $0x19600;
	[tilespmem:$0x199F0] =	vst v0  }
0xa8: {  	[spmem:s8] =	stream.linear.scatter [tilespmem:s1], [sflag:$0x7], $0x400, $0x38;
	[tilespmem:$0x19A00] =	vst v63  }
0xa9: {  	s8 =	rddreg [dreg:$0x1e]  }
0xaa: {  	[spmem:s8] =	stream.linear.scatter [tilespmem:s1], [sflag:$0x7], $0x400, $0x38;
	[tilespmem:$0x19A00] =	vst v63  }
0xab: {  	s15 =	sld [smem:$0x7D7]  }
0xac: {  	[spmem:s13] =	stream.linear.scatter [tilespmem:s1], [sflag:$0x7], $0x400, $0x38;
	[tilespmem:$0x19A00] =	vst v63  }
0xad: {  	s23 =	sld [smem:$0x7D9]  }
0xae: {  	[spmem:s15] =	stream.linear.scatter [tilespmem:s1], [sflag:$0x7], $0x400, $0x38;
	[tilespmem:$0x19A00] =	vst v63  }
0xaf: {  	s2 =	sld [smem:$0x7DA]  }
0xb0: {  	[spmem:s23] =	stream.linear.scatter [tilespmem:s1], [sflag:$0x7], $0x400, $0x38;
	[tilespmem:$0x19A00] =	vst v63  }
0xb1: {  	s8 =	sld [smem:$0x7DB]  }
0xb2: {  	[spmem:s2] =	stream.linear.scatter [tilespmem:s1], [sflag:$0x7], $0x400, $0x38;
	[tilespmem:$0x19A00] =	vst v63  }
0xb3: {  	s13 =	sld [smem:$0x7DC]  }
0xb4: {  	[spmem:s8] =	stream.linear.scatter [tilespmem:s1], [sflag:$0x7], $0x400, $0x38;
	[tilespmem:$0x19A00] =	vst v63  }
0xb5: {  	s15 =	sld [smem:$0x7DD]  }
0xb6: {  	[spmem:s13] =	stream.linear.scatter [tilespmem:s1], [sflag:$0x7], $0x400, $0x38;
	[tilespmem:$0x19A00] =	vst v63  }
0xb7: {  	s23 =	sld [smem:$0x7DE]  }
0xb8: {  	[spmem:s15] =	stream.linear.scatter [tilespmem:s1], [sflag:$0x7], $0x400, $0x38;
	[tilespmem:$0x19A00] =	vst v63  }
0xb9: {  	s2 =	sld [smem:$0x7DF]  }
0xba: {  	[spmem:s23] =	stream.linear.scatter [tilespmem:s1], [sflag:$0x7], $0x400, $0x38;
	[tilespmem:$0x19A00] =	vst v63  }
0xbb: {  	s8 =	sld [smem:$0x7E0]  }
0xbc: {  	[spmem:s2] =	stream.linear.scatter [tilespmem:s1], [sflag:$0x7], $0x400, $0x38;
	[tilespmem:$0x19A00] =	vst v63  }
0xbd: {  	s13 =	sld [smem:$0x7E1]  }
0xbe: {  	[spmem:s8] =	stream.linear.scatter [tilespmem:s1], [sflag:$0x7], $0x400, $0x38;
	[tilespmem:$0x19A00] =	vst v63  }
0xbf: {  	s15 =	sld [smem:$0x7E2]  }
0xc0: {  	[spmem:s13] =	stream.linear.scatter [tilespmem:s1], [sflag:$0x7], $0x400, $0x38;
	[tilespmem:$0x19A00] =	vst v63  }
0xc1: {  	s23 =	sld [smem:$0x7E3]  }
0xc2: {  	[spmem:s15] =	stream.linear.scatter [tilespmem:s1], [sflag:$0x7], $0x400, $0x38;
	[tilespmem:$0x19A00] =	vst v63  }
0xc3: {  	s2 =	sld [smem:$0x7E4]  }
0xc4: {  	[spmem:s23] =	stream.linear.scatter [tilespmem:s1], [sflag:$0x7], $0x400, $0x38;
	[tilespmem:$0x19A00] =	vst v63  }
0xc5: {  	s8 =	sld [smem:$0x7E5]  }
0xc6: {  	[spmem:s2] =	stream.linear.scatter [tilespmem:s1], [sflag:$0x7], $0x400, $0x38;
	[tilespmem:$0x19A00] =	vst v63  }
0xc7: {  	s13 =	sld [smem:$0x7E6]  }
0xc8: {  	[spmem:s8] =	stream.linear.scatter [tilespmem:s1], [sflag:$0x7], $0x400, $0x38;
	[tilespmem:$0x19A00] =	vst v63  }
0xc9: {  	s15 =	sld [smem:$0x7E7]  }
0xca: {  	[spmem:s13] =	stream.linear.scatter [tilespmem:s1], [sflag:$0x7], $0x400, $0x38;
	[tilespmem:$0x19A00] =	vst v63  }
0xcb: {  	s23 =	sld [smem:$0x7E8]  }
0xcc: {  	[spmem:s15] =	stream.linear.scatter [tilespmem:s1], [sflag:$0x7], $0x400, $0x38;
	[tilespmem:$0x19A00] =	vst v63  }
0xcd: {  	s2 =	sld [smem:$0x7E9]  }
0xce: {  	[spmem:s23] =	stream.linear.scatter [tilespmem:s1], [sflag:$0x7], $0x400, $0x38;
	[tilespmem:$0x19A00] =	vst v63  }
0xcf: {  	s8 =	sld [smem:$0x7EA]  }
0xd0: {  	[spmem:s2] =	stream.linear.scatter [tilespmem:s1], [sflag:$0x7], $0x400, $0x38;
	[tilespmem:$0x19A00] =	vst v63  }
0xd1: {  	s13 =	sld [smem:$0x7EB]  }
0xd2: {  	[spmem:s8] =	stream.linear.scatter [tilespmem:s1], [sflag:$0x7], $0x400, $0x38;
	[tilespmem:$0x19A00] =	vst v63  }
0xd3: {  	s15 =	sld [smem:$0x7EC]  }
0xd4: {  	[spmem:s13] =	stream.linear.scatter [tilespmem:s1], [sflag:$0x7], $0x400, $0x38;
	[tilespmem:$0x19A00] =	vst v63  }
0xd5: {  	s23 =	sld [smem:$0x7ED]  }
0xd6: {  	[spmem:s15] =	stream.linear.scatter [tilespmem:s1], [sflag:$0x7], $0x400, $0x38;
	[tilespmem:$0x19A00] =	vst v63  }
0xd7: {  	s2 =	sld [smem:$0x7EE]  }
0xd8: {  	[spmem:s23] =	stream.linear.scatter [tilespmem:s1], [sflag:$0x7], $0x400, $0x38;
	[tilespmem:$0x19A00] =	vst v63  }
0xd9: {  	s8 =	sld [smem:$0x7EF]  }
0xda: {  	[spmem:s2] =	stream.linear.scatter [tilespmem:s1], [sflag:$0x7], $0x400, $0x38;
	[tilespmem:$0x19A00] =	vst v63  }
0xdb: {  	s13 =	sld [smem:$0x7F0]  }
0xdc: {  	[spmem:s8] =	stream.linear.scatter [tilespmem:s1], [sflag:$0x7], $0x400, $0x38;
	[tilespmem:$0x19A00] =	vst v63  }
0xdd: {  	s15 =	sld [smem:$0x7F1]  }
0xde: {  	[spmem:s13] =	stream.linear.scatter [tilespmem:s1], [sflag:$0x7], $0x400, $0x38;
	[tilespmem:$0x19A00] =	vst v63  }
0xdf: {  	s23 =	sld [smem:$0x7F2]  }
0xe0: {  	[spmem:s15] =	stream.linear.scatter [tilespmem:s1], [sflag:$0x7], $0x400, $0x38;
	[tilespmem:$0x19A00] =	vst v63  }
0xe1: {  	s2 =	sld [smem:$0x7F3]  }
0xe2: {  	[spmem:s23] =	stream.linear.scatter [tilespmem:s1], [sflag:$0x7], $0x400, $0x38;
	[tilespmem:$0x19A00] =	vst v63  }
0xe3: {  	s8 =	sld [smem:$0x7F4]  }
0xe4: {  	[spmem:s2] =	stream.linear.scatter [tilespmem:s1], [sflag:$0x7], $0x400, $0x38;
	[tilespmem:$0x19A00] =	vst v63  }
0xe5: {  	s13 =	sld [smem:$0x7F5]  }
0xe6: {  	[spmem:s8] =	stream.linear.scatter [tilespmem:s1], [sflag:$0x7], $0x400, $0x38;
	[tilespmem:$0x19A00] =	vst v63  }
0xe7: {  	s15 =	sld [smem:$0x7F6]  }
0xe8: {  	[spmem:s13] =	stream.linear.scatter [tilespmem:s1], [sflag:$0x7], $0x400, $0x38;
	[tilespmem:$0x19A00] =	vst v63  }
0xe9: {  	s23 =	sld [smem:$0x7F7]  }
0xea: {  	[spmem:s15] =	stream.linear.scatter [tilespmem:s1], [sflag:$0x7], $0x400, $0x38;
	[tilespmem:$0x19A00] =	vst v63  }
0xeb: {  	s2 =	sld [smem:$0x7F8]  }
0xec: {  	[spmem:s23] =	stream.linear.scatter [tilespmem:s1], [sflag:$0x7], $0x400, $0x38;
	[tilespmem:$0x19A00] =	vst v63  }
0xed: {  	s8 =	sld [smem:$0x7F9]  }
0xee: {  	[spmem:s2] =	stream.linear.scatter [tilespmem:s1], [sflag:$0x7], $0x400, $0x38;
	[tilespmem:$0x19A00] =	vst v63  }
0xef: {  	s13 =	sld [smem:$0x7FA]  }
0xf0: {  	[spmem:s8] =	stream.linear.scatter [tilespmem:s1], [sflag:$0x7], $0x400, $0x38;
	[tilespmem:$0x19A00] =	vst v63  }
0xf1: {  	s15 =	sld [smem:$0x7FB]  }
0xf2: {  	[spmem:s13] =	stream.linear.scatter [tilespmem:s1], [sflag:$0x7], $0x400, $0x38;
	[tilespmem:$0x19A00] =	vst v63  }
0xf3: {  	s23 =	sld [smem:$0x7FC]  }
0xf4: {  	[spmem:s15] =	stream.linear.scatter [tilespmem:s1], [sflag:$0x7], $0x400, $0x38;
	[tilespmem:$0x19A00] =	vst v63  }
0xf5: {  	_ = 	snop  }
0xf6: {  	[spmem:s23] =	stream.linear.scatter [tilespmem:s1], [sflag:$0x7], $0x400, $0x38;
	[tilespmem:$0x19A00] =	vst v63  }
0xf7: {  	_ =	swait.ge [sflag:s28], $0x400  }
0xf8: {  	s2 =	simm.s32 $0x27;
	[sflag:s28] =	ssyncset.done $0x0  }
.LBB2_2:
0xf9: {  	p0 =	sne.s32 s2, $0x1;
	s2 =	sadd.s32 $0xFFFFFFFF, s2;
	[sflag:s28] =	ssyncadd.s32 $0xFFFFFC00  }
.Ltmp0:
0xfa: {  	(pc) =	sbr.rel @p0 .LBB2_2-.Ltmp0, $3  }
0xfb: {  	_ =	sdelay $0x1  }
0xfc: {  	_ =	swait.ge [sflag:s28], $0x400  }
0xfd: {  	[sflag:s28] =	ssyncset.done $0x0  }
0xfe: {  	[sflag:s28] =	ssyncadd.s32 $0xFFFFFC00  }
0xff: {  	[bflag:$0x0] =	sbarrier.arrive $0xFFFF  }
0x100: {  	_ =	swait.ge [sflag:s16], $0x50  }
0x101: {  	[sflag:s16] =	ssyncset.done $0x0  }
0x102: {  	[sflag:s16] =	ssyncadd.s32 $0xFFFFFFB0  }
0x103: {  	[tilespmem:s17], [sflag:$0x1] =	stream.indirect.gather [hbm4b:s6+s30], $0x80, s7, s30, $0xb8;
	[tilespmem:$0x19A00] =	vst v63  }
0x104: {  	_ =	swait.ge [sflag:s18], $0x50  }
0x105: {  	[sflag:s18] =	ssyncset.done $0x0  }
0x106: {  	[sflag:s18] =	ssyncadd.s32 $0xFFFFFFB0  }
0x107: {  	[tilespmem:s20], [sflag:$0x2] =	stream.indirect.gather [hbm4b:s6+s30], $0x80, s11, s30, $0xb8;
	[tilespmem:$0x19A00] =	vst v63  }
0x108: {  	_ =	swait.ge [sflag:s21], $0x50  }
0x109: {  	[sflag:s21] =	ssyncset.done $0x0  }
0x10a: {  	[sflag:s21] =	ssyncadd.s32 $0xFFFFFFB0  }
0x10b: {  	[tilespmem:s22], [sflag:$0x3] =	stream.indirect.gather [hbm4b:s6+s30], $0x80, s19, s30, $0xb8;
	[tilespmem:$0x19A00] =	vst v63  }
0x10c: {  	_ =	swait.ge [sflag:s25], $0x50  }
0x10d: {  	[sflag:s25] =	ssyncset.done $0x0  }
0x10e: {  	[sflag:s25] =	ssyncadd.s32 $0xFFFFFFB0  }
0x10f: {  	[tilespmem:s26], [sflag:$0x4] =	stream.indirect.gather [hbm4b:s6+s30], $0x80, s12, s30, $0xb8;
	[tilespmem:$0x19A00] =	vst v63  }
0x110: {  	_ =	swait.ge [sflag:s3], $0x50  }
0x111: {  	[sflag:s3] =	ssyncset.done $0x0  }
0x112: {  	s1 =	simm.s32 $0x1;
	[sflag:s3] =	ssyncadd.s32 $0xFFFFFFB0  }
0x113: {  	[tilespmem:s31], [sflag:$0x5] =	stream.indirect.gather [hbm4b:s6+s30], $0x80, s14, s30, $0xb8;
	[tilespmem:$0x19A00] =	vst v63  }
0x114: {  	_ =	swait.ge [sflag:s1], $0x2800  }
0x115: {  	s0 =	sld [smem:$0x7D8];
	_ =	sdelay $0x2  }
0x116: {  	[sflag:s1] =	ssyncset.done $0x0;
	s2 =	sshrl.u32 s0, $0x3  }
0x117: {  	[sflag:s1] =	ssyncadd.s32 $0xFFFFD800;
	s8 =	sadd.s32 s29, s2  }
0x118: {  	[tilespmem:s7], [sflag:$0xD] =	stream.linear.gather [hbm4b:s8+s5], $0x50, $0x38;
	[tilespmem:$0x19A00] =	vst v63  }
0x119: {  	s7 =	simm.s32 $0x13  }
0x11a: {  	_ =	swait.ge [sflag:s7], $0x50  }
0x11b: {  	p0 =	por $0x1, $0x1;
	[sflag:s7] =	ssyncset.done $0x0  }
0x11c: {  	s8 =	simm.s32 @!p0 $0xC;
	[sflag:s7] =	ssyncadd.s32 $0xFFFFFFB0  }
0x11d: {  	[spmem:s4] =	stream.indirect.scatter.add.f32 [tilespmem:s17], [sflag:$0x7], $0x80, s10, s30, $0xb8;
	[tilespmem:$0x19A00] =	vst v63  }
0x11e: {  	_ =	swait.ge @!p0 [sflag:s8], $0x2800  }
0x11f: {  	s25 =	simm.s32 @!p0 $0xA580;
	s10 =	rddreg [dreg:$0xe];
	[sflag:s8] =	ssyncset.done @!p0 $0x0  }
0x120: {  	[sflag:s8] =	ssyncadd.s32 @!p0 $0xFFFFD800;
	s8 =	simm.s32 @!p0 $0x0;
	s10 =	sadd.s32 @!p0 $0x0, s10  }
0x121: {  	[tilespmem:s25], [sflag:$0x18] =	stream.linear.gather @!p0 [hbm4b:s10+s8], $0x50, $0x38;
	[tilespmem:$0x19A00] =	vst v63  }
0x122: {  	s10 =	simm.s32 $0x12  }
0x123: {  	_ =	swait.ge [sflag:s10], $0x50  }
0x124: {  	[sflag:s10] =	ssyncset.done $0x0  }
0x125: {  	s25 =	simm.s32 $0x16E00;
	[sflag:s10] =	ssyncadd.s32 $0xFFFFFFB0  }
0x126: {  	[tilespmem:s25], [sflag:$0x6] =	stream.indirect.gather [hbm4b:s6+s30], $0x80, s24, s30, $0xb8;
	[tilespmem:$0x19A00] =	vst v63  }
0x127: {  	s24 =	simm.s32 $0x2  }
0x128: {  	_ =	swait.ge [sflag:s24], $0x2800  }
0x129: {  	s26 =	rddreg [dreg:$0xd];
	[sflag:s24] =	ssyncset.done $0x0  }
0x12a: {  	s10 =	simm.s32 $0x14;
	[sflag:s24] =	ssyncadd.s32 $0xFFFFD800;
	s8 =	sadd.s32 $0x0, s26  }
0x12b: {  	[tilespmem:s11], [sflag:$0xE] =	stream.linear.gather [hbm4b:s8+s5], $0x50, $0x38;
	[tilespmem:$0x19A00] =	vst v63  }
0x12c: {  	_ =	swait.ge [sflag:s10], $0x50  }
0x12d: {  	[sflag:s10] =	ssyncset.done $0x0  }
0x12e: {  	s1 =	simm.s32 $0xCE00;
	s8 =	simm.s32 $0xA380;
	[sflag:s10] =	ssyncadd.s32 $0xFFFFFFB0  }
0x12f: {  	[spmem:s4] =	stream.indirect.scatter.add.f32 [tilespmem:s1], [sflag:$0x8], $0x80, s8, s30, $0xb8;
	[tilespmem:$0x19A00] =	vst v63  }
0x130: {  	_ =	swait.ge [sflag:s28], $0x2800  }
0x131: {  	s13 =	simm.s32 $0xA300;
	[sflag:s28] =	ssyncset.done $0x0  }
0x132: {  	s20 =	simm.s32 $0xD;
	s2 =	sadd.s32 s9, s2;
	[sflag:s28] =	ssyncadd.s32 $0xFFFFD800  }
0x133: {  	[tilespmem:s13], [sflag:$0x13] =	stream.linear.gather [hbm4b:s2+s5], $0x50, $0x38;
	[tilespmem:$0x19A00] =	vst v63  }
0x134: {  	_ =	swait.ge [sflag:s20], $0x50  }
0x135: {  	s19 =	simm.s32 $0xA000;
	[sflag:s20] =	ssyncset.done $0x0  }
0x136: {  	s12 =	simm.s32 $0xA600;
	s24 =	simm.s32 $0x3;
	[sflag:s20] =	ssyncadd.s32 $0xFFFFFFB0  }
0x137: {  	[tilespmem:s12], [sflag:$0x1] =	stream.indirect.gather [hbm4b:s6+s30], $0x80, s19, s30, $0xb8;
	[tilespmem:$0x19A00] =	vst v63  }
0x138: {  	_ =	swait.ge [sflag:s24], $0x2800  }
0x139: {  	s18 =	simm.s32 $0xA100;
	s26 =	rddreg [dreg:$0xb];
	[sflag:s24] =	ssyncset.done $0x0  }
0x13a: {  	s12 =	simm.s32 $0x15;
	[sflag:s24] =	ssyncadd.s32 $0xFFFFD800;
	s2 =	sadd.s32 $0x0, s26  }
0x13b: {  	[tilespmem:s18], [sflag:$0xF] =	stream.linear.gather [hbm4b:s2+s5], $0x50, $0x38;
	[tilespmem:$0x19A00] =	vst v63  }
0x13c: {  	_ =	swait.ge [sflag:s12], $0x50  }
0x13d: {  	s3 =	simm.s32 $0xF600;
	[sflag:s12] =	ssyncset.done $0x0  }
0x13e: {  	s13 =	simm.s32 $0x8;
	[sflag:s12] =	ssyncadd.s32 $0xFFFFFFB0;
	s12 =	simm.s32 $0xA400  }
0x13f: {  	[spmem:s4] =	stream.indirect.scatter.add.f32 [tilespmem:s3], [sflag:$0x9], $0x80, s12, s30, $0xb8;
	[tilespmem:$0x19A00] =	vst v63  }
0x140: {  	_ =	swait.ge [sflag:s13], $0x2800  }
0x141: {  	s19 =	rddreg [dreg:$0xc];
	[sflag:s13] =	ssyncset.done $0x0  }
0x142: {  	s22 =	simm.s32 $0xE;
	[sflag:s13] =	ssyncadd.s32 $0xFFFFD800;
	s2 =	sadd.s32 $0x0, s19  }
0x143: {  	[tilespmem:s8], [sflag:$0x14] =	stream.linear.gather [hbm4b:s2+s5], $0x50, $0x38;
	[tilespmem:$0x19A00] =	vst v63  }
0x144: {  	_ =	swait.ge [sflag:s22], $0x50  }
0x145: {  	[sflag:s22] =	ssyncset.done $0x0  }
0x146: {  	s20 =	simm.s32 $0x4;
	[sflag:s22] =	ssyncadd.s32 $0xFFFFFFB0  }
0x147: {  	[tilespmem:s1], [sflag:$0x2] =	stream.indirect.gather [hbm4b:s6+s30], $0x80, s11, s30, $0xb8;
	[tilespmem:$0x19A00] =	vst v63  }
0x148: {  	_ =	swait.ge [sflag:s20], $0x2800  }
0x149: {  	s17 =	simm.s32 $0xA180;
	s22 =	rddreg [dreg:$0x9];
	[sflag:s20] =	ssyncset.done $0x0  }
0x14a: {  	s24 =	simm.s32 $0x16;
	[sflag:s20] =	ssyncadd.s32 $0xFFFFD800;
	s2 =	sadd.s32 $0x0, s22  }
0x14b: {  	[tilespmem:s17], [sflag:$0x10] =	stream.linear.gather [hbm4b:s2+s5], $0x50, $0x38;
	[tilespmem:$0x19A00] =	vst v63  }
0x14c: {  	_ =	swait.ge [sflag:s24], $0x50  }
0x14d: {  	s16 =	simm.s32 $0x11E00;
	[sflag:s24] =	ssyncset.done $0x0  }
0x14e: {  	s10 =	simm.s32 $0x9;
	s26 =	simm.s32 $0xA480;
	[sflag:s24] =	ssyncadd.s32 $0xFFFFFFB0  }
0x14f: {  	[spmem:s4] =	stream.indirect.scatter.add.f32 [tilespmem:s16], [sflag:$0xA], $0x80, s26, s30, $0xb8;
	[tilespmem:$0x19A00] =	vst v63  }
0x150: {  	_ =	swait.ge [sflag:s10], $0x2800  }
0x151: {  	s11 =	rddreg [dreg:$0xa];
	[sflag:s10] =	ssyncset.done $0x0  }
0x152: {  	s23 =	simm.s32 $0xF;
	[sflag:s10] =	ssyncadd.s32 $0xFFFFD800;
	s2 =	sadd.s32 $0x0, s11  }
0x153: {  	[tilespmem:s12], [sflag:$0x15] =	stream.linear.gather [hbm4b:s2+s5], $0x50, $0x38;
	[tilespmem:$0x19A00] =	vst v63  }
0x154: {  	_ =	swait.ge [sflag:s23], $0x50  }
0x155: {  	[sflag:s23] =	ssyncset.done $0x0  }
0x156: {  	s13 =	simm.s32 $0x5;
	[sflag:s23] =	ssyncadd.s32 $0xFFFFFFB0  }
0x157: {  	[tilespmem:s3], [sflag:$0x3] =	stream.indirect.gather [hbm4b:s6+s30], $0x80, s18, s30, $0xb8;
	[tilespmem:$0x19A00] =	vst v63  }
0x158: {  	_ =	swait.ge [sflag:s13], $0x2800  }
0x159: {  	s15 =	simm.s32 $0xA200;
	s18 =	rddreg [dreg:$0x7];
	[sflag:s13] =	ssyncset.done $0x0  }
0x15a: {  	s19 =	simm.s32 $0x17;
	[sflag:s13] =	ssyncadd.s32 $0xFFFFD800;
	s2 =	sadd.s32 $0x0, s18  }
0x15b: {  	[tilespmem:s15], [sflag:$0x11] =	stream.linear.gather [hbm4b:s2+s5], $0x50, $0x38;
	[tilespmem:$0x19A00] =	vst v63  }
0x15c: {  	_ =	swait.ge [sflag:s19], $0x50  }
0x15d: {  	s14 =	simm.s32 $0x14600;
	[sflag:s19] =	ssyncset.done $0x0  }
0x15e: {  	s20 =	simm.s32 $0xA500;
	s22 =	simm.s32 $0xA;
	[sflag:s19] =	ssyncadd.s32 $0xFFFFFFB0  }
0x15f: {  	[spmem:s4] =	stream.indirect.scatter.add.f32 [tilespmem:s14], [sflag:$0xB], $0x80, s20, s30, $0xb8;
	[tilespmem:$0x19A00] =	vst v63  }
0x160: {  	_ =	swait.ge [sflag:s22], $0x2800  }
0x161: {  	s23 =	rddreg [dreg:$0x8];
	[sflag:s22] =	ssyncset.done $0x0  }
0x162: {  	s31 =	simm.s32 $0x10;
	[sflag:s22] =	ssyncadd.s32 $0xFFFFD800;
	s2 =	sadd.s32 $0x0, s23  }
0x163: {  	[tilespmem:s26], [sflag:$0x16] =	stream.linear.gather [hbm4b:s2+s5], $0x50, $0x38;
	[tilespmem:$0x19A00] =	vst v63  }
0x164: {  	_ =	swait.ge [sflag:s31], $0x50  }
0x165: {  	[sflag:s31] =	ssyncset.done $0x0  }
0x166: {  	[sflag:s31] =	ssyncadd.s32 $0xFFFFFFB0  }
0x167: {  	[tilespmem:s16], [sflag:$0x4] =	stream.indirect.gather [hbm4b:s6+s30], $0x80, s17, s30, $0xb8;
	[tilespmem:$0x19A00] =	vst v63  }
0x168: {  	p0 =	por $0x0, $0x0;
	s17 =	simm.s32 $0x6  }
0x169: {  	s8 =	simm.s32 @!p0 $0x0;
	_ =	swait.ge [sflag:s17], $0x2800  }
0x16a: {  	s10 =	simm.s32 @!p0 $0xA280;
	s2 =	rddreg [dreg:$0x5];
	[sflag:s17] =	ssyncset.done $0x0  }
0x16b: {  	s14 =	simm.s32 $0x18;
	[sflag:s17] =	ssyncadd.s32 $0xFFFFD800;
	s2 =	sadd.s32 @!p0 $0x0, s2  }
0x16c: {  	[tilespmem:s10], [sflag:$0x12] =	stream.linear.gather @!p0 [hbm4b:s2+s8], $0x50, $0x38;
	[tilespmem:$0x19A00] =	vst v63  }
0x16d: {  	_ =	swait.ge [sflag:s14], $0x50  }
0x16e: {  	[sflag:s14] =	ssyncset.done $0x0  }
0x16f: {  	s24 =	simm.s32 $0xA580;
	s26 =	simm.s32 $0xB;
	[sflag:s14] =	ssyncadd.s32 $0xFFFFFFB0  }
0x170: {  	[spmem:s4] =	stream.indirect.scatter.add.f32 [tilespmem:s25], [sflag:$0xC], $0x80, s24, s30, $0xb8;
	[tilespmem:$0x19A00] =	vst v63  }
0x171: {  	_ =	swait.ge [sflag:s26], $0x2800  }
0x172: {  	s31 =	rddreg [dreg:$0x6];
	[sflag:s26] =	ssyncset.done $0x0  }
0x173: {  	s21 =	simm.s32 $0x11;
	[sflag:s26] =	ssyncadd.s32 $0xFFFFD800;
	s2 =	sadd.s32 $0x0, s31  }
0x174: {  	[tilespmem:s20], [sflag:$0x17] =	stream.linear.gather [hbm4b:s2+s5], $0x50, $0x38;
	[tilespmem:$0x19A00] =	vst v63  }
0x175: {  	_ =	swait.ge [sflag:s21], $0x50  }
0x176: {  	s8 =	simm.s32 $0x3C;
	s10 =	smov.u32 s0;
	[sflag:s21] =	ssyncset.done $0x0  }
.LBB2_4:
0x177: {  	s24 =	simm.s32 $0x11;
	s18 =	simm.s32 $0x14600  }
0x178: {  	s12 =	simm.s32 $0xA200;
	s0 =	simm.s32 $0x1;
	[sflag:s24] =	ssyncadd.s32 $0xFFFFFFB0  }
0x179: {  	[tilespmem:s18], [sflag:$0x5] =	stream.indirect.gather [hbm4b:s6+s30], $0x80, s12, s30, $0xb8;
	[tilespmem:$0x19A00] =	vst v63  }
0x17a: {  	s10 =	sadd.s32 $0x1E0, s10;
	_ =	swait.ge [sflag:s0], $0x2800  }
0x17b: {  	s23 =	smov.u32 s29;
	s2 =	sshrl.u32 s10, $0x3;
	[sflag:s0] =	ssyncset.done $0x0  }
0x17c: {  	s1 =	simm.s32 $0xA000;
	s29 =	sadd.s32 s29, s2;
	[sflag:s0] =	ssyncadd.s32 $0xFFFFD800  }
0x17d: {  	[tilespmem:s1], [sflag:$0xD] =	stream.linear.gather [hbm4b:s29+s5], $0x50, $0x38;
	[tilespmem:$0x19A00] =	vst v63  }
0x17e: {  	s25 =	smov.u32 s8;
	_ =	swait.ge [sflag:s7], $0x50  }
0x17f: {  	s21 =	simm.s32 $0xA600;
	p1 =	seq.s32 s25, $0x0;
	[sflag:s7] =	ssyncset.done $0x0  }
0x180: {  	s31 =	simm.s32 $0xA300;
	s29 =	simm.s32 @!p1 $0xC;
	[sflag:s7] =	ssyncadd.s32 $0xFFFFFFB0  }
0x181: {  	[spmem:s4] =	stream.indirect.scatter.add.f32 [tilespmem:s21], [sflag:$0x7], $0x80, s31, s30, $0xb8;
	[tilespmem:$0x19A00] =	vst v63  }
0x182: {  	s26 =	simm.s32 $0x12;
	_ =	swait.ge @!p1 [sflag:s29], $0x2800  }
0x183: {  	s7 =	simm.s32 @!p1 $0xA580;
	[sflag:s29] =	ssyncset.done @!p1 $0x0;
	s0 =	rddreg [dreg:$0xe]  }
0x184: {  	[sflag:s29] =	ssyncadd.s32 @!p1 $0xFFFFD800;
	s29 =	simm.s32 @!p1 $0x0;
	s0 =	sadd.s32 @!p1 s25, s0  }
0x185: {  	[tilespmem:s7], [sflag:$0x18] =	stream.linear.gather @!p1 [hbm4b:s0+s29], $0x50, $0x38;
	[tilespmem:$0x19A00] =	vst v63  }
0x186: {  	_ =	swait.ge [sflag:s26], $0x50  }
0x187: {  	[sflag:s26] =	ssyncset.done $0x0  }
0x188: {  	s15 =	simm.s32 $0x16E00;
	s3 =	simm.s32 $0xA280;
	[sflag:s26] =	ssyncadd.s32 $0xFFFFFFB0  }
0x189: {  	[tilespmem:s15], [sflag:$0x6] =	stream.indirect.gather [hbm4b:s6+s30], $0x80, s3, s30, $0xb8;
	[tilespmem:$0x19A00] =	vst v63  }
0x18a: {  	s3 =	simm.s32 $0x2  }
0x18b: {  	s11 =	smov.u32 s9;
	s13 =	simm.s32 $0x14;
	_ =	swait.ge [sflag:s3], $0x2800  }
0x18c: {  	s9 =	smov.u32 s11;
	s7 =	rddreg [dreg:$0xd];
	[sflag:s3] =	ssyncset.done $0x0  }
0x18d: {  	s11 =	simm.s32 $0xA080;
	[sflag:s3] =	ssyncadd.s32 $0xFFFFD800;
	s0 =	sadd.s32 s25, s7  }
0x18e: {  	[tilespmem:s11], [sflag:$0xE] =	stream.linear.gather [hbm4b:s0+s5], $0x50, $0x38;
	[tilespmem:$0x19A00] =	vst v63  }
0x18f: {  	_ =	swait.ge [sflag:s13], $0x50  }
0x190: {  	[sflag:s13] =	ssyncset.done $0x0  }
0x191: {  	s20 =	simm.s32 $0xA380;
	s3 =	simm.s32 $0xCE00;
	[sflag:s13] =	ssyncadd.s32 $0xFFFFFFB0  }
0x192: {  	[spmem:s4] =	stream.indirect.scatter.add.f32 [tilespmem:s3], [sflag:$0x8], $0x80, s20, s30, $0xb8;
	[tilespmem:$0x19A00] =	vst v63  }
0x193: {  	_ =	swait.ge [sflag:s28], $0x2800  }
0x194: {  	[sflag:s28] =	ssyncset.done $0x0  }
0x195: {  	s19 =	simm.s32 $0xD;
	s16 =	sadd.s32 s9, s2;
	[sflag:s28] =	ssyncadd.s32 $0xFFFFD800  }
0x196: {  	[tilespmem:s31], [sflag:$0x13] =	stream.linear.gather [hbm4b:s16+s5], $0x50, $0x38;
	[tilespmem:$0x19A00] =	vst v63  }
0x197: {  	_ =	swait.ge [sflag:s19], $0x50  }
0x198: {  	[sflag:s19] =	ssyncset.done $0x0  }
0x199: {  	s22 =	simm.s32 $0x3;
	[sflag:s19] =	ssyncadd.s32 $0xFFFFFFB0  }
0x19a: {  	[tilespmem:s21], [sflag:$0x1] =	stream.indirect.gather [hbm4b:s6+s30], $0x80, s1, s30, $0xb8;
	[tilespmem:$0x19A00] =	vst v63  }
0x19b: {  	_ =	swait.ge [sflag:s22], $0x2800  }
0x19c: {  	s19 =	simm.s32 $0xA100;
	s26 =	rddreg [dreg:$0xb];
	[sflag:s22] =	ssyncset.done $0x0  }
0x19d: {  	s1 =	simm.s32 $0x15;
	[sflag:s22] =	ssyncadd.s32 $0xFFFFD800;
	s0 =	sadd.s32 s25, s26  }
0x19e: {  	[tilespmem:s19], [sflag:$0xF] =	stream.linear.gather [hbm4b:s0+s5], $0x50, $0x38;
	[tilespmem:$0x19A00] =	vst v63  }
0x19f: {  	_ =	swait.ge [sflag:s1], $0x50  }
0x1a0: {  	s2 =	simm.s32 $0x8;
	[sflag:s1] =	ssyncset.done $0x0  }
0x1a1: {  	s7 =	simm.s32 $0xF600;
	s13 =	simm.s32 $0xA400;
	[sflag:s1] =	ssyncadd.s32 $0xFFFFFFB0  }
0x1a2: {  	[spmem:s4] =	stream.indirect.scatter.add.f32 [tilespmem:s7], [sflag:$0x9], $0x80, s13, s30, $0xb8;
	[tilespmem:$0x19A00] =	vst v63  }
0x1a3: {  	_ =	swait.ge [sflag:s2], $0x2800  }
0x1a4: {  	s16 =	rddreg [dreg:$0xc];
	[sflag:s2] =	ssyncset.done $0x0  }
0x1a5: {  	s21 =	simm.s32 $0xE;
	[sflag:s2] =	ssyncadd.s32 $0xFFFFD800;
	s0 =	sadd.s32 s25, s16  }
0x1a6: {  	[tilespmem:s20], [sflag:$0x14] =	stream.linear.gather [hbm4b:s0+s5], $0x50, $0x38;
	[tilespmem:$0x19A00] =	vst v63  }
0x1a7: {  	_ =	swait.ge [sflag:s21], $0x50  }
0x1a8: {  	[sflag:s21] =	ssyncset.done $0x0  }
0x1a9: {  	s22 =	simm.s32 $0x4;
	[sflag:s21] =	ssyncadd.s32 $0xFFFFFFB0  }
0x1aa: {  	[tilespmem:s3], [sflag:$0x2] =	stream.indirect.gather [hbm4b:s6+s30], $0x80, s11, s30, $0xb8;
	[tilespmem:$0x19A00] =	vst v63  }
0x1ab: {  	_ =	swait.ge [sflag:s22], $0x2800  }
0x1ac: {  	s20 =	simm.s32 $0xA180;
	s26 =	rddreg [dreg:$0x9];
	[sflag:s22] =	ssyncset.done $0x0  }
0x1ad: {  	s3 =	simm.s32 $0x16;
	[sflag:s22] =	ssyncadd.s32 $0xFFFFD800;
	s0 =	sadd.s32 s25, s26  }
0x1ae: {  	[tilespmem:s20], [sflag:$0x10] =	stream.linear.gather [hbm4b:s0+s5], $0x50, $0x38;
	[tilespmem:$0x19A00] =	vst v63  }
0x1af: {  	_ =	swait.ge [sflag:s3], $0x50  }
0x1b0: {  	s2 =	simm.s32 $0x11E00;
	[sflag:s3] =	ssyncset.done $0x0  }
0x1b1: {  	s16 =	simm.s32 $0x9;
	s22 =	simm.s32 $0xA480;
	[sflag:s3] =	ssyncadd.s32 $0xFFFFFFB0  }
0x1b2: {  	[spmem:s4] =	stream.indirect.scatter.add.f32 [tilespmem:s2], [sflag:$0xA], $0x80, s22, s30, $0xb8;
	[tilespmem:$0x19A00] =	vst v63  }
0x1b3: {  	_ =	swait.ge [sflag:s16], $0x2800  }
0x1b4: {  	s26 =	rddreg [dreg:$0xa];
	[sflag:s16] =	ssyncset.done $0x0  }
0x1b5: {  	[sflag:s16] =	ssyncadd.s32 $0xFFFFD800;
	s0 =	sadd.s32 s25, s26  }
0x1b6: {  	[tilespmem:s13], [sflag:$0x15] =	stream.linear.gather [hbm4b:s0+s5], $0x50, $0x38;
	[tilespmem:$0x19A00] =	vst v63  }
0x1b7: {  	s13 =	simm.s32 $0xF  }
0x1b8: {  	_ =	swait.ge [sflag:s13], $0x50  }
0x1b9: {  	[sflag:s13] =	ssyncset.done $0x0  }
0x1ba: {  	s16 =	simm.s32 $0x5;
	[sflag:s13] =	ssyncadd.s32 $0xFFFFFFB0  }
0x1bb: {  	[tilespmem:s7], [sflag:$0x3] =	stream.indirect.gather [hbm4b:s6+s30], $0x80, s19, s30, $0xb8;
	[tilespmem:$0x19A00] =	vst v63  }
0x1bc: {  	_ =	swait.ge [sflag:s16], $0x2800  }
0x1bd: {  	s19 =	rddreg [dreg:$0x7];
	[sflag:s16] =	ssyncset.done $0x0  }
0x1be: {  	[sflag:s16] =	ssyncadd.s32 $0xFFFFD800;
	s0 =	sadd.s32 s25, s19  }
0x1bf: {  	[tilespmem:s12], [sflag:$0x11] =	stream.linear.gather [hbm4b:s0+s5], $0x50, $0x38;
	[tilespmem:$0x19A00] =	vst v63  }
0x1c0: {  	s12 =	simm.s32 $0x17  }
0x1c1: {  	_ =	swait.ge [sflag:s12], $0x50  }
0x1c2: {  	[sflag:s12] =	ssyncset.done $0x0  }
0x1c3: {  	s13 =	simm.s32 $0xA;
	s16 =	simm.s32 $0xA500;
	[sflag:s12] =	ssyncadd.s32 $0xFFFFFFB0  }
0x1c4: {  	[spmem:s4] =	stream.indirect.scatter.add.f32 [tilespmem:s18], [sflag:$0xB], $0x80, s16, s30, $0xb8;
	[tilespmem:$0x19A00] =	vst v63  }
0x1c5: {  	_ =	swait.ge [sflag:s13], $0x2800  }
0x1c6: {  	s18 =	rddreg [dreg:$0x8];
	[sflag:s13] =	ssyncset.done $0x0  }
0x1c7: {  	s7 =	simm.s32 $0x10;
	[sflag:s13] =	ssyncadd.s32 $0xFFFFD800;
	s0 =	sadd.s32 s25, s18  }
0x1c8: {  	[tilespmem:s22], [sflag:$0x16] =	stream.linear.gather [hbm4b:s0+s5], $0x50, $0x38;
	[tilespmem:$0x19A00] =	vst v63  }
0x1c9: {  	_ =	swait.ge [sflag:s7], $0x50  }
0x1ca: {  	s8 =	sadd.s32 $0x3C, s8;
	[sflag:s7] =	ssyncset.done $0x0  }
0x1cb: {  	p0 =	sne.s32 s8, $0x4B0;
	s29 =	smov.u32 s23;
	[sflag:s7] =	ssyncadd.s32 $0xFFFFFFB0  }
0x1cc: {  	[tilespmem:s2], [sflag:$0x4] =	stream.indirect.gather [hbm4b:s6+s30], $0x80, s20, s30, $0xb8;
	[tilespmem:$0x19A00] =	vst v63  }
0x1cd: {  	s23 =	simm.s32 $0xA300;
	p1 =	seq.s32 s25, $0x474;
	_ =	swait.ge [sflag:s17], $0x2800  }
0x1ce: {  	s7 =	simm.s32 @!p1 $0xA280;
	s0 =	rddreg [dreg:$0x5];
	[sflag:s17] =	ssyncset.done $0x0  }
0x1cf: {  	s2 =	simm.s32 @!p1 $0x0;
	[sflag:s17] =	ssyncadd.s32 $0xFFFFD800;
	s0 =	sadd.s32 @!p1 s25, s0  }
0x1d0: {  	[tilespmem:s7], [sflag:$0x12] =	stream.linear.gather @!p1 [hbm4b:s0+s2], $0x50, $0x38;
	[tilespmem:$0x19A00] =	vst v63  }
0x1d1: {  	s31 =	simm.s32 $0xA600;
	s1 =	simm.s32 $0xA380;
	_ =	swait.ge [sflag:s14], $0x50  }
0x1d2: {  	s21 =	simm.s32 $0xCE00;
	s3 =	simm.s32 $0xF600;
	[sflag:s14] =	ssyncset.done $0x0  }
0x1d3: {  	s13 =	simm.s32 $0xA580;
	s20 =	simm.s32 $0xB;
	[sflag:s14] =	ssyncadd.s32 $0xFFFFFFB0  }
0x1d4: {  	[spmem:s4] =	stream.indirect.scatter.add.f32 [tilespmem:s15], [sflag:$0xC], $0x80, s13, s30, $0xb8;
	[tilespmem:$0x19A00] =	vst v63  }
0x1d5: {  	s26 =	simm.s32 $0xA400;
	s19 =	simm.s32 $0xA200;
	_ =	swait.ge [sflag:s20], $0x2800  }
.Ltmp1:
0x1d6: {  	s22 =	rddreg [dreg:$0x6];
	[sflag:s20] =	ssyncset.done $0x0;
	(pc) =	sbr.rel @p0 .LBB2_4-.Ltmp1, $4  }
0x1d7: {  	s12 =	simm.s32 $0xA480;
	[sflag:s20] =	ssyncadd.s32 $0xFFFFD800;
	s0 =	sadd.s32 s25, s22  }
0x1d8: {  	[tilespmem:s16], [sflag:$0x17] =	stream.linear.gather [hbm4b:s0+s5], $0x50, $0x38;
	[tilespmem:$0x19A00] =	vst v63  }
0x1d9: {  	s18 =	simm.s32 $0x11E00;
	s7 =	simm.s32 $0x13;
	_ =	swait.ge [sflag:s24], $0x50  }
0x1da: {  	s13 =	simm.s32 $0xA500;
	s0 =	simm.s32 $0x11;
	[sflag:s24] =	ssyncset.done $0x0  }
0x1db: {  	[sflag:s0] =	ssyncadd.s32 $0xFFFFFFB0;
	s2 =	simm.s32 $0x14600;
	s22 =	simm.s32 $0x1  }
0x1dc: {  	[tilespmem:s2], [sflag:$0x5] =	stream.indirect.gather [hbm4b:s6+s30], $0x80, s19, s30, $0xb8;
	[tilespmem:$0x19A00] =	vst v63  }
0x1dd: {  	_ =	swait.ge [sflag:s22], $0x2800  }
0x1de: {  	[sflag:s22] =	ssyncset.done $0x0  }
0x1df: {  	[sflag:s22] =	ssyncadd.s32 $0xFFFFD800  }
0x1e0: {  	_ =	swait.ge [sflag:s7], $0x50  }
0x1e1: {  	[sflag:s7] =	ssyncset.done $0x0  }
0x1e2: {  	[sflag:s7] =	ssyncadd.s32 $0xFFFFFFB0  }
0x1e3: {  	[spmem:s4] =	stream.indirect.scatter.add.f32 [tilespmem:s31], [sflag:$0x7], $0x80, s23, s30, $0xb8;
	[tilespmem:$0x19A00] =	vst v63  }
0x1e4: {  	s23 =	simm.s32 $0xC  }
0x1e5: {  	_ =	swait.ge [sflag:s23], $0x2800  }
0x1e6: {  	[sflag:s23] =	ssyncset.done $0x0  }
0x1e7: {  	s24 =	simm.s32 $0x2;
	[sflag:s23] =	ssyncadd.s32 $0xFFFFD800  }
0x1e8: {  	_ =	swait.ge [sflag:s24], $0x2800  }
0x1e9: {  	[sflag:s24] =	ssyncset.done $0x0  }
0x1ea: {  	s25 =	simm.s32 $0x14;
	[sflag:s24] =	ssyncadd.s32 $0xFFFFD800  }
0x1eb: {  	_ =	swait.ge [sflag:s25], $0x50  }
0x1ec: {  	[sflag:s25] =	ssyncset.done $0x0  }
0x1ed: {  	[sflag:s25] =	ssyncadd.s32 $0xFFFFFFB0  }
0x1ee: {  	[spmem:s4] =	stream.indirect.scatter.add.f32 [tilespmem:s21], [sflag:$0x8], $0x80, s1, s30, $0xb8;
	[tilespmem:$0x19A00] =	vst v63  }
0x1ef: {  	_ =	swait.ge [sflag:s28], $0x2800  }
0x1f0: {  	[sflag:s28] =	ssyncset.done $0x0  }
0x1f1: {  	s7 =	simm.s32 $0x3;
	[sflag:s28] =	ssyncadd.s32 $0xFFFFD800  }
0x1f2: {  	_ =	swait.ge [sflag:s7], $0x2800  }
0x1f3: {  	[sflag:s7] =	ssyncset.done $0x0  }
0x1f4: {  	s8 =	simm.s32 $0x15;
	[sflag:s7] =	ssyncadd.s32 $0xFFFFD800  }
0x1f5: {  	_ =	swait.ge [sflag:s8], $0x50  }
0x1f6: {  	[sflag:s8] =	ssyncset.done $0x0  }
0x1f7: {  	s10 =	simm.s32 $0x8;
	[sflag:s8] =	ssyncadd.s32 $0xFFFFFFB0  }
0x1f8: {  	[spmem:s4] =	stream.indirect.scatter.add.f32 [tilespmem:s3], [sflag:$0x9], $0x80, s26, s30, $0xb8;
	[tilespmem:$0x19A00] =	vst v63  }
0x1f9: {  	_ =	swait.ge [sflag:s10], $0x2800  }
0x1fa: {  	[sflag:s10] =	ssyncset.done $0x0  }
0x1fb: {  	s14 =	simm.s32 $0x4;
	[sflag:s10] =	ssyncadd.s32 $0xFFFFD800  }
0x1fc: {  	_ =	swait.ge [sflag:s14], $0x2800  }
0x1fd: {  	[sflag:s14] =	ssyncset.done $0x0  }
0x1fe: {  	s15 =	simm.s32 $0x16;
	[sflag:s14] =	ssyncadd.s32 $0xFFFFD800  }
0x1ff: {  	_ =	swait.ge [sflag:s15], $0x50  }
0x200: {  	[sflag:s15] =	ssyncset.done $0x0  }
0x201: {  	s16 =	simm.s32 $0x9;
	[sflag:s15] =	ssyncadd.s32 $0xFFFFFFB0  }
0x202: {  	[spmem:s4] =	stream.indirect.scatter.add.f32 [tilespmem:s18], [sflag:$0xA], $0x80, s12, s30, $0xb8;
	[tilespmem:$0x19A00] =	vst v63  }
0x203: {  	_ =	swait.ge [sflag:s16], $0x2800  }
0x204: {  	[sflag:s16] =	ssyncset.done $0x0  }
0x205: {  	s17 =	simm.s32 $0x5;
	[sflag:s16] =	ssyncadd.s32 $0xFFFFD800  }
0x206: {  	_ =	swait.ge [sflag:s17], $0x2800  }
0x207: {  	[sflag:s17] =	ssyncset.done $0x0  }
0x208: {  	s18 =	simm.s32 $0x17;
	[sflag:s17] =	ssyncadd.s32 $0xFFFFD800  }
0x209: {  	_ =	swait.ge [sflag:s18], $0x50  }
0x20a: {  	[sflag:s18] =	ssyncset.done $0x0  }
0x20b: {  	s19 =	simm.s32 $0xA;
	[sflag:s18] =	ssyncadd.s32 $0xFFFFFFB0  }
0x20c: {  	[spmem:s4] =	stream.indirect.scatter.add.f32 [tilespmem:s2], [sflag:$0xB], $0x80, s13, s30, $0xb8;
	[tilespmem:$0x19A00] =	vst v63  }
0x20d: {  	_ =	swait.ge [sflag:s19], $0x2800  }
0x20e: {  	[sflag:s19] =	ssyncset.done $0x0  }
0x20f: {  	s20 =	simm.s32 $0xB;
	[sflag:s19] =	ssyncadd.s32 $0xFFFFD800  }
0x210: {  	_ =	swait.ge [sflag:s20], $0x2800  }
0x211: {  	[sflag:s20] =	ssyncset.done $0x0  }
0x212: {  	[sflag:s20] =	ssyncadd.s32 $0xFFFFD800  }
0x213: {  	s21 =	stileid.u32;
	[bflag:$0x0] =	sbarrier.arrive $0xFFFF  }
0x214: {  	s24 =	simm.s32 $0x19;
	s0 =	sshll.u32 s21, $0x6;
	s8 =	rddreg [dreg:$0x1b]  }
0x215: {  	s0 =	sor.u32 $0x1C19, s0;
	s23 =	rddreg [dreg:$0x1c];
	s22 =	sshrl.u32 s8, $0x3  }
0x216: {  	[hbm:s23], [sflag:s0] =	dma.local [spmem:s22], $0x1400  }
0x217: {  	_ =	swait.ge [sflag:s24], $0x1400  }
0x218: {  	s31 =	simm.s32 $0x14600;
	s25 =	sld [smem:$0x7FD]  }
0x219: {  	s1 =	simm.s32 $0xA380;
	s21 =	simm.s32 $0xF;
	s7 =	simm.s32 $0xA000  }
0x21a: {  	s3 =	simm.s32 $0x11;
	s10 =	simm.s32 $0xA300;
	s14 =	simm.s32 $0xA200  }
0x21b: {  	s15 =	simm.s32 $0xA500;
	s26 =	rddreg [dreg:$0x1d];
	s2 =	sadd.s32 $0x1, s25  }
0x21c: {  	s12 =	simm.s32 $0xA180;
	s16 =	simm.s32 $0xD;
	p0 =	sne.s32 s2, s26  }
.Ltmp2:
0x21d: {  	s17 =	simm.s32 $0xA600;
	s18 =	simm.s32 $0xE;
	(pc) =	sbr.rel @p0 .LBB2_1-.Ltmp2, $4  }
0x21e: {  	s13 =	simm.s32 $0xA480;
	s19 =	simm.s32 $0xA100;
	s20 =	simm.s32 $0xCE00  }
0x21f: {  	s23 =	simm.s32 $0xA580;
	s22 =	simm.s32 $0xF600;
	[sflag:s24] =	ssyncset.done $0x0  }
0x220: {  	[sflag:s24] =	ssyncadd.s32 $0xFFFFEC00;
	s24 =	simm.s32 $0xA280;
	s25 =	simm.s32 $0x10  }
0x221: {  	[smem:$0x7FD] =	sst s2;
	s2 =	simm.s32 $0xA400;
	s26 =	simm.s32 $0x11E00  }
0x222: {  	_ =	sfence.sel $0x180000  }
0x223: {  	[bflag:$0x0] =	sbarrier.arrive $0xFFFF  }
0x224: {  	_ =	strace $0x9000004D  }
0x225: {  	s0 =	stileid.u32;
	[bflag:$0x2] =	sbarrier.arrive $0xFFFF  }
0x226: {  	p0 =	sne.s32 s0, $0x0;
	s0 =	rddreg [dreg:$0x4]  }
0x227: {  	s0 =	sadd.s32 @!p0 $0x100000, s0  }
0x228: {  	[sflag:s0] =	ssyncadd.tile.s32 @!p0 $0x1;
	_ =	shalt  }
.Lfunc_end2:
_tile_overlayer_lowered:
.L_overlay_start_2:
0x229: {  	(tag) =	ssettag $0x2  }
0x22a: {  	s0 =	rddreg [dreg:$0x0];
	s2 =	stileid.u32  }
0x22b: {  	s1 =	rddreg [dreg:$0x1];
	p0 =	sne.s32 s2, $0x0  }
0x22c: {  	s3 =	rddreg [dreg:$0x2];
	[bflag:$0x3] =	sbarrier.arrive $0xFFFF;
	s2 =	simm.s32 @!p0 $0x1C19  }
0x22d: {  	[timem:s3], [sflag:s2] =	dma.local @!p0 [hbm:s0], s1  }
0x22e: {  	s0 =	simm.s32 @!p0 $0x19  }
0x22f: {  	_ =	swait.ge @!p0 [sflag:s0], s1  }
0x230: {  	s1 =	ssub.s32 @!p0 $0x0, s1;
	[sflag:s0] =	ssyncset.done @!p0 $0x0  }
0x231: {  	[sflag:s0] =	ssyncadd.s32 @!p0 s1  }
0x232: {  	[bflag:$0x3] =	sbarrier.arrive $0xFFFF  }
0x233: {  	_ =	shalt  }

// kernel: kernel.20.cloned.1.call-start
scs
__scs_entry_jumppad:
0x0: {  	(pc) =	sbr.rel $0x88, $3  }
0x1: {  	(tag) =	ssettag $0x0;
	lr =	simm.s32 $0x1  }
0x2: {  	[smem:$0x3F96] =	sst lr;
	_ =	strace $0xD0000000  }
0x3: {  	_ = 	snop  }
0x4: {  	_ = 	snop  }
0x5: {  	_ = 	snop  }
0x6: {  	_ = 	snop  }
0x7: {  	_ = 	snop  }
__scs_overlays_trampoline_lowered:
0x8: {  	[smem:$0x3FA5] =	sst s0  }
0x9: {  	[smem:$0x3FA6] =	sst s1  }
0xa: {  	[smem:$0x3FA7] =	sst s2  }
0xb: {  	[smem:$0x3FA8] =	sst s3  }
0xc: {  	[smem:$0x3FA9] =	sst s4  }
0xd: {  	[smem:$0x3FAA] =	sst s5  }
0xe: {  	[smem:$0x3FAB] =	sst s6  }
0xf: {  	[smem:$0x3FAC] =	sst s7  }
0x10: {  	[smem:$0x3FAD] =	sst s8  }
0x11: {  	[smem:$0x3FAE] =	sst s9;
	s0 =	simm.s32 @!p0 $0x0  }
0x12: {  	s1 =	sld [smem:$0x3F94];
	s0 =	simm.s32 @p0 $0x1  }
0x13: {  	[smem:$0x3FAF] =	sst s0;
	s0 =	simm.s32 @!p1 $0x0  }
0x14: {  	s2 =	sld [smem:$0x3F93];
	s0 =	simm.s32 @p1 $0x1  }
0x15: {  	[smem:$0x3FB0] =	sst s0;
	s0 =	simm.s32 @!p2 $0x0  }
0x16: {  	s3 =	sld [smem:$0x3FDB];
	s0 =	simm.s32 @p2 $0x1  }
0x17: {  	s4 =	simm.s32 $0x1BF5;
	[smem:$0x3FB2] =	sst s0  }
0x18: {  	s0 =	sld [smem:$0x3F95];
	_ =	swait.ge [sflag:s4], $0x0  }
0x19: {  	s7 =	sld [smem:$0x3F96]  }
0x1a: {  	s8 =	sadd.s32 $0xFFFFE003, lr  }
0x1b: {  	s9 =	sadd.s32 $0xFFFFFEF7, lr;
	s5 =	simm.s32 $0xFFFFFFFF;
	p2 =	slt.u32 s8, $0xFFFFF086  }
0x1c: {  	p1 =	slt.u32 s9, $0xF7A;
	s5 =	simm.s32 @!p2 $0x0  }
0x1d: {  	s5 =	simm.s32 @p1 $0x1;
	p0 =	seq.s32 s7, s2  }
0x1e: {  	s7 =	smul.u32 @!p0 $0xF7A, s2;
	p2 =	seq.s32 @!p0 s5, $0x0  }
0x1f: {  	s9 =	smul.u32 $0xF7A, s1;
	s8 =	simm.s32 @!p0 $0x1BF5;
	p2 =	por !p2, p0  }
0x20: {  	[sflag:s8] =	ssyncset.s32 @!p0 $0xFFFFF086;
	s6 =	sadd.s32 @!p0 s3, s7;
	s7 =	simm.s32 @!p0 $0x108  }
0x21: {  	s3 =	sadd.s32 s3, s9;
	s6 =	sadd.s32 @!p0 $0x88, s6;
	s7 =	simm.s32 @p2 $0x1082  }
0x22: {  	[simem:s7], [sflag:s8] =	dma.local @!p0 [hbm:s6], $0xF7A  }
0x23: {  	s9 =	sor.u32 $0xD0000000, s2;
	s6 =	simm.s32 $0x108;
	_ =	swait.ge @!p0 [sflag:s8], $0x0  }
0x24: {  	s3 =	sadd.s32 $0x88, s3;
	s6 =	simm.s32 @!p1 $0x1082;
	[sflag:s4] =	ssyncset.s32 $0xFFFFF086  }
0x25: {  	[simem:s6], [sflag:s4] =	dma.local [hbm:s3], $0xF7A  }
0x26: {  	[smem:$0x3F96] =	sst s1;
	(tag) =	ssettag s2;
	_ =	strace s9  }
0x27: {  	s1 =	sld [smem:$0x3FA6]  }
0x28: {  	s2 =	sld [smem:$0x3FA7]  }
0x29: {  	s4 =	sld [smem:$0x3FA9]  }
0x2a: {  	p0 =	seq.s32 s5, $0x0;
	s5 =	sld [smem:$0x3FAA]  }
0x2b: {  	s6 =	sld [smem:$0x3FAB]  }
0x2c: {  	s7 =	sld [smem:$0x3FAC]  }
0x2d: {  	s3 =	simm.s32 $0x108;
	s8 =	sld [smem:$0x3FAD]  }
0x2e: {  	s3 =	simm.s32 @!p0 $0x1082;
	s9 =	sld [smem:$0x3FAE]  }
0x2f: {  	lr =	sadd.s32 s0, s3;
	s0 =	sld [smem:$0x3FA5]  }
0x30: {  	s3 =	sld [smem:$0x3FA8]  }
0x31: {  	[smem:$0x3FB1] =	sst s10  }
0x32: {  	s10 =	sld [smem:$0x3FAF];
	_ =	sdelay $0x3  }
0x33: {  	p0 =	seq.s32 s10, $0x1;
	s10 =	sld [smem:$0x3FB1];
	_ =	sdelay $0x3  }
0x34: {  	[smem:$0x3FB1] =	sst s10  }
0x35: {  	s10 =	sld [smem:$0x3FB0];
	_ =	sdelay $0x3  }
0x36: {  	p1 =	seq.s32 s10, $0x1;
	s10 =	sld [smem:$0x3FB1];
	_ =	sdelay $0x3  }
0x37: {  	[smem:$0x3FB1] =	sst s10  }
0x38: {  	s10 =	sld [smem:$0x3FB2]  }
0x39: {  	_ = 	snop;
	(pc) =	sbr.ind lr, $3  }
0x3a: {  	_ = 	snop  }
0x3b: {  	_ = 	snop  }
0x3c: {  	p2 =	seq.s32 s10, $0x1;
	s10 =	sld [smem:$0x3FB1]  }
0x3d: {  	_ =	shalt  }
0x3e: {  	_ =	shalt  }
0x3f: {  	_ =	shalt  }
0x40: {  	_ =	shalt  }
0x41: {  	_ =	shalt  }
0x42: {  	_ =	shalt  }
0x43: {  	_ =	shalt  }
0x44: {  	_ =	shalt  }
0x45: {  	_ =	shalt  }
0x46: {  	_ =	shalt  }
0x47: {  	_ =	shalt  }
0x48: {  	_ =	shalt  }
0x49: {  	_ =	shalt  }
0x4a: {  	_ =	shalt  }
0x4b: {  	_ =	shalt  }
0x4c: {  	_ =	shalt  }
0x4d: {  	_ =	shalt  }
0x4e: {  	_ =	shalt  }
0x4f: {  	_ =	shalt  }
0x50: {  	_ =	shalt  }
0x51: {  	_ =	shalt  }
0x52: {  	_ =	shalt  }
0x53: {  	_ =	shalt  }
0x54: {  	_ =	shalt  }
0x55: {  	_ =	shalt  }
0x56: {  	_ =	shalt  }
0x57: {  	_ =	shalt  }
0x58: {  	_ =	shalt  }
0x59: {  	_ =	shalt  }
0x5a: {  	_ =	shalt  }
0x5b: {  	_ =	shalt  }
0x5c: {  	_ =	shalt  }
0x5d: {  	_ =	shalt  }
0x5e: {  	_ =	shalt  }
0x5f: {  	_ =	shalt  }
0x60: {  	_ =	shalt  }
0x61: {  	_ =	shalt  }
0x62: {  	_ =	shalt  }
0x63: {  	_ =	shalt  }
0x64: {  	_ =	shalt  }
0x65: {  	_ =	shalt  }
0x66: {  	_ =	shalt  }
0x67: {  	_ =	shalt  }
0x68: {  	_ =	shalt  }
0x69: {  	_ =	shalt  }
0x6a: {  	_ =	shalt  }
0x6b: {  	_ =	shalt  }
0x6c: {  	_ =	shalt  }
0x6d: {  	_ =	shalt  }
0x6e: {  	_ =	shalt  }
0x6f: {  	_ =	shalt  }
0x70: {  	_ =	shalt  }
0x71: {  	_ =	shalt  }
0x72: {  	_ =	shalt  }
0x73: {  	_ =	shalt  }
0x74: {  	_ =	shalt  }
0x75: {  	_ =	shalt  }
0x76: {  	_ =	shalt  }
0x77: {  	_ =	shalt  }
0x78: {  	_ =	shalt  }
0x79: {  	_ =	shalt  }
0x7a: {  	_ =	shalt  }
0x7b: {  	_ =	shalt  }
0x7c: {  	_ =	shalt  }
0x7d: {  	_ =	shalt  }
0x7e: {  	_ =	shalt  }
0x7f: {  	_ =	shalt  }
0x80: {  	_ =	shalt  }
0x81: {  	_ =	shalt  }
0x82: {  	_ =	shalt  }
0x83: {  	_ =	shalt  }
0x84: {  	_ =	shalt  }
0x85: {  	_ =	shalt  }
0x86: {  	_ =	shalt  }
0x87: {  	_ =	shalt  }
.Lfunc_end0:
.L_simem_size_0:
called_computation.3_lowered:
.L_overlay_start_0:
0x88: {  	s2 =	sld [smem:$0x3FD9]  }
0x89: {  	s3 =	sld [smem:$0x3FFE];
	_ =	sdelay $0x1  }
0x8a: {  	s1 =	srdreg.scid  }
0x8b: {  	s0 =	sand.u32 $0x1, s1  }
0x8c: {  	s17 =	sshll.u32 s0, $0xA;
	s2 =	sadd.s32 s3, s2  }
0x8d: {  	s2 =	sadd.s32 s2, s17  }
0x8e: {  	[smem:$0x3FBD] =	sst s2  }
0x8f: {  	_ = 	snop  }
0x90: {  	s2 =	sld [smem:$0x3FD0];
	(tm) =	ssettm $0x1  }
0x91: {  	s18 =	sld [smem:$0x3FFB];
	_ =	sdelay $0x3  }
0x92: {  	_ =	strace s18  }
0x93: {  	s3 =	sld [smem:$0x3FFC];
	_ =	sdelay $0x3  }
0x94: {  	_ =	strace s3  }
0x95: {  	s3 =	sld [smem:$0x3FFD];
	_ =	sdelay $0x3  }
0x96: {  	_ =	strace s3  }
0x97: {  	_ =	strace $0x8FFFFFFF  }
0x98: {  	s19 =	sld [smem:$0x3FDB];
	_ =	sdelay $0x1  }
0x99: {  	s4 =	simm.s32 $_scs_section_size  }
0x9a: {  	s5 =	simm.s32 $_size__tile_overlayer_lowered;
	s6 =	simm.s32 $_tile_overlayer_lowered  }
0x9b: {  	s22 =	simm.s32 $0x1BFF;
	s21 =	sshll.u32 s6, $0x1;
	s3 =	sadd.s32 s4, s19  }
0x9c: {  	s7 =	simm.s32 $0x0;
	s20 =	sshll.u32 s5, $0x1;
	s5 =	sadd.s32 s21, s3  }
0x9d: {  	[timem:s7], [sflag:s22] =	dma.local [hbm:s5], s20  }
0x9e: {  	_ =	swait.ge [sflag:s22], s20  }
0x9f: {  	s4 =	ssub.s32 $0x0, s20;
	[sflag:s22] =	ssyncset.done $0x0  }
0xa0: {  	[sflag:s22] =	ssyncadd.s32 s4;
	_ =	sdelay $0x1  }
0xa1: {  	s23 =	simm.s32 $0x1B8B  }
0xa2: {  	_ =	swait.ge [sflag:s23], $0x1  }
0xa3: {  	[sflag:s23] =	ssyncset.done $0x0  }
0xa4: {  	s25 =	simm.s32 $0x1B8E;
	s24 =	sld [smem:$0x3FFE];
	[sflag:s23] =	ssyncadd.s32 $0xFFFFFFFF  }
0xa5: {  	s26 =	simm.s32 $execute0_lowered;
	[smem:$0x3FD2] =	sst s25  }
0xa6: {  	s5 =	sshll.u32 s26, $0x1;
	_ =	strace $0x8000004F;
	[dreg:$0x1] =	wrdreg $0xFFFFFFFF  }
0xa7: {  	s28 =	simm.s32 $_size_execute0_lowered;
	s3 =	sadd.s32 s3, s5;
	[dreg:$0x0] =	wrdreg $0x0  }
0xa8: {  	s5 =	sshll.u32 s28, $0x1;
	[dreg:$0x2] =	wrdreg s3  }
0xa9: {  	[dreg:$0x3] =	wrdreg s5  }
0xaa: {  	[dreg:$0x4] =	wrdreg $0xC0  }
0xab: {  	_ =	task [dreg:s7], $0x5FFFF  }
0xac: {  	[dreg:$0x1] =	wrdreg $0xFFFFFFFF  }
0xad: {  	[dreg:$0x0] =	wrdreg $0x60  }
0xae: {  	[dreg:$0x2] =	wrdreg s24  }
0xaf: {  	[dreg:$0x3] =	wrdreg s2  }
0xb0: {  	[dreg:$0x4] =	wrdreg $0x0  }
0xb1: {  	[dreg:$0x5] =	wrdreg $0x9  }
0xb2: {  	_ =	task.clear_ibuf [dreg:s7], $0x6FFFF;
	_ =	strace $0x9000004F  }
0xb3: {  	s29 =	simm.s32 $0x9;
	_ =	strace $0x80000051  }
0xb4: {  	_ =	swait.ge [sflag:s29], $0x1  }
0xb5: {  	[sflag:s29] =	ssyncadd.s32 $0xFFFFFFFF  }
0xb6: {  	_ =	strace $0x90000051  }
0xb7: {  	_ =	sfence  }
0xb8: {  	s30 =	sld [smem:$0x0];
	_ =	sdelay $0x2  }
0xb9: {  	s31 =	sshll.u32 s1, $0xD;
	s1 =	sshrl.u32 s1, $0x2  }
0xba: {  	s3 =	sand.u32 $0x4000, s31;
	s1 =	sadd.s32 s1, s30  }
0xbb: {  	s0 =	sor.u32 s3, s0;
	s1 =	sshll.u32 s1, $0x11  }
0xbc: {  	s0 =	sor.u32 s1, s0  }
0xbd: {  	s0 =	sadd.s32 $0x8F2B, s0  }
0xbe: {  	[sflag:s0] =	ssyncadd.remote.s32 $0x1  }
0xbf: {  	_ =	sfence.sel $0xFFFF  }
0xc0: {  	[dreg:$0x0] =	wrdreg $0xFFFFFFFF;
	(pc) =	sbr.abs _section_cstart, $3  }
0xc1: {  	[dreg:$0x1] =	wrdreg $0xFFFFFFFF  }
0xc2: {  	_ =	task.clear_ibuf [dreg:s7], $0x2FFFF;
	_ =	strace $0x9FFFFFFF  }
0xc3: {  	(tm) =	ssettm $0x7FFFFFFF  }
tec
execute0_lowered:
.L_overlay_start_1:
0x0: {  	(tag) =	ssettag $0x1  }
0x1: {  	s0 =	rddreg [dreg:$0x0]  }
0x2: {  	s11 =	rddreg [dreg:$0x1]  }
0x3: {  	s2 =	rddreg [dreg:$0x2];
	s1 =	srdreg.scid;
	s4 =	simm.s32 $0x0  }
0x4: {  	s10 =	stileid.u32;
	s28 =	simm.s32 $0xD;
	s31 =	simm.s32 $0xE  }
0x5: {  	s29 =	simm.s32 $0x10;
	s30 =	simm.s32 $0x7;
	s6 =	smul.u32 $0x14000, s10  }
0x6: {  	s1 =	sand.u32 $0x1, s1;
	[smem:$0x7FF] =	sst s4;
	s26 =	smul.u32 $0x50000, s10  }
0x7: {  	s5 =	sadd.s32 $0x3800, s0;
	s3 =	smul.u32 $0x140000, s1;
	s7 =	sshll.u32 s1, $0x4  }
0x8: {  	_ =	strace $0x80000050;
	s8 =	ssub.s32 $0x2, s1;
	s1 =	smul.u32 $0x27100, s1  }
0x9: {  	s7 =	sor.u32 s10, s7;
	s9 =	sshrl.u32 s8, $0x1;
	s10 =	smul.u32 $0x2710, s10  }
0xa: {  	s17 =	sshrl.u32 s26, $0x2;
	s3 =	sadd.s32 s6, s3;
	s7 =	smul.u32 $0x2710, s7  }
0xb: {  	s6 =	sadd.s32 $0x53800, s0;
	s23 =	ssub.s32 s8, s9;
	s9 =	simm.s32 $0x9  }
0xc: {  	s3 =	sshrl.u32 s3, $0x3;
	s1 =	sadd.s32 s10, s1;
	s19 =	smax.u32 s23, $0x1  }
0xd: {  	s10 =	simm.s32 $0x50;
	s0 =	sadd.s32 s3, s0;
	s7 =	sshrl.u32 s7, $0x3  }
0xe: {  	s18 =	sadd.s32 $0x190, s1;
	[dreg:$0xd] =	wrdreg s19;
	s22 =	sadd.s32 $0x1E0, s1  }
0xf: {  	s23 =	sadd.s32 $0x230, s1;
	s19 =	smov.u32 s6;
	s26 =	sadd.s32 $0x140, s1  }
0x10: {  	s24 =	sadd.s32 s11, s7;
	s25 =	sadd.s32 $0xA, s7;
	[dreg:$0x11] =	wrdreg s26  }
0x11: {  	s12 =	sadd.s32 s6, s7;
	s14 =	sadd.s32 $0x14, s7;
	[dreg:$0x4] =	wrdreg s24  }
0x12: {  	s7 =	sadd.s32 $0x1E, s7;
	s0 =	sadd.s32 $0x5D600, s0;
	[dreg:$0x5] =	wrdreg s12  }
0x13: {  	s20 =	sshrl.u32 s18, $0x3;
	s13 =	sadd.s32 s11, s25;
	[dreg:$0xc] =	wrdreg s0  }
0x14: {  	s3 =	sshrl.u32 s23, $0x3;
	s8 =	sadd.s32 s6, s25;
	[dreg:$0x6] =	wrdreg s13  }
0x15: {  	s26 =	simm.s32 $0x14200;
	s15 =	sadd.s32 s11, s14;
	[dreg:$0x7] =	wrdreg s8  }
0x16: {  	s16 =	sadd.s32 s11, s7;
	s7 =	sadd.s32 s6, s7;
	[dreg:$0x8] =	wrdreg s15  }
0x17: {  	s21 =	sadd.s32 s20, s6;
	s0 =	sadd.s32 s20, s11;
	[dreg:$0xa] =	wrdreg s16  }
0x18: {  	s24 =	sadd.s32 $0xF0, s1;
	s12 =	simm.s32 $0x1BC00;
	[dreg:$0xb] =	wrdreg s7  }
0x19: {  	s1 =	simm.s32 $0x2;
	s8 =	sadd.s32 s6, s14;
	[dreg:$0xe] =	wrdreg s21  }
0x1a: {  	s15 =	sadd.s32 s17, s2;
	[dreg:$0xf] =	wrdreg s0;
	s0 =	sshrl.u32 s22, $0x3  }
0x1b: {  	s7 =	sshrl.u32 s24, $0x3;
	s22 =	sadd.s32 s3, s11;
	s13 =	simm.s32 $0x1E400  }
.Ltmp0:
0x1c: {  	s14 =	simm.s32 $0xB;
	s17 =	simm.s32 $0x1;
	(pc) =	sbr.rel .LBB2_1-.Ltmp0, $4  }
0x1d: {  	s24 =	simm.s32 $0xC;
	s16 =	simm.s32 $0x0;
	[dreg:$0x9] =	wrdreg s8  }
0x1e: {  	s25 =	sadd.s32 s0, s6;
	s21 =	sadd.s32 s0, s11;
	s23 =	sadd.s32 s7, s6  }
0x1f: {  	s6 =	simm.s32 $0x14080;
	s8 =	simm.s32 $0x5;
	s11 =	simm.s32 $0x14400  }
0x20: {  	v0 =	vimm.f32 $0.0e+00;
	s7 =	simm.s32 $0x3;
	[dreg:$0x10] =	wrdreg s25;
	s25 =	simm.s32 $0x14000  }
.LBB2_8:
0x21: {  	_ =	swait.ge [sflag:s17], $0x2800  }
0x22: {  	[sflag:s17] =	ssyncset.done $0x0  }
0x23: {  	[sflag:s17] =	ssyncadd.s32 $0xFFFFD800  }
0x24: {  	_ =	swait.ge [sflag:s28], $0x50  }
0x25: {  	[sflag:s28] =	ssyncset.done $0x0  }
0x26: {  	s0 =	simm.s32 $0x8;
	[sflag:s28] =	ssyncadd.s32 $0xFFFFFFB0  }
0x27: {  	[spmem:s2] =	stream.indirect.scatter.add.f32 [tilespmem:s11], [sflag:$0x5], $0x80, s26, s10, $0xb8;
	[tilespmem:$0x1E800] =	vst v63  }
0x28: {  	_ =	swait.ge [sflag:s0], $0x2800  }
0x29: {  	[sflag:s0] =	ssyncset.done $0x0  }
0x2a: {  	[sflag:s0] =	ssyncadd.s32 $0xFFFFD800  }
0x2b: {  	_ =	swait.ge [sflag:s8], $0x2800  }
0x2c: {  	[sflag:s8] =	ssyncset.done $0x0  }
0x2d: {  	s16 =	stileid.u32;
	[sflag:s8] =	ssyncadd.s32 $0xFFFFD800  }
0x2e: {  	s3 =	sshrl.u32 s15, $0x3;
	s0 =	sshll.u32 s16, $0x6;
	[bflag:$0x0] =	sbarrier.arrive $0xFFFF  }
0x2f: {  	s18 =	simm.s32 $0x11;
	s0 =	sor.u32 $0x1C11, s0;
	s6 =	rddreg [dreg:$0xc]  }
0x30: {  	[hbm:s6], [sflag:s0] =	dma.local [spmem:s3], $0x2800  }
0x31: {  	_ =	swait.ge [sflag:s18], $0x2800  }
0x32: {  	s16 =	rddreg [dreg:$0x12]  }
0x33: {  	s20 =	rddreg [dreg:$0xd];
	s16 =	sadd.s32 $0x1, s16  }
0x34: {  	p0 =	sne.s32 s16, s20  }
.Ltmp1:
0x35: {  	_ = 	snop;
	(pc) =	sbr.rel @!p0 .LBB2_9-.Ltmp1, $3  }
0x36: {  	_ =	sdelay $0x1  }
0x37: {  	[sflag:s18] =	ssyncset.done $0x0  }
0x38: {  	s13 =	simm.s32 $0x1E400;
	s6 =	simm.s32 $0x14080;
	[sflag:s18] =	ssyncadd.s32 $0xFFFFD800  }
.LBB2_1:
0x39: {  	s0 =	rddreg [dreg:$0x4]  }
0x3a: {  	[tilespmem:s25], [sflag:$0x9] =	stream.linear.gather [hbm4b:s0+s4], $0x50, $0x38;
	[tilespmem:$0x1E800] =	vst v63  }
0x3b: {  	s3 =	rddreg [dreg:$0x5]  }
0x3c: {  	[tilespmem:s26], [sflag:$0xD] =	stream.linear.gather [hbm4b:s3+s4], $0x50, $0x38;
	[tilespmem:$0x1E800] =	vst v63  }
0x3d: {  	s18 =	rddreg [dreg:$0x6]  }
0x3e: {  	[tilespmem:s6], [sflag:$0xA] =	stream.linear.gather [hbm4b:s18+s4], $0x50, $0x38;
	[tilespmem:$0x1E800] =	vst v63  }
0x3f: {  	s20 =	rddreg [dreg:$0x7];
	s3 =	simm.s32 $0x14280  }
0x40: {  	[tilespmem:s3], [sflag:$0xE] =	stream.linear.gather [hbm4b:s20+s4], $0x50, $0x38;
	[tilespmem:$0x1E800] =	vst v63  }
0x41: {  	s18 =	rddreg [dreg:$0x8];
	s20 =	simm.s32 $0x14100  }
0x42: {  	[tilespmem:s20], [sflag:$0xB] =	stream.linear.gather [hbm4b:s18+s4], $0x50, $0x38;
	[tilespmem:$0x1E800] =	vst v63  }
0x43: {  	s18 =	rddreg [dreg:$0x9];
	s20 =	simm.s32 $0x14300  }
0x44: {  	[tilespmem:s20], [sflag:$0xF] =	stream.linear.gather [hbm4b:s18+s4], $0x50, $0x38;
	[tilespmem:$0x1E800] =	vst v63  }
0x45: {  	s18 =	rddreg [dreg:$0xa];
	s20 =	simm.s32 $0x14180  }
0x46: {  	[tilespmem:s20], [sflag:$0xC] =	stream.linear.gather [hbm4b:s18+s4], $0x50, $0x38;
	[tilespmem:$0x1E800] =	vst v63  }
0x47: {  	s18 =	rddreg [dreg:$0xb];
	s20 =	simm.s32 $0x14380  }
0x48: {  	[tilespmem:s20], [sflag:$0x10] =	stream.linear.gather [hbm4b:s18+s4], $0x50, $0x38;
	[tilespmem:$0x1E800] =	vst v63  }
0x49: {  	[tilespmem:$0x1E400] =	vst v0  }
0x4a: {  	[tilespmem:$0x1E410] =	vst v0  }
0x4b: {  	[tilespmem:$0x1E420] =	vst v0  }
0x4c: {  	[tilespmem:$0x1E430] =	vst v0  }
0x4d: {  	[tilespmem:$0x1E440] =	vst v0  }
0x4e: {  	[tilespmem:$0x1E450] =	vst v0  }
0x4f: {  	[tilespmem:$0x1E460] =	vst v0  }
0x50: {  	[tilespmem:$0x1E470] =	vst v0  }
0x51: {  	[tilespmem:$0x1E480] =	vst v0  }
0x52: {  	[tilespmem:$0x1E490] =	vst v0  }
0x53: {  	[tilespmem:$0x1E4A0] =	vst v0  }
0x54: {  	[tilespmem:$0x1E4B0] =	vst v0  }
0x55: {  	[tilespmem:$0x1E4C0] =	vst v0  }
0x56: {  	[tilespmem:$0x1E4D0] =	vst v0  }
0x57: {  	[tilespmem:$0x1E4E0] =	vst v0  }
0x58: {  	[tilespmem:$0x1E4F0] =	vst v0  }
0x59: {  	[tilespmem:$0x1E500] =	vst v0  }
0x5a: {  	[tilespmem:$0x1E510] =	vst v0  }
0x5b: {  	[tilespmem:$0x1E520] =	vst v0  }
0x5c: {  	[tilespmem:$0x1E530] =	vst v0  }
0x5d: {  	[tilespmem:$0x1E540] =	vst v0  }
0x5e: {  	[tilespmem:$0x1E550] =	vst v0  }
0x5f: {  	[tilespmem:$0x1E560] =	vst v0  }
0x60: {  	[tilespmem:$0x1E570] =	vst v0  }
0x61: {  	[tilespmem:$0x1E580] =	vst v0  }
0x62: {  	[tilespmem:$0x1E590] =	vst v0  }
0x63: {  	[tilespmem:$0x1E5A0] =	vst v0  }
0x64: {  	[tilespmem:$0x1E5B0] =	vst v0  }
0x65: {  	[tilespmem:$0x1E5C0] =	vst v0  }
0x66: {  	[tilespmem:$0x1E5D0] =	vst v0  }
0x67: {  	[tilespmem:$0x1E5E0] =	vst v0  }
0x68: {  	[tilespmem:$0x1E5F0] =	vst v0  }
0x69: {  	[tilespmem:$0x1E600] =	vst v0  }
0x6a: {  	[tilespmem:$0x1E610] =	vst v0  }
0x6b: {  	[tilespmem:$0x1E620] =	vst v0  }
0x6c: {  	[tilespmem:$0x1E630] =	vst v0  }
0x6d: {  	[tilespmem:$0x1E640] =	vst v0  }
0x6e: {  	[tilespmem:$0x1E650] =	vst v0  }
0x6f: {  	[tilespmem:$0x1E660] =	vst v0  }
0x70: {  	[tilespmem:$0x1E670] =	vst v0  }
0x71: {  	[tilespmem:$0x1E680] =	vst v0  }
0x72: {  	[tilespmem:$0x1E690] =	vst v0  }
0x73: {  	[tilespmem:$0x1E6A0] =	vst v0  }
0x74: {  	[tilespmem:$0x1E6B0] =	vst v0  }
0x75: {  	[tilespmem:$0x1E6C0] =	vst v0  }
0x76: {  	[tilespmem:$0x1E6D0] =	vst v0  }
0x77: {  	[tilespmem:$0x1E6E0] =	vst v0  }
0x78: {  	[tilespmem:$0x1E6F0] =	vst v0  }
0x79: {  	[tilespmem:$0x1E700] =	vst v0  }
0x7a: {  	[tilespmem:$0x1E710] =	vst v0  }
0x7b: {  	[tilespmem:$0x1E720] =	vst v0  }
0x7c: {  	[tilespmem:$0x1E730] =	vst v0  }
0x7d: {  	[tilespmem:$0x1E740] =	vst v0  }
0x7e: {  	[tilespmem:$0x1E750] =	vst v0  }
0x7f: {  	[tilespmem:$0x1E760] =	vst v0  }
0x80: {  	[tilespmem:$0x1E770] =	vst v0  }
0x81: {  	[tilespmem:$0x1E780] =	vst v0  }
0x82: {  	[tilespmem:$0x1E790] =	vst v0  }
0x83: {  	[tilespmem:$0x1E7A0] =	vst v0  }
0x84: {  	[tilespmem:$0x1E7B0] =	vst v0  }
0x85: {  	[tilespmem:$0x1E7C0] =	vst v0  }
0x86: {  	[tilespmem:$0x1E7D0] =	vst v0  }
0x87: {  	[tilespmem:$0x1E7E0] =	vst v0  }
0x88: {  	s0 =	simm.s32 $0x0;
	[tilespmem:$0x1E7F0] =	vst v0  }
.LBB2_2:
0x89: {  	p0 =	sne.s32 s0, $0x4F000  }
.Ltmp2:
0x8a: {  	_ = 	snop;
	(pc) =	sbr.rel @p0 .LBB2_2-.Ltmp2, $4  }
0x8b: {  	_ = 	snop  }
0x8c: {  	s3 =	sshra.s32 s0, $0x2  }
0x8d: {  	s0 =	sadd.s32 $0x1000, s0;
	s3 =	sadd.s32 s3, s15  }
0x8e: {  	[spmem:s3] =	stream.linear.scatter [tilespmem:s13], [sflag:$0x5], $0x400, $0x38;
	[tilespmem:$0x1E800] =	vst v63  }
0x8f: {  	[dreg:$0x12] =	wrdreg s16  }
0x90: {  	_ =	swait.ge [sflag:s8], $0x400  }
0x91: {  	s0 =	simm.s32 $0x4F;
	[sflag:s8] =	ssyncset.done $0x0  }
.LBB2_4:
0x92: {  	p0 =	sne.s32 s0, $0x1;
	s0 =	sadd.s32 $0xFFFFFFFF, s0;
	[sflag:s8] =	ssyncadd.s32 $0xFFFFFC00  }
.Ltmp3:
0x93: {  	(pc) =	sbr.rel @p0 .LBB2_4-.Ltmp3, $3  }
0x94: {  	_ =	sdelay $0x1  }
0x95: {  	_ =	swait.ge [sflag:s8], $0x400  }
0x96: {  	[sflag:s8] =	ssyncset.done $0x0  }
0x97: {  	[sflag:s8] =	ssyncadd.s32 $0xFFFFFC00  }
0x98: {  	[bflag:$0x0] =	sbarrier.arrive $0xFFFF  }
0x99: {  	_ =	swait.ge [sflag:s9], $0x50  }
0x9a: {  	[sflag:s9] =	ssyncset.done $0x0  }
0x9b: {  	s0 =	simm.s32 $0xA;
	[sflag:s9] =	ssyncadd.s32 $0xFFFFFFB0  }
0x9c: {  	[tilespmem:s11], [sflag:$0x1] =	stream.indirect.gather [hbm4b:s5+s10], $0x80, s25, s10, $0xb8;
	[tilespmem:$0x1E800] =	vst v63  }
0x9d: {  	_ =	swait.ge [sflag:s0], $0x50  }
0x9e: {  	[sflag:s0] =	ssyncset.done $0x0  }
0x9f: {  	s18 =	simm.s32 $0x16C00;
	[sflag:s0] =	ssyncadd.s32 $0xFFFFFFB0  }
0xa0: {  	[tilespmem:s18], [sflag:$0x2] =	stream.indirect.gather [hbm4b:s5+s10], $0x80, s6, s10, $0xb8;
	[tilespmem:$0x1E800] =	vst v63  }
0xa1: {  	_ =	swait.ge [sflag:s14], $0x50  }
0xa2: {  	s20 =	simm.s32 $0x14100;
	s3 =	simm.s32 $0x19400;
	[sflag:s14] =	ssyncset.done $0x0  }
0xa3: {  	s0 =	simm.s32 $0x0;
	s16 =	rddreg [dreg:$0x11];
	[sflag:s14] =	ssyncadd.s32 $0xFFFFFFB0  }
0xa4: {  	[tilespmem:s3], [sflag:$0x3] =	stream.indirect.gather [hbm4b:s5+s10], $0x80, s20, s10, $0xb8;
	[tilespmem:$0x1E800] =	vst v63  }
.LBB2_6:
0xa5: {  	_ =	swait.ge [sflag:s17], $0x2800  }
0xa6: {  	[sflag:s17] =	ssyncset.done $0x0  }
0xa7: {  	[sflag:s17] =	ssyncadd.s32 $0xFFFFD800  }
0xa8: {  	s13 =	sshrl.u32 s16, $0x3;
	s3 =	rddreg [dreg:$0x1]  }
0xa9: {  	s3 =	sadd.s32 s3, s13  }
0xaa: {  	[tilespmem:s25], [sflag:$0x9] =	stream.linear.gather [hbm4b:s3+s4], $0x50, $0x38;
	[tilespmem:$0x1E800] =	vst v63  }
0xab: {  	_ =	swait.ge [sflag:s28], $0x50  }
0xac: {  	p0 =	seq.s32 s0, $0x0;
	[sflag:s28] =	ssyncset.done $0x0  }
0xad: {  	s3 =	simm.s32 @!p0 $0x8;
	[sflag:s28] =	ssyncadd.s32 $0xFFFFFFB0  }
0xae: {  	[spmem:s2] =	stream.indirect.scatter.add.f32 [tilespmem:s11], [sflag:$0x5], $0x80, s26, s10, $0xb8;
	[tilespmem:$0x1E800] =	vst v63  }
0xaf: {  	_ =	swait.ge @!p0 [sflag:s3], $0x2800  }
0xb0: {  	s6 =	simm.s32 @!p0 $0x0;
	[sflag:s3] =	ssyncset.done @!p0 $0x0  }
0xb1: {  	s20 =	simm.s32 @!p0 $0x14380;
	[sflag:s3] =	ssyncadd.s32 @!p0 $0xFFFFD800;
	s3 =	sadd.s32 @!p0 s0, s23  }
0xb2: {  	[tilespmem:s20], [sflag:$0x10] =	stream.linear.gather @!p0 [hbm4b:s3+s6], $0x50, $0x38;
	[tilespmem:$0x1E800] =	vst v63  }
0xb3: {  	_ =	swait.ge [sflag:s24], $0x50  }
0xb4: {  	[sflag:s24] =	ssyncset.done $0x0  }
0xb5: {  	s6 =	simm.s32 $0x14180;
	[sflag:s24] =	ssyncadd.s32 $0xFFFFFFB0  }
0xb6: {  	[tilespmem:s12], [sflag:$0x4] =	stream.indirect.gather [hbm4b:s5+s10], $0x80, s6, s10, $0xb8;
	[tilespmem:$0x1E800] =	vst v63  }
0xb7: {  	p0 =	seq.s32 s0, $0x4B0;
	_ =	swait.ge [sflag:s1], $0x2800  }
0xb8: {  	s20 =	simm.s32 @!p0 $0x14080;
	[sflag:s1] =	ssyncset.done $0x0;
	s3 =	rddreg [dreg:$0xf]  }
0xb9: {  	[sflag:s1] =	ssyncadd.s32 $0xFFFFD800;
	s6 =	sadd.s32 @!p0 s0, s3;
	s3 =	simm.s32 @!p0 $0x0  }
0xba: {  	[tilespmem:s20], [sflag:$0xA] =	stream.linear.gather @!p0 [hbm4b:s6+s3], $0x50, $0x38;
	[tilespmem:$0x1E800] =	vst v63  }
0xbb: {  	_ =	swait.ge [sflag:s31], $0x50  }
0xbc: {  	[sflag:s31] =	ssyncset.done $0x0  }
0xbd: {  	s18 =	simm.s32 $0x16C00;
	s6 =	simm.s32 $0x14280;
	[sflag:s31] =	ssyncadd.s32 $0xFFFFFFB0  }
0xbe: {  	[spmem:s2] =	stream.indirect.scatter.add.f32 [tilespmem:s18], [sflag:$0x6], $0x80, s6, s10, $0xb8;
	[tilespmem:$0x1E800] =	vst v63  }
0xbf: {  	_ =	swait.ge [sflag:s8], $0x2800  }
0xc0: {  	[sflag:s8] =	ssyncset.done $0x0  }
0xc1: {  	s18 =	sadd.s32 s19, s13;
	[sflag:s8] =	ssyncadd.s32 $0xFFFFD800  }
0xc2: {  	[tilespmem:s26], [sflag:$0xD] =	stream.linear.gather [hbm4b:s18+s4], $0x50, $0x38;
	[tilespmem:$0x1E800] =	vst v63  }
0xc3: {  	_ =	swait.ge [sflag:s9], $0x50  }
0xc4: {  	[sflag:s9] =	ssyncset.done $0x0  }
0xc5: {  	[sflag:s9] =	ssyncadd.s32 $0xFFFFFFB0  }
0xc6: {  	[tilespmem:s11], [sflag:$0x1] =	stream.indirect.gather [hbm4b:s5+s10], $0x80, s25, s10, $0xb8;
	[tilespmem:$0x1E800] =	vst v63  }
0xc7: {  	_ =	swait.ge [sflag:s7], $0x2800  }
0xc8: {  	[sflag:s7] =	ssyncset.done $0x0  }
0xc9: {  	s6 =	simm.s32 @p0 $0xF;
	[sflag:s7] =	ssyncadd.s32 $0xFFFFD800  }
0xca: {  	_ =	swait.ge @p0 [sflag:s6], $0x50  }
0xcb: {  	s13 =	simm.s32 @p0 $0x14300;
	[sflag:s6] =	ssyncset.done @p0 $0x0  }
0xcc: {  	s18 =	simm.s32 @p0 $0x19400;
	[sflag:s6] =	ssyncadd.s32 @p0 $0xFFFFFFB0;
	s6 =	simm.s32 @p0 $0x50  }
0xcd: {  	[spmem:s2] =	stream.indirect.scatter.add.f32 @p0 [tilespmem:s18], [sflag:$0x7], $0x80, s13, s6, $0xb8;
	[tilespmem:$0x1E800] =	vst v63  }
0xce: {  	s6 =	simm.s32 @p0 $0x6  }
0xcf: {  	_ =	swait.ge @p0 [sflag:s6], $0x2800  }
0xd0: {  	[sflag:s6] =	ssyncset.done @p0 $0x0  }
0xd1: {  	[sflag:s6] =	ssyncadd.s32 @p0 $0xFFFFD800;
	s6 =	simm.s32 @p0 $0x4  }
0xd2: {  	_ =	swait.ge @p0 [sflag:s6], $0x2800  }
0xd3: {  	[sflag:s6] =	ssyncset.done @p0 $0x0  }
0xd4: {  	s13 =	simm.s32 @!p0 $0x14100;
	[sflag:s6] =	ssyncadd.s32 @p0 $0xFFFFD800;
	s6 =	sadd.s32 @!p0 s0, s21  }
0xd5: {  	[tilespmem:s13], [sflag:$0xB] =	stream.linear.gather @!p0 [hbm4b:s6+s3], $0x50, $0x38;
	[tilespmem:$0x1E800] =	vst v63  }
0xd6: {  	s6 =	simm.s32 @!p0 $0xF  }
0xd7: {  	_ =	swait.ge @!p0 [sflag:s6], $0x50  }
0xd8: {  	s18 =	simm.s32 @!p0 $0x19400;
	[sflag:s6] =	ssyncset.done @!p0 $0x0  }
0xd9: {  	s13 =	simm.s32 @!p0 $0x14300;
	[sflag:s6] =	ssyncadd.s32 @!p0 $0xFFFFFFB0;
	s6 =	simm.s32 @!p0 $0x50  }
0xda: {  	[spmem:s2] =	stream.indirect.scatter.add.f32 @!p0 [tilespmem:s18], [sflag:$0x7], $0x80, s13, s6, $0xb8;
	[tilespmem:$0x1E800] =	vst v63  }
0xdb: {  	s13 =	simm.s32 @!p0 $0x6  }
0xdc: {  	_ =	swait.ge @!p0 [sflag:s13], $0x2800  }
0xdd: {  	[sflag:s13] =	ssyncset.done @!p0 $0x0  }
0xde: {  	[sflag:s13] =	ssyncadd.s32 @!p0 $0xFFFFD800;
	s13 =	rddreg [dreg:$0xe]  }
0xdf: {  	s18 =	simm.s32 @!p0 $0x14280;
	s13 =	sadd.s32 @!p0 s0, s13  }
0xe0: {  	[tilespmem:s18], [sflag:$0xE] =	stream.linear.gather @!p0 [hbm4b:s13+s3], $0x50, $0x38;
	[tilespmem:$0x1E800] =	vst v63  }
0xe1: {  	s13 =	simm.s32 @!p0 $0xA  }
0xe2: {  	_ =	swait.ge @!p0 [sflag:s13], $0x50  }
0xe3: {  	[sflag:s13] =	ssyncset.done @!p0 $0x0  }
0xe4: {  	[sflag:s13] =	ssyncadd.s32 @!p0 $0xFFFFFFB0;
	s13 =	simm.s32 @!p0 $0x16C00  }
0xe5: {  	[tilespmem:s13], [sflag:$0x2] =	stream.indirect.gather @!p0 [hbm4b:s5+s6], $0x80, s20, s6, $0xb8;
	[tilespmem:$0x1E800] =	vst v63  }
0xe6: {  	s6 =	simm.s32 @!p0 $0x4  }
0xe7: {  	_ =	swait.ge @!p0 [sflag:s6], $0x2800  }
0xe8: {  	[sflag:s6] =	ssyncset.done @!p0 $0x0  }
0xe9: {  	s13 =	simm.s32 @!p0 $0x14180;
	[sflag:s6] =	ssyncadd.s32 @!p0 $0xFFFFD800;
	s6 =	sadd.s32 @!p0 s0, s22  }
0xea: {  	[tilespmem:s13], [sflag:$0xC] =	stream.linear.gather @!p0 [hbm4b:s6+s3], $0x50, $0x38;
	[tilespmem:$0x1E800] =	vst v63  }
0xeb: {  	_ =	swait.ge [sflag:s29], $0x50  }
0xec: {  	[sflag:s29] =	ssyncset.done $0x0  }
.Ltmp4:
0xed: {  	s20 =	simm.s32 $0x14380;
	[sflag:s29] =	ssyncadd.s32 $0xFFFFFFB0;
	(pc) =	sbr.rel @p0 .LBB2_8-.Ltmp4, $4  }
0xee: {  	[spmem:s2] =	stream.indirect.scatter.add.f32 [tilespmem:s12], [sflag:$0x8], $0x80, s20, s10, $0xb8;
	[tilespmem:$0x1E800] =	vst v63  }
0xef: {  	_ =	swait.ge [sflag:s30], $0x2800  }
0xf0: {  	[sflag:s30] =	ssyncset.done $0x0  }
0xf1: {  	[sflag:s30] =	ssyncadd.s32 $0xFFFFD800  }
0xf2: {  	s3 =	rddreg [dreg:$0x10]  }
0xf3: {  	s6 =	simm.s32 $0x14300;
	s3 =	sadd.s32 s0, s3  }
0xf4: {  	[tilespmem:s6], [sflag:$0xF] =	stream.linear.gather [hbm4b:s3+s4], $0x50, $0x38;
	[tilespmem:$0x1E800] =	vst v63  }
.Ltmp5:
0xf5: {  	_ = 	snop;
	(pc) =	sbr.rel .LBB2_6-.Ltmp5, $4  }
0xf6: {  	_ =	swait.ge [sflag:s14], $0x50  }
0xf7: {  	s18 =	simm.s32 $0x14100;
	s20 =	simm.s32 $0x19400;
	[sflag:s14] =	ssyncset.done $0x0  }
0xf8: {  	s16 =	sadd.s32 $0x140, s16;
	s0 =	sadd.s32 $0x28, s0;
	[sflag:s14] =	ssyncadd.s32 $0xFFFFFFB0  }
0xf9: {  	[tilespmem:s20], [sflag:$0x3] =	stream.indirect.gather [hbm4b:s5+s10], $0x80, s18, s10, $0xb8;
	[tilespmem:$0x1E800] =	vst v63  }
.LBB2_9:
0xfa: {  	_ =	sfence.sel $0x180000  }
0xfb: {  	[bflag:$0x0] =	sbarrier.arrive $0xFFFF  }
0xfc: {  	_ =	strace $0x90000050  }
0xfd: {  	s0 =	stileid.u32;
	[bflag:$0x2] =	sbarrier.arrive $0xFFFF  }
0xfe: {  	p0 =	sne.s32 s0, $0x0;
	s0 =	rddreg [dreg:$0x3]  }
0xff: {  	s0 =	sadd.s32 @!p0 $0x100000, s0  }
0x100: {  	[sflag:s0] =	ssyncadd.tile.s32 @!p0 $0x1;
	_ =	shalt  }
.Lfunc_end2:
_tile_overlayer_lowered:
.L_overlay_start_2:
0x101: {  	(tag) =	ssettag $0x2  }
0x102: {  	s0 =	rddreg [dreg:$0x0];
	s2 =	stileid.u32  }
0x103: {  	s1 =	rddreg [dreg:$0x1];
	p0 =	sne.s32 s2, $0x0  }
0x104: {  	s3 =	rddreg [dreg:$0x2];
	[bflag:$0x3] =	sbarrier.arrive $0xFFFF;
	s2 =	simm.s32 @!p0 $0x1C11  }
0x105: {  	[timem:s3], [sflag:s2] =	dma.local @!p0 [hbm:s0], s1  }
0x106: {  	s0 =	simm.s32 @!p0 $0x11  }
0x107: {  	_ =	swait.ge @!p0 [sflag:s0], s1  }
0x108: {  	s1 =	ssub.s32 @!p0 $0x0, s1;
	[sflag:s0] =	ssyncset.done @!p0 $0x0  }
0x109: {  	[sflag:s0] =	ssyncadd.s32 @!p0 s1  }
0x10a: {  	[bflag:$0x3] =	sbarrier.arrive $0xFFFF  }
0x10b: {  	_ =	shalt  }

</sc_bundles>
